<compile_context>
chip_gen: v7x
topology: tpu7x:2x2x1
jax: 0.10.2.dev20260603
libtpu: 0.0.44.dev20260713+nightly
codegen_flags: <defaults>
</compile_context>

<pallas_src>
import functools

import jax
import jax.numpy as jnp
from jax import lax
from jax.experimental import pallas as pl
from jax.experimental.pallas import tpu as pltpu
from jax.experimental.pallas import tpu_sc as plsc

_B = 8
_H = 512
_W = 512
_KSC = 2
_NTILES = 32


def _tc_body(g_ref, p_ref, m_ref, s_ref, c_ref):
    i = pl.program_id(0)

    @pl.when(i == 0)
    def _init():
        s_ref[0, 0] = 0.0
        c_ref[0, 0] = 0.0

    dx = p_ref[0] - g_ref[0]
    dy = p_ref[1] - g_ref[1]
    dz = p_ref[2] - g_ref[2]
    d2 = dx * dx + dy * dy + dz * dz
    dist = jnp.sqrt(d2)
    mf = (m_ref[0] != 0).astype(jnp.float32)
    s_ref[0, 0] += jnp.sum(dist * mf)
    c_ref[0, 0] += jnp.sum(mf)


def _tc_partial(gp, pp, m8, nb):
    plane_spec = pl.BlockSpec((3, _H, _W), lambda i: (i, 0, 0))
    mask_spec = pl.BlockSpec((1, _H, _W), lambda i: (i, 0, 0))
    scalar_spec = pl.BlockSpec(memory_space=pltpu.SMEM)
    s, c = pl.pallas_call(
        _tc_body,
        grid=(nb,),
        in_specs=[plane_spec, plane_spec, mask_spec],
        out_specs=[scalar_spec, scalar_spec],
        out_shape=[
            jax.ShapeDtypeStruct((1, 1), jnp.float32),
            jax.ShapeDtypeStruct((1, 1), jnp.float32),
        ],
    )(gp, pp, m8)
    return s[0, 0], c[0, 0]


def _sc_partial(gp, pp, mf32, b0, nb):
    mesh = plsc.VectorSubcoreMesh(core_axis_name="c", subcore_axis_name="s")
    f32 = jnp.float32

    @functools.partial(
        pl.kernel,
        mesh=mesh,
        out_type=[
            jax.ShapeDtypeStruct((_NTILES, 16), f32),
            jax.ShapeDtypeStruct((_NTILES, 16), f32),
        ],
        scratch_types=[
            pltpu.VMEM((2, 7, 16, _W), f32),
            pltpu.VMEM((16,), f32), pltpu.VMEM((16,), f32),
            pltpu.SemaphoreType.DMA, pltpu.SemaphoreType.DMA,
        ],
    )
    def k(gp_h, pp_h, m_h, outs_h, outc_h, buf, vs, vc, sem0, sem1):
        cid = lax.axis_index("c")
        sid = lax.axis_index("s")
        w = sid * 2 + cid
        r0 = 16 * w
        sems = (sem0, sem1)

        def start_round(j, b):
            sem = sems[j % 2]
            dst = buf.at[j % 2]
            for c in range(3):
                pltpu.async_copy(gp_h.at[3 * b + c, pl.ds(r0, 16), :],
                                 dst.at[c], sem)
                pltpu.async_copy(pp_h.at[3 * b + c, pl.ds(r0, 16), :],
                                 dst.at[3 + c], sem)
            pltpu.async_copy(m_h.at[j, pl.ds(r0, 16), :], dst.at[6], sem)

        def drain_round(j, b):
            sem = sems[j % 2]
            dst = buf.at[j % 2]
            for c in range(3):
                pltpu.make_async_copy(gp_h.at[3 * b + c, pl.ds(r0, 16), :],
                                      dst.at[c], sem).wait()
                pltpu.make_async_copy(pp_h.at[3 * b + c, pl.ds(r0, 16), :],
                                      dst.at[3 + c], sem).wait()
            pltpu.make_async_copy(m_h.at[j, pl.ds(r0, 16), :],
                                  dst.at[6], sem).wait()

        def make_row(jmod):
            bb = buf.at[jmod]

            def row(gi, carry):
                acc = list(carry)
                lt = gi >> 3
                r8 = gi & 7
                lr = (lt << 1) + (r8 >> 2)
                cb = (r8 & 3) << 7
                for s8 in range(8):
                    cc = pl.multiple_of(cb + (s8 << 4), 16)
                    xg = bb[0, lr, pl.ds(cc, 16)]
                    yg = bb[1, lr, pl.ds(cc, 16)]
                    zg = bb[2, lr, pl.ds(cc, 16)]
                    xp = bb[3, lr, pl.ds(cc, 16)]
                    yp = bb[4, lr, pl.ds(cc, 16)]
                    zp = bb[5, lr, pl.ds(cc, 16)]
                    mf = bb[6, lr, pl.ds(cc, 16)]
                    dx = xp - xg
                    dy = yp - yg
                    dz = zp - zg
                    d2 = jnp.maximum(dx * dx + dy * dy + dz * dz, f32(1e-24))
                    ii = lax.bitcast_convert_type(d2, jnp.int32)
                    ri = jnp.int32(0x5F3759DF) - lax.shift_right_logical(ii, 1)
                    r = lax.bitcast_convert_type(ri, f32)
                    r = r * (f32(1.5) - f32(0.5) * d2 * r * r)
                    r = r * (f32(1.5) - f32(0.5) * d2 * r * r)
                    r = r * (f32(1.5) - f32(0.5) * d2 * r * r)
                    q = s8 & 3
                    acc[q] = acc[q] + (d2 * r) * mf
                    acc[4 + q] = acc[4 + q] + mf
                return tuple(acc)

            return row

        acc = tuple(jnp.zeros((16,), f32) for _ in range(8))
        start_round(0, b0)
        for j in range(nb):
            b = b0 + j
            drain_round(j, b)
            if j + 1 < nb:
                start_round(j + 1, b + 1)
            acc = lax.fori_loop(0, 64, make_row(j % 2), acc)
        vs[...] = acc[0] + acc[1] + acc[2] + acc[3]
        vc[...] = acc[4] + acc[5] + acc[6] + acc[7]
        pltpu.sync_copy(vs, outs_h.at[w])
        pltpu.sync_copy(vc, outc_h.at[w])

    outs, outc = k(gp, pp, mf32)
    return jnp.sum(outs), jnp.sum(outc)


def kernel(gt_pts3d, pred_pts3d, valid_mask):
    gp = jnp.transpose(gt_pts3d, (0, 3, 1, 2)).reshape(3 * _B, _H, _W)
    pp = jnp.transpose(pred_pts3d, (0, 3, 1, 2)).reshape(3 * _B, _H, _W)
    m8 = valid_mask.view(jnp.int8)
    mf32 = valid_mask[_B - _KSC:].astype(jnp.float32)

    s_tc, c_tc = _tc_partial(gp, pp, m8, _B - _KSC)
    s_sc, c_sc = _sc_partial(gp, pp, mf32, _B - _KSC, _KSC)
    tot = s_tc + s_sc
    cnt = c_tc + c_sc
    l = jnp.where(cnt > 0.0, tot / jnp.maximum(cnt, 1.0),
                  jnp.zeros((), jnp.float32))
    return (l, valid_mask)

# --- scband reference (transcript-rebuilt; emitter-appended) ---
"""Pipeline reference for scband-regr3-d-world-84482006712551 (READ-ONLY COPY).

The authoritative reference and input builder live on the scoring server;
editing this copy changes nothing except your own understanding.
"""

import jax, jax.numpy as jnp
import numpy as np


def setup_inputs(seed: int = 0) -> dict:
    key = jax.random.key(seed)
    k1, k2, k3 = jax.random.split(key, 3)
    gt_pts3d = jax.random.normal(k1, (8, 512, 512, 3), dtype=jnp.float32)
    pred_pts3d = gt_pts3d + 0.1 * jax.random.normal(k2, (8, 512, 512, 3), dtype=jnp.float32)
    valid_mask = jax.random.randint(k3, (8, 512, 512), 0, 2).astype(bool)
    return {"gt_pts3d": gt_pts3d, "pred_pts3d": pred_pts3d, "valid_mask": valid_mask}


def reference(gt_pts3d, pred_pts3d, valid_mask):
    # Regr3D_World.compute_loss: l = L21(pred[valid], gt[valid]) with reduction='mean'
    # Equivalent formulation avoiding dynamic-shape boolean gather:
    # per-pixel euclidean distance, then mean over valid pixels.
    diff = pred_pts3d - gt_pts3d
    dist = jnp.sqrt(jnp.sum(diff * diff, axis=-1))  # torch.norm(a-b, dim=-1)
    vf = valid_mask.astype(dist.dtype)
    cnt = jnp.sum(vf)
    l = jnp.where(cnt > 0, jnp.sum(dist * vf) / jnp.maximum(cnt, 1.0), jnp.zeros((), dist.dtype))
    # forward returns ((l, valid), details); details is a python float of l.mean()
    return (l, valid_mask)

if __name__ == "__main__":
    import jax
    _d = setup_inputs()
    print(jax.jit(kernel)(*tuple(_d.values())))

</pallas_src>

<mosaic_0001>
#map = affine_map<(d0, d1) -> (0, 0, 0)>
#map1 = affine_map<(d0, d1) -> (0, 0)>
module attributes {stable_mosaic.version = 14 : i64} {
  func.func @k(%arg0: i32, %arg1: i32, %arg2: memref<24x512x512xf32, #tpu.memory_space<hbm>>, %arg3: memref<24x512x512xf32, #tpu.memory_space<hbm>>, %arg4: memref<2x512x512xf32, #tpu.memory_space<hbm>>, %arg5: memref<32x16xf32, #tpu.memory_space<hbm>>, %arg6: memref<32x16xf32, #tpu.memory_space<hbm>>, %arg7: memref<2x7x16x512xf32, #tpu.memory_space<vmem>>, %arg8: memref<16xf32, #tpu.memory_space<vmem>>, %arg9: memref<16xf32, #tpu.memory_space<vmem>>, %arg10: memref<!tpu.dma_semaphore, #tpu.memory_space<semaphore_mem>>, %arg11: memref<!tpu.dma_semaphore, #tpu.memory_space<semaphore_mem>>) attributes {dimension_semantics = [#tpu.dimension_semantics<core_parallel>, #tpu.dimension_semantics<subcore_parallel>], iteration_bounds = array<i64: 2, 16>, scalar_prefetch = 0 : i64, scratch_operands = 5 : i64, tpu.core_type = #tpu.core_type<sc_vector_subcore>, window_params = [{transform_indices = #map}, {transform_indices = #map}, {transform_indices = #map}, {transform_indices = #map1}, {transform_indices = #map1}]} {
    %mul3A = arith.constant 2 : i32
    %mul3A_0 = arith.muli %arg1, %mul3A : i32
    %add3A = arith.addi %mul3A_0, %arg0 : i32
    %mul3A_1 = arith.constant 16 : i32
    %mul3A_2 = arith.muli %mul3A_1, %add3A : i32
    %broadcast_in_dim3A = arith.constant 0.000000e+00 : f32
    %broadcast_in_dim3A_3 = vector.broadcast %broadcast_in_dim3A : f32 to vector<16xf32>
    %broadcast_in_dim3A_4 = arith.constant 0.000000e+00 : f32
    %broadcast_in_dim3A_5 = vector.broadcast %broadcast_in_dim3A_4 : f32 to vector<16xf32>
    %broadcast_in_dim3A_6 = arith.constant 0.000000e+00 : f32
    %broadcast_in_dim3A_7 = vector.broadcast %broadcast_in_dim3A_6 : f32 to vector<16xf32>
    %broadcast_in_dim3A_8 = arith.constant 0.000000e+00 : f32
    %broadcast_in_dim3A_9 = vector.broadcast %broadcast_in_dim3A_8 : f32 to vector<16xf32>
    %broadcast_in_dim3A_10 = arith.constant 0.000000e+00 : f32
    %broadcast_in_dim3A_11 = vector.broadcast %broadcast_in_dim3A_10 : f32 to vector<16xf32>
    %broadcast_in_dim3A_12 = arith.constant 0.000000e+00 : f32
    %broadcast_in_dim3A_13 = vector.broadcast %broadcast_in_dim3A_12 : f32 to vector<16xf32>
    %broadcast_in_dim3A_14 = arith.constant 0.000000e+00 : f32
    %broadcast_in_dim3A_15 = vector.broadcast %broadcast_in_dim3A_14 : f32 to vector<16xf32>
    %broadcast_in_dim3A_16 = arith.constant 0.000000e+00 : f32
    %broadcast_in_dim3A_17 = vector.broadcast %broadcast_in_dim3A_16 : f32 to vector<16xf32>
    %dma_start3A = arith.constant 18 : i32
    %dma_start3A_18 = arith.constant 0 : i32
    %dma_start3A_19 = arith.constant 0 : i32
    %dma_start3A_20 = arith.constant 0 : i32
    %dma_start3A_21 = arith.constant 0 : i32
    %dma_start3A_22 = arith.constant 0 : i32
    %dma_start3A_23 = tpu.memref_slice %arg7[%dma_start3A_18, %dma_start3A_20, %dma_start3A_21, %dma_start3A_22] : memref<2x7x16x512xf32, #tpu.memory_space<vmem>> -> memref<1x7x16x512xf32, #tpu.memory_space<vmem>>
    %dma_start3A_24 = tpu.memref_squeeze %dma_start3A_23 : memref<1x7x16x512xf32, #tpu.memory_space<vmem>> -> memref<7x16x512xf32, #tpu.memory_space<vmem>>
    %dma_start3A_25 = arith.constant 0 : i32
    %dma_start3A_26 = arith.constant 0 : i32
    %dma_start3A_27 = tpu.memref_slice %dma_start3A_24[%dma_start3A_19, %dma_start3A_25, %dma_start3A_26] : memref<7x16x512xf32, #tpu.memory_space<vmem>> -> memref<1x16x512xf32, #tpu.memory_space<vmem>>
    %dma_start3A_28 = tpu.memref_squeeze %dma_start3A_27 : memref<1x16x512xf32, #tpu.memory_space<vmem>> -> memref<16x512xf32, #tpu.memory_space<vmem>>
    %dma_start3A_29 = arith.constant 0 : i32
    %dma_start3A_30 = tpu.memref_slice %arg2[%dma_start3A, %mul3A_2, %dma_start3A_29] : memref<24x512x512xf32, #tpu.memory_space<hbm>> -> memref<1x16x512xf32, #tpu.memory_space<hbm>>
    %dma_start3A_31 = tpu.memref_squeeze %dma_start3A_30 : memref<1x16x512xf32, #tpu.memory_space<hbm>> -> memref<16x512xf32, #tpu.memory_space<hbm>>
    %dma_start3A_32 = arith.constant 0 : i32
    %dma_start3A_33 = arith.constant 0 : i32
    %dma_start3A_34 = arith.constant 0 : i32
    %dma_start3A_35 = tpu.memref_slice %arg7[%dma_start3A_18, %dma_start3A_32, %dma_start3A_33, %dma_start3A_34] : memref<2x7x16x512xf32, #tpu.memory_space<vmem>> -> memref<1x7x16x512xf32, #tpu.memory_space<vmem>>
    %dma_start3A_36 = tpu.memref_squeeze %dma_start3A_35 : memref<1x7x16x512xf32, #tpu.memory_space<vmem>> -> memref<7x16x512xf32, #tpu.memory_space<vmem>>
    %dma_start3A_37 = arith.constant 0 : i32
    %dma_start3A_38 = arith.constant 0 : i32
    %dma_start3A_39 = tpu.memref_slice %dma_start3A_36[%dma_start3A_19, %dma_start3A_37, %dma_start3A_38] : memref<7x16x512xf32, #tpu.memory_space<vmem>> -> memref<1x16x512xf32, #tpu.memory_space<vmem>>
    %dma_start3A_40 = tpu.memref_squeeze %dma_start3A_39 : memref<1x16x512xf32, #tpu.memory_space<vmem>> -> memref<16x512xf32, #tpu.memory_space<vmem>>
    %dma_start3A_41 = arith.constant 0 : i32
    %dma_start3A_42 = tpu.memref_slice %arg2[%dma_start3A, %mul3A_2, %dma_start3A_41] : memref<24x512x512xf32, #tpu.memory_space<hbm>> -> memref<1x16x512xf32, #tpu.memory_space<hbm>>
    %dma_start3A_43 = tpu.memref_squeeze %dma_start3A_42 : memref<1x16x512xf32, #tpu.memory_space<hbm>> -> memref<16x512xf32, #tpu.memory_space<hbm>>
    tpu.enqueue_dma source(%dma_start3A_43 : memref<16x512xf32, #tpu.memory_space<hbm>>) target(%dma_start3A_40 : memref<16x512xf32, #tpu.memory_space<vmem>>) target_semaphore(%arg10 : memref<!tpu.dma_semaphore, #tpu.memory_space<semaphore_mem>>)
    %dma_start3A_44 = arith.constant 18 : i32
    %dma_start3A_45 = arith.constant 0 : i32
    %dma_start3A_46 = arith.constant 3 : i32
    %dma_start3A_47 = arith.constant 0 : i32
    %dma_start3A_48 = arith.constant 0 : i32
    %dma_start3A_49 = arith.constant 0 : i32
    %dma_start3A_50 = tpu.memref_slice %arg7[%dma_start3A_45, %dma_start3A_47, %dma_start3A_48, %dma_start3A_49] : memref<2x7x16x512xf32, #tpu.memory_space<vmem>> -> memref<1x7x16x512xf32, #tpu.memory_space<vmem>>
    %dma_start3A_51 = tpu.memref_squeeze %dma_start3A_50 : memref<1x7x16x512xf32, #tpu.memory_space<vmem>> -> memref<7x16x512xf32, #tpu.memory_space<vmem>>
    %dma_start3A_52 = arith.constant 0 : i32
    %dma_start3A_53 = arith.constant 0 : i32
    %dma_start3A_54 = tpu.memref_slice %dma_start3A_51[%dma_start3A_46, %dma_start3A_52, %dma_start3A_53] : memref<7x16x512xf32, #tpu.memory_space<vmem>> -> memref<1x16x512xf32, #tpu.memory_space<vmem>>
    %dma_start3A_55 = tpu.memref_squeeze %dma_start3A_54 : memref<1x16x512xf32, #tpu.memory_space<vmem>> -> memref<16x512xf32, #tpu.memory_space<vmem>>
    %dma_start3A_56 = arith.constant 0 : i32
    %dma_start3A_57 = tpu.memref_slice %arg3[%dma_start3A_44, %mul3A_2, %dma_start3A_56] : memref<24x512x512xf32, #tpu.memory_space<hbm>> -> memref<1x16x512xf32, #tpu.memory_space<hbm>>
    %dma_start3A_58 = tpu.memref_squeeze %dma_start3A_57 : memref<1x16x512xf32, #tpu.memory_space<hbm>> -> memref<16x512xf32, #tpu.memory_space<hbm>>
    %dma_start3A_59 = arith.constant 0 : i32
    %dma_start3A_60 = arith.constant 0 : i32
    %dma_start3A_61 = arith.constant 0 : i32
    %dma_start3A_62 = tpu.memref_slice %arg7[%dma_start3A_45, %dma_start3A_59, %dma_start3A_60, %dma_start3A_61] : memref<2x7x16x512xf32, #tpu.memory_space<vmem>> -> memref<1x7x16x512xf32, #tpu.memory_space<vmem>>
    %dma_start3A_63 = tpu.memref_squeeze %dma_start3A_62 : memref<1x7x16x512xf32, #tpu.memory_space<vmem>> -> memref<7x16x512xf32, #tpu.memory_space<vmem>>
    %dma_start3A_64 = arith.constant 0 : i32
    %dma_start3A_65 = arith.constant 0 : i32
    %dma_start3A_66 = tpu.memref_slice %dma_start3A_63[%dma_start3A_46, %dma_start3A_64, %dma_start3A_65] : memref<7x16x512xf32, #tpu.memory_space<vmem>> -> memref<1x16x512xf32, #tpu.memory_space<vmem>>
    %dma_start3A_67 = tpu.memref_squeeze %dma_start3A_66 : memref<1x16x512xf32, #tpu.memory_space<vmem>> -> memref<16x512xf32, #tpu.memory_space<vmem>>
    %dma_start3A_68 = arith.constant 0 : i32
    %dma_start3A_69 = tpu.memref_slice %arg3[%dma_start3A_44, %mul3A_2, %dma_start3A_68] : memref<24x512x512xf32, #tpu.memory_space<hbm>> -> memref<1x16x512xf32, #tpu.memory_space<hbm>>
    %dma_start3A_70 = tpu.memref_squeeze %dma_start3A_69 : memref<1x16x512xf32, #tpu.memory_space<hbm>> -> memref<16x512xf32, #tpu.memory_space<hbm>>
    tpu.enqueue_dma source(%dma_start3A_70 : memref<16x512xf32, #tpu.memory_space<hbm>>) target(%dma_start3A_67 : memref<16x512xf32, #tpu.memory_space<vmem>>) target_semaphore(%arg10 : memref<!tpu.dma_semaphore, #tpu.memory_space<semaphore_mem>>)
    %dma_start3A_71 = arith.constant 19 : i32
    %dma_start3A_72 = arith.constant 0 : i32
    %dma_start3A_73 = arith.constant 1 : i32
    %dma_start3A_74 = arith.constant 0 : i32
    %dma_start3A_75 = arith.constant 0 : i32
    %dma_start3A_76 = arith.constant 0 : i32
    %dma_start3A_77 = tpu.memref_slice %arg7[%dma_start3A_72, %dma_start3A_74, %dma_start3A_75, %dma_start3A_76] : memref<2x7x16x512xf32, #tpu.memory_space<vmem>> -> memref<1x7x16x512xf32, #tpu.memory_space<vmem>>
    %dma_start3A_78 = tpu.memref_squeeze %dma_start3A_77 : memref<1x7x16x512xf32, #tpu.memory_space<vmem>> -> memref<7x16x512xf32, #tpu.memory_space<vmem>>
    %dma_start3A_79 = arith.constant 0 : i32
    %dma_start3A_80 = arith.constant 0 : i32
    %dma_start3A_81 = tpu.memref_slice %dma_start3A_78[%dma_start3A_73, %dma_start3A_79, %dma_start3A_80] : memref<7x16x512xf32, #tpu.memory_space<vmem>> -> memref<1x16x512xf32, #tpu.memory_space<vmem>>
    %dma_start3A_82 = tpu.memref_squeeze %dma_start3A_81 : memref<1x16x512xf32, #tpu.memory_space<vmem>> -> memref<16x512xf32, #tpu.memory_space<vmem>>
    %dma_start3A_83 = arith.constant 0 : i32
    %dma_start3A_84 = tpu.memref_slice %arg2[%dma_start3A_71, %mul3A_2, %dma_start3A_83] : memref<24x512x512xf32, #tpu.memory_space<hbm>> -> memref<1x16x512xf32, #tpu.memory_space<hbm>>
    %dma_start3A_85 = tpu.memref_squeeze %dma_start3A_84 : memref<1x16x512xf32, #tpu.memory_space<hbm>> -> memref<16x512xf32, #tpu.memory_space<hbm>>
    %dma_start3A_86 = arith.constant 0 : i32
    %dma_start3A_87 = arith.constant 0 : i32
    %dma_start3A_88 = arith.constant 0 : i32
    %dma_start3A_89 = tpu.memref_slice %arg7[%dma_start3A_72, %dma_start3A_86, %dma_start3A_87, %dma_start3A_88] : memref<2x7x16x512xf32, #tpu.memory_space<vmem>> -> memref<1x7x16x512xf32, #tpu.memory_space<vmem>>
    %dma_start3A_90 = tpu.memref_squeeze %dma_start3A_89 : memref<1x7x16x512xf32, #tpu.memory_space<vmem>> -> memref<7x16x512xf32, #tpu.memory_space<vmem>>
    %dma_start3A_91 = arith.constant 0 : i32
    %dma_start3A_92 = arith.constant 0 : i32
    %dma_start3A_93 = tpu.memref_slice %dma_start3A_90[%dma_start3A_73, %dma_start3A_91, %dma_start3A_92] : memref<7x16x512xf32, #tpu.memory_space<vmem>> -> memref<1x16x512xf32, #tpu.memory_space<vmem>>
    %dma_start3A_94 = tpu.memref_squeeze %dma_start3A_93 : memref<1x16x512xf32, #tpu.memory_space<vmem>> -> memref<16x512xf32, #tpu.memory_space<vmem>>
    %dma_start3A_95 = arith.constant 0 : i32
    %dma_start3A_96 = tpu.memref_slice %arg2[%dma_start3A_71, %mul3A_2, %dma_start3A_95] : memref<24x512x512xf32, #tpu.memory_space<hbm>> -> memref<1x16x512xf32, #tpu.memory_space<hbm>>
    %dma_start3A_97 = tpu.memref_squeeze %dma_start3A_96 : memref<1x16x512xf32, #tpu.memory_space<hbm>> -> memref<16x512xf32, #tpu.memory_space<hbm>>
    tpu.enqueue_dma source(%dma_start3A_97 : memref<16x512xf32, #tpu.memory_space<hbm>>) target(%dma_start3A_94 : memref<16x512xf32, #tpu.memory_space<vmem>>) target_semaphore(%arg10 : memref<!tpu.dma_semaphore, #tpu.memory_space<semaphore_mem>>)
    %dma_start3A_98 = arith.constant 19 : i32
    %dma_start3A_99 = arith.constant 0 : i32
    %dma_start3A_100 = arith.constant 4 : i32
    %dma_start3A_101 = arith.constant 0 : i32
    %dma_start3A_102 = arith.constant 0 : i32
    %dma_start3A_103 = arith.constant 0 : i32
    %dma_start3A_104 = tpu.memref_slice %arg7[%dma_start3A_99, %dma_start3A_101, %dma_start3A_102, %dma_start3A_103] : memref<2x7x16x512xf32, #tpu.memory_space<vmem>> -> memref<1x7x16x512xf32, #tpu.memory_space<vmem>>
    %dma_start3A_105 = tpu.memref_squeeze %dma_start3A_104 : memref<1x7x16x512xf32, #tpu.memory_space<vmem>> -> memref<7x16x512xf32, #tpu.memory_space<vmem>>
    %dma_start3A_106 = arith.constant 0 : i32
    %dma_start3A_107 = arith.constant 0 : i32
    %dma_start3A_108 = tpu.memref_slice %dma_start3A_105[%dma_start3A_100, %dma_start3A_106, %dma_start3A_107] : memref<7x16x512xf32, #tpu.memory_space<vmem>> -> memref<1x16x512xf32, #tpu.memory_space<vmem>>
    %dma_start3A_109 = tpu.memref_squeeze %dma_start3A_108 : memref<1x16x512xf32, #tpu.memory_space<vmem>> -> memref<16x512xf32, #tpu.memory_space<vmem>>
    %dma_start3A_110 = arith.constant 0 : i32
    %dma_start3A_111 = tpu.memref_slice %arg3[%dma_start3A_98, %mul3A_2, %dma_start3A_110] : memref<24x512x512xf32, #tpu.memory_space<hbm>> -> memref<1x16x512xf32, #tpu.memory_space<hbm>>
    %dma_start3A_112 = tpu.memref_squeeze %dma_start3A_111 : memref<1x16x512xf32, #tpu.memory_space<hbm>> -> memref<16x512xf32, #tpu.memory_space<hbm>>
    %dma_start3A_113 = arith.constant 0 : i32
    %dma_start3A_114 = arith.constant 0 : i32
    %dma_start3A_115 = arith.constant 0 : i32
    %dma_start3A_116 = tpu.memref_slice %arg7[%dma_start3A_99, %dma_start3A_113, %dma_start3A_114, %dma_start3A_115] : memref<2x7x16x512xf32, #tpu.memory_space<vmem>> -> memref<1x7x16x512xf32, #tpu.memory_space<vmem>>
    %dma_start3A_117 = tpu.memref_squeeze %dma_start3A_116 : memref<1x7x16x512xf32, #tpu.memory_space<vmem>> -> memref<7x16x512xf32, #tpu.memory_space<vmem>>
    %dma_start3A_118 = arith.constant 0 : i32
    %dma_start3A_119 = arith.constant 0 : i32
    %dma_start3A_120 = tpu.memref_slice %dma_start3A_117[%dma_start3A_100, %dma_start3A_118, %dma_start3A_119] : memref<7x16x512xf32, #tpu.memory_space<vmem>> -> memref<1x16x512xf32, #tpu.memory_space<vmem>>
    %dma_start3A_121 = tpu.memref_squeeze %dma_start3A_120 : memref<1x16x512xf32, #tpu.memory_space<vmem>> -> memref<16x512xf32, #tpu.memory_space<vmem>>
    %dma_start3A_122 = arith.constant 0 : i32
    %dma_start3A_123 = tpu.memref_slice %arg3[%dma_start3A_98, %mul3A_2, %dma_start3A_122] : memref<24x512x512xf32, #tpu.memory_space<hbm>> -> memref<1x16x512xf32, #tpu.memory_space<hbm>>
    %dma_start3A_124 = tpu.memref_squeeze %dma_start3A_123 : memref<1x16x512xf32, #tpu.memory_space<hbm>> -> memref<16x512xf32, #tpu.memory_space<hbm>>
    tpu.enqueue_dma source(%dma_start3A_124 : memref<16x512xf32, #tpu.memory_space<hbm>>) target(%dma_start3A_121 : memref<16x512xf32, #tpu.memory_space<vmem>>) target_semaphore(%arg10 : memref<!tpu.dma_semaphore, #tpu.memory_space<semaphore_mem>>)
    %dma_start3A_125 = arith.constant 20 : i32
    %dma_start3A_126 = arith.constant 0 : i32
    %dma_start3A_127 = arith.constant 2 : i32
    %dma_start3A_128 = arith.constant 0 : i32
    %dma_start3A_129 = arith.constant 0 : i32
    %dma_start3A_130 = arith.constant 0 : i32
    %dma_start3A_131 = tpu.memref_slice %arg7[%dma_start3A_126, %dma_start3A_128, %dma_start3A_129, %dma_start3A_130] : memref<2x7x16x512xf32, #tpu.memory_space<vmem>> -> memref<1x7x16x512xf32, #tpu.memory_space<vmem>>
    %dma_start3A_132 = tpu.memref_squeeze %dma_start3A_131 : memref<1x7x16x512xf32, #tpu.memory_space<vmem>> -> memref<7x16x512xf32, #tpu.memory_space<vmem>>
    %dma_start3A_133 = arith.constant 0 : i32
    %dma_start3A_134 = arith.constant 0 : i32
    %dma_start3A_135 = tpu.memref_slice %dma_start3A_132[%dma_start3A_127, %dma_start3A_133, %dma_start3A_134] : memref<7x16x512xf32, #tpu.memory_space<vmem>> -> memref<1x16x512xf32, #tpu.memory_space<vmem>>
    %dma_start3A_136 = tpu.memref_squeeze %dma_start3A_135 : memref<1x16x512xf32, #tpu.memory_space<vmem>> -> memref<16x512xf32, #tpu.memory_space<vmem>>
    %dma_start3A_137 = arith.constant 0 : i32
    %dma_start3A_138 = tpu.memref_slice %arg2[%dma_start3A_125, %mul3A_2, %dma_start3A_137] : memref<24x512x512xf32, #tpu.memory_space<hbm>> -> memref<1x16x512xf32, #tpu.memory_space<hbm>>
    %dma_start3A_139 = tpu.memref_squeeze %dma_start3A_138 : memref<1x16x512xf32, #tpu.memory_space<hbm>> -> memref<16x512xf32, #tpu.memory_space<hbm>>
    %dma_start3A_140 = arith.constant 0 : i32
    %dma_start3A_141 = arith.constant 0 : i32
    %dma_start3A_142 = arith.constant 0 : i32
    %dma_start3A_143 = tpu.memref_slice %arg7[%dma_start3A_126, %dma_start3A_140, %dma_start3A_141, %dma_start3A_142] : memref<2x7x16x512xf32, #tpu.memory_space<vmem>> -> memref<1x7x16x512xf32, #tpu.memory_space<vmem>>
    %dma_start3A_144 = tpu.memref_squeeze %dma_start3A_143 : memref<1x7x16x512xf32, #tpu.memory_space<vmem>> -> memref<7x16x512xf32, #tpu.memory_space<vmem>>
    %dma_start3A_145 = arith.constant 0 : i32
    %dma_start3A_146 = arith.constant 0 : i32
    %dma_start3A_147 = tpu.memref_slice %dma_start3A_144[%dma_start3A_127, %dma_start3A_145, %dma_start3A_146] : memref<7x16x512xf32, #tpu.memory_space<vmem>> -> memref<1x16x512xf32, #tpu.memory_space<vmem>>
    %dma_start3A_148 = tpu.memref_squeeze %dma_start3A_147 : memref<1x16x512xf32, #tpu.memory_space<vmem>> -> memref<16x512xf32, #tpu.memory_space<vmem>>
    %dma_start3A_149 = arith.constant 0 : i32
    %dma_start3A_150 = tpu.memref_slice %arg2[%dma_start3A_125, %mul3A_2, %dma_start3A_149] : memref<24x512x512xf32, #tpu.memory_space<hbm>> -> memref<1x16x512xf32, #tpu.memory_space<hbm>>
    %dma_start3A_151 = tpu.memref_squeeze %dma_start3A_150 : memref<1x16x512xf32, #tpu.memory_space<hbm>> -> memref<16x512xf32, #tpu.memory_space<hbm>>
    tpu.enqueue_dma source(%dma_start3A_151 : memref<16x512xf32, #tpu.memory_space<hbm>>) target(%dma_start3A_148 : memref<16x512xf32, #tpu.memory_space<vmem>>) target_semaphore(%arg10 : memref<!tpu.dma_semaphore, #tpu.memory_space<semaphore_mem>>)
    %dma_start3A_152 = arith.constant 20 : i32
    %dma_start3A_153 = arith.constant 0 : i32
    %dma_start3A_154 = arith.constant 5 : i32
    %dma_start3A_155 = arith.constant 0 : i32
    %dma_start3A_156 = arith.constant 0 : i32
    %dma_start3A_157 = arith.constant 0 : i32
    %dma_start3A_158 = tpu.memref_slice %arg7[%dma_start3A_153, %dma_start3A_155, %dma_start3A_156, %dma_start3A_157] : memref<2x7x16x512xf32, #tpu.memory_space<vmem>> -> memref<1x7x16x512xf32, #tpu.memory_space<vmem>>
    %dma_start3A_159 = tpu.memref_squeeze %dma_start3A_158 : memref<1x7x16x512xf32, #tpu.memory_space<vmem>> -> memref<7x16x512xf32, #tpu.memory_space<vmem>>
    %dma_start3A_160 = arith.constant 0 : i32
    %dma_start3A_161 = arith.constant 0 : i32
    %dma_start3A_162 = tpu.memref_slice %dma_start3A_159[%dma_start3A_154, %dma_start3A_160, %dma_start3A_161] : memref<7x16x512xf32, #tpu.memory_space<vmem>> -> memref<1x16x512xf32, #tpu.memory_space<vmem>>
    %dma_start3A_163 = tpu.memref_squeeze %dma_start3A_162 : memref<1x16x512xf32, #tpu.memory_space<vmem>> -> memref<16x512xf32, #tpu.memory_space<vmem>>
    %dma_start3A_164 = arith.constant 0 : i32
    %dma_start3A_165 = tpu.memref_slice %arg3[%dma_start3A_152, %mul3A_2, %dma_start3A_164] : memref<24x512x512xf32, #tpu.memory_space<hbm>> -> memref<1x16x512xf32, #tpu.memory_space<hbm>>
    %dma_start3A_166 = tpu.memref_squeeze %dma_start3A_165 : memref<1x16x512xf32, #tpu.memory_space<hbm>> -> memref<16x512xf32, #tpu.memory_space<hbm>>
    %dma_start3A_167 = arith.constant 0 : i32
    %dma_start3A_168 = arith.constant 0 : i32
    %dma_start3A_169 = arith.constant 0 : i32
    %dma_start3A_170 = tpu.memref_slice %arg7[%dma_start3A_153, %dma_start3A_167, %dma_start3A_168, %dma_start3A_169] : memref<2x7x16x512xf32, #tpu.memory_space<vmem>> -> memref<1x7x16x512xf32, #tpu.memory_space<vmem>>
    %dma_start3A_171 = tpu.memref_squeeze %dma_start3A_170 : memref<1x7x16x512xf32, #tpu.memory_space<vmem>> -> memref<7x16x512xf32, #tpu.memory_space<vmem>>
    %dma_start3A_172 = arith.constant 0 : i32
    %dma_start3A_173 = arith.constant 0 : i32
    %dma_start3A_174 = tpu.memref_slice %dma_start3A_171[%dma_start3A_154, %dma_start3A_172, %dma_start3A_173] : memref<7x16x512xf32, #tpu.memory_space<vmem>> -> memref<1x16x512xf32, #tpu.memory_space<vmem>>
    %dma_start3A_175 = tpu.memref_squeeze %dma_start3A_174 : memref<1x16x512xf32, #tpu.memory_space<vmem>> -> memref<16x512xf32, #tpu.memory_space<vmem>>
    %dma_start3A_176 = arith.constant 0 : i32
    %dma_start3A_177 = tpu.memref_slice %arg3[%dma_start3A_152, %mul3A_2, %dma_start3A_176] : memref<24x512x512xf32, #tpu.memory_space<hbm>> -> memref<1x16x512xf32, #tpu.memory_space<hbm>>
    %dma_start3A_178 = tpu.memref_squeeze %dma_start3A_177 : memref<1x16x512xf32, #tpu.memory_space<hbm>> -> memref<16x512xf32, #tpu.memory_space<hbm>>
    tpu.enqueue_dma source(%dma_start3A_178 : memref<16x512xf32, #tpu.memory_space<hbm>>) target(%dma_start3A_175 : memref<16x512xf32, #tpu.memory_space<vmem>>) target_semaphore(%arg10 : memref<!tpu.dma_semaphore, #tpu.memory_space<semaphore_mem>>)
    %dma_start3A_179 = arith.constant 0 : i32
    %dma_start3A_180 = arith.constant 0 : i32
    %dma_start3A_181 = arith.constant 6 : i32
    %dma_start3A_182 = arith.constant 0 : i32
    %dma_start3A_183 = arith.constant 0 : i32
    %dma_start3A_184 = arith.constant 0 : i32
    %dma_start3A_185 = tpu.memref_slice %arg7[%dma_start3A_180, %dma_start3A_182, %dma_start3A_183, %dma_start3A_184] : memref<2x7x16x512xf32, #tpu.memory_space<vmem>> -> memref<1x7x16x512xf32, #tpu.memory_space<vmem>>
    %dma_start3A_186 = tpu.memref_squeeze %dma_start3A_185 : memref<1x7x16x512xf32, #tpu.memory_space<vmem>> -> memref<7x16x512xf32, #tpu.memory_space<vmem>>
    %dma_start3A_187 = arith.constant 0 : i32
    %dma_start3A_188 = arith.constant 0 : i32
    %dma_start3A_189 = tpu.memref_slice %dma_start3A_186[%dma_start3A_181, %dma_start3A_187, %dma_start3A_188] : memref<7x16x512xf32, #tpu.memory_space<vmem>> -> memref<1x16x512xf32, #tpu.memory_space<vmem>>
    %dma_start3A_190 = tpu.memref_squeeze %dma_start3A_189 : memref<1x16x512xf32, #tpu.memory_space<vmem>> -> memref<16x512xf32, #tpu.memory_space<vmem>>
    %dma_start3A_191 = arith.constant 0 : i32
    %dma_start3A_192 = tpu.memref_slice %arg4[%dma_start3A_179, %mul3A_2, %dma_start3A_191] : memref<2x512x512xf32, #tpu.memory_space<hbm>> -> memref<1x16x512xf32, #tpu.memory_space<hbm>>
    %dma_start3A_193 = tpu.memref_squeeze %dma_start3A_192 : memref<1x16x512xf32, #tpu.memory_space<hbm>> -> memref<16x512xf32, #tpu.memory_space<hbm>>
    %dma_start3A_194 = arith.constant 0 : i32
    %dma_start3A_195 = arith.constant 0 : i32
    %dma_start3A_196 = arith.constant 0 : i32
    %dma_start3A_197 = tpu.memref_slice %arg7[%dma_start3A_180, %dma_start3A_194, %dma_start3A_195, %dma_start3A_196] : memref<2x7x16x512xf32, #tpu.memory_space<vmem>> -> memref<1x7x16x512xf32, #tpu.memory_space<vmem>>
    %dma_start3A_198 = tpu.memref_squeeze %dma_start3A_197 : memref<1x7x16x512xf32, #tpu.memory_space<vmem>> -> memref<7x16x512xf32, #tpu.memory_space<vmem>>
    %dma_start3A_199 = arith.constant 0 : i32
    %dma_start3A_200 = arith.constant 0 : i32
    %dma_start3A_201 = tpu.memref_slice %dma_start3A_198[%dma_start3A_181, %dma_start3A_199, %dma_start3A_200] : memref<7x16x512xf32, #tpu.memory_space<vmem>> -> memref<1x16x512xf32, #tpu.memory_space<vmem>>
    %dma_start3A_202 = tpu.memref_squeeze %dma_start3A_201 : memref<1x16x512xf32, #tpu.memory_space<vmem>> -> memref<16x512xf32, #tpu.memory_space<vmem>>
    %dma_start3A_203 = arith.constant 0 : i32
    %dma_start3A_204 = tpu.memref_slice %arg4[%dma_start3A_179, %mul3A_2, %dma_start3A_203] : memref<2x512x512xf32, #tpu.memory_space<hbm>> -> memref<1x16x512xf32, #tpu.memory_space<hbm>>
    %dma_start3A_205 = tpu.memref_squeeze %dma_start3A_204 : memref<1x16x512xf32, #tpu.memory_space<hbm>> -> memref<16x512xf32, #tpu.memory_space<hbm>>
    tpu.enqueue_dma source(%dma_start3A_205 : memref<16x512xf32, #tpu.memory_space<hbm>>) target(%dma_start3A_202 : memref<16x512xf32, #tpu.memory_space<vmem>>) target_semaphore(%arg10 : memref<!tpu.dma_semaphore, #tpu.memory_space<semaphore_mem>>)
    %dma_wait3A = arith.constant 18 : i32
    %dma_wait3A_206 = arith.constant 0 : i32
    %dma_wait3A_207 = arith.constant 0 : i32
    %dma_wait3A_208 = arith.constant 0 : i32
    %dma_wait3A_209 = arith.constant 0 : i32
    %dma_wait3A_210 = arith.constant 0 : i32
    %dma_wait3A_211 = tpu.memref_slice %arg7[%dma_wait3A_206, %dma_wait3A_208, %dma_wait3A_209, %dma_wait3A_210] : memref<2x7x16x512xf32, #tpu.memory_space<vmem>> -> memref<1x7x16x512xf32, #tpu.memory_space<vmem>>
    %dma_wait3A_212 = tpu.memref_squeeze %dma_wait3A_211 : memref<1x7x16x512xf32, #tpu.memory_space<vmem>> -> memref<7x16x512xf32, #tpu.memory_space<vmem>>
    %dma_wait3A_213 = arith.constant 0 : i32
    %dma_wait3A_214 = arith.constant 0 : i32
    %dma_wait3A_215 = tpu.memref_slice %dma_wait3A_212[%dma_wait3A_207, %dma_wait3A_213, %dma_wait3A_214] : memref<7x16x512xf32, #tpu.memory_space<vmem>> -> memref<1x16x512xf32, #tpu.memory_space<vmem>>
    %dma_wait3A_216 = tpu.memref_squeeze %dma_wait3A_215 : memref<1x16x512xf32, #tpu.memory_space<vmem>> -> memref<16x512xf32, #tpu.memory_space<vmem>>
    %dma_wait3A_217 = arith.constant 0 : i32
    %dma_wait3A_218 = tpu.memref_slice %arg2[%dma_wait3A, %mul3A_2, %dma_wait3A_217] : memref<24x512x512xf32, #tpu.memory_space<hbm>> -> memref<1x16x512xf32, #tpu.memory_space<hbm>>
    %dma_wait3A_219 = tpu.memref_squeeze %dma_wait3A_218 : memref<1x16x512xf32, #tpu.memory_space<hbm>> -> memref<16x512xf32, #tpu.memory_space<hbm>>
    %dma_wait3A_220 = arith.constant 0 : i32
    %dma_wait3A_221 = arith.constant 0 : i32
    %dma_wait3A_222 = arith.constant 0 : i32
    %dma_wait3A_223 = tpu.memref_slice %arg7[%dma_wait3A_206, %dma_wait3A_220, %dma_wait3A_221, %dma_wait3A_222] : memref<2x7x16x512xf32, #tpu.memory_space<vmem>> -> memref<1x7x16x512xf32, #tpu.memory_space<vmem>>
    %dma_wait3A_224 = tpu.memref_squeeze %dma_wait3A_223 : memref<1x7x16x512xf32, #tpu.memory_space<vmem>> -> memref<7x16x512xf32, #tpu.memory_space<vmem>>
    %dma_wait3A_225 = arith.constant 0 : i32
    %dma_wait3A_226 = arith.constant 0 : i32
    %dma_wait3A_227 = tpu.memref_slice %dma_wait3A_224[%dma_wait3A_207, %dma_wait3A_225, %dma_wait3A_226] : memref<7x16x512xf32, #tpu.memory_space<vmem>> -> memref<1x16x512xf32, #tpu.memory_space<vmem>>
    %dma_wait3A_228 = tpu.memref_squeeze %dma_wait3A_227 : memref<1x16x512xf32, #tpu.memory_space<vmem>> -> memref<16x512xf32, #tpu.memory_space<vmem>>
    %dma_wait3A_229 = arith.constant 0 : i32
    %dma_wait3A_230 = tpu.memref_slice %arg2[%dma_wait3A, %mul3A_2, %dma_wait3A_229] : memref<24x512x512xf32, #tpu.memory_space<hbm>> -> memref<1x16x512xf32, #tpu.memory_space<hbm>>
    %dma_wait3A_231 = tpu.memref_squeeze %dma_wait3A_230 : memref<1x16x512xf32, #tpu.memory_space<hbm>> -> memref<16x512xf32, #tpu.memory_space<hbm>>
    tpu.wait_dma2 semaphore(%arg10 : memref<!tpu.dma_semaphore, #tpu.memory_space<semaphore_mem>>) src(%dma_wait3A_231 : memref<16x512xf32, #tpu.memory_space<hbm>>) dst(%dma_wait3A_228 : memref<16x512xf32, #tpu.memory_space<vmem>>)
    %dma_wait3A_232 = arith.constant 18 : i32
    %dma_wait3A_233 = arith.constant 0 : i32
    %dma_wait3A_234 = arith.constant 3 : i32
    %dma_wait3A_235 = arith.constant 0 : i32
    %dma_wait3A_236 = arith.constant 0 : i32
    %dma_wait3A_237 = arith.constant 0 : i32
    %dma_wait3A_238 = tpu.memref_slice %arg7[%dma_wait3A_233, %dma_wait3A_235, %dma_wait3A_236, %dma_wait3A_237] : memref<2x7x16x512xf32, #tpu.memory_space<vmem>> -> memref<1x7x16x512xf32, #tpu.memory_space<vmem>>
    %dma_wait3A_239 = tpu.memref_squeeze %dma_wait3A_238 : memref<1x7x16x512xf32, #tpu.memory_space<vmem>> -> memref<7x16x512xf32, #tpu.memory_space<vmem>>
    %dma_wait3A_240 = arith.constant 0 : i32
    %dma_wait3A_241 = arith.constant 0 : i32
    %dma_wait3A_242 = tpu.memref_slice %dma_wait3A_239[%dma_wait3A_234, %dma_wait3A_240, %dma_wait3A_241] : memref<7x16x512xf32, #tpu.memory_space<vmem>> -> memref<1x16x512xf32, #tpu.memory_space<vmem>>
    %dma_wait3A_243 = tpu.memref_squeeze %dma_wait3A_242 : memref<1x16x512xf32, #tpu.memory_space<vmem>> -> memref<16x512xf32, #tpu.memory_space<vmem>>
    %dma_wait3A_244 = arith.constant 0 : i32
    %dma_wait3A_245 = tpu.memref_slice %arg3[%dma_wait3A_232, %mul3A_2, %dma_wait3A_244] : memref<24x512x512xf32, #tpu.memory_space<hbm>> -> memref<1x16x512xf32, #tpu.memory_space<hbm>>
    %dma_wait3A_246 = tpu.memref_squeeze %dma_wait3A_245 : memref<1x16x512xf32, #tpu.memory_space<hbm>> -> memref<16x512xf32, #tpu.memory_space<hbm>>
    %dma_wait3A_247 = arith.constant 0 : i32
    %dma_wait3A_248 = arith.constant 0 : i32
    %dma_wait3A_249 = arith.constant 0 : i32
    %dma_wait3A_250 = tpu.memref_slice %arg7[%dma_wait3A_233, %dma_wait3A_247, %dma_wait3A_248, %dma_wait3A_249] : memref<2x7x16x512xf32, #tpu.memory_space<vmem>> -> memref<1x7x16x512xf32, #tpu.memory_space<vmem>>
    %dma_wait3A_251 = tpu.memref_squeeze %dma_wait3A_250 : memref<1x7x16x512xf32, #tpu.memory_space<vmem>> -> memref<7x16x512xf32, #tpu.memory_space<vmem>>
    %dma_wait3A_252 = arith.constant 0 : i32
    %dma_wait3A_253 = arith.constant 0 : i32
    %dma_wait3A_254 = tpu.memref_slice %dma_wait3A_251[%dma_wait3A_234, %dma_wait3A_252, %dma_wait3A_253] : memref<7x16x512xf32, #tpu.memory_space<vmem>> -> memref<1x16x512xf32, #tpu.memory_space<vmem>>
    %dma_wait3A_255 = tpu.memref_squeeze %dma_wait3A_254 : memref<1x16x512xf32, #tpu.memory_space<vmem>> -> memref<16x512xf32, #tpu.memory_space<vmem>>
    %dma_wait3A_256 = arith.constant 0 : i32
    %dma_wait3A_257 = tpu.memref_slice %arg3[%dma_wait3A_232, %mul3A_2, %dma_wait3A_256] : memref<24x512x512xf32, #tpu.memory_space<hbm>> -> memref<1x16x512xf32, #tpu.memory_space<hbm>>
    %dma_wait3A_258 = tpu.memref_squeeze %dma_wait3A_257 : memref<1x16x512xf32, #tpu.memory_space<hbm>> -> memref<16x512xf32, #tpu.memory_space<hbm>>
    tpu.wait_dma2 semaphore(%arg10 : memref<!tpu.dma_semaphore, #tpu.memory_space<semaphore_mem>>) src(%dma_wait3A_258 : memref<16x512xf32, #tpu.memory_space<hbm>>) dst(%dma_wait3A_255 : memref<16x512xf32, #tpu.memory_space<vmem>>)
    %dma_wait3A_259 = arith.constant 19 : i32
    %dma_wait3A_260 = arith.constant 0 : i32
    %dma_wait3A_261 = arith.constant 1 : i32
    %dma_wait3A_262 = arith.constant 0 : i32
    %dma_wait3A_263 = arith.constant 0 : i32
    %dma_wait3A_264 = arith.constant 0 : i32
    %dma_wait3A_265 = tpu.memref_slice %arg7[%dma_wait3A_260, %dma_wait3A_262, %dma_wait3A_263, %dma_wait3A_264] : memref<2x7x16x512xf32, #tpu.memory_space<vmem>> -> memref<1x7x16x512xf32, #tpu.memory_space<vmem>>
    %dma_wait3A_266 = tpu.memref_squeeze %dma_wait3A_265 : memref<1x7x16x512xf32, #tpu.memory_space<vmem>> -> memref<7x16x512xf32, #tpu.memory_space<vmem>>
    %dma_wait3A_267 = arith.constant 0 : i32
    %dma_wait3A_268 = arith.constant 0 : i32
    %dma_wait3A_269 = tpu.memref_slice %dma_wait3A_266[%dma_wait3A_261, %dma_wait3A_267, %dma_wait3A_268] : memref<7x16x512xf32, #tpu.memory_space<vmem>> -> memref<1x16x512xf32, #tpu.memory_space<vmem>>
    %dma_wait3A_270 = tpu.memref_squeeze %dma_wait3A_269 : memref<1x16x512xf32, #tpu.memory_space<vmem>> -> memref<16x512xf32, #tpu.memory_space<vmem>>
    %dma_wait3A_271 = arith.constant 0 : i32
    %dma_wait3A_272 = tpu.memref_slice %arg2[%dma_wait3A_259, %mul3A_2, %dma_wait3A_271] : memref<24x512x512xf32, #tpu.memory_space<hbm>> -> memref<1x16x512xf32, #tpu.memory_space<hbm>>
    %dma_wait3A_273 = tpu.memref_squeeze %dma_wait3A_272 : memref<1x16x512xf32, #tpu.memory_space<hbm>> -> memref<16x512xf32, #tpu.memory_space<hbm>>
    %dma_wait3A_274 = arith.constant 0 : i32
    %dma_wait3A_275 = arith.constant 0 : i32
    %dma_wait3A_276 = arith.constant 0 : i32
    %dma_wait3A_277 = tpu.memref_slice %arg7[%dma_wait3A_260, %dma_wait3A_274, %dma_wait3A_275, %dma_wait3A_276] : memref<2x7x16x512xf32, #tpu.memory_space<vmem>> -> memref<1x7x16x512xf32, #tpu.memory_space<vmem>>
    %dma_wait3A_278 = tpu.memref_squeeze %dma_wait3A_277 : memref<1x7x16x512xf32, #tpu.memory_space<vmem>> -> memref<7x16x512xf32, #tpu.memory_space<vmem>>
    %dma_wait3A_279 = arith.constant 0 : i32
    %dma_wait3A_280 = arith.constant 0 : i32
    %dma_wait3A_281 = tpu.memref_slice %dma_wait3A_278[%dma_wait3A_261, %dma_wait3A_279, %dma_wait3A_280] : memref<7x16x512xf32, #tpu.memory_space<vmem>> -> memref<1x16x512xf32, #tpu.memory_space<vmem>>
    %dma_wait3A_282 = tpu.memref_squeeze %dma_wait3A_281 : memref<1x16x512xf32, #tpu.memory_space<vmem>> -> memref<16x512xf32, #tpu.memory_space<vmem>>
    %dma_wait3A_283 = arith.constant 0 : i32
    %dma_wait3A_284 = tpu.memref_slice %arg2[%dma_wait3A_259, %mul3A_2, %dma_wait3A_283] : memref<24x512x512xf32, #tpu.memory_space<hbm>> -> memref<1x16x512xf32, #tpu.memory_space<hbm>>
    %dma_wait3A_285 = tpu.memref_squeeze %dma_wait3A_284 : memref<1x16x512xf32, #tpu.memory_space<hbm>> -> memref<16x512xf32, #tpu.memory_space<hbm>>
    tpu.wait_dma2 semaphore(%arg10 : memref<!tpu.dma_semaphore, #tpu.memory_space<semaphore_mem>>) src(%dma_wait3A_285 : memref<16x512xf32, #tpu.memory_space<hbm>>) dst(%dma_wait3A_282 : memref<16x512xf32, #tpu.memory_space<vmem>>)
    %dma_wait3A_286 = arith.constant 19 : i32
    %dma_wait3A_287 = arith.constant 0 : i32
    %dma_wait3A_288 = arith.constant 4 : i32
    %dma_wait3A_289 = arith.constant 0 : i32
    %dma_wait3A_290 = arith.constant 0 : i32
    %dma_wait3A_291 = arith.constant 0 : i32
    %dma_wait3A_292 = tpu.memref_slice %arg7[%dma_wait3A_287, %dma_wait3A_289, %dma_wait3A_290, %dma_wait3A_291] : memref<2x7x16x512xf32, #tpu.memory_space<vmem>> -> memref<1x7x16x512xf32, #tpu.memory_space<vmem>>
    %dma_wait3A_293 = tpu.memref_squeeze %dma_wait3A_292 : memref<1x7x16x512xf32, #tpu.memory_space<vmem>> -> memref<7x16x512xf32, #tpu.memory_space<vmem>>
    %dma_wait3A_294 = arith.constant 0 : i32
    %dma_wait3A_295 = arith.constant 0 : i32
    %dma_wait3A_296 = tpu.memref_slice %dma_wait3A_293[%dma_wait3A_288, %dma_wait3A_294, %dma_wait3A_295] : memref<7x16x512xf32, #tpu.memory_space<vmem>> -> memref<1x16x512xf32, #tpu.memory_space<vmem>>
    %dma_wait3A_297 = tpu.memref_squeeze %dma_wait3A_296 : memref<1x16x512xf32, #tpu.memory_space<vmem>> -> memref<16x512xf32, #tpu.memory_space<vmem>>
    %dma_wait3A_298 = arith.constant 0 : i32
    %dma_wait3A_299 = tpu.memref_slice %arg3[%dma_wait3A_286, %mul3A_2, %dma_wait3A_298] : memref<24x512x512xf32, #tpu.memory_space<hbm>> -> memref<1x16x512xf32, #tpu.memory_space<hbm>>
    %dma_wait3A_300 = tpu.memref_squeeze %dma_wait3A_299 : memref<1x16x512xf32, #tpu.memory_space<hbm>> -> memref<16x512xf32, #tpu.memory_space<hbm>>
    %dma_wait3A_301 = arith.constant 0 : i32
    %dma_wait3A_302 = arith.constant 0 : i32
    %dma_wait3A_303 = arith.constant 0 : i32
    %dma_wait3A_304 = tpu.memref_slice %arg7[%dma_wait3A_287, %dma_wait3A_301, %dma_wait3A_302, %dma_wait3A_303] : memref<2x7x16x512xf32, #tpu.memory_space<vmem>> -> memref<1x7x16x512xf32, #tpu.memory_space<vmem>>
    %dma_wait3A_305 = tpu.memref_squeeze %dma_wait3A_304 : memref<1x7x16x512xf32, #tpu.memory_space<vmem>> -> memref<7x16x512xf32, #tpu.memory_space<vmem>>
    %dma_wait3A_306 = arith.constant 0 : i32
    %dma_wait3A_307 = arith.constant 0 : i32
    %dma_wait3A_308 = tpu.memref_slice %dma_wait3A_305[%dma_wait3A_288, %dma_wait3A_306, %dma_wait3A_307] : memref<7x16x512xf32, #tpu.memory_space<vmem>> -> memref<1x16x512xf32, #tpu.memory_space<vmem>>
    %dma_wait3A_309 = tpu.memref_squeeze %dma_wait3A_308 : memref<1x16x512xf32, #tpu.memory_space<vmem>> -> memref<16x512xf32, #tpu.memory_space<vmem>>
    %dma_wait3A_310 = arith.constant 0 : i32
    %dma_wait3A_311 = tpu.memref_slice %arg3[%dma_wait3A_286, %mul3A_2, %dma_wait3A_310] : memref<24x512x512xf32, #tpu.memory_space<hbm>> -> memref<1x16x512xf32, #tpu.memory_space<hbm>>
    %dma_wait3A_312 = tpu.memref_squeeze %dma_wait3A_311 : memref<1x16x512xf32, #tpu.memory_space<hbm>> -> memref<16x512xf32, #tpu.memory_space<hbm>>
    tpu.wait_dma2 semaphore(%arg10 : memref<!tpu.dma_semaphore, #tpu.memory_space<semaphore_mem>>) src(%dma_wait3A_312 : memref<16x512xf32, #tpu.memory_space<hbm>>) dst(%dma_wait3A_309 : memref<16x512xf32, #tpu.memory_space<vmem>>)
    %dma_wait3A_313 = arith.constant 20 : i32
    %dma_wait3A_314 = arith.constant 0 : i32
    %dma_wait3A_315 = arith.constant 2 : i32
    %dma_wait3A_316 = arith.constant 0 : i32
    %dma_wait3A_317 = arith.constant 0 : i32
    %dma_wait3A_318 = arith.constant 0 : i32
    %dma_wait3A_319 = tpu.memref_slice %arg7[%dma_wait3A_314, %dma_wait3A_316, %dma_wait3A_317, %dma_wait3A_318] : memref<2x7x16x512xf32, #tpu.memory_space<vmem>> -> memref<1x7x16x512xf32, #tpu.memory_space<vmem>>
    %dma_wait3A_320 = tpu.memref_squeeze %dma_wait3A_319 : memref<1x7x16x512xf32, #tpu.memory_space<vmem>> -> memref<7x16x512xf32, #tpu.memory_space<vmem>>
    %dma_wait3A_321 = arith.constant 0 : i32
    %dma_wait3A_322 = arith.constant 0 : i32
    %dma_wait3A_323 = tpu.memref_slice %dma_wait3A_320[%dma_wait3A_315, %dma_wait3A_321, %dma_wait3A_322] : memref<7x16x512xf32, #tpu.memory_space<vmem>> -> memref<1x16x512xf32, #tpu.memory_space<vmem>>
    %dma_wait3A_324 = tpu.memref_squeeze %dma_wait3A_323 : memref<1x16x512xf32, #tpu.memory_space<vmem>> -> memref<16x512xf32, #tpu.memory_space<vmem>>
    %dma_wait3A_325 = arith.constant 0 : i32
    %dma_wait3A_326 = tpu.memref_slice %arg2[%dma_wait3A_313, %mul3A_2, %dma_wait3A_325] : memref<24x512x512xf32, #tpu.memory_space<hbm>> -> memref<1x16x512xf32, #tpu.memory_space<hbm>>
    %dma_wait3A_327 = tpu.memref_squeeze %dma_wait3A_326 : memref<1x16x512xf32, #tpu.memory_space<hbm>> -> memref<16x512xf32, #tpu.memory_space<hbm>>
    %dma_wait3A_328 = arith.constant 0 : i32
    %dma_wait3A_329 = arith.constant 0 : i32
    %dma_wait3A_330 = arith.constant 0 : i32
    %dma_wait3A_331 = tpu.memref_slice %arg7[%dma_wait3A_314, %dma_wait3A_328, %dma_wait3A_329, %dma_wait3A_330] : memref<2x7x16x512xf32, #tpu.memory_space<vmem>> -> memref<1x7x16x512xf32, #tpu.memory_space<vmem>>
    %dma_wait3A_332 = tpu.memref_squeeze %dma_wait3A_331 : memref<1x7x16x512xf32, #tpu.memory_space<vmem>> -> memref<7x16x512xf32, #tpu.memory_space<vmem>>
    %dma_wait3A_333 = arith.constant 0 : i32
    %dma_wait3A_334 = arith.constant 0 : i32
    %dma_wait3A_335 = tpu.memref_slice %dma_wait3A_332[%dma_wait3A_315, %dma_wait3A_333, %dma_wait3A_334] : memref<7x16x512xf32, #tpu.memory_space<vmem>> -> memref<1x16x512xf32, #tpu.memory_space<vmem>>
    %dma_wait3A_336 = tpu.memref_squeeze %dma_wait3A_335 : memref<1x16x512xf32, #tpu.memory_space<vmem>> -> memref<16x512xf32, #tpu.memory_space<vmem>>
    %dma_wait3A_337 = arith.constant 0 : i32
    %dma_wait3A_338 = tpu.memref_slice %arg2[%dma_wait3A_313, %mul3A_2, %dma_wait3A_337] : memref<24x512x512xf32, #tpu.memory_space<hbm>> -> memref<1x16x512xf32, #tpu.memory_space<hbm>>
    %dma_wait3A_339 = tpu.memref_squeeze %dma_wait3A_338 : memref<1x16x512xf32, #tpu.memory_space<hbm>> -> memref<16x512xf32, #tpu.memory_space<hbm>>
    tpu.wait_dma2 semaphore(%arg10 : memref<!tpu.dma_semaphore, #tpu.memory_space<semaphore_mem>>) src(%dma_wait3A_339 : memref<16x512xf32, #tpu.memory_space<hbm>>) dst(%dma_wait3A_336 : memref<16x512xf32, #tpu.memory_space<vmem>>)
    %dma_wait3A_340 = arith.constant 20 : i32
    %dma_wait3A_341 = arith.constant 0 : i32
    %dma_wait3A_342 = arith.constant 5 : i32
    %dma_wait3A_343 = arith.constant 0 : i32
    %dma_wait3A_344 = arith.constant 0 : i32
    %dma_wait3A_345 = arith.constant 0 : i32
    %dma_wait3A_346 = tpu.memref_slice %arg7[%dma_wait3A_341, %dma_wait3A_343, %dma_wait3A_344, %dma_wait3A_345] : memref<2x7x16x512xf32, #tpu.memory_space<vmem>> -> memref<1x7x16x512xf32, #tpu.memory_space<vmem>>
    %dma_wait3A_347 = tpu.memref_squeeze %dma_wait3A_346 : memref<1x7x16x512xf32, #tpu.memory_space<vmem>> -> memref<7x16x512xf32, #tpu.memory_space<vmem>>
    %dma_wait3A_348 = arith.constant 0 : i32
    %dma_wait3A_349 = arith.constant 0 : i32
    %dma_wait3A_350 = tpu.memref_slice %dma_wait3A_347[%dma_wait3A_342, %dma_wait3A_348, %dma_wait3A_349] : memref<7x16x512xf32, #tpu.memory_space<vmem>> -> memref<1x16x512xf32, #tpu.memory_space<vmem>>
    %dma_wait3A_351 = tpu.memref_squeeze %dma_wait3A_350 : memref<1x16x512xf32, #tpu.memory_space<vmem>> -> memref<16x512xf32, #tpu.memory_space<vmem>>
    %dma_wait3A_352 = arith.constant 0 : i32
    %dma_wait3A_353 = tpu.memref_slice %arg3[%dma_wait3A_340, %mul3A_2, %dma_wait3A_352] : memref<24x512x512xf32, #tpu.memory_space<hbm>> -> memref<1x16x512xf32, #tpu.memory_space<hbm>>
    %dma_wait3A_354 = tpu.memref_squeeze %dma_wait3A_353 : memref<1x16x512xf32, #tpu.memory_space<hbm>> -> memref<16x512xf32, #tpu.memory_space<hbm>>
    %dma_wait3A_355 = arith.constant 0 : i32
    %dma_wait3A_356 = arith.constant 0 : i32
    %dma_wait3A_357 = arith.constant 0 : i32
    %dma_wait3A_358 = tpu.memref_slice %arg7[%dma_wait3A_341, %dma_wait3A_355, %dma_wait3A_356, %dma_wait3A_357] : memref<2x7x16x512xf32, #tpu.memory_space<vmem>> -> memref<1x7x16x512xf32, #tpu.memory_space<vmem>>
    %dma_wait3A_359 = tpu.memref_squeeze %dma_wait3A_358 : memref<1x7x16x512xf32, #tpu.memory_space<vmem>> -> memref<7x16x512xf32, #tpu.memory_space<vmem>>
    %dma_wait3A_360 = arith.constant 0 : i32
    %dma_wait3A_361 = arith.constant 0 : i32
    %dma_wait3A_362 = tpu.memref_slice %dma_wait3A_359[%dma_wait3A_342, %dma_wait3A_360, %dma_wait3A_361] : memref<7x16x512xf32, #tpu.memory_space<vmem>> -> memref<1x16x512xf32, #tpu.memory_space<vmem>>
    %dma_wait3A_363 = tpu.memref_squeeze %dma_wait3A_362 : memref<1x16x512xf32, #tpu.memory_space<vmem>> -> memref<16x512xf32, #tpu.memory_space<vmem>>
    %dma_wait3A_364 = arith.constant 0 : i32
    %dma_wait3A_365 = tpu.memref_slice %arg3[%dma_wait3A_340, %mul3A_2, %dma_wait3A_364] : memref<24x512x512xf32, #tpu.memory_space<hbm>> -> memref<1x16x512xf32, #tpu.memory_space<hbm>>
    %dma_wait3A_366 = tpu.memref_squeeze %dma_wait3A_365 : memref<1x16x512xf32, #tpu.memory_space<hbm>> -> memref<16x512xf32, #tpu.memory_space<hbm>>
    tpu.wait_dma2 semaphore(%arg10 : memref<!tpu.dma_semaphore, #tpu.memory_space<semaphore_mem>>) src(%dma_wait3A_366 : memref<16x512xf32, #tpu.memory_space<hbm>>) dst(%dma_wait3A_363 : memref<16x512xf32, #tpu.memory_space<vmem>>)
    %dma_wait3A_367 = arith.constant 0 : i32
    %dma_wait3A_368 = arith.constant 0 : i32
    %dma_wait3A_369 = arith.constant 6 : i32
    %dma_wait3A_370 = arith.constant 0 : i32
    %dma_wait3A_371 = arith.constant 0 : i32
    %dma_wait3A_372 = arith.constant 0 : i32
    %dma_wait3A_373 = tpu.memref_slice %arg7[%dma_wait3A_368, %dma_wait3A_370, %dma_wait3A_371, %dma_wait3A_372] : memref<2x7x16x512xf32, #tpu.memory_space<vmem>> -> memref<1x7x16x512xf32, #tpu.memory_space<vmem>>
    %dma_wait3A_374 = tpu.memref_squeeze %dma_wait3A_373 : memref<1x7x16x512xf32, #tpu.memory_space<vmem>> -> memref<7x16x512xf32, #tpu.memory_space<vmem>>
    %dma_wait3A_375 = arith.constant 0 : i32
    %dma_wait3A_376 = arith.constant 0 : i32
    %dma_wait3A_377 = tpu.memref_slice %dma_wait3A_374[%dma_wait3A_369, %dma_wait3A_375, %dma_wait3A_376] : memref<7x16x512xf32, #tpu.memory_space<vmem>> -> memref<1x16x512xf32, #tpu.memory_space<vmem>>
    %dma_wait3A_378 = tpu.memref_squeeze %dma_wait3A_377 : memref<1x16x512xf32, #tpu.memory_space<vmem>> -> memref<16x512xf32, #tpu.memory_space<vmem>>
    %dma_wait3A_379 = arith.constant 0 : i32
    %dma_wait3A_380 = tpu.memref_slice %arg4[%dma_wait3A_367, %mul3A_2, %dma_wait3A_379] : memref<2x512x512xf32, #tpu.memory_space<hbm>> -> memref<1x16x512xf32, #tpu.memory_space<hbm>>
    %dma_wait3A_381 = tpu.memref_squeeze %dma_wait3A_380 : memref<1x16x512xf32, #tpu.memory_space<hbm>> -> memref<16x512xf32, #tpu.memory_space<hbm>>
    %dma_wait3A_382 = arith.constant 0 : i32
    %dma_wait3A_383 = arith.constant 0 : i32
    %dma_wait3A_384 = arith.constant 0 : i32
    %dma_wait3A_385 = tpu.memref_slice %arg7[%dma_wait3A_368, %dma_wait3A_382, %dma_wait3A_383, %dma_wait3A_384] : memref<2x7x16x512xf32, #tpu.memory_space<vmem>> -> memref<1x7x16x512xf32, #tpu.memory_space<vmem>>
    %dma_wait3A_386 = tpu.memref_squeeze %dma_wait3A_385 : memref<1x7x16x512xf32, #tpu.memory_space<vmem>> -> memref<7x16x512xf32, #tpu.memory_space<vmem>>
    %dma_wait3A_387 = arith.constant 0 : i32
    %dma_wait3A_388 = arith.constant 0 : i32
    %dma_wait3A_389 = tpu.memref_slice %dma_wait3A_386[%dma_wait3A_369, %dma_wait3A_387, %dma_wait3A_388] : memref<7x16x512xf32, #tpu.memory_space<vmem>> -> memref<1x16x512xf32, #tpu.memory_space<vmem>>
    %dma_wait3A_390 = tpu.memref_squeeze %dma_wait3A_389 : memref<1x16x512xf32, #tpu.memory_space<vmem>> -> memref<16x512xf32, #tpu.memory_space<vmem>>
    %dma_wait3A_391 = arith.constant 0 : i32
    %dma_wait3A_392 = tpu.memref_slice %arg4[%dma_wait3A_367, %mul3A_2, %dma_wait3A_391] : memref<2x512x512xf32, #tpu.memory_space<hbm>> -> memref<1x16x512xf32, #tpu.memory_space<hbm>>
    %dma_wait3A_393 = tpu.memref_squeeze %dma_wait3A_392 : memref<1x16x512xf32, #tpu.memory_space<hbm>> -> memref<16x512xf32, #tpu.memory_space<hbm>>
    tpu.wait_dma2 semaphore(%arg10 : memref<!tpu.dma_semaphore, #tpu.memory_space<semaphore_mem>>) src(%dma_wait3A_393 : memref<16x512xf32, #tpu.memory_space<hbm>>) dst(%dma_wait3A_390 : memref<16x512xf32, #tpu.memory_space<vmem>>)
    %dma_start3A_394 = arith.constant 21 : i32
    %dma_start3A_395 = arith.constant 1 : i32
    %dma_start3A_396 = arith.constant 0 : i32
    %dma_start3A_397 = arith.constant 0 : i32
    %dma_start3A_398 = arith.constant 0 : i32
    %dma_start3A_399 = arith.constant 0 : i32
    %dma_start3A_400 = tpu.memref_slice %arg7[%dma_start3A_395, %dma_start3A_397, %dma_start3A_398, %dma_start3A_399] : memref<2x7x16x512xf32, #tpu.memory_space<vmem>> -> memref<1x7x16x512xf32, #tpu.memory_space<vmem>>
    %dma_start3A_401 = tpu.memref_squeeze %dma_start3A_400 : memref<1x7x16x512xf32, #tpu.memory_space<vmem>> -> memref<7x16x512xf32, #tpu.memory_space<vmem>>
    %dma_start3A_402 = arith.constant 0 : i32
    %dma_start3A_403 = arith.constant 0 : i32
    %dma_start3A_404 = tpu.memref_slice %dma_start3A_401[%dma_start3A_396, %dma_start3A_402, %dma_start3A_403] : memref<7x16x512xf32, #tpu.memory_space<vmem>> -> memref<1x16x512xf32, #tpu.memory_space<vmem>>
    %dma_start3A_405 = tpu.memref_squeeze %dma_start3A_404 : memref<1x16x512xf32, #tpu.memory_space<vmem>> -> memref<16x512xf32, #tpu.memory_space<vmem>>
    %dma_start3A_406 = arith.constant 0 : i32
    %dma_start3A_407 = tpu.memref_slice %arg2[%dma_start3A_394, %mul3A_2, %dma_start3A_406] : memref<24x512x512xf32, #tpu.memory_space<hbm>> -> memref<1x16x512xf32, #tpu.memory_space<hbm>>
    %dma_start3A_408 = tpu.memref_squeeze %dma_start3A_407 : memref<1x16x512xf32, #tpu.memory_space<hbm>> -> memref<16x512xf32, #tpu.memory_space<hbm>>
    %dma_start3A_409 = arith.constant 0 : i32
    %dma_start3A_410 = arith.constant 0 : i32
    %dma_start3A_411 = arith.constant 0 : i32
    %dma_start3A_412 = tpu.memref_slice %arg7[%dma_start3A_395, %dma_start3A_409, %dma_start3A_410, %dma_start3A_411] : memref<2x7x16x512xf32, #tpu.memory_space<vmem>> -> memref<1x7x16x512xf32, #tpu.memory_space<vmem>>
    %dma_start3A_413 = tpu.memref_squeeze %dma_start3A_412 : memref<1x7x16x512xf32, #tpu.memory_space<vmem>> -> memref<7x16x512xf32, #tpu.memory_space<vmem>>
    %dma_start3A_414 = arith.constant 0 : i32
    %dma_start3A_415 = arith.constant 0 : i32
    %dma_start3A_416 = tpu.memref_slice %dma_start3A_413[%dma_start3A_396, %dma_start3A_414, %dma_start3A_415] : memref<7x16x512xf32, #tpu.memory_space<vmem>> -> memref<1x16x512xf32, #tpu.memory_space<vmem>>
    %dma_start3A_417 = tpu.memref_squeeze %dma_start3A_416 : memref<1x16x512xf32, #tpu.memory_space<vmem>> -> memref<16x512xf32, #tpu.memory_space<vmem>>
    %dma_start3A_418 = arith.constant 0 : i32
    %dma_start3A_419 = tpu.memref_slice %arg2[%dma_start3A_394, %mul3A_2, %dma_start3A_418] : memref<24x512x512xf32, #tpu.memory_space<hbm>> -> memref<1x16x512xf32, #tpu.memory_space<hbm>>
    %dma_start3A_420 = tpu.memref_squeeze %dma_start3A_419 : memref<1x16x512xf32, #tpu.memory_space<hbm>> -> memref<16x512xf32, #tpu.memory_space<hbm>>
    tpu.enqueue_dma source(%dma_start3A_420 : memref<16x512xf32, #tpu.memory_space<hbm>>) target(%dma_start3A_417 : memref<16x512xf32, #tpu.memory_space<vmem>>) target_semaphore(%arg11 : memref<!tpu.dma_semaphore, #tpu.memory_space<semaphore_mem>>)
    %dma_start3A_421 = arith.constant 21 : i32
    %dma_start3A_422 = arith.constant 1 : i32
    %dma_start3A_423 = arith.constant 3 : i32
    %dma_start3A_424 = arith.constant 0 : i32
    %dma_start3A_425 = arith.constant 0 : i32
    %dma_start3A_426 = arith.constant 0 : i32
    %dma_start3A_427 = tpu.memref_slice %arg7[%dma_start3A_422, %dma_start3A_424, %dma_start3A_425, %dma_start3A_426] : memref<2x7x16x512xf32, #tpu.memory_space<vmem>> -> memref<1x7x16x512xf32, #tpu.memory_space<vmem>>
    %dma_start3A_428 = tpu.memref_squeeze %dma_start3A_427 : memref<1x7x16x512xf32, #tpu.memory_space<vmem>> -> memref<7x16x512xf32, #tpu.memory_space<vmem>>
    %dma_start3A_429 = arith.constant 0 : i32
    %dma_start3A_430 = arith.constant 0 : i32
    %dma_start3A_431 = tpu.memref_slice %dma_start3A_428[%dma_start3A_423, %dma_start3A_429, %dma_start3A_430] : memref<7x16x512xf32, #tpu.memory_space<vmem>> -> memref<1x16x512xf32, #tpu.memory_space<vmem>>
    %dma_start3A_432 = tpu.memref_squeeze %dma_start3A_431 : memref<1x16x512xf32, #tpu.memory_space<vmem>> -> memref<16x512xf32, #tpu.memory_space<vmem>>
    %dma_start3A_433 = arith.constant 0 : i32
    %dma_start3A_434 = tpu.memref_slice %arg3[%dma_start3A_421, %mul3A_2, %dma_start3A_433] : memref<24x512x512xf32, #tpu.memory_space<hbm>> -> memref<1x16x512xf32, #tpu.memory_space<hbm>>
    %dma_start3A_435 = tpu.memref_squeeze %dma_start3A_434 : memref<1x16x512xf32, #tpu.memory_space<hbm>> -> memref<16x512xf32, #tpu.memory_space<hbm>>
    %dma_start3A_436 = arith.constant 0 : i32
    %dma_start3A_437 = arith.constant 0 : i32
    %dma_start3A_438 = arith.constant 0 : i32
    %dma_start3A_439 = tpu.memref_slice %arg7[%dma_start3A_422, %dma_start3A_436, %dma_start3A_437, %dma_start3A_438] : memref<2x7x16x512xf32, #tpu.memory_space<vmem>> -> memref<1x7x16x512xf32, #tpu.memory_space<vmem>>
    %dma_start3A_440 = tpu.memref_squeeze %dma_start3A_439 : memref<1x7x16x512xf32, #tpu.memory_space<vmem>> -> memref<7x16x512xf32, #tpu.memory_space<vmem>>
    %dma_start3A_441 = arith.constant 0 : i32
    %dma_start3A_442 = arith.constant 0 : i32
    %dma_start3A_443 = tpu.memref_slice %dma_start3A_440[%dma_start3A_423, %dma_start3A_441, %dma_start3A_442] : memref<7x16x512xf32, #tpu.memory_space<vmem>> -> memref<1x16x512xf32, #tpu.memory_space<vmem>>
    %dma_start3A_444 = tpu.memref_squeeze %dma_start3A_443 : memref<1x16x512xf32, #tpu.memory_space<vmem>> -> memref<16x512xf32, #tpu.memory_space<vmem>>
    %dma_start3A_445 = arith.constant 0 : i32
    %dma_start3A_446 = tpu.memref_slice %arg3[%dma_start3A_421, %mul3A_2, %dma_start3A_445] : memref<24x512x512xf32, #tpu.memory_space<hbm>> -> memref<1x16x512xf32, #tpu.memory_space<hbm>>
    %dma_start3A_447 = tpu.memref_squeeze %dma_start3A_446 : memref<1x16x512xf32, #tpu.memory_space<hbm>> -> memref<16x512xf32, #tpu.memory_space<hbm>>
    tpu.enqueue_dma source(%dma_start3A_447 : memref<16x512xf32, #tpu.memory_space<hbm>>) target(%dma_start3A_444 : memref<16x512xf32, #tpu.memory_space<vmem>>) target_semaphore(%arg11 : memref<!tpu.dma_semaphore, #tpu.memory_space<semaphore_mem>>)
    %dma_start3A_448 = arith.constant 22 : i32
    %dma_start3A_449 = arith.constant 1 : i32
    %dma_start3A_450 = arith.constant 1 : i32
    %dma_start3A_451 = arith.constant 0 : i32
    %dma_start3A_452 = arith.constant 0 : i32
    %dma_start3A_453 = arith.constant 0 : i32
    %dma_start3A_454 = tpu.memref_slice %arg7[%dma_start3A_449, %dma_start3A_451, %dma_start3A_452, %dma_start3A_453] : memref<2x7x16x512xf32, #tpu.memory_space<vmem>> -> memref<1x7x16x512xf32, #tpu.memory_space<vmem>>
    %dma_start3A_455 = tpu.memref_squeeze %dma_start3A_454 : memref<1x7x16x512xf32, #tpu.memory_space<vmem>> -> memref<7x16x512xf32, #tpu.memory_space<vmem>>
    %dma_start3A_456 = arith.constant 0 : i32
    %dma_start3A_457 = arith.constant 0 : i32
    %dma_start3A_458 = tpu.memref_slice %dma_start3A_455[%dma_start3A_450, %dma_start3A_456, %dma_start3A_457] : memref<7x16x512xf32, #tpu.memory_space<vmem>> -> memref<1x16x512xf32, #tpu.memory_space<vmem>>
    %dma_start3A_459 = tpu.memref_squeeze %dma_start3A_458 : memref<1x16x512xf32, #tpu.memory_space<vmem>> -> memref<16x512xf32, #tpu.memory_space<vmem>>
    %dma_start3A_460 = arith.constant 0 : i32
    %dma_start3A_461 = tpu.memref_slice %arg2[%dma_start3A_448, %mul3A_2, %dma_start3A_460] : memref<24x512x512xf32, #tpu.memory_space<hbm>> -> memref<1x16x512xf32, #tpu.memory_space<hbm>>
    %dma_start3A_462 = tpu.memref_squeeze %dma_start3A_461 : memref<1x16x512xf32, #tpu.memory_space<hbm>> -> memref<16x512xf32, #tpu.memory_space<hbm>>
    %dma_start3A_463 = arith.constant 0 : i32
    %dma_start3A_464 = arith.constant 0 : i32
    %dma_start3A_465 = arith.constant 0 : i32
    %dma_start3A_466 = tpu.memref_slice %arg7[%dma_start3A_449, %dma_start3A_463, %dma_start3A_464, %dma_start3A_465] : memref<2x7x16x512xf32, #tpu.memory_space<vmem>> -> memref<1x7x16x512xf32, #tpu.memory_space<vmem>>
    %dma_start3A_467 = tpu.memref_squeeze %dma_start3A_466 : memref<1x7x16x512xf32, #tpu.memory_space<vmem>> -> memref<7x16x512xf32, #tpu.memory_space<vmem>>
    %dma_start3A_468 = arith.constant 0 : i32
    %dma_start3A_469 = arith.constant 0 : i32
    %dma_start3A_470 = tpu.memref_slice %dma_start3A_467[%dma_start3A_450, %dma_start3A_468, %dma_start3A_469] : memref<7x16x512xf32, #tpu.memory_space<vmem>> -> memref<1x16x512xf32, #tpu.memory_space<vmem>>
    %dma_start3A_471 = tpu.memref_squeeze %dma_start3A_470 : memref<1x16x512xf32, #tpu.memory_space<vmem>> -> memref<16x512xf32, #tpu.memory_space<vmem>>
    %dma_start3A_472 = arith.constant 0 : i32
    %dma_start3A_473 = tpu.memref_slice %arg2[%dma_start3A_448, %mul3A_2, %dma_start3A_472] : memref<24x512x512xf32, #tpu.memory_space<hbm>> -> memref<1x16x512xf32, #tpu.memory_space<hbm>>
    %dma_start3A_474 = tpu.memref_squeeze %dma_start3A_473 : memref<1x16x512xf32, #tpu.memory_space<hbm>> -> memref<16x512xf32, #tpu.memory_space<hbm>>
    tpu.enqueue_dma source(%dma_start3A_474 : memref<16x512xf32, #tpu.memory_space<hbm>>) target(%dma_start3A_471 : memref<16x512xf32, #tpu.memory_space<vmem>>) target_semaphore(%arg11 : memref<!tpu.dma_semaphore, #tpu.memory_space<semaphore_mem>>)
    %dma_start3A_475 = arith.constant 22 : i32
    %dma_start3A_476 = arith.constant 1 : i32
    %dma_start3A_477 = arith.constant 4 : i32
    %dma_start3A_478 = arith.constant 0 : i32
    %dma_start3A_479 = arith.constant 0 : i32
    %dma_start3A_480 = arith.constant 0 : i32
    %dma_start3A_481 = tpu.memref_slice %arg7[%dma_start3A_476, %dma_start3A_478, %dma_start3A_479, %dma_start3A_480] : memref<2x7x16x512xf32, #tpu.memory_space<vmem>> -> memref<1x7x16x512xf32, #tpu.memory_space<vmem>>
    %dma_start3A_482 = tpu.memref_squeeze %dma_start3A_481 : memref<1x7x16x512xf32, #tpu.memory_space<vmem>> -> memref<7x16x512xf32, #tpu.memory_space<vmem>>
    %dma_start3A_483 = arith.constant 0 : i32
    %dma_start3A_484 = arith.constant 0 : i32
    %dma_start3A_485 = tpu.memref_slice %dma_start3A_482[%dma_start3A_477, %dma_start3A_483, %dma_start3A_484] : memref<7x16x512xf32, #tpu.memory_space<vmem>> -> memref<1x16x512xf32, #tpu.memory_space<vmem>>
    %dma_start3A_486 = tpu.memref_squeeze %dma_start3A_485 : memref<1x16x512xf32, #tpu.memory_space<vmem>> -> memref<16x512xf32, #tpu.memory_space<vmem>>
    %dma_start3A_487 = arith.constant 0 : i32
    %dma_start3A_488 = tpu.memref_slice %arg3[%dma_start3A_475, %mul3A_2, %dma_start3A_487] : memref<24x512x512xf32, #tpu.memory_space<hbm>> -> memref<1x16x512xf32, #tpu.memory_space<hbm>>
    %dma_start3A_489 = tpu.memref_squeeze %dma_start3A_488 : memref<1x16x512xf32, #tpu.memory_space<hbm>> -> memref<16x512xf32, #tpu.memory_space<hbm>>
    %dma_start3A_490 = arith.constant 0 : i32
    %dma_start3A_491 = arith.constant 0 : i32
    %dma_start3A_492 = arith.constant 0 : i32
    %dma_start3A_493 = tpu.memref_slice %arg7[%dma_start3A_476, %dma_start3A_490, %dma_start3A_491, %dma_start3A_492] : memref<2x7x16x512xf32, #tpu.memory_space<vmem>> -> memref<1x7x16x512xf32, #tpu.memory_space<vmem>>
    %dma_start3A_494 = tpu.memref_squeeze %dma_start3A_493 : memref<1x7x16x512xf32, #tpu.memory_space<vmem>> -> memref<7x16x512xf32, #tpu.memory_space<vmem>>
    %dma_start3A_495 = arith.constant 0 : i32
    %dma_start3A_496 = arith.constant 0 : i32
    %dma_start3A_497 = tpu.memref_slice %dma_start3A_494[%dma_start3A_477, %dma_start3A_495, %dma_start3A_496] : memref<7x16x512xf32, #tpu.memory_space<vmem>> -> memref<1x16x512xf32, #tpu.memory_space<vmem>>
    %dma_start3A_498 = tpu.memref_squeeze %dma_start3A_497 : memref<1x16x512xf32, #tpu.memory_space<vmem>> -> memref<16x512xf32, #tpu.memory_space<vmem>>
    %dma_start3A_499 = arith.constant 0 : i32
    %dma_start3A_500 = tpu.memref_slice %arg3[%dma_start3A_475, %mul3A_2, %dma_start3A_499] : memref<24x512x512xf32, #tpu.memory_space<hbm>> -> memref<1x16x512xf32, #tpu.memory_space<hbm>>
    %dma_start3A_501 = tpu.memref_squeeze %dma_start3A_500 : memref<1x16x512xf32, #tpu.memory_space<hbm>> -> memref<16x512xf32, #tpu.memory_space<hbm>>
    tpu.enqueue_dma source(%dma_start3A_501 : memref<16x512xf32, #tpu.memory_space<hbm>>) target(%dma_start3A_498 : memref<16x512xf32, #tpu.memory_space<vmem>>) target_semaphore(%arg11 : memref<!tpu.dma_semaphore, #tpu.memory_space<semaphore_mem>>)
    %dma_start3A_502 = arith.constant 23 : i32
    %dma_start3A_503 = arith.constant 1 : i32
    %dma_start3A_504 = arith.constant 2 : i32
    %dma_start3A_505 = arith.constant 0 : i32
    %dma_start3A_506 = arith.constant 0 : i32
    %dma_start3A_507 = arith.constant 0 : i32
    %dma_start3A_508 = tpu.memref_slice %arg7[%dma_start3A_503, %dma_start3A_505, %dma_start3A_506, %dma_start3A_507] : memref<2x7x16x512xf32, #tpu.memory_space<vmem>> -> memref<1x7x16x512xf32, #tpu.memory_space<vmem>>
    %dma_start3A_509 = tpu.memref_squeeze %dma_start3A_508 : memref<1x7x16x512xf32, #tpu.memory_space<vmem>> -> memref<7x16x512xf32, #tpu.memory_space<vmem>>
    %dma_start3A_510 = arith.constant 0 : i32
    %dma_start3A_511 = arith.constant 0 : i32
    %dma_start3A_512 = tpu.memref_slice %dma_start3A_509[%dma_start3A_504, %dma_start3A_510, %dma_start3A_511] : memref<7x16x512xf32, #tpu.memory_space<vmem>> -> memref<1x16x512xf32, #tpu.memory_space<vmem>>
    %dma_start3A_513 = tpu.memref_squeeze %dma_start3A_512 : memref<1x16x512xf32, #tpu.memory_space<vmem>> -> memref<16x512xf32, #tpu.memory_space<vmem>>
    %dma_start3A_514 = arith.constant 0 : i32
    %dma_start3A_515 = tpu.memref_slice %arg2[%dma_start3A_502, %mul3A_2, %dma_start3A_514] : memref<24x512x512xf32, #tpu.memory_space<hbm>> -> memref<1x16x512xf32, #tpu.memory_space<hbm>>
    %dma_start3A_516 = tpu.memref_squeeze %dma_start3A_515 : memref<1x16x512xf32, #tpu.memory_space<hbm>> -> memref<16x512xf32, #tpu.memory_space<hbm>>
    %dma_start3A_517 = arith.constant 0 : i32
    %dma_start3A_518 = arith.constant 0 : i32
    %dma_start3A_519 = arith.constant 0 : i32
    %dma_start3A_520 = tpu.memref_slice %arg7[%dma_start3A_503, %dma_start3A_517, %dma_start3A_518, %dma_start3A_519] : memref<2x7x16x512xf32, #tpu.memory_space<vmem>> -> memref<1x7x16x512xf32, #tpu.memory_space<vmem>>
    %dma_start3A_521 = tpu.memref_squeeze %dma_start3A_520 : memref<1x7x16x512xf32, #tpu.memory_space<vmem>> -> memref<7x16x512xf32, #tpu.memory_space<vmem>>
    %dma_start3A_522 = arith.constant 0 : i32
    %dma_start3A_523 = arith.constant 0 : i32
    %dma_start3A_524 = tpu.memref_slice %dma_start3A_521[%dma_start3A_504, %dma_start3A_522, %dma_start3A_523] : memref<7x16x512xf32, #tpu.memory_space<vmem>> -> memref<1x16x512xf32, #tpu.memory_space<vmem>>
    %dma_start3A_525 = tpu.memref_squeeze %dma_start3A_524 : memref<1x16x512xf32, #tpu.memory_space<vmem>> -> memref<16x512xf32, #tpu.memory_space<vmem>>
    %dma_start3A_526 = arith.constant 0 : i32
    %dma_start3A_527 = tpu.memref_slice %arg2[%dma_start3A_502, %mul3A_2, %dma_start3A_526] : memref<24x512x512xf32, #tpu.memory_space<hbm>> -> memref<1x16x512xf32, #tpu.memory_space<hbm>>
    %dma_start3A_528 = tpu.memref_squeeze %dma_start3A_527 : memref<1x16x512xf32, #tpu.memory_space<hbm>> -> memref<16x512xf32, #tpu.memory_space<hbm>>
    tpu.enqueue_dma source(%dma_start3A_528 : memref<16x512xf32, #tpu.memory_space<hbm>>) target(%dma_start3A_525 : memref<16x512xf32, #tpu.memory_space<vmem>>) target_semaphore(%arg11 : memref<!tpu.dma_semaphore, #tpu.memory_space<semaphore_mem>>)
    %dma_start3A_529 = arith.constant 23 : i32
    %dma_start3A_530 = arith.constant 1 : i32
    %dma_start3A_531 = arith.constant 5 : i32
    %dma_start3A_532 = arith.constant 0 : i32
    %dma_start3A_533 = arith.constant 0 : i32
    %dma_start3A_534 = arith.constant 0 : i32
    %dma_start3A_535 = tpu.memref_slice %arg7[%dma_start3A_530, %dma_start3A_532, %dma_start3A_533, %dma_start3A_534] : memref<2x7x16x512xf32, #tpu.memory_space<vmem>> -> memref<1x7x16x512xf32, #tpu.memory_space<vmem>>
    %dma_start3A_536 = tpu.memref_squeeze %dma_start3A_535 : memref<1x7x16x512xf32, #tpu.memory_space<vmem>> -> memref<7x16x512xf32, #tpu.memory_space<vmem>>
    %dma_start3A_537 = arith.constant 0 : i32
    %dma_start3A_538 = arith.constant 0 : i32
    %dma_start3A_539 = tpu.memref_slice %dma_start3A_536[%dma_start3A_531, %dma_start3A_537, %dma_start3A_538] : memref<7x16x512xf32, #tpu.memory_space<vmem>> -> memref<1x16x512xf32, #tpu.memory_space<vmem>>
    %dma_start3A_540 = tpu.memref_squeeze %dma_start3A_539 : memref<1x16x512xf32, #tpu.memory_space<vmem>> -> memref<16x512xf32, #tpu.memory_space<vmem>>
    %dma_start3A_541 = arith.constant 0 : i32
    %dma_start3A_542 = tpu.memref_slice %arg3[%dma_start3A_529, %mul3A_2, %dma_start3A_541] : memref<24x512x512xf32, #tpu.memory_space<hbm>> -> memref<1x16x512xf32, #tpu.memory_space<hbm>>
    %dma_start3A_543 = tpu.memref_squeeze %dma_start3A_542 : memref<1x16x512xf32, #tpu.memory_space<hbm>> -> memref<16x512xf32, #tpu.memory_space<hbm>>
    %dma_start3A_544 = arith.constant 0 : i32
    %dma_start3A_545 = arith.constant 0 : i32
    %dma_start3A_546 = arith.constant 0 : i32
    %dma_start3A_547 = tpu.memref_slice %arg7[%dma_start3A_530, %dma_start3A_544, %dma_start3A_545, %dma_start3A_546] : memref<2x7x16x512xf32, #tpu.memory_space<vmem>> -> memref<1x7x16x512xf32, #tpu.memory_space<vmem>>
    %dma_start3A_548 = tpu.memref_squeeze %dma_start3A_547 : memref<1x7x16x512xf32, #tpu.memory_space<vmem>> -> memref<7x16x512xf32, #tpu.memory_space<vmem>>
    %dma_start3A_549 = arith.constant 0 : i32
    %dma_start3A_550 = arith.constant 0 : i32
    %dma_start3A_551 = tpu.memref_slice %dma_start3A_548[%dma_start3A_531, %dma_start3A_549, %dma_start3A_550] : memref<7x16x512xf32, #tpu.memory_space<vmem>> -> memref<1x16x512xf32, #tpu.memory_space<vmem>>
    %dma_start3A_552 = tpu.memref_squeeze %dma_start3A_551 : memref<1x16x512xf32, #tpu.memory_space<vmem>> -> memref<16x512xf32, #tpu.memory_space<vmem>>
    %dma_start3A_553 = arith.constant 0 : i32
    %dma_start3A_554 = tpu.memref_slice %arg3[%dma_start3A_529, %mul3A_2, %dma_start3A_553] : memref<24x512x512xf32, #tpu.memory_space<hbm>> -> memref<1x16x512xf32, #tpu.memory_space<hbm>>
    %dma_start3A_555 = tpu.memref_squeeze %dma_start3A_554 : memref<1x16x512xf32, #tpu.memory_space<hbm>> -> memref<16x512xf32, #tpu.memory_space<hbm>>
    tpu.enqueue_dma source(%dma_start3A_555 : memref<16x512xf32, #tpu.memory_space<hbm>>) target(%dma_start3A_552 : memref<16x512xf32, #tpu.memory_space<vmem>>) target_semaphore(%arg11 : memref<!tpu.dma_semaphore, #tpu.memory_space<semaphore_mem>>)
    %dma_start3A_556 = arith.constant 1 : i32
    %dma_start3A_557 = arith.constant 1 : i32
    %dma_start3A_558 = arith.constant 6 : i32
    %dma_start3A_559 = arith.constant 0 : i32
    %dma_start3A_560 = arith.constant 0 : i32
    %dma_start3A_561 = arith.constant 0 : i32
    %dma_start3A_562 = tpu.memref_slice %arg7[%dma_start3A_557, %dma_start3A_559, %dma_start3A_560, %dma_start3A_561] : memref<2x7x16x512xf32, #tpu.memory_space<vmem>> -> memref<1x7x16x512xf32, #tpu.memory_space<vmem>>
    %dma_start3A_563 = tpu.memref_squeeze %dma_start3A_562 : memref<1x7x16x512xf32, #tpu.memory_space<vmem>> -> memref<7x16x512xf32, #tpu.memory_space<vmem>>
    %dma_start3A_564 = arith.constant 0 : i32
    %dma_start3A_565 = arith.constant 0 : i32
    %dma_start3A_566 = tpu.memref_slice %dma_start3A_563[%dma_start3A_558, %dma_start3A_564, %dma_start3A_565] : memref<7x16x512xf32, #tpu.memory_space<vmem>> -> memref<1x16x512xf32, #tpu.memory_space<vmem>>
    %dma_start3A_567 = tpu.memref_squeeze %dma_start3A_566 : memref<1x16x512xf32, #tpu.memory_space<vmem>> -> memref<16x512xf32, #tpu.memory_space<vmem>>
    %dma_start3A_568 = arith.constant 0 : i32
    %dma_start3A_569 = tpu.memref_slice %arg4[%dma_start3A_556, %mul3A_2, %dma_start3A_568] : memref<2x512x512xf32, #tpu.memory_space<hbm>> -> memref<1x16x512xf32, #tpu.memory_space<hbm>>
    %dma_start3A_570 = tpu.memref_squeeze %dma_start3A_569 : memref<1x16x512xf32, #tpu.memory_space<hbm>> -> memref<16x512xf32, #tpu.memory_space<hbm>>
    %dma_start3A_571 = arith.constant 0 : i32
    %dma_start3A_572 = arith.constant 0 : i32
    %dma_start3A_573 = arith.constant 0 : i32
    %dma_start3A_574 = tpu.memref_slice %arg7[%dma_start3A_557, %dma_start3A_571, %dma_start3A_572, %dma_start3A_573] : memref<2x7x16x512xf32, #tpu.memory_space<vmem>> -> memref<1x7x16x512xf32, #tpu.memory_space<vmem>>
    %dma_start3A_575 = tpu.memref_squeeze %dma_start3A_574 : memref<1x7x16x512xf32, #tpu.memory_space<vmem>> -> memref<7x16x512xf32, #tpu.memory_space<vmem>>
    %dma_start3A_576 = arith.constant 0 : i32
    %dma_start3A_577 = arith.constant 0 : i32
    %dma_start3A_578 = tpu.memref_slice %dma_start3A_575[%dma_start3A_558, %dma_start3A_576, %dma_start3A_577] : memref<7x16x512xf32, #tpu.memory_space<vmem>> -> memref<1x16x512xf32, #tpu.memory_space<vmem>>
    %dma_start3A_579 = tpu.memref_squeeze %dma_start3A_578 : memref<1x16x512xf32, #tpu.memory_space<vmem>> -> memref<16x512xf32, #tpu.memory_space<vmem>>
    %dma_start3A_580 = arith.constant 0 : i32
    %dma_start3A_581 = tpu.memref_slice %arg4[%dma_start3A_556, %mul3A_2, %dma_start3A_580] : memref<2x512x512xf32, #tpu.memory_space<hbm>> -> memref<1x16x512xf32, #tpu.memory_space<hbm>>
    %dma_start3A_582 = tpu.memref_squeeze %dma_start3A_581 : memref<1x16x512xf32, #tpu.memory_space<hbm>> -> memref<16x512xf32, #tpu.memory_space<hbm>>
    tpu.enqueue_dma source(%dma_start3A_582 : memref<16x512xf32, #tpu.memory_space<hbm>>) target(%dma_start3A_579 : memref<16x512xf32, #tpu.memory_space<vmem>>) target_semaphore(%arg11 : memref<!tpu.dma_semaphore, #tpu.memory_space<semaphore_mem>>)
    %scan3A = arith.constant 0 : i32
    %scan3A_583 = arith.constant 0 : i32
    %scan3A_584 = arith.constant 64 : i32
    %scan3A_585 = arith.addi %scan3A_583, %scan3A_584 : i32
    %scan3A_586 = arith.constant 1 : i32
    %scan3A_587:8 = scf.for %scan3A_798 = %scan3A_583 to %scan3A_585 step %scan3A_586 iter_args(%scan3A_799 = %broadcast_in_dim3A_3, %scan3A_800 = %broadcast_in_dim3A_5, %scan3A_801 = %broadcast_in_dim3A_7, %scan3A_802 = %broadcast_in_dim3A_9, %scan3A_803 = %broadcast_in_dim3A_11, %scan3A_804 = %broadcast_in_dim3A_13, %scan3A_805 = %broadcast_in_dim3A_15, %scan3A_806 = %broadcast_in_dim3A_17) -> (vector<16xf32>, vector<16xf32>, vector<16xf32>, vector<16xf32>, vector<16xf32>, vector<16xf32>, vector<16xf32>, vector<16xf32>)  : i32 {
      %shift_right_arithmetic3A = arith.constant 3 : i32
      %shift_right_arithmetic3A_807 = arith.shrsi %scan3A_798, %shift_right_arithmetic3A : i32
      %and3A = arith.constant 7 : i32
      %and3A_808 = arith.andi %scan3A_798, %and3A : i32
      %shift_left3A = arith.constant 1 : i32
      %shift_left3A_809 = arith.shli %shift_right_arithmetic3A_807, %shift_left3A : i32
      %shift_right_arithmetic3A_810 = arith.constant 2 : i32
      %shift_right_arithmetic3A_811 = arith.shrsi %and3A_808, %shift_right_arithmetic3A_810 : i32
      %add3A_812 = arith.addi %shift_left3A_809, %shift_right_arithmetic3A_811 : i32
      %and3A_813 = arith.constant 3 : i32
      %and3A_814 = arith.andi %and3A_808, %and3A_813 : i32
      %shift_left3A_815 = arith.constant 7 : i32
      %shift_left3A_816 = arith.shli %and3A_814, %shift_left3A_815 : i32
      %add3A_817 = arith.constant 0 : i32
      %add3A_818 = arith.addi %shift_left3A_816, %add3A_817 : i32
      %multiple_of3A = tpu.assume_multiple %add3A_818, 16 : i32
      %get3A = arith.constant 0 : i32
      %get3A_819 = arith.constant 0 : i32
      %get3A_820 = arith.constant 0 : i32
      %get3A_821 = arith.constant 0 : i32
      %get3A_822 = tpu.memref_slice %arg7[%scan3A, %get3A_819, %get3A_820, %get3A_821] : memref<2x7x16x512xf32, #tpu.memory_space<vmem>> -> memref<1x7x16x512xf32, #tpu.memory_space<vmem>>
      %get3A_823 = tpu.memref_squeeze %get3A_822 : memref<1x7x16x512xf32, #tpu.memory_space<vmem>> -> memref<7x16x512xf32, #tpu.memory_space<vmem>>
      %get3A_824 = arith.index_cast %get3A : i32 to index
      %get3A_825 = arith.index_cast %add3A_812 : i32 to index
      %get3A_826 = arith.index_cast %multiple_of3A : i32 to index
      %get3A_827 = tpu.vector_load %get3A_823[%get3A_824, %get3A_825, %get3A_826] {strides = array<i32>} : memref<7x16x512xf32, #tpu.memory_space<vmem>>, vector<1x1x16xf32>,
      %get3A_828 = vector.shape_cast %get3A_827 : vector<1x1x16xf32> to vector<16xf32>
      %get3A_829 = arith.constant 1 : i32
      %get3A_830 = arith.constant 0 : i32
      %get3A_831 = arith.constant 0 : i32
      %get3A_832 = arith.constant 0 : i32
      %get3A_833 = tpu.memref_slice %arg7[%scan3A, %get3A_830, %get3A_831, %get3A_832] : memref<2x7x16x512xf32, #tpu.memory_space<vmem>> -> memref<1x7x16x512xf32, #tpu.memory_space<vmem>>
      %get3A_834 = tpu.memref_squeeze %get3A_833 : memref<1x7x16x512xf32, #tpu.memory_space<vmem>> -> memref<7x16x512xf32, #tpu.memory_space<vmem>>
      %get3A_835 = arith.index_cast %get3A_829 : i32 to index
      %get3A_836 = arith.index_cast %add3A_812 : i32 to index
      %get3A_837 = arith.index_cast %multiple_of3A : i32 to index
      %get3A_838 = tpu.vector_load %get3A_834[%get3A_835, %get3A_836, %get3A_837] {strides = array<i32>} : memref<7x16x512xf32, #tpu.memory_space<vmem>>, vector<1x1x16xf32>,
      %get3A_839 = vector.shape_cast %get3A_838 : vector<1x1x16xf32> to vector<16xf32>
      %get3A_840 = arith.constant 2 : i32
      %get3A_841 = arith.constant 0 : i32
      %get3A_842 = arith.constant 0 : i32
      %get3A_843 = arith.constant 0 : i32
      %get3A_844 = tpu.memref_slice %arg7[%scan3A, %get3A_841, %get3A_842, %get3A_843] : memref<2x7x16x512xf32, #tpu.memory_space<vmem>> -> memref<1x7x16x512xf32, #tpu.memory_space<vmem>>
      %get3A_845 = tpu.memref_squeeze %get3A_844 : memref<1x7x16x512xf32, #tpu.memory_space<vmem>> -> memref<7x16x512xf32, #tpu.memory_space<vmem>>
      %get3A_846 = arith.index_cast %get3A_840 : i32 to index
      %get3A_847 = arith.index_cast %add3A_812 : i32 to index
      %get3A_848 = arith.index_cast %multiple_of3A : i32 to index
      %get3A_849 = tpu.vector_load %get3A_845[%get3A_846, %get3A_847, %get3A_848] {strides = array<i32>} : memref<7x16x512xf32, #tpu.memory_space<vmem>>, vector<1x1x16xf32>,
      %get3A_850 = vector.shape_cast %get3A_849 : vector<1x1x16xf32> to vector<16xf32>
      %get3A_851 = arith.constant 3 : i32
      %get3A_852 = arith.constant 0 : i32
      %get3A_853 = arith.constant 0 : i32
      %get3A_854 = arith.constant 0 : i32
      %get3A_855 = tpu.memref_slice %arg7[%scan3A, %get3A_852, %get3A_853, %get3A_854] : memref<2x7x16x512xf32, #tpu.memory_space<vmem>> -> memref<1x7x16x512xf32, #tpu.memory_space<vmem>>
      %get3A_856 = tpu.memref_squeeze %get3A_855 : memref<1x7x16x512xf32, #tpu.memory_space<vmem>> -> memref<7x16x512xf32, #tpu.memory_space<vmem>>
      %get3A_857 = arith.index_cast %get3A_851 : i32 to index
      %get3A_858 = arith.index_cast %add3A_812 : i32 to index
      %get3A_859 = arith.index_cast %multiple_of3A : i32 to index
      %get3A_860 = tpu.vector_load %get3A_856[%get3A_857, %get3A_858, %get3A_859] {strides = array<i32>} : memref<7x16x512xf32, #tpu.memory_space<vmem>>, vector<1x1x16xf32>,
      %get3A_861 = vector.shape_cast %get3A_860 : vector<1x1x16xf32> to vector<16xf32>
      %get3A_862 = arith.constant 4 : i32
      %get3A_863 = arith.constant 0 : i32
      %get3A_864 = arith.constant 0 : i32
      %get3A_865 = arith.constant 0 : i32
      %get3A_866 = tpu.memref_slice %arg7[%scan3A, %get3A_863, %get3A_864, %get3A_865] : memref<2x7x16x512xf32, #tpu.memory_space<vmem>> -> memref<1x7x16x512xf32, #tpu.memory_space<vmem>>
      %get3A_867 = tpu.memref_squeeze %get3A_866 : memref<1x7x16x512xf32, #tpu.memory_space<vmem>> -> memref<7x16x512xf32, #tpu.memory_space<vmem>>
      %get3A_868 = arith.index_cast %get3A_862 : i32 to index
      %get3A_869 = arith.index_cast %add3A_812 : i32 to index
      %get3A_870 = arith.index_cast %multiple_of3A : i32 to index
      %get3A_871 = tpu.vector_load %get3A_867[%get3A_868, %get3A_869, %get3A_870] {strides = array<i32>} : memref<7x16x512xf32, #tpu.memory_space<vmem>>, vector<1x1x16xf32>,
      %get3A_872 = vector.shape_cast %get3A_871 : vector<1x1x16xf32> to vector<16xf32>
      %get3A_873 = arith.constant 5 : i32
      %get3A_874 = arith.constant 0 : i32
      %get3A_875 = arith.constant 0 : i32
      %get3A_876 = arith.constant 0 : i32
      %get3A_877 = tpu.memref_slice %arg7[%scan3A, %get3A_874, %get3A_875, %get3A_876] : memref<2x7x16x512xf32, #tpu.memory_space<vmem>> -> memref<1x7x16x512xf32, #tpu.memory_space<vmem>>
      %get3A_878 = tpu.memref_squeeze %get3A_877 : memref<1x7x16x512xf32, #tpu.memory_space<vmem>> -> memref<7x16x512xf32, #tpu.memory_space<vmem>>
      %get3A_879 = arith.index_cast %get3A_873 : i32 to index
      %get3A_880 = arith.index_cast %add3A_812 : i32 to index
      %get3A_881 = arith.index_cast %multiple_of3A : i32 to index
      %get3A_882 = tpu.vector_load %get3A_878[%get3A_879, %get3A_880, %get3A_881] {strides = array<i32>} : memref<7x16x512xf32, #tpu.memory_space<vmem>>, vector<1x1x16xf32>,
      %get3A_883 = vector.shape_cast %get3A_882 : vector<1x1x16xf32> to vector<16xf32>
      %get3A_884 = arith.constant 6 : i32
      %get3A_885 = arith.constant 0 : i32
      %get3A_886 = arith.constant 0 : i32
      %get3A_887 = arith.constant 0 : i32
      %get3A_888 = tpu.memref_slice %arg7[%scan3A, %get3A_885, %get3A_886, %get3A_887] : memref<2x7x16x512xf32, #tpu.memory_space<vmem>> -> memref<1x7x16x512xf32, #tpu.memory_space<vmem>>
      %get3A_889 = tpu.memref_squeeze %get3A_888 : memref<1x7x16x512xf32, #tpu.memory_space<vmem>> -> memref<7x16x512xf32, #tpu.memory_space<vmem>>
      %get3A_890 = arith.index_cast %get3A_884 : i32 to index
      %get3A_891 = arith.index_cast %add3A_812 : i32 to index
      %get3A_892 = arith.index_cast %multiple_of3A : i32 to index
      %get3A_893 = tpu.vector_load %get3A_889[%get3A_890, %get3A_891, %get3A_892] {strides = array<i32>} : memref<7x16x512xf32, #tpu.memory_space<vmem>>, vector<1x1x16xf32>,
      %get3A_894 = vector.shape_cast %get3A_893 : vector<1x1x16xf32> to vector<16xf32>
      %sub3A = arith.subf %get3A_861, %get3A_828 : vector<16xf32>
      %sub3A_895 = arith.subf %get3A_872, %get3A_839 : vector<16xf32>
      %sub3A_896 = arith.subf %get3A_883, %get3A_850 : vector<16xf32>
      %mul3A_897 = arith.mulf %sub3A, %sub3A : vector<16xf32>
      %mul3A_898 = arith.mulf %sub3A_895, %sub3A_895 : vector<16xf32>
      %add3A_899 = arith.addf %mul3A_897, %mul3A_898 : vector<16xf32>
      %mul3A_900 = arith.mulf %sub3A_896, %sub3A_896 : vector<16xf32>
      %add3A_901 = arith.addf %add3A_899, %mul3A_900 : vector<16xf32>
      %max3A = arith.constant 1.000000e-24 : f32
      %max3A_902 = vector.broadcast %max3A : f32 to vector<16xf32>
      %max3A_903 = arith.maximumf %add3A_901, %max3A_902 : vector<16xf32>
      %bitcast_convert_type3A = tpu.bitcast %max3A_903 : vector<16xf32> -> vector<16xi32>
      %shift_right_logical3A = arith.constant 1 : i32
      %shift_right_logical3A_904 = vector.broadcast %shift_right_logical3A : i32 to vector<16xi32>
      %shift_right_logical3A_905 = arith.shrui %bitcast_convert_type3A, %shift_right_logical3A_904 : vector<16xi32>
      %sub3A_906 = arith.constant 1597463007 : i32
      %sub3A_907 = vector.broadcast %sub3A_906 : i32 to vector<16xi32>
      %sub3A_908 = arith.subi %sub3A_907, %shift_right_logical3A_905 : vector<16xi32>
      %bitcast_convert_type3A_909 = tpu.bitcast %sub3A_908 : vector<16xi32> -> vector<16xf32>
      %mul3A_910 = arith.constant 5.000000e-01 : f32
      %mul3A_911 = vector.broadcast %mul3A_910 : f32 to vector<16xf32>
      %mul3A_912 = arith.mulf %mul3A_911, %max3A_903 : vector<16xf32>
      %mul3A_913 = arith.mulf %mul3A_912, %bitcast_convert_type3A_909 : vector<16xf32>
      %mul3A_914 = arith.mulf %mul3A_913, %bitcast_convert_type3A_909 : vector<16xf32>
      %sub3A_915 = arith.constant 1.500000e+00 : f32
      %sub3A_916 = vector.broadcast %sub3A_915 : f32 to vector<16xf32>
      %sub3A_917 = arith.subf %sub3A_916, %mul3A_914 : vector<16xf32>
      %mul3A_918 = arith.mulf %bitcast_convert_type3A_909, %sub3A_917 : vector<16xf32>
      %mul3A_919 = arith.constant 5.000000e-01 : f32
      %mul3A_920 = vector.broadcast %mul3A_919 : f32 to vector<16xf32>
      %mul3A_921 = arith.mulf %mul3A_920, %max3A_903 : vector<16xf32>
      %mul3A_922 = arith.mulf %mul3A_921, %mul3A_918 : vector<16xf32>
      %mul3A_923 = arith.mulf %mul3A_922, %mul3A_918 : vector<16xf32>
      %sub3A_924 = arith.constant 1.500000e+00 : f32
      %sub3A_925 = vector.broadcast %sub3A_924 : f32 to vector<16xf32>
      %sub3A_926 = arith.subf %sub3A_925, %mul3A_923 : vector<16xf32>
      %mul3A_927 = arith.mulf %mul3A_918, %sub3A_926 : vector<16xf32>
      %mul3A_928 = arith.constant 5.000000e-01 : f32
      %mul3A_929 = vector.broadcast %mul3A_928 : f32 to vector<16xf32>
      %mul3A_930 = arith.mulf %mul3A_929, %max3A_903 : vector<16xf32>
      %mul3A_931 = arith.mulf %mul3A_930, %mul3A_927 : vector<16xf32>
      %mul3A_932 = arith.mulf %mul3A_931, %mul3A_927 : vector<16xf32>
      %sub3A_933 = arith.constant 1.500000e+00 : f32
      %sub3A_934 = vector.broadcast %sub3A_933 : f32 to vector<16xf32>
      %sub3A_935 = arith.subf %sub3A_934, %mul3A_932 : vector<16xf32>
      %mul3A_936 = arith.mulf %mul3A_927, %sub3A_935 : vector<16xf32>
      %mul3A_937 = arith.mulf %max3A_903, %mul3A_936 : vector<16xf32>
      %mul3A_938 = arith.mulf %mul3A_937, %get3A_894 : vector<16xf32>
      %add3A_939 = arith.addf %scan3A_799, %mul3A_938 : vector<16xf32>
      %add3A_940 = arith.addf %scan3A_803, %get3A_894 : vector<16xf32>
      %add3A_941 = arith.constant 16 : i32
      %add3A_942 = arith.addi %shift_left3A_816, %add3A_941 : i32
      %multiple_of3A_943 = tpu.assume_multiple %add3A_942, 16 : i32
      %get3A_944 = arith.constant 0 : i32
      %get3A_945 = arith.constant 0 : i32
      %get3A_946 = arith.constant 0 : i32
      %get3A_947 = arith.constant 0 : i32
      %get3A_948 = tpu.memref_slice %arg7[%scan3A, %get3A_945, %get3A_946, %get3A_947] : memref<2x7x16x512xf32, #tpu.memory_space<vmem>> -> memref<1x7x16x512xf32, #tpu.memory_space<vmem>>
      %get3A_949 = tpu.memref_squeeze %get3A_948 : memref<1x7x16x512xf32, #tpu.memory_space<vmem>> -> memref<7x16x512xf32, #tpu.memory_space<vmem>>
      %get3A_950 = arith.index_cast %get3A_944 : i32 to index
      %get3A_951 = arith.index_cast %add3A_812 : i32 to index
      %get3A_952 = arith.index_cast %multiple_of3A_943 : i32 to index
      %get3A_953 = tpu.vector_load %get3A_949[%get3A_950, %get3A_951, %get3A_952] {strides = array<i32>} : memref<7x16x512xf32, #tpu.memory_space<vmem>>, vector<1x1x16xf32>,
      %get3A_954 = vector.shape_cast %get3A_953 : vector<1x1x16xf32> to vector<16xf32>
      %get3A_955 = arith.constant 1 : i32
      %get3A_956 = arith.constant 0 : i32
      %get3A_957 = arith.constant 0 : i32
      %get3A_958 = arith.constant 0 : i32
      %get3A_959 = tpu.memref_slice %arg7[%scan3A, %get3A_956, %get3A_957, %get3A_958] : memref<2x7x16x512xf32, #tpu.memory_space<vmem>> -> memref<1x7x16x512xf32, #tpu.memory_space<vmem>>
      %get3A_960 = tpu.memref_squeeze %get3A_959 : memref<1x7x16x512xf32, #tpu.memory_space<vmem>> -> memref<7x16x512xf32, #tpu.memory_space<vmem>>
      %get3A_961 = arith.index_cast %get3A_955 : i32 to index
      %get3A_962 = arith.index_cast %add3A_812 : i32 to index
      %get3A_963 = arith.index_cast %multiple_of3A_943 : i32 to index
      %get3A_964 = tpu.vector_load %get3A_960[%get3A_961, %get3A_962, %get3A_963] {strides = array<i32>} : memref<7x16x512xf32, #tpu.memory_space<vmem>>, vector<1x1x16xf32>,
      %get3A_965 = vector.shape_cast %get3A_964 : vector<1x1x16xf32> to vector<16xf32>
      %get3A_966 = arith.constant 2 : i32
      %get3A_967 = arith.constant 0 : i32
      %get3A_968 = arith.constant 0 : i32
      %get3A_969 = arith.constant 0 : i32
      %get3A_970 = tpu.memref_slice %arg7[%scan3A, %get3A_967, %get3A_968, %get3A_969] : memref<2x7x16x512xf32, #tpu.memory_space<vmem>> -> memref<1x7x16x512xf32, #tpu.memory_space<vmem>>
      %get3A_971 = tpu.memref_squeeze %get3A_970 : memref<1x7x16x512xf32, #tpu.memory_space<vmem>> -> memref<7x16x512xf32, #tpu.memory_space<vmem>>
      %get3A_972 = arith.index_cast %get3A_966 : i32 to index
      %get3A_973 = arith.index_cast %add3A_812 : i32 to index
      %get3A_974 = arith.index_cast %multiple_of3A_943 : i32 to index
      %get3A_975 = tpu.vector_load %get3A_971[%get3A_972, %get3A_973, %get3A_974] {strides = array<i32>} : memref<7x16x512xf32, #tpu.memory_space<vmem>>, vector<1x1x16xf32>,
      %get3A_976 = vector.shape_cast %get3A_975 : vector<1x1x16xf32> to vector<16xf32>
      %get3A_977 = arith.constant 3 : i32
      %get3A_978 = arith.constant 0 : i32
      %get3A_979 = arith.constant 0 : i32
      %get3A_980 = arith.constant 0 : i32
      %get3A_981 = tpu.memref_slice %arg7[%scan3A, %get3A_978, %get3A_979, %get3A_980] : memref<2x7x16x512xf32, #tpu.memory_space<vmem>> -> memref<1x7x16x512xf32, #tpu.memory_space<vmem>>
      %get3A_982 = tpu.memref_squeeze %get3A_981 : memref<1x7x16x512xf32, #tpu.memory_space<vmem>> -> memref<7x16x512xf32, #tpu.memory_space<vmem>>
      %get3A_983 = arith.index_cast %get3A_977 : i32 to index
      %get3A_984 = arith.index_cast %add3A_812 : i32 to index
      %get3A_985 = arith.index_cast %multiple_of3A_943 : i32 to index
      %get3A_986 = tpu.vector_load %get3A_982[%get3A_983, %get3A_984, %get3A_985] {strides = array<i32>} : memref<7x16x512xf32, #tpu.memory_space<vmem>>, vector<1x1x16xf32>,
      %get3A_987 = vector.shape_cast %get3A_986 : vector<1x1x16xf32> to vector<16xf32>
      %get3A_988 = arith.constant 4 : i32
      %get3A_989 = arith.constant 0 : i32
      %get3A_990 = arith.constant 0 : i32
      %get3A_991 = arith.constant 0 : i32
      %get3A_992 = tpu.memref_slice %arg7[%scan3A, %get3A_989, %get3A_990, %get3A_991] : memref<2x7x16x512xf32, #tpu.memory_space<vmem>> -> memref<1x7x16x512xf32, #tpu.memory_space<vmem>>
      %get3A_993 = tpu.memref_squeeze %get3A_992 : memref<1x7x16x512xf32, #tpu.memory_space<vmem>> -> memref<7x16x512xf32, #tpu.memory_space<vmem>>
      %get3A_994 = arith.index_cast %get3A_988 : i32 to index
      %get3A_995 = arith.index_cast %add3A_812 : i32 to index
      %get3A_996 = arith.index_cast %multiple_of3A_943 : i32 to index
      %get3A_997 = tpu.vector_load %get3A_993[%get3A_994, %get3A_995, %get3A_996] {strides = array<i32>} : memref<7x16x512xf32, #tpu.memory_space<vmem>>, vector<1x1x16xf32>,
      %get3A_998 = vector.shape_cast %get3A_997 : vector<1x1x16xf32> to vector<16xf32>
      %get3A_999 = arith.constant 5 : i32
      %get3A_1000 = arith.constant 0 : i32
      %get3A_1001 = arith.constant 0 : i32
      %get3A_1002 = arith.constant 0 : i32
      %get3A_1003 = tpu.memref_slice %arg7[%scan3A, %get3A_1000, %get3A_1001, %get3A_1002] : memref<2x7x16x512xf32, #tpu.memory_space<vmem>> -> memref<1x7x16x512xf32, #tpu.memory_space<vmem>>
      %get3A_1004 = tpu.memref_squeeze %get3A_1003 : memref<1x7x16x512xf32, #tpu.memory_space<vmem>> -> memref<7x16x512xf32, #tpu.memory_space<vmem>>
      %get3A_1005 = arith.index_cast %get3A_999 : i32 to index
      %get3A_1006 = arith.index_cast %add3A_812 : i32 to index
      %get3A_1007 = arith.index_cast %multiple_of3A_943 : i32 to index
      %get3A_1008 = tpu.vector_load %get3A_1004[%get3A_1005, %get3A_1006, %get3A_1007] {strides = array<i32>} : memref<7x16x512xf32, #tpu.memory_space<vmem>>, vector<1x1x16xf32>,
      %get3A_1009 = vector.shape_cast %get3A_1008 : vector<1x1x16xf32> to vector<16xf32>
      %get3A_1010 = arith.constant 6 : i32
      %get3A_1011 = arith.constant 0 : i32
      %get3A_1012 = arith.constant 0 : i32
      %get3A_1013 = arith.constant 0 : i32
      %get3A_1014 = tpu.memref_slice %arg7[%scan3A, %get3A_1011, %get3A_1012, %get3A_1013] : memref<2x7x16x512xf32, #tpu.memory_space<vmem>> -> memref<1x7x16x512xf32, #tpu.memory_space<vmem>>
      %get3A_1015 = tpu.memref_squeeze %get3A_1014 : memref<1x7x16x512xf32, #tpu.memory_space<vmem>> -> memref<7x16x512xf32, #tpu.memory_space<vmem>>
      %get3A_1016 = arith.index_cast %get3A_1010 : i32 to index
      %get3A_1017 = arith.index_cast %add3A_812 : i32 to index
      %get3A_1018 = arith.index_cast %multiple_of3A_943 : i32 to index
      %get3A_1019 = tpu.vector_load %get3A_1015[%get3A_1016, %get3A_1017, %get3A_1018] {strides = array<i32>} : memref<7x16x512xf32, #tpu.memory_space<vmem>>, vector<1x1x16xf32>,
      %get3A_1020 = vector.shape_cast %get3A_1019 : vector<1x1x16xf32> to vector<16xf32>
      %sub3A_1021 = arith.subf %get3A_987, %get3A_954 : vector<16xf32>
      %sub3A_1022 = arith.subf %get3A_998, %get3A_965 : vector<16xf32>
      %sub3A_1023 = arith.subf %get3A_1009, %get3A_976 : vector<16xf32>
      %mul3A_1024 = arith.mulf %sub3A_1021, %sub3A_1021 : vector<16xf32>
      %mul3A_1025 = arith.mulf %sub3A_1022, %sub3A_1022 : vector<16xf32>
      %add3A_1026 = arith.addf %mul3A_1024, %mul3A_1025 : vector<16xf32>
      %mul3A_1027 = arith.mulf %sub3A_1023, %sub3A_1023 : vector<16xf32>
      %add3A_1028 = arith.addf %add3A_1026, %mul3A_1027 : vector<16xf32>
      %max3A_1029 = arith.constant 1.000000e-24 : f32
      %max3A_1030 = vector.broadcast %max3A_1029 : f32 to vector<16xf32>
      %max3A_1031 = arith.maximumf %add3A_1028, %max3A_1030 : vector<16xf32>
      %bitcast_convert_type3A_1032 = tpu.bitcast %max3A_1031 : vector<16xf32> -> vector<16xi32>
      %shift_right_logical3A_1033 = arith.constant 1 : i32
      %shift_right_logical3A_1034 = vector.broadcast %shift_right_logical3A_1033 : i32 to vector<16xi32>
      %shift_right_logical3A_1035 = arith.shrui %bitcast_convert_type3A_1032, %shift_right_logical3A_1034 : vector<16xi32>
      %sub3A_1036 = arith.constant 1597463007 : i32
      %sub3A_1037 = vector.broadcast %sub3A_1036 : i32 to vector<16xi32>
      %sub3A_1038 = arith.subi %sub3A_1037, %shift_right_logical3A_1035 : vector<16xi32>
      %bitcast_convert_type3A_1039 = tpu.bitcast %sub3A_1038 : vector<16xi32> -> vector<16xf32>
      %mul3A_1040 = arith.constant 5.000000e-01 : f32
      %mul3A_1041 = vector.broadcast %mul3A_1040 : f32 to vector<16xf32>
      %mul3A_1042 = arith.mulf %mul3A_1041, %max3A_1031 : vector<16xf32>
      %mul3A_1043 = arith.mulf %mul3A_1042, %bitcast_convert_type3A_1039 : vector<16xf32>
      %mul3A_1044 = arith.mulf %mul3A_1043, %bitcast_convert_type3A_1039 : vector<16xf32>
      %sub3A_1045 = arith.constant 1.500000e+00 : f32
      %sub3A_1046 = vector.broadcast %sub3A_1045 : f32 to vector<16xf32>
      %sub3A_1047 = arith.subf %sub3A_1046, %mul3A_1044 : vector<16xf32>
      %mul3A_1048 = arith.mulf %bitcast_convert_type3A_1039, %sub3A_1047 : vector<16xf32>
      %mul3A_1049 = arith.constant 5.000000e-01 : f32
      %mul3A_1050 = vector.broadcast %mul3A_1049 : f32 to vector<16xf32>
      %mul3A_1051 = arith.mulf %mul3A_1050, %max3A_1031 : vector<16xf32>
      %mul3A_1052 = arith.mulf %mul3A_1051, %mul3A_1048 : vector<16xf32>
      %mul3A_1053 = arith.mulf %mul3A_1052, %mul3A_1048 : vector<16xf32>
      %sub3A_1054 = arith.constant 1.500000e+00 : f32
      %sub3A_1055 = vector.broadcast %sub3A_1054 : f32 to vector<16xf32>
      %sub3A_1056 = arith.subf %sub3A_1055, %mul3A_1053 : vector<16xf32>
      %mul3A_1057 = arith.mulf %mul3A_1048, %sub3A_1056 : vector<16xf32>
      %mul3A_1058 = arith.constant 5.000000e-01 : f32
      %mul3A_1059 = vector.broadcast %mul3A_1058 : f32 to vector<16xf32>
      %mul3A_1060 = arith.mulf %mul3A_1059, %max3A_1031 : vector<16xf32>
      %mul3A_1061 = arith.mulf %mul3A_1060, %mul3A_1057 : vector<16xf32>
      %mul3A_1062 = arith.mulf %mul3A_1061, %mul3A_1057 : vector<16xf32>
      %sub3A_1063 = arith.constant 1.500000e+00 : f32
      %sub3A_1064 = vector.broadcast %sub3A_1063 : f32 to vector<16xf32>
      %sub3A_1065 = arith.subf %sub3A_1064, %mul3A_1062 : vector<16xf32>
      %mul3A_1066 = arith.mulf %mul3A_1057, %sub3A_1065 : vector<16xf32>
      %mul3A_1067 = arith.mulf %max3A_1031, %mul3A_1066 : vector<16xf32>
      %mul3A_1068 = arith.mulf %mul3A_1067, %get3A_1020 : vector<16xf32>
      %add3A_1069 = arith.addf %scan3A_800, %mul3A_1068 : vector<16xf32>
      %add3A_1070 = arith.addf %scan3A_804, %get3A_1020 : vector<16xf32>
      %add3A_1071 = arith.constant 32 : i32
      %add3A_1072 = arith.addi %shift_left3A_816, %add3A_1071 : i32
      %multiple_of3A_1073 = tpu.assume_multiple %add3A_1072, 16 : i32
      %get3A_1074 = arith.constant 0 : i32
      %get3A_1075 = arith.constant 0 : i32
      %get3A_1076 = arith.constant 0 : i32
      %get3A_1077 = arith.constant 0 : i32
      %get3A_1078 = tpu.memref_slice %arg7[%scan3A, %get3A_1075, %get3A_1076, %get3A_1077] : memref<2x7x16x512xf32, #tpu.memory_space<vmem>> -> memref<1x7x16x512xf32, #tpu.memory_space<vmem>>
      %get3A_1079 = tpu.memref_squeeze %get3A_1078 : memref<1x7x16x512xf32, #tpu.memory_space<vmem>> -> memref<7x16x512xf32, #tpu.memory_space<vmem>>
      %get3A_1080 = arith.index_cast %get3A_1074 : i32 to index
      %get3A_1081 = arith.index_cast %add3A_812 : i32 to index
      %get3A_1082 = arith.index_cast %multiple_of3A_1073 : i32 to index
      %get3A_1083 = tpu.vector_load %get3A_1079[%get3A_1080, %get3A_1081, %get3A_1082] {strides = array<i32>} : memref<7x16x512xf32, #tpu.memory_space<vmem>>, vector<1x1x16xf32>,
      %get3A_1084 = vector.shape_cast %get3A_1083 : vector<1x1x16xf32> to vector<16xf32>
      %get3A_1085 = arith.constant 1 : i32
      %get3A_1086 = arith.constant 0 : i32
      %get3A_1087 = arith.constant 0 : i32
      %get3A_1088 = arith.constant 0 : i32
      %get3A_1089 = tpu.memref_slice %arg7[%scan3A, %get3A_1086, %get3A_1087, %get3A_1088] : memref<2x7x16x512xf32, #tpu.memory_space<vmem>> -> memref<1x7x16x512xf32, #tpu.memory_space<vmem>>
      %get3A_1090 = tpu.memref_squeeze %get3A_1089 : memref<1x7x16x512xf32, #tpu.memory_space<vmem>> -> memref<7x16x512xf32, #tpu.memory_space<vmem>>
      %get3A_1091 = arith.index_cast %get3A_1085 : i32 to index
      %get3A_1092 = arith.index_cast %add3A_812 : i32 to index
      %get3A_1093 = arith.index_cast %multiple_of3A_1073 : i32 to index
      %get3A_1094 = tpu.vector_load %get3A_1090[%get3A_1091, %get3A_1092, %get3A_1093] {strides = array<i32>} : memref<7x16x512xf32, #tpu.memory_space<vmem>>, vector<1x1x16xf32>,
      %get3A_1095 = vector.shape_cast %get3A_1094 : vector<1x1x16xf32> to vector<16xf32>
      %get3A_1096 = arith.constant 2 : i32
      %get3A_1097 = arith.constant 0 : i32
      %get3A_1098 = arith.constant 0 : i32
      %get3A_1099 = arith.constant 0 : i32
      %get3A_1100 = tpu.memref_slice %arg7[%scan3A, %get3A_1097, %get3A_1098, %get3A_1099] : memref<2x7x16x512xf32, #tpu.memory_space<vmem>> -> memref<1x7x16x512xf32, #tpu.memory_space<vmem>>
      %get3A_1101 = tpu.memref_squeeze %get3A_1100 : memref<1x7x16x512xf32, #tpu.memory_space<vmem>> -> memref<7x16x512xf32, #tpu.memory_space<vmem>>
      %get3A_1102 = arith.index_cast %get3A_1096 : i32 to index
      %get3A_1103 = arith.index_cast %add3A_812 : i32 to index
      %get3A_1104 = arith.index_cast %multiple_of3A_1073 : i32 to index
      %get3A_1105 = tpu.vector_load %get3A_1101[%get3A_1102, %get3A_1103, %get3A_1104] {strides = array<i32>} : memref<7x16x512xf32, #tpu.memory_space<vmem>>, vector<1x1x16xf32>,
      %get3A_1106 = vector.shape_cast %get3A_1105 : vector<1x1x16xf32> to vector<16xf32>
      %get3A_1107 = arith.constant 3 : i32
      %get3A_1108 = arith.constant 0 : i32
      %get3A_1109 = arith.constant 0 : i32
      %get3A_1110 = arith.constant 0 : i32
      %get3A_1111 = tpu.memref_slice %arg7[%scan3A, %get3A_1108, %get3A_1109, %get3A_1110] : memref<2x7x16x512xf32, #tpu.memory_space<vmem>> -> memref<1x7x16x512xf32, #tpu.memory_space<vmem>>
      %get3A_1112 = tpu.memref_squeeze %get3A_1111 : memref<1x7x16x512xf32, #tpu.memory_space<vmem>> -> memref<7x16x512xf32, #tpu.memory_space<vmem>>
      %get3A_1113 = arith.index_cast %get3A_1107 : i32 to index
      %get3A_1114 = arith.index_cast %add3A_812 : i32 to index
      %get3A_1115 = arith.index_cast %multiple_of3A_1073 : i32 to index
      %get3A_1116 = tpu.vector_load %get3A_1112[%get3A_1113, %get3A_1114, %get3A_1115] {strides = array<i32>} : memref<7x16x512xf32, #tpu.memory_space<vmem>>, vector<1x1x16xf32>,
      %get3A_1117 = vector.shape_cast %get3A_1116 : vector<1x1x16xf32> to vector<16xf32>
      %get3A_1118 = arith.constant 4 : i32
      %get3A_1119 = arith.constant 0 : i32
      %get3A_1120 = arith.constant 0 : i32
      %get3A_1121 = arith.constant 0 : i32
      %get3A_1122 = tpu.memref_slice %arg7[%scan3A, %get3A_1119, %get3A_1120, %get3A_1121] : memref<2x7x16x512xf32, #tpu.memory_space<vmem>> -> memref<1x7x16x512xf32, #tpu.memory_space<vmem>>
      %get3A_1123 = tpu.memref_squeeze %get3A_1122 : memref<1x7x16x512xf32, #tpu.memory_space<vmem>> -> memref<7x16x512xf32, #tpu.memory_space<vmem>>
      %get3A_1124 = arith.index_cast %get3A_1118 : i32 to index
      %get3A_1125 = arith.index_cast %add3A_812 : i32 to index
      %get3A_1126 = arith.index_cast %multiple_of3A_1073 : i32 to index
      %get3A_1127 = tpu.vector_load %get3A_1123[%get3A_1124, %get3A_1125, %get3A_1126] {strides = array<i32>} : memref<7x16x512xf32, #tpu.memory_space<vmem>>, vector<1x1x16xf32>,
      %get3A_1128 = vector.shape_cast %get3A_1127 : vector<1x1x16xf32> to vector<16xf32>
      %get3A_1129 = arith.constant 5 : i32
      %get3A_1130 = arith.constant 0 : i32
      %get3A_1131 = arith.constant 0 : i32
      %get3A_1132 = arith.constant 0 : i32
      %get3A_1133 = tpu.memref_slice %arg7[%scan3A, %get3A_1130, %get3A_1131, %get3A_1132] : memref<2x7x16x512xf32, #tpu.memory_space<vmem>> -> memref<1x7x16x512xf32, #tpu.memory_space<vmem>>
      %get3A_1134 = tpu.memref_squeeze %get3A_1133 : memref<1x7x16x512xf32, #tpu.memory_space<vmem>> -> memref<7x16x512xf32, #tpu.memory_space<vmem>>
      %get3A_1135 = arith.index_cast %get3A_1129 : i32 to index
      %get3A_1136 = arith.index_cast %add3A_812 : i32 to index
      %get3A_1137 = arith.index_cast %multiple_of3A_1073 : i32 to index
      %get3A_1138 = tpu.vector_load %get3A_1134[%get3A_1135, %get3A_1136, %get3A_1137] {strides = array<i32>} : memref<7x16x512xf32, #tpu.memory_space<vmem>>, vector<1x1x16xf32>,
      %get3A_1139 = vector.shape_cast %get3A_1138 : vector<1x1x16xf32> to vector<16xf32>
      %get3A_1140 = arith.constant 6 : i32
      %get3A_1141 = arith.constant 0 : i32
      %get3A_1142 = arith.constant 0 : i32
      %get3A_1143 = arith.constant 0 : i32
      %get3A_1144 = tpu.memref_slice %arg7[%scan3A, %get3A_1141, %get3A_1142, %get3A_1143] : memref<2x7x16x512xf32, #tpu.memory_space<vmem>> -> memref<1x7x16x512xf32, #tpu.memory_space<vmem>>
      %get3A_1145 = tpu.memref_squeeze %get3A_1144 : memref<1x7x16x512xf32, #tpu.memory_space<vmem>> -> memref<7x16x512xf32, #tpu.memory_space<vmem>>
      %get3A_1146 = arith.index_cast %get3A_1140 : i32 to index
      %get3A_1147 = arith.index_cast %add3A_812 : i32 to index
      %get3A_1148 = arith.index_cast %multiple_of3A_1073 : i32 to index
      %get3A_1149 = tpu.vector_load %get3A_1145[%get3A_1146, %get3A_1147, %get3A_1148] {strides = array<i32>} : memref<7x16x512xf32, #tpu.memory_space<vmem>>, vector<1x1x16xf32>,
      %get3A_1150 = vector.shape_cast %get3A_1149 : vector<1x1x16xf32> to vector<16xf32>
      %sub3A_1151 = arith.subf %get3A_1117, %get3A_1084 : vector<16xf32>
      %sub3A_1152 = arith.subf %get3A_1128, %get3A_1095 : vector<16xf32>
      %sub3A_1153 = arith.subf %get3A_1139, %get3A_1106 : vector<16xf32>
      %mul3A_1154 = arith.mulf %sub3A_1151, %sub3A_1151 : vector<16xf32>
      %mul3A_1155 = arith.mulf %sub3A_1152, %sub3A_1152 : vector<16xf32>
      %add3A_1156 = arith.addf %mul3A_1154, %mul3A_1155 : vector<16xf32>
      %mul3A_1157 = arith.mulf %sub3A_1153, %sub3A_1153 : vector<16xf32>
      %add3A_1158 = arith.addf %add3A_1156, %mul3A_1157 : vector<16xf32>
      %max3A_1159 = arith.constant 1.000000e-24 : f32
      %max3A_1160 = vector.broadcast %max3A_1159 : f32 to vector<16xf32>
      %max3A_1161 = arith.maximumf %add3A_1158, %max3A_1160 : vector<16xf32>
      %bitcast_convert_type3A_1162 = tpu.bitcast %max3A_1161 : vector<16xf32> -> vector<16xi32>
      %shift_right_logical3A_1163 = arith.constant 1 : i32
      %shift_right_logical3A_1164 = vector.broadcast %shift_right_logical3A_1163 : i32 to vector<16xi32>
      %shift_right_logical3A_1165 = arith.shrui %bitcast_convert_type3A_1162, %shift_right_logical3A_1164 : vector<16xi32>
      %sub3A_1166 = arith.constant 1597463007 : i32
      %sub3A_1167 = vector.broadcast %sub3A_1166 : i32 to vector<16xi32>
      %sub3A_1168 = arith.subi %sub3A_1167, %shift_right_logical3A_1165 : vector<16xi32>
      %bitcast_convert_type3A_1169 = tpu.bitcast %sub3A_1168 : vector<16xi32> -> vector<16xf32>
      %mul3A_1170 = arith.constant 5.000000e-01 : f32
      %mul3A_1171 = vector.broadcast %mul3A_1170 : f32 to vector<16xf32>
      %mul3A_1172 = arith.mulf %mul3A_1171, %max3A_1161 : vector<16xf32>
      %mul3A_1173 = arith.mulf %mul3A_1172, %bitcast_convert_type3A_1169 : vector<16xf32>
      %mul3A_1174 = arith.mulf %mul3A_1173, %bitcast_convert_type3A_1169 : vector<16xf32>
      %sub3A_1175 = arith.constant 1.500000e+00 : f32
      %sub3A_1176 = vector.broadcast %sub3A_1175 : f32 to vector<16xf32>
      %sub3A_1177 = arith.subf %sub3A_1176, %mul3A_1174 : vector<16xf32>
      %mul3A_1178 = arith.mulf %bitcast_convert_type3A_1169, %sub3A_1177 : vector<16xf32>
      %mul3A_1179 = arith.constant 5.000000e-01 : f32
      %mul3A_1180 = vector.broadcast %mul3A_1179 : f32 to vector<16xf32>
      %mul3A_1181 = arith.mulf %mul3A_1180, %max3A_1161 : vector<16xf32>
      %mul3A_1182 = arith.mulf %mul3A_1181, %mul3A_1178 : vector<16xf32>
      %mul3A_1183 = arith.mulf %mul3A_1182, %mul3A_1178 : vector<16xf32>
      %sub3A_1184 = arith.constant 1.500000e+00 : f32
      %sub3A_1185 = vector.broadcast %sub3A_1184 : f32 to vector<16xf32>
      %sub3A_1186 = arith.subf %sub3A_1185, %mul3A_1183 : vector<16xf32>
      %mul3A_1187 = arith.mulf %mul3A_1178, %sub3A_1186 : vector<16xf32>
      %mul3A_1188 = arith.constant 5.000000e-01 : f32
      %mul3A_1189 = vector.broadcast %mul3A_1188 : f32 to vector<16xf32>
      %mul3A_1190 = arith.mulf %mul3A_1189, %max3A_1161 : vector<16xf32>
      %mul3A_1191 = arith.mulf %mul3A_1190, %mul3A_1187 : vector<16xf32>
      %mul3A_1192 = arith.mulf %mul3A_1191, %mul3A_1187 : vector<16xf32>
      %sub3A_1193 = arith.constant 1.500000e+00 : f32
      %sub3A_1194 = vector.broadcast %sub3A_1193 : f32 to vector<16xf32>
      %sub3A_1195 = arith.subf %sub3A_1194, %mul3A_1192 : vector<16xf32>
      %mul3A_1196 = arith.mulf %mul3A_1187, %sub3A_1195 : vector<16xf32>
      %mul3A_1197 = arith.mulf %max3A_1161, %mul3A_1196 : vector<16xf32>
      %mul3A_1198 = arith.mulf %mul3A_1197, %get3A_1150 : vector<16xf32>
      %add3A_1199 = arith.addf %scan3A_801, %mul3A_1198 : vector<16xf32>
      %add3A_1200 = arith.addf %scan3A_805, %get3A_1150 : vector<16xf32>
      %add3A_1201 = arith.constant 48 : i32
      %add3A_1202 = arith.addi %shift_left3A_816, %add3A_1201 : i32
      %multiple_of3A_1203 = tpu.assume_multiple %add3A_1202, 16 : i32
      %get3A_1204 = arith.constant 0 : i32
      %get3A_1205 = arith.constant 0 : i32
      %get3A_1206 = arith.constant 0 : i32
      %get3A_1207 = arith.constant 0 : i32
      %get3A_1208 = tpu.memref_slice %arg7[%scan3A, %get3A_1205, %get3A_1206, %get3A_1207] : memref<2x7x16x512xf32, #tpu.memory_space<vmem>> -> memref<1x7x16x512xf32, #tpu.memory_space<vmem>>
      %get3A_1209 = tpu.memref_squeeze %get3A_1208 : memref<1x7x16x512xf32, #tpu.memory_space<vmem>> -> memref<7x16x512xf32, #tpu.memory_space<vmem>>
      %get3A_1210 = arith.index_cast %get3A_1204 : i32 to index
      %get3A_1211 = arith.index_cast %add3A_812 : i32 to index
      %get3A_1212 = arith.index_cast %multiple_of3A_1203 : i32 to index
      %get3A_1213 = tpu.vector_load %get3A_1209[%get3A_1210, %get3A_1211, %get3A_1212] {strides = array<i32>} : memref<7x16x512xf32, #tpu.memory_space<vmem>>, vector<1x1x16xf32>,
      %get3A_1214 = vector.shape_cast %get3A_1213 : vector<1x1x16xf32> to vector<16xf32>
      %get3A_1215 = arith.constant 1 : i32
      %get3A_1216 = arith.constant 0 : i32
      %get3A_1217 = arith.constant 0 : i32
      %get3A_1218 = arith.constant 0 : i32
      %get3A_1219 = tpu.memref_slice %arg7[%scan3A, %get3A_1216, %get3A_1217, %get3A_1218] : memref<2x7x16x512xf32, #tpu.memory_space<vmem>> -> memref<1x7x16x512xf32, #tpu.memory_space<vmem>>
      %get3A_1220 = tpu.memref_squeeze %get3A_1219 : memref<1x7x16x512xf32, #tpu.memory_space<vmem>> -> memref<7x16x512xf32, #tpu.memory_space<vmem>>
      %get3A_1221 = arith.index_cast %get3A_1215 : i32 to index
      %get3A_1222 = arith.index_cast %add3A_812 : i32 to index
      %get3A_1223 = arith.index_cast %multiple_of3A_1203 : i32 to index
      %get3A_1224 = tpu.vector_load %get3A_1220[%get3A_1221, %get3A_1222, %get3A_1223] {strides = array<i32>} : memref<7x16x512xf32, #tpu.memory_space<vmem>>, vector<1x1x16xf32>,
      %get3A_1225 = vector.shape_cast %get3A_1224 : vector<1x1x16xf32> to vector<16xf32>
      %get3A_1226 = arith.constant 2 : i32
      %get3A_1227 = arith.constant 0 : i32
      %get3A_1228 = arith.constant 0 : i32
      %get3A_1229 = arith.constant 0 : i32
      %get3A_1230 = tpu.memref_slice %arg7[%scan3A, %get3A_1227, %get3A_1228, %get3A_1229] : memref<2x7x16x512xf32, #tpu.memory_space<vmem>> -> memref<1x7x16x512xf32, #tpu.memory_space<vmem>>
      %get3A_1231 = tpu.memref_squeeze %get3A_1230 : memref<1x7x16x512xf32, #tpu.memory_space<vmem>> -> memref<7x16x512xf32, #tpu.memory_space<vmem>>
      %get3A_1232 = arith.index_cast %get3A_1226 : i32 to index
      %get3A_1233 = arith.index_cast %add3A_812 : i32 to index
      %get3A_1234 = arith.index_cast %multiple_of3A_1203 : i32 to index
      %get3A_1235 = tpu.vector_load %get3A_1231[%get3A_1232, %get3A_1233, %get3A_1234] {strides = array<i32>} : memref<7x16x512xf32, #tpu.memory_space<vmem>>, vector<1x1x16xf32>,
      %get3A_1236 = vector.shape_cast %get3A_1235 : vector<1x1x16xf32> to vector<16xf32>
      %get3A_1237 = arith.constant 3 : i32
      %get3A_1238 = arith.constant 0 : i32
      %get3A_1239 = arith.constant 0 : i32
      %get3A_1240 = arith.constant 0 : i32
      %get3A_1241 = tpu.memref_slice %arg7[%scan3A, %get3A_1238, %get3A_1239, %get3A_1240] : memref<2x7x16x512xf32, #tpu.memory_space<vmem>> -> memref<1x7x16x512xf32, #tpu.memory_space<vmem>>
      %get3A_1242 = tpu.memref_squeeze %get3A_1241 : memref<1x7x16x512xf32, #tpu.memory_space<vmem>> -> memref<7x16x512xf32, #tpu.memory_space<vmem>>
      %get3A_1243 = arith.index_cast %get3A_1237 : i32 to index
      %get3A_1244 = arith.index_cast %add3A_812 : i32 to index
      %get3A_1245 = arith.index_cast %multiple_of3A_1203 : i32 to index
      %get3A_1246 = tpu.vector_load %get3A_1242[%get3A_1243, %get3A_1244, %get3A_1245] {strides = array<i32>} : memref<7x16x512xf32, #tpu.memory_space<vmem>>, vector<1x1x16xf32>,
      %get3A_1247 = vector.shape_cast %get3A_1246 : vector<1x1x16xf32> to vector<16xf32>
      %get3A_1248 = arith.constant 4 : i32
      %get3A_1249 = arith.constant 0 : i32
      %get3A_1250 = arith.constant 0 : i32
      %get3A_1251 = arith.constant 0 : i32
      %get3A_1252 = tpu.memref_slice %arg7[%scan3A, %get3A_1249, %get3A_1250, %get3A_1251] : memref<2x7x16x512xf32, #tpu.memory_space<vmem>> -> memref<1x7x16x512xf32, #tpu.memory_space<vmem>>
      %get3A_1253 = tpu.memref_squeeze %get3A_1252 : memref<1x7x16x512xf32, #tpu.memory_space<vmem>> -> memref<7x16x512xf32, #tpu.memory_space<vmem>>
      %get3A_1254 = arith.index_cast %get3A_1248 : i32 to index
      %get3A_1255 = arith.index_cast %add3A_812 : i32 to index
      %get3A_1256 = arith.index_cast %multiple_of3A_1203 : i32 to index
      %get3A_1257 = tpu.vector_load %get3A_1253[%get3A_1254, %get3A_1255, %get3A_1256] {strides = array<i32>} : memref<7x16x512xf32, #tpu.memory_space<vmem>>, vector<1x1x16xf32>,
      %get3A_1258 = vector.shape_cast %get3A_1257 : vector<1x1x16xf32> to vector<16xf32>
      %get3A_1259 = arith.constant 5 : i32
      %get3A_1260 = arith.constant 0 : i32
      %get3A_1261 = arith.constant 0 : i32
      %get3A_1262 = arith.constant 0 : i32
      %get3A_1263 = tpu.memref_slice %arg7[%scan3A, %get3A_1260, %get3A_1261, %get3A_1262] : memref<2x7x16x512xf32, #tpu.memory_space<vmem>> -> memref<1x7x16x512xf32, #tpu.memory_space<vmem>>
      %get3A_1264 = tpu.memref_squeeze %get3A_1263 : memref<1x7x16x512xf32, #tpu.memory_space<vmem>> -> memref<7x16x512xf32, #tpu.memory_space<vmem>>
      %get3A_1265 = arith.index_cast %get3A_1259 : i32 to index
      %get3A_1266 = arith.index_cast %add3A_812 : i32 to index
      %get3A_1267 = arith.index_cast %multiple_of3A_1203 : i32 to index
      %get3A_1268 = tpu.vector_load %get3A_1264[%get3A_1265, %get3A_1266, %get3A_1267] {strides = array<i32>} : memref<7x16x512xf32, #tpu.memory_space<vmem>>, vector<1x1x16xf32>,
      %get3A_1269 = vector.shape_cast %get3A_1268 : vector<1x1x16xf32> to vector<16xf32>
      %get3A_1270 = arith.constant 6 : i32
      %get3A_1271 = arith.constant 0 : i32
      %get3A_1272 = arith.constant 0 : i32
      %get3A_1273 = arith.constant 0 : i32
      %get3A_1274 = tpu.memref_slice %arg7[%scan3A, %get3A_1271, %get3A_1272, %get3A_1273] : memref<2x7x16x512xf32, #tpu.memory_space<vmem>> -> memref<1x7x16x512xf32, #tpu.memory_space<vmem>>
      %get3A_1275 = tpu.memref_squeeze %get3A_1274 : memref<1x7x16x512xf32, #tpu.memory_space<vmem>> -> memref<7x16x512xf32, #tpu.memory_space<vmem>>
      %get3A_1276 = arith.index_cast %get3A_1270 : i32 to index
      %get3A_1277 = arith.index_cast %add3A_812 : i32 to index
      %get3A_1278 = arith.index_cast %multiple_of3A_1203 : i32 to index
      %get3A_1279 = tpu.vector_load %get3A_1275[%get3A_1276, %get3A_1277, %get3A_1278] {strides = array<i32>} : memref<7x16x512xf32, #tpu.memory_space<vmem>>, vector<1x1x16xf32>,
      %get3A_1280 = vector.shape_cast %get3A_1279 : vector<1x1x16xf32> to vector<16xf32>
      %sub3A_1281 = arith.subf %get3A_1247, %get3A_1214 : vector<16xf32>
      %sub3A_1282 = arith.subf %get3A_1258, %get3A_1225 : vector<16xf32>
      %sub3A_1283 = arith.subf %get3A_1269, %get3A_1236 : vector<16xf32>
      %mul3A_1284 = arith.mulf %sub3A_1281, %sub3A_1281 : vector<16xf32>
      %mul3A_1285 = arith.mulf %sub3A_1282, %sub3A_1282 : vector<16xf32>
      %add3A_1286 = arith.addf %mul3A_1284, %mul3A_1285 : vector<16xf32>
      %mul3A_1287 = arith.mulf %sub3A_1283, %sub3A_1283 : vector<16xf32>
      %add3A_1288 = arith.addf %add3A_1286, %mul3A_1287 : vector<16xf32>
      %max3A_1289 = arith.constant 1.000000e-24 : f32
      %max3A_1290 = vector.broadcast %max3A_1289 : f32 to vector<16xf32>
      %max3A_1291 = arith.maximumf %add3A_1288, %max3A_1290 : vector<16xf32>
      %bitcast_convert_type3A_1292 = tpu.bitcast %max3A_1291 : vector<16xf32> -> vector<16xi32>
      %shift_right_logical3A_1293 = arith.constant 1 : i32
      %shift_right_logical3A_1294 = vector.broadcast %shift_right_logical3A_1293 : i32 to vector<16xi32>
      %shift_right_logical3A_1295 = arith.shrui %bitcast_convert_type3A_1292, %shift_right_logical3A_1294 : vector<16xi32>
      %sub3A_1296 = arith.constant 1597463007 : i32
      %sub3A_1297 = vector.broadcast %sub3A_1296 : i32 to vector<16xi32>
      %sub3A_1298 = arith.subi %sub3A_1297, %shift_right_logical3A_1295 : vector<16xi32>
      %bitcast_convert_type3A_1299 = tpu.bitcast %sub3A_1298 : vector<16xi32> -> vector<16xf32>
      %mul3A_1300 = arith.constant 5.000000e-01 : f32
      %mul3A_1301 = vector.broadcast %mul3A_1300 : f32 to vector<16xf32>
      %mul3A_1302 = arith.mulf %mul3A_1301, %max3A_1291 : vector<16xf32>
      %mul3A_1303 = arith.mulf %mul3A_1302, %bitcast_convert_type3A_1299 : vector<16xf32>
      %mul3A_1304 = arith.mulf %mul3A_1303, %bitcast_convert_type3A_1299 : vector<16xf32>
      %sub3A_1305 = arith.constant 1.500000e+00 : f32
      %sub3A_1306 = vector.broadcast %sub3A_1305 : f32 to vector<16xf32>
      %sub3A_1307 = arith.subf %sub3A_1306, %mul3A_1304 : vector<16xf32>
      %mul3A_1308 = arith.mulf %bitcast_convert_type3A_1299, %sub3A_1307 : vector<16xf32>
      %mul3A_1309 = arith.constant 5.000000e-01 : f32
      %mul3A_1310 = vector.broadcast %mul3A_1309 : f32 to vector<16xf32>
      %mul3A_1311 = arith.mulf %mul3A_1310, %max3A_1291 : vector<16xf32>
      %mul3A_1312 = arith.mulf %mul3A_1311, %mul3A_1308 : vector<16xf32>
      %mul3A_1313 = arith.mulf %mul3A_1312, %mul3A_1308 : vector<16xf32>
      %sub3A_1314 = arith.constant 1.500000e+00 : f32
      %sub3A_1315 = vector.broadcast %sub3A_1314 : f32 to vector<16xf32>
      %sub3A_1316 = arith.subf %sub3A_1315, %mul3A_1313 : vector<16xf32>
      %mul3A_1317 = arith.mulf %mul3A_1308, %sub3A_1316 : vector<16xf32>
      %mul3A_1318 = arith.constant 5.000000e-01 : f32
      %mul3A_1319 = vector.broadcast %mul3A_1318 : f32 to vector<16xf32>
      %mul3A_1320 = arith.mulf %mul3A_1319, %max3A_1291 : vector<16xf32>
      %mul3A_1321 = arith.mulf %mul3A_1320, %mul3A_1317 : vector<16xf32>
      %mul3A_1322 = arith.mulf %mul3A_1321, %mul3A_1317 : vector<16xf32>
      %sub3A_1323 = arith.constant 1.500000e+00 : f32
      %sub3A_1324 = vector.broadcast %sub3A_1323 : f32 to vector<16xf32>
      %sub3A_1325 = arith.subf %sub3A_1324, %mul3A_1322 : vector<16xf32>
      %mul3A_1326 = arith.mulf %mul3A_1317, %sub3A_1325 : vector<16xf32>
      %mul3A_1327 = arith.mulf %max3A_1291, %mul3A_1326 : vector<16xf32>
      %mul3A_1328 = arith.mulf %mul3A_1327, %get3A_1280 : vector<16xf32>
      %add3A_1329 = arith.addf %scan3A_802, %mul3A_1328 : vector<16xf32>
      %add3A_1330 = arith.addf %scan3A_806, %get3A_1280 : vector<16xf32>
      %add3A_1331 = arith.constant 64 : i32
      %add3A_1332 = arith.addi %shift_left3A_816, %add3A_1331 : i32
      %multiple_of3A_1333 = tpu.assume_multiple %add3A_1332, 16 : i32
      %get3A_1334 = arith.constant 0 : i32
      %get3A_1335 = arith.constant 0 : i32
      %get3A_1336 = arith.constant 0 : i32
      %get3A_1337 = arith.constant 0 : i32
      %get3A_1338 = tpu.memref_slice %arg7[%scan3A, %get3A_1335, %get3A_1336, %get3A_1337] : memref<2x7x16x512xf32, #tpu.memory_space<vmem>> -> memref<1x7x16x512xf32, #tpu.memory_space<vmem>>
      %get3A_1339 = tpu.memref_squeeze %get3A_1338 : memref<1x7x16x512xf32, #tpu.memory_space<vmem>> -> memref<7x16x512xf32, #tpu.memory_space<vmem>>
      %get3A_1340 = arith.index_cast %get3A_1334 : i32 to index
      %get3A_1341 = arith.index_cast %add3A_812 : i32 to index
      %get3A_1342 = arith.index_cast %multiple_of3A_1333 : i32 to index
      %get3A_1343 = tpu.vector_load %get3A_1339[%get3A_1340, %get3A_1341, %get3A_1342] {strides = array<i32>} : memref<7x16x512xf32, #tpu.memory_space<vmem>>, vector<1x1x16xf32>,
      %get3A_1344 = vector.shape_cast %get3A_1343 : vector<1x1x16xf32> to vector<16xf32>
      %get3A_1345 = arith.constant 1 : i32
      %get3A_1346 = arith.constant 0 : i32
      %get3A_1347 = arith.constant 0 : i32
      %get3A_1348 = arith.constant 0 : i32
      %get3A_1349 = tpu.memref_slice %arg7[%scan3A, %get3A_1346, %get3A_1347, %get3A_1348] : memref<2x7x16x512xf32, #tpu.memory_space<vmem>> -> memref<1x7x16x512xf32, #tpu.memory_space<vmem>>
      %get3A_1350 = tpu.memref_squeeze %get3A_1349 : memref<1x7x16x512xf32, #tpu.memory_space<vmem>> -> memref<7x16x512xf32, #tpu.memory_space<vmem>>
      %get3A_1351 = arith.index_cast %get3A_1345 : i32 to index
      %get3A_1352 = arith.index_cast %add3A_812 : i32 to index
      %get3A_1353 = arith.index_cast %multiple_of3A_1333 : i32 to index
      %get3A_1354 = tpu.vector_load %get3A_1350[%get3A_1351, %get3A_1352, %get3A_1353] {strides = array<i32>} : memref<7x16x512xf32, #tpu.memory_space<vmem>>, vector<1x1x16xf32>,
      %get3A_1355 = vector.shape_cast %get3A_1354 : vector<1x1x16xf32> to vector<16xf32>
      %get3A_1356 = arith.constant 2 : i32
      %get3A_1357 = arith.constant 0 : i32
      %get3A_1358 = arith.constant 0 : i32
      %get3A_1359 = arith.constant 0 : i32
      %get3A_1360 = tpu.memref_slice %arg7[%scan3A, %get3A_1357, %get3A_1358, %get3A_1359] : memref<2x7x16x512xf32, #tpu.memory_space<vmem>> -> memref<1x7x16x512xf32, #tpu.memory_space<vmem>>
      %get3A_1361 = tpu.memref_squeeze %get3A_1360 : memref<1x7x16x512xf32, #tpu.memory_space<vmem>> -> memref<7x16x512xf32, #tpu.memory_space<vmem>>
      %get3A_1362 = arith.index_cast %get3A_1356 : i32 to index
      %get3A_1363 = arith.index_cast %add3A_812 : i32 to index
      %get3A_1364 = arith.index_cast %multiple_of3A_1333 : i32 to index
      %get3A_1365 = tpu.vector_load %get3A_1361[%get3A_1362, %get3A_1363, %get3A_1364] {strides = array<i32>} : memref<7x16x512xf32, #tpu.memory_space<vmem>>, vector<1x1x16xf32>,
      %get3A_1366 = vector.shape_cast %get3A_1365 : vector<1x1x16xf32> to vector<16xf32>
      %get3A_1367 = arith.constant 3 : i32
      %get3A_1368 = arith.constant 0 : i32
      %get3A_1369 = arith.constant 0 : i32
      %get3A_1370 = arith.constant 0 : i32
      %get3A_1371 = tpu.memref_slice %arg7[%scan3A, %get3A_1368, %get3A_1369, %get3A_1370] : memref<2x7x16x512xf32, #tpu.memory_space<vmem>> -> memref<1x7x16x512xf32, #tpu.memory_space<vmem>>
      %get3A_1372 = tpu.memref_squeeze %get3A_1371 : memref<1x7x16x512xf32, #tpu.memory_space<vmem>> -> memref<7x16x512xf32, #tpu.memory_space<vmem>>
      %get3A_1373 = arith.index_cast %get3A_1367 : i32 to index
      %get3A_1374 = arith.index_cast %add3A_812 : i32 to index
      %get3A_1375 = arith.index_cast %multiple_of3A_1333 : i32 to index
      %get3A_1376 = tpu.vector_load %get3A_1372[%get3A_1373, %get3A_1374, %get3A_1375] {strides = array<i32>} : memref<7x16x512xf32, #tpu.memory_space<vmem>>, vector<1x1x16xf32>,
      %get3A_1377 = vector.shape_cast %get3A_1376 : vector<1x1x16xf32> to vector<16xf32>
      %get3A_1378 = arith.constant 4 : i32
      %get3A_1379 = arith.constant 0 : i32
      %get3A_1380 = arith.constant 0 : i32
      %get3A_1381 = arith.constant 0 : i32
      %get3A_1382 = tpu.memref_slice %arg7[%scan3A, %get3A_1379, %get3A_1380, %get3A_1381] : memref<2x7x16x512xf32, #tpu.memory_space<vmem>> -> memref<1x7x16x512xf32, #tpu.memory_space<vmem>>
      %get3A_1383 = tpu.memref_squeeze %get3A_1382 : memref<1x7x16x512xf32, #tpu.memory_space<vmem>> -> memref<7x16x512xf32, #tpu.memory_space<vmem>>
      %get3A_1384 = arith.index_cast %get3A_1378 : i32 to index
      %get3A_1385 = arith.index_cast %add3A_812 : i32 to index
      %get3A_1386 = arith.index_cast %multiple_of3A_1333 : i32 to index
      %get3A_1387 = tpu.vector_load %get3A_1383[%get3A_1384, %get3A_1385, %get3A_1386] {strides = array<i32>} : memref<7x16x512xf32, #tpu.memory_space<vmem>>, vector<1x1x16xf32>,
      %get3A_1388 = vector.shape_cast %get3A_1387 : vector<1x1x16xf32> to vector<16xf32>
      %get3A_1389 = arith.constant 5 : i32
      %get3A_1390 = arith.constant 0 : i32
      %get3A_1391 = arith.constant 0 : i32
      %get3A_1392 = arith.constant 0 : i32
      %get3A_1393 = tpu.memref_slice %arg7[%scan3A, %get3A_1390, %get3A_1391, %get3A_1392] : memref<2x7x16x512xf32, #tpu.memory_space<vmem>> -> memref<1x7x16x512xf32, #tpu.memory_space<vmem>>
      %get3A_1394 = tpu.memref_squeeze %get3A_1393 : memref<1x7x16x512xf32, #tpu.memory_space<vmem>> -> memref<7x16x512xf32, #tpu.memory_space<vmem>>
      %get3A_1395 = arith.index_cast %get3A_1389 : i32 to index
      %get3A_1396 = arith.index_cast %add3A_812 : i32 to index
      %get3A_1397 = arith.index_cast %multiple_of3A_1333 : i32 to index
      %get3A_1398 = tpu.vector_load %get3A_1394[%get3A_1395, %get3A_1396, %get3A_1397] {strides = array<i32>} : memref<7x16x512xf32, #tpu.memory_space<vmem>>, vector<1x1x16xf32>,
      %get3A_1399 = vector.shape_cast %get3A_1398 : vector<1x1x16xf32> to vector<16xf32>
      %get3A_1400 = arith.constant 6 : i32
      %get3A_1401 = arith.constant 0 : i32
      %get3A_1402 = arith.constant 0 : i32
      %get3A_1403 = arith.constant 0 : i32
      %get3A_1404 = tpu.memref_slice %arg7[%scan3A, %get3A_1401, %get3A_1402, %get3A_1403] : memref<2x7x16x512xf32, #tpu.memory_space<vmem>> -> memref<1x7x16x512xf32, #tpu.memory_space<vmem>>
      %get3A_1405 = tpu.memref_squeeze %get3A_1404 : memref<1x7x16x512xf32, #tpu.memory_space<vmem>> -> memref<7x16x512xf32, #tpu.memory_space<vmem>>
      %get3A_1406 = arith.index_cast %get3A_1400 : i32 to index
      %get3A_1407 = arith.index_cast %add3A_812 : i32 to index
      %get3A_1408 = arith.index_cast %multiple_of3A_1333 : i32 to index
      %get3A_1409 = tpu.vector_load %get3A_1405[%get3A_1406, %get3A_1407, %get3A_1408] {strides = array<i32>} : memref<7x16x512xf32, #tpu.memory_space<vmem>>, vector<1x1x16xf32>,
      %get3A_1410 = vector.shape_cast %get3A_1409 : vector<1x1x16xf32> to vector<16xf32>
      %sub3A_1411 = arith.subf %get3A_1377, %get3A_1344 : vector<16xf32>
      %sub3A_1412 = arith.subf %get3A_1388, %get3A_1355 : vector<16xf32>
      %sub3A_1413 = arith.subf %get3A_1399, %get3A_1366 : vector<16xf32>
      %mul3A_1414 = arith.mulf %sub3A_1411, %sub3A_1411 : vector<16xf32>
      %mul3A_1415 = arith.mulf %sub3A_1412, %sub3A_1412 : vector<16xf32>
      %add3A_1416 = arith.addf %mul3A_1414, %mul3A_1415 : vector<16xf32>
      %mul3A_1417 = arith.mulf %sub3A_1413, %sub3A_1413 : vector<16xf32>
      %add3A_1418 = arith.addf %add3A_1416, %mul3A_1417 : vector<16xf32>
      %max3A_1419 = arith.constant 1.000000e-24 : f32
      %max3A_1420 = vector.broadcast %max3A_1419 : f32 to vector<16xf32>
      %max3A_1421 = arith.maximumf %add3A_1418, %max3A_1420 : vector<16xf32>
      %bitcast_convert_type3A_1422 = tpu.bitcast %max3A_1421 : vector<16xf32> -> vector<16xi32>
      %shift_right_logical3A_1423 = arith.constant 1 : i32
      %shift_right_logical3A_1424 = vector.broadcast %shift_right_logical3A_1423 : i32 to vector<16xi32>
      %shift_right_logical3A_1425 = arith.shrui %bitcast_convert_type3A_1422, %shift_right_logical3A_1424 : vector<16xi32>
      %sub3A_1426 = arith.constant 1597463007 : i32
      %sub3A_1427 = vector.broadcast %sub3A_1426 : i32 to vector<16xi32>
      %sub3A_1428 = arith.subi %sub3A_1427, %shift_right_logical3A_1425 : vector<16xi32>
      %bitcast_convert_type3A_1429 = tpu.bitcast %sub3A_1428 : vector<16xi32> -> vector<16xf32>
      %mul3A_1430 = arith.constant 5.000000e-01 : f32
      %mul3A_1431 = vector.broadcast %mul3A_1430 : f32 to vector<16xf32>
      %mul3A_1432 = arith.mulf %mul3A_1431, %max3A_1421 : vector<16xf32>
      %mul3A_1433 = arith.mulf %mul3A_1432, %bitcast_convert_type3A_1429 : vector<16xf32>
      %mul3A_1434 = arith.mulf %mul3A_1433, %bitcast_convert_type3A_1429 : vector<16xf32>
      %sub3A_1435 = arith.constant 1.500000e+00 : f32
      %sub3A_1436 = vector.broadcast %sub3A_1435 : f32 to vector<16xf32>
      %sub3A_1437 = arith.subf %sub3A_1436, %mul3A_1434 : vector<16xf32>
      %mul3A_1438 = arith.mulf %bitcast_convert_type3A_1429, %sub3A_1437 : vector<16xf32>
      %mul3A_1439 = arith.constant 5.000000e-01 : f32
      %mul3A_1440 = vector.broadcast %mul3A_1439 : f32 to vector<16xf32>
      %mul3A_1441 = arith.mulf %mul3A_1440, %max3A_1421 : vector<16xf32>
      %mul3A_1442 = arith.mulf %mul3A_1441, %mul3A_1438 : vector<16xf32>
      %mul3A_1443 = arith.mulf %mul3A_1442, %mul3A_1438 : vector<16xf32>
      %sub3A_1444 = arith.constant 1.500000e+00 : f32
      %sub3A_1445 = vector.broadcast %sub3A_1444 : f32 to vector<16xf32>
      %sub3A_1446 = arith.subf %sub3A_1445, %mul3A_1443 : vector<16xf32>
      %mul3A_1447 = arith.mulf %mul3A_1438, %sub3A_1446 : vector<16xf32>
      %mul3A_1448 = arith.constant 5.000000e-01 : f32
      %mul3A_1449 = vector.broadcast %mul3A_1448 : f32 to vector<16xf32>
      %mul3A_1450 = arith.mulf %mul3A_1449, %max3A_1421 : vector<16xf32>
      %mul3A_1451 = arith.mulf %mul3A_1450, %mul3A_1447 : vector<16xf32>
      %mul3A_1452 = arith.mulf %mul3A_1451, %mul3A_1447 : vector<16xf32>
      %sub3A_1453 = arith.constant 1.500000e+00 : f32
      %sub3A_1454 = vector.broadcast %sub3A_1453 : f32 to vector<16xf32>
      %sub3A_1455 = arith.subf %sub3A_1454, %mul3A_1452 : vector<16xf32>
      %mul3A_1456 = arith.mulf %mul3A_1447, %sub3A_1455 : vector<16xf32>
      %mul3A_1457 = arith.mulf %max3A_1421, %mul3A_1456 : vector<16xf32>
      %mul3A_1458 = arith.mulf %mul3A_1457, %get3A_1410 : vector<16xf32>
      %add3A_1459 = arith.addf %add3A_939, %mul3A_1458 : vector<16xf32>
      %add3A_1460 = arith.addf %add3A_940, %get3A_1410 : vector<16xf32>
      %add3A_1461 = arith.constant 80 : i32
      %add3A_1462 = arith.addi %shift_left3A_816, %add3A_1461 : i32
      %multiple_of3A_1463 = tpu.assume_multiple %add3A_1462, 16 : i32
      %get3A_1464 = arith.constant 0 : i32
      %get3A_1465 = arith.constant 0 : i32
      %get3A_1466 = arith.constant 0 : i32
      %get3A_1467 = arith.constant 0 : i32
      %get3A_1468 = tpu.memref_slice %arg7[%scan3A, %get3A_1465, %get3A_1466, %get3A_1467] : memref<2x7x16x512xf32, #tpu.memory_space<vmem>> -> memref<1x7x16x512xf32, #tpu.memory_space<vmem>>
      %get3A_1469 = tpu.memref_squeeze %get3A_1468 : memref<1x7x16x512xf32, #tpu.memory_space<vmem>> -> memref<7x16x512xf32, #tpu.memory_space<vmem>>
      %get3A_1470 = arith.index_cast %get3A_1464 : i32 to index
      %get3A_1471 = arith.index_cast %add3A_812 : i32 to index
      %get3A_1472 = arith.index_cast %multiple_of3A_1463 : i32 to index
      %get3A_1473 = tpu.vector_load %get3A_1469[%get3A_1470, %get3A_1471, %get3A_1472] {strides = array<i32>} : memref<7x16x512xf32, #tpu.memory_space<vmem>>, vector<1x1x16xf32>,
      %get3A_1474 = vector.shape_cast %get3A_1473 : vector<1x1x16xf32> to vector<16xf32>
      %get3A_1475 = arith.constant 1 : i32
      %get3A_1476 = arith.constant 0 : i32
      %get3A_1477 = arith.constant 0 : i32
      %get3A_1478 = arith.constant 0 : i32
      %get3A_1479 = tpu.memref_slice %arg7[%scan3A, %get3A_1476, %get3A_1477, %get3A_1478] : memref<2x7x16x512xf32, #tpu.memory_space<vmem>> -> memref<1x7x16x512xf32, #tpu.memory_space<vmem>>
      %get3A_1480 = tpu.memref_squeeze %get3A_1479 : memref<1x7x16x512xf32, #tpu.memory_space<vmem>> -> memref<7x16x512xf32, #tpu.memory_space<vmem>>
      %get3A_1481 = arith.index_cast %get3A_1475 : i32 to index
      %get3A_1482 = arith.index_cast %add3A_812 : i32 to index
      %get3A_1483 = arith.index_cast %multiple_of3A_1463 : i32 to index
      %get3A_1484 = tpu.vector_load %get3A_1480[%get3A_1481, %get3A_1482, %get3A_1483] {strides = array<i32>} : memref<7x16x512xf32, #tpu.memory_space<vmem>>, vector<1x1x16xf32>,
      %get3A_1485 = vector.shape_cast %get3A_1484 : vector<1x1x16xf32> to vector<16xf32>
      %get3A_1486 = arith.constant 2 : i32
      %get3A_1487 = arith.constant 0 : i32
      %get3A_1488 = arith.constant 0 : i32
      %get3A_1489 = arith.constant 0 : i32
      %get3A_1490 = tpu.memref_slice %arg7[%scan3A, %get3A_1487, %get3A_1488, %get3A_1489] : memref<2x7x16x512xf32, #tpu.memory_space<vmem>> -> memref<1x7x16x512xf32, #tpu.memory_space<vmem>>
      %get3A_1491 = tpu.memref_squeeze %get3A_1490 : memref<1x7x16x512xf32, #tpu.memory_space<vmem>> -> memref<7x16x512xf32, #tpu.memory_space<vmem>>
      %get3A_1492 = arith.index_cast %get3A_1486 : i32 to index
      %get3A_1493 = arith.index_cast %add3A_812 : i32 to index
      %get3A_1494 = arith.index_cast %multiple_of3A_1463 : i32 to index
      %get3A_1495 = tpu.vector_load %get3A_1491[%get3A_1492, %get3A_1493, %get3A_1494] {strides = array<i32>} : memref<7x16x512xf32, #tpu.memory_space<vmem>>, vector<1x1x16xf32>,
      %get3A_1496 = vector.shape_cast %get3A_1495 : vector<1x1x16xf32> to vector<16xf32>
      %get3A_1497 = arith.constant 3 : i32
      %get3A_1498 = arith.constant 0 : i32
      %get3A_1499 = arith.constant 0 : i32
      %get3A_1500 = arith.constant 0 : i32
      %get3A_1501 = tpu.memref_slice %arg7[%scan3A, %get3A_1498, %get3A_1499, %get3A_1500] : memref<2x7x16x512xf32, #tpu.memory_space<vmem>> -> memref<1x7x16x512xf32, #tpu.memory_space<vmem>>
      %get3A_1502 = tpu.memref_squeeze %get3A_1501 : memref<1x7x16x512xf32, #tpu.memory_space<vmem>> -> memref<7x16x512xf32, #tpu.memory_space<vmem>>
      %get3A_1503 = arith.index_cast %get3A_1497 : i32 to index
      %get3A_1504 = arith.index_cast %add3A_812 : i32 to index
      %get3A_1505 = arith.index_cast %multiple_of3A_1463 : i32 to index
      %get3A_1506 = tpu.vector_load %get3A_1502[%get3A_1503, %get3A_1504, %get3A_1505] {strides = array<i32>} : memref<7x16x512xf32, #tpu.memory_space<vmem>>, vector<1x1x16xf32>,
      %get3A_1507 = vector.shape_cast %get3A_1506 : vector<1x1x16xf32> to vector<16xf32>
      %get3A_1508 = arith.constant 4 : i32
      %get3A_1509 = arith.constant 0 : i32
      %get3A_1510 = arith.constant 0 : i32
      %get3A_1511 = arith.constant 0 : i32
      %get3A_1512 = tpu.memref_slice %arg7[%scan3A, %get3A_1509, %get3A_1510, %get3A_1511] : memref<2x7x16x512xf32, #tpu.memory_space<vmem>> -> memref<1x7x16x512xf32, #tpu.memory_space<vmem>>
      %get3A_1513 = tpu.memref_squeeze %get3A_1512 : memref<1x7x16x512xf32, #tpu.memory_space<vmem>> -> memref<7x16x512xf32, #tpu.memory_space<vmem>>
      %get3A_1514 = arith.index_cast %get3A_1508 : i32 to index
      %get3A_1515 = arith.index_cast %add3A_812 : i32 to index
      %get3A_1516 = arith.index_cast %multiple_of3A_1463 : i32 to index
      %get3A_1517 = tpu.vector_load %get3A_1513[%get3A_1514, %get3A_1515, %get3A_1516] {strides = array<i32>} : memref<7x16x512xf32, #tpu.memory_space<vmem>>, vector<1x1x16xf32>,
      %get3A_1518 = vector.shape_cast %get3A_1517 : vector<1x1x16xf32> to vector<16xf32>
      %get3A_1519 = arith.constant 5 : i32
      %get3A_1520 = arith.constant 0 : i32
      %get3A_1521 = arith.constant 0 : i32
      %get3A_1522 = arith.constant 0 : i32
      %get3A_1523 = tpu.memref_slice %arg7[%scan3A, %get3A_1520, %get3A_1521, %get3A_1522] : memref<2x7x16x512xf32, #tpu.memory_space<vmem>> -> memref<1x7x16x512xf32, #tpu.memory_space<vmem>>
      %get3A_1524 = tpu.memref_squeeze %get3A_1523 : memref<1x7x16x512xf32, #tpu.memory_space<vmem>> -> memref<7x16x512xf32, #tpu.memory_space<vmem>>
      %get3A_1525 = arith.index_cast %get3A_1519 : i32 to index
      %get3A_1526 = arith.index_cast %add3A_812 : i32 to index
      %get3A_1527 = arith.index_cast %multiple_of3A_1463 : i32 to index
      %get3A_1528 = tpu.vector_load %get3A_1524[%get3A_1525, %get3A_1526, %get3A_1527] {strides = array<i32>} : memref<7x16x512xf32, #tpu.memory_space<vmem>>, vector<1x1x16xf32>,
      %get3A_1529 = vector.shape_cast %get3A_1528 : vector<1x1x16xf32> to vector<16xf32>
      %get3A_1530 = arith.constant 6 : i32
      %get3A_1531 = arith.constant 0 : i32
      %get3A_1532 = arith.constant 0 : i32
      %get3A_1533 = arith.constant 0 : i32
      %get3A_1534 = tpu.memref_slice %arg7[%scan3A, %get3A_1531, %get3A_1532, %get3A_1533] : memref<2x7x16x512xf32, #tpu.memory_space<vmem>> -> memref<1x7x16x512xf32, #tpu.memory_space<vmem>>
      %get3A_1535 = tpu.memref_squeeze %get3A_1534 : memref<1x7x16x512xf32, #tpu.memory_space<vmem>> -> memref<7x16x512xf32, #tpu.memory_space<vmem>>
      %get3A_1536 = arith.index_cast %get3A_1530 : i32 to index
      %get3A_1537 = arith.index_cast %add3A_812 : i32 to index
      %get3A_1538 = arith.index_cast %multiple_of3A_1463 : i32 to index
      %get3A_1539 = tpu.vector_load %get3A_1535[%get3A_1536, %get3A_1537, %get3A_1538] {strides = array<i32>} : memref<7x16x512xf32, #tpu.memory_space<vmem>>, vector<1x1x16xf32>,
      %get3A_1540 = vector.shape_cast %get3A_1539 : vector<1x1x16xf32> to vector<16xf32>
      %sub3A_1541 = arith.subf %get3A_1507, %get3A_1474 : vector<16xf32>
      %sub3A_1542 = arith.subf %get3A_1518, %get3A_1485 : vector<16xf32>
      %sub3A_1543 = arith.subf %get3A_1529, %get3A_1496 : vector<16xf32>
      %mul3A_1544 = arith.mulf %sub3A_1541, %sub3A_1541 : vector<16xf32>
      %mul3A_1545 = arith.mulf %sub3A_1542, %sub3A_1542 : vector<16xf32>
      %add3A_1546 = arith.addf %mul3A_1544, %mul3A_1545 : vector<16xf32>
      %mul3A_1547 = arith.mulf %sub3A_1543, %sub3A_1543 : vector<16xf32>
      %add3A_1548 = arith.addf %add3A_1546, %mul3A_1547 : vector<16xf32>
      %max3A_1549 = arith.constant 1.000000e-24 : f32
      %max3A_1550 = vector.broadcast %max3A_1549 : f32 to vector<16xf32>
      %max3A_1551 = arith.maximumf %add3A_1548, %max3A_1550 : vector<16xf32>
      %bitcast_convert_type3A_1552 = tpu.bitcast %max3A_1551 : vector<16xf32> -> vector<16xi32>
      %shift_right_logical3A_1553 = arith.constant 1 : i32
      %shift_right_logical3A_1554 = vector.broadcast %shift_right_logical3A_1553 : i32 to vector<16xi32>
      %shift_right_logical3A_1555 = arith.shrui %bitcast_convert_type3A_1552, %shift_right_logical3A_1554 : vector<16xi32>
      %sub3A_1556 = arith.constant 1597463007 : i32
      %sub3A_1557 = vector.broadcast %sub3A_1556 : i32 to vector<16xi32>
      %sub3A_1558 = arith.subi %sub3A_1557, %shift_right_logical3A_1555 : vector<16xi32>
      %bitcast_convert_type3A_1559 = tpu.bitcast %sub3A_1558 : vector<16xi32> -> vector<16xf32>
      %mul3A_1560 = arith.constant 5.000000e-01 : f32
      %mul3A_1561 = vector.broadcast %mul3A_1560 : f32 to vector<16xf32>
      %mul3A_1562 = arith.mulf %mul3A_1561, %max3A_1551 : vector<16xf32>
      %mul3A_1563 = arith.mulf %mul3A_1562, %bitcast_convert_type3A_1559 : vector<16xf32>
      %mul3A_1564 = arith.mulf %mul3A_1563, %bitcast_convert_type3A_1559 : vector<16xf32>
      %sub3A_1565 = arith.constant 1.500000e+00 : f32
      %sub3A_1566 = vector.broadcast %sub3A_1565 : f32 to vector<16xf32>
      %sub3A_1567 = arith.subf %sub3A_1566, %mul3A_1564 : vector<16xf32>
      %mul3A_1568 = arith.mulf %bitcast_convert_type3A_1559, %sub3A_1567 : vector<16xf32>
      %mul3A_1569 = arith.constant 5.000000e-01 : f32
      %mul3A_1570 = vector.broadcast %mul3A_1569 : f32 to vector<16xf32>
      %mul3A_1571 = arith.mulf %mul3A_1570, %max3A_1551 : vector<16xf32>
      %mul3A_1572 = arith.mulf %mul3A_1571, %mul3A_1568 : vector<16xf32>
      %mul3A_1573 = arith.mulf %mul3A_1572, %mul3A_1568 : vector<16xf32>
      %sub3A_1574 = arith.constant 1.500000e+00 : f32
      %sub3A_1575 = vector.broadcast %sub3A_1574 : f32 to vector<16xf32>
      %sub3A_1576 = arith.subf %sub3A_1575, %mul3A_1573 : vector<16xf32>
      %mul3A_1577 = arith.mulf %mul3A_1568, %sub3A_1576 : vector<16xf32>
      %mul3A_1578 = arith.constant 5.000000e-01 : f32
      %mul3A_1579 = vector.broadcast %mul3A_1578 : f32 to vector<16xf32>
      %mul3A_1580 = arith.mulf %mul3A_1579, %max3A_1551 : vector<16xf32>
      %mul3A_1581 = arith.mulf %mul3A_1580, %mul3A_1577 : vector<16xf32>
      %mul3A_1582 = arith.mulf %mul3A_1581, %mul3A_1577 : vector<16xf32>
      %sub3A_1583 = arith.constant 1.500000e+00 : f32
      %sub3A_1584 = vector.broadcast %sub3A_1583 : f32 to vector<16xf32>
      %sub3A_1585 = arith.subf %sub3A_1584, %mul3A_1582 : vector<16xf32>
      %mul3A_1586 = arith.mulf %mul3A_1577, %sub3A_1585 : vector<16xf32>
      %mul3A_1587 = arith.mulf %max3A_1551, %mul3A_1586 : vector<16xf32>
      %mul3A_1588 = arith.mulf %mul3A_1587, %get3A_1540 : vector<16xf32>
      %add3A_1589 = arith.addf %add3A_1069, %mul3A_1588 : vector<16xf32>
      %add3A_1590 = arith.addf %add3A_1070, %get3A_1540 : vector<16xf32>
      %add3A_1591 = arith.constant 96 : i32
      %add3A_1592 = arith.addi %shift_left3A_816, %add3A_1591 : i32
      %multiple_of3A_1593 = tpu.assume_multiple %add3A_1592, 16 : i32
      %get3A_1594 = arith.constant 0 : i32
      %get3A_1595 = arith.constant 0 : i32
      %get3A_1596 = arith.constant 0 : i32
      %get3A_1597 = arith.constant 0 : i32
      %get3A_1598 = tpu.memref_slice %arg7[%scan3A, %get3A_1595, %get3A_1596, %get3A_1597] : memref<2x7x16x512xf32, #tpu.memory_space<vmem>> -> memref<1x7x16x512xf32, #tpu.memory_space<vmem>>
      %get3A_1599 = tpu.memref_squeeze %get3A_1598 : memref<1x7x16x512xf32, #tpu.memory_space<vmem>> -> memref<7x16x512xf32, #tpu.memory_space<vmem>>
      %get3A_1600 = arith.index_cast %get3A_1594 : i32 to index
      %get3A_1601 = arith.index_cast %add3A_812 : i32 to index
      %get3A_1602 = arith.index_cast %multiple_of3A_1593 : i32 to index
      %get3A_1603 = tpu.vector_load %get3A_1599[%get3A_1600, %get3A_1601, %get3A_1602] {strides = array<i32>} : memref<7x16x512xf32, #tpu.memory_space<vmem>>, vector<1x1x16xf32>,
      %get3A_1604 = vector.shape_cast %get3A_1603 : vector<1x1x16xf32> to vector<16xf32>
      %get3A_1605 = arith.constant 1 : i32
      %get3A_1606 = arith.constant 0 : i32
      %get3A_1607 = arith.constant 0 : i32
      %get3A_1608 = arith.constant 0 : i32
      %get3A_1609 = tpu.memref_slice %arg7[%scan3A, %get3A_1606, %get3A_1607, %get3A_1608] : memref<2x7x16x512xf32, #tpu.memory_space<vmem>> -> memref<1x7x16x512xf32, #tpu.memory_space<vmem>>
      %get3A_1610 = tpu.memref_squeeze %get3A_1609 : memref<1x7x16x512xf32, #tpu.memory_space<vmem>> -> memref<7x16x512xf32, #tpu.memory_space<vmem>>
      %get3A_1611 = arith.index_cast %get3A_1605 : i32 to index
      %get3A_1612 = arith.index_cast %add3A_812 : i32 to index
      %get3A_1613 = arith.index_cast %multiple_of3A_1593 : i32 to index
      %get3A_1614 = tpu.vector_load %get3A_1610[%get3A_1611, %get3A_1612, %get3A_1613] {strides = array<i32>} : memref<7x16x512xf32, #tpu.memory_space<vmem>>, vector<1x1x16xf32>,
      %get3A_1615 = vector.shape_cast %get3A_1614 : vector<1x1x16xf32> to vector<16xf32>
      %get3A_1616 = arith.constant 2 : i32
      %get3A_1617 = arith.constant 0 : i32
      %get3A_1618 = arith.constant 0 : i32
      %get3A_1619 = arith.constant 0 : i32
      %get3A_1620 = tpu.memref_slice %arg7[%scan3A, %get3A_1617, %get3A_1618, %get3A_1619] : memref<2x7x16x512xf32, #tpu.memory_space<vmem>> -> memref<1x7x16x512xf32, #tpu.memory_space<vmem>>
      %get3A_1621 = tpu.memref_squeeze %get3A_1620 : memref<1x7x16x512xf32, #tpu.memory_space<vmem>> -> memref<7x16x512xf32, #tpu.memory_space<vmem>>
      %get3A_1622 = arith.index_cast %get3A_1616 : i32 to index
      %get3A_1623 = arith.index_cast %add3A_812 : i32 to index
      %get3A_1624 = arith.index_cast %multiple_of3A_1593 : i32 to index
      %get3A_1625 = tpu.vector_load %get3A_1621[%get3A_1622, %get3A_1623, %get3A_1624] {strides = array<i32>} : memref<7x16x512xf32, #tpu.memory_space<vmem>>, vector<1x1x16xf32>,
      %get3A_1626 = vector.shape_cast %get3A_1625 : vector<1x1x16xf32> to vector<16xf32>
      %get3A_1627 = arith.constant 3 : i32
      %get3A_1628 = arith.constant 0 : i32
      %get3A_1629 = arith.constant 0 : i32
      %get3A_1630 = arith.constant 0 : i32
      %get3A_1631 = tpu.memref_slice %arg7[%scan3A, %get3A_1628, %get3A_1629, %get3A_1630] : memref<2x7x16x512xf32, #tpu.memory_space<vmem>> -> memref<1x7x16x512xf32, #tpu.memory_space<vmem>>
      %get3A_1632 = tpu.memref_squeeze %get3A_1631 : memref<1x7x16x512xf32, #tpu.memory_space<vmem>> -> memref<7x16x512xf32, #tpu.memory_space<vmem>>
      %get3A_1633 = arith.index_cast %get3A_1627 : i32 to index
      %get3A_1634 = arith.index_cast %add3A_812 : i32 to index
      %get3A_1635 = arith.index_cast %multiple_of3A_1593 : i32 to index
      %get3A_1636 = tpu.vector_load %get3A_1632[%get3A_1633, %get3A_1634, %get3A_1635] {strides = array<i32>} : memref<7x16x512xf32, #tpu.memory_space<vmem>>, vector<1x1x16xf32>,
      %get3A_1637 = vector.shape_cast %get3A_1636 : vector<1x1x16xf32> to vector<16xf32>
      %get3A_1638 = arith.constant 4 : i32
      %get3A_1639 = arith.constant 0 : i32
      %get3A_1640 = arith.constant 0 : i32
      %get3A_1641 = arith.constant 0 : i32
      %get3A_1642 = tpu.memref_slice %arg7[%scan3A, %get3A_1639, %get3A_1640, %get3A_1641] : memref<2x7x16x512xf32, #tpu.memory_space<vmem>> -> memref<1x7x16x512xf32, #tpu.memory_space<vmem>>
      %get3A_1643 = tpu.memref_squeeze %get3A_1642 : memref<1x7x16x512xf32, #tpu.memory_space<vmem>> -> memref<7x16x512xf32, #tpu.memory_space<vmem>>
      %get3A_1644 = arith.index_cast %get3A_1638 : i32 to index
      %get3A_1645 = arith.index_cast %add3A_812 : i32 to index
      %get3A_1646 = arith.index_cast %multiple_of3A_1593 : i32 to index
      %get3A_1647 = tpu.vector_load %get3A_1643[%get3A_1644, %get3A_1645, %get3A_1646] {strides = array<i32>} : memref<7x16x512xf32, #tpu.memory_space<vmem>>, vector<1x1x16xf32>,
      %get3A_1648 = vector.shape_cast %get3A_1647 : vector<1x1x16xf32> to vector<16xf32>
      %get3A_1649 = arith.constant 5 : i32
      %get3A_1650 = arith.constant 0 : i32
      %get3A_1651 = arith.constant 0 : i32
      %get3A_1652 = arith.constant 0 : i32
      %get3A_1653 = tpu.memref_slice %arg7[%scan3A, %get3A_1650, %get3A_1651, %get3A_1652] : memref<2x7x16x512xf32, #tpu.memory_space<vmem>> -> memref<1x7x16x512xf32, #tpu.memory_space<vmem>>
      %get3A_1654 = tpu.memref_squeeze %get3A_1653 : memref<1x7x16x512xf32, #tpu.memory_space<vmem>> -> memref<7x16x512xf32, #tpu.memory_space<vmem>>
      %get3A_1655 = arith.index_cast %get3A_1649 : i32 to index
      %get3A_1656 = arith.index_cast %add3A_812 : i32 to index
      %get3A_1657 = arith.index_cast %multiple_of3A_1593 : i32 to index
      %get3A_1658 = tpu.vector_load %get3A_1654[%get3A_1655, %get3A_1656, %get3A_1657] {strides = array<i32>} : memref<7x16x512xf32, #tpu.memory_space<vmem>>, vector<1x1x16xf32>,
      %get3A_1659 = vector.shape_cast %get3A_1658 : vector<1x1x16xf32> to vector<16xf32>
      %get3A_1660 = arith.constant 6 : i32
      %get3A_1661 = arith.constant 0 : i32
      %get3A_1662 = arith.constant 0 : i32
      %get3A_1663 = arith.constant 0 : i32
      %get3A_1664 = tpu.memref_slice %arg7[%scan3A, %get3A_1661, %get3A_1662, %get3A_1663] : memref<2x7x16x512xf32, #tpu.memory_space<vmem>> -> memref<1x7x16x512xf32, #tpu.memory_space<vmem>>
      %get3A_1665 = tpu.memref_squeeze %get3A_1664 : memref<1x7x16x512xf32, #tpu.memory_space<vmem>> -> memref<7x16x512xf32, #tpu.memory_space<vmem>>
      %get3A_1666 = arith.index_cast %get3A_1660 : i32 to index
      %get3A_1667 = arith.index_cast %add3A_812 : i32 to index
      %get3A_1668 = arith.index_cast %multiple_of3A_1593 : i32 to index
      %get3A_1669 = tpu.vector_load %get3A_1665[%get3A_1666, %get3A_1667, %get3A_1668] {strides = array<i32>} : memref<7x16x512xf32, #tpu.memory_space<vmem>>, vector<1x1x16xf32>,
      %get3A_1670 = vector.shape_cast %get3A_1669 : vector<1x1x16xf32> to vector<16xf32>
      %sub3A_1671 = arith.subf %get3A_1637, %get3A_1604 : vector<16xf32>
      %sub3A_1672 = arith.subf %get3A_1648, %get3A_1615 : vector<16xf32>
      %sub3A_1673 = arith.subf %get3A_1659, %get3A_1626 : vector<16xf32>
      %mul3A_1674 = arith.mulf %sub3A_1671, %sub3A_1671 : vector<16xf32>
      %mul3A_1675 = arith.mulf %sub3A_1672, %sub3A_1672 : vector<16xf32>
      %add3A_1676 = arith.addf %mul3A_1674, %mul3A_1675 : vector<16xf32>
      %mul3A_1677 = arith.mulf %sub3A_1673, %sub3A_1673 : vector<16xf32>
      %add3A_1678 = arith.addf %add3A_1676, %mul3A_1677 : vector<16xf32>
      %max3A_1679 = arith.constant 1.000000e-24 : f32
      %max3A_1680 = vector.broadcast %max3A_1679 : f32 to vector<16xf32>
      %max3A_1681 = arith.maximumf %add3A_1678, %max3A_1680 : vector<16xf32>
      %bitcast_convert_type3A_1682 = tpu.bitcast %max3A_1681 : vector<16xf32> -> vector<16xi32>
      %shift_right_logical3A_1683 = arith.constant 1 : i32
      %shift_right_logical3A_1684 = vector.broadcast %shift_right_logical3A_1683 : i32 to vector<16xi32>
      %shift_right_logical3A_1685 = arith.shrui %bitcast_convert_type3A_1682, %shift_right_logical3A_1684 : vector<16xi32>
      %sub3A_1686 = arith.constant 1597463007 : i32
      %sub3A_1687 = vector.broadcast %sub3A_1686 : i32 to vector<16xi32>
      %sub3A_1688 = arith.subi %sub3A_1687, %shift_right_logical3A_1685 : vector<16xi32>
      %bitcast_convert_type3A_1689 = tpu.bitcast %sub3A_1688 : vector<16xi32> -> vector<16xf32>
      %mul3A_1690 = arith.constant 5.000000e-01 : f32
      %mul3A_1691 = vector.broadcast %mul3A_1690 : f32 to vector<16xf32>
      %mul3A_1692 = arith.mulf %mul3A_1691, %max3A_1681 : vector<16xf32>
      %mul3A_1693 = arith.mulf %mul3A_1692, %bitcast_convert_type3A_1689 : vector<16xf32>
      %mul3A_1694 = arith.mulf %mul3A_1693, %bitcast_convert_type3A_1689 : vector<16xf32>
      %sub3A_1695 = arith.constant 1.500000e+00 : f32
      %sub3A_1696 = vector.broadcast %sub3A_1695 : f32 to vector<16xf32>
      %sub3A_1697 = arith.subf %sub3A_1696, %mul3A_1694 : vector<16xf32>
      %mul3A_1698 = arith.mulf %bitcast_convert_type3A_1689, %sub3A_1697 : vector<16xf32>
      %mul3A_1699 = arith.constant 5.000000e-01 : f32
      %mul3A_1700 = vector.broadcast %mul3A_1699 : f32 to vector<16xf32>
      %mul3A_1701 = arith.mulf %mul3A_1700, %max3A_1681 : vector<16xf32>
      %mul3A_1702 = arith.mulf %mul3A_1701, %mul3A_1698 : vector<16xf32>
      %mul3A_1703 = arith.mulf %mul3A_1702, %mul3A_1698 : vector<16xf32>
      %sub3A_1704 = arith.constant 1.500000e+00 : f32
      %sub3A_1705 = vector.broadcast %sub3A_1704 : f32 to vector<16xf32>
      %sub3A_1706 = arith.subf %sub3A_1705, %mul3A_1703 : vector<16xf32>
      %mul3A_1707 = arith.mulf %mul3A_1698, %sub3A_1706 : vector<16xf32>
      %mul3A_1708 = arith.constant 5.000000e-01 : f32
      %mul3A_1709 = vector.broadcast %mul3A_1708 : f32 to vector<16xf32>
      %mul3A_1710 = arith.mulf %mul3A_1709, %max3A_1681 : vector<16xf32>
      %mul3A_1711 = arith.mulf %mul3A_1710, %mul3A_1707 : vector<16xf32>
      %mul3A_1712 = arith.mulf %mul3A_1711, %mul3A_1707 : vector<16xf32>
      %sub3A_1713 = arith.constant 1.500000e+00 : f32
      %sub3A_1714 = vector.broadcast %sub3A_1713 : f32 to vector<16xf32>
      %sub3A_1715 = arith.subf %sub3A_1714, %mul3A_1712 : vector<16xf32>
      %mul3A_1716 = arith.mulf %mul3A_1707, %sub3A_1715 : vector<16xf32>
      %mul3A_1717 = arith.mulf %max3A_1681, %mul3A_1716 : vector<16xf32>
      %mul3A_1718 = arith.mulf %mul3A_1717, %get3A_1670 : vector<16xf32>
      %add3A_1719 = arith.addf %add3A_1199, %mul3A_1718 : vector<16xf32>
      %add3A_1720 = arith.addf %add3A_1200, %get3A_1670 : vector<16xf32>
      %add3A_1721 = arith.constant 112 : i32
      %add3A_1722 = arith.addi %shift_left3A_816, %add3A_1721 : i32
      %multiple_of3A_1723 = tpu.assume_multiple %add3A_1722, 16 : i32
      %get3A_1724 = arith.constant 0 : i32
      %get3A_1725 = arith.constant 0 : i32
      %get3A_1726 = arith.constant 0 : i32
      %get3A_1727 = arith.constant 0 : i32
      %get3A_1728 = tpu.memref_slice %arg7[%scan3A, %get3A_1725, %get3A_1726, %get3A_1727] : memref<2x7x16x512xf32, #tpu.memory_space<vmem>> -> memref<1x7x16x512xf32, #tpu.memory_space<vmem>>
      %get3A_1729 = tpu.memref_squeeze %get3A_1728 : memref<1x7x16x512xf32, #tpu.memory_space<vmem>> -> memref<7x16x512xf32, #tpu.memory_space<vmem>>
      %get3A_1730 = arith.index_cast %get3A_1724 : i32 to index
      %get3A_1731 = arith.index_cast %add3A_812 : i32 to index
      %get3A_1732 = arith.index_cast %multiple_of3A_1723 : i32 to index
      %get3A_1733 = tpu.vector_load %get3A_1729[%get3A_1730, %get3A_1731, %get3A_1732] {strides = array<i32>} : memref<7x16x512xf32, #tpu.memory_space<vmem>>, vector<1x1x16xf32>,
      %get3A_1734 = vector.shape_cast %get3A_1733 : vector<1x1x16xf32> to vector<16xf32>
      %get3A_1735 = arith.constant 1 : i32
      %get3A_1736 = arith.constant 0 : i32
      %get3A_1737 = arith.constant 0 : i32
      %get3A_1738 = arith.constant 0 : i32
      %get3A_1739 = tpu.memref_slice %arg7[%scan3A, %get3A_1736, %get3A_1737, %get3A_1738] : memref<2x7x16x512xf32, #tpu.memory_space<vmem>> -> memref<1x7x16x512xf32, #tpu.memory_space<vmem>>
      %get3A_1740 = tpu.memref_squeeze %get3A_1739 : memref<1x7x16x512xf32, #tpu.memory_space<vmem>> -> memref<7x16x512xf32, #tpu.memory_space<vmem>>
      %get3A_1741 = arith.index_cast %get3A_1735 : i32 to index
      %get3A_1742 = arith.index_cast %add3A_812 : i32 to index
      %get3A_1743 = arith.index_cast %multiple_of3A_1723 : i32 to index
      %get3A_1744 = tpu.vector_load %get3A_1740[%get3A_1741, %get3A_1742, %get3A_1743] {strides = array<i32>} : memref<7x16x512xf32, #tpu.memory_space<vmem>>, vector<1x1x16xf32>,
      %get3A_1745 = vector.shape_cast %get3A_1744 : vector<1x1x16xf32> to vector<16xf32>
      %get3A_1746 = arith.constant 2 : i32
      %get3A_1747 = arith.constant 0 : i32
      %get3A_1748 = arith.constant 0 : i32
      %get3A_1749 = arith.constant 0 : i32
      %get3A_1750 = tpu.memref_slice %arg7[%scan3A, %get3A_1747, %get3A_1748, %get3A_1749] : memref<2x7x16x512xf32, #tpu.memory_space<vmem>> -> memref<1x7x16x512xf32, #tpu.memory_space<vmem>>
      %get3A_1751 = tpu.memref_squeeze %get3A_1750 : memref<1x7x16x512xf32, #tpu.memory_space<vmem>> -> memref<7x16x512xf32, #tpu.memory_space<vmem>>
      %get3A_1752 = arith.index_cast %get3A_1746 : i32 to index
      %get3A_1753 = arith.index_cast %add3A_812 : i32 to index
      %get3A_1754 = arith.index_cast %multiple_of3A_1723 : i32 to index
      %get3A_1755 = tpu.vector_load %get3A_1751[%get3A_1752, %get3A_1753, %get3A_1754] {strides = array<i32>} : memref<7x16x512xf32, #tpu.memory_space<vmem>>, vector<1x1x16xf32>,
      %get3A_1756 = vector.shape_cast %get3A_1755 : vector<1x1x16xf32> to vector<16xf32>
      %get3A_1757 = arith.constant 3 : i32
      %get3A_1758 = arith.constant 0 : i32
      %get3A_1759 = arith.constant 0 : i32
      %get3A_1760 = arith.constant 0 : i32
      %get3A_1761 = tpu.memref_slice %arg7[%scan3A, %get3A_1758, %get3A_1759, %get3A_1760] : memref<2x7x16x512xf32, #tpu.memory_space<vmem>> -> memref<1x7x16x512xf32, #tpu.memory_space<vmem>>
      %get3A_1762 = tpu.memref_squeeze %get3A_1761 : memref<1x7x16x512xf32, #tpu.memory_space<vmem>> -> memref<7x16x512xf32, #tpu.memory_space<vmem>>
      %get3A_1763 = arith.index_cast %get3A_1757 : i32 to index
      %get3A_1764 = arith.index_cast %add3A_812 : i32 to index
      %get3A_1765 = arith.index_cast %multiple_of3A_1723 : i32 to index
      %get3A_1766 = tpu.vector_load %get3A_1762[%get3A_1763, %get3A_1764, %get3A_1765] {strides = array<i32>} : memref<7x16x512xf32, #tpu.memory_space<vmem>>, vector<1x1x16xf32>,
      %get3A_1767 = vector.shape_cast %get3A_1766 : vector<1x1x16xf32> to vector<16xf32>
      %get3A_1768 = arith.constant 4 : i32
      %get3A_1769 = arith.constant 0 : i32
      %get3A_1770 = arith.constant 0 : i32
      %get3A_1771 = arith.constant 0 : i32
      %get3A_1772 = tpu.memref_slice %arg7[%scan3A, %get3A_1769, %get3A_1770, %get3A_1771] : memref<2x7x16x512xf32, #tpu.memory_space<vmem>> -> memref<1x7x16x512xf32, #tpu.memory_space<vmem>>
      %get3A_1773 = tpu.memref_squeeze %get3A_1772 : memref<1x7x16x512xf32, #tpu.memory_space<vmem>> -> memref<7x16x512xf32, #tpu.memory_space<vmem>>
      %get3A_1774 = arith.index_cast %get3A_1768 : i32 to index
      %get3A_1775 = arith.index_cast %add3A_812 : i32 to index
      %get3A_1776 = arith.index_cast %multiple_of3A_1723 : i32 to index
      %get3A_1777 = tpu.vector_load %get3A_1773[%get3A_1774, %get3A_1775, %get3A_1776] {strides = array<i32>} : memref<7x16x512xf32, #tpu.memory_space<vmem>>, vector<1x1x16xf32>,
      %get3A_1778 = vector.shape_cast %get3A_1777 : vector<1x1x16xf32> to vector<16xf32>
      %get3A_1779 = arith.constant 5 : i32
      %get3A_1780 = arith.constant 0 : i32
      %get3A_1781 = arith.constant 0 : i32
      %get3A_1782 = arith.constant 0 : i32
      %get3A_1783 = tpu.memref_slice %arg7[%scan3A, %get3A_1780, %get3A_1781, %get3A_1782] : memref<2x7x16x512xf32, #tpu.memory_space<vmem>> -> memref<1x7x16x512xf32, #tpu.memory_space<vmem>>
      %get3A_1784 = tpu.memref_squeeze %get3A_1783 : memref<1x7x16x512xf32, #tpu.memory_space<vmem>> -> memref<7x16x512xf32, #tpu.memory_space<vmem>>
      %get3A_1785 = arith.index_cast %get3A_1779 : i32 to index
      %get3A_1786 = arith.index_cast %add3A_812 : i32 to index
      %get3A_1787 = arith.index_cast %multiple_of3A_1723 : i32 to index
      %get3A_1788 = tpu.vector_load %get3A_1784[%get3A_1785, %get3A_1786, %get3A_1787] {strides = array<i32>} : memref<7x16x512xf32, #tpu.memory_space<vmem>>, vector<1x1x16xf32>,
      %get3A_1789 = vector.shape_cast %get3A_1788 : vector<1x1x16xf32> to vector<16xf32>
      %get3A_1790 = arith.constant 6 : i32
      %get3A_1791 = arith.constant 0 : i32
      %get3A_1792 = arith.constant 0 : i32
      %get3A_1793 = arith.constant 0 : i32
      %get3A_1794 = tpu.memref_slice %arg7[%scan3A, %get3A_1791, %get3A_1792, %get3A_1793] : memref<2x7x16x512xf32, #tpu.memory_space<vmem>> -> memref<1x7x16x512xf32, #tpu.memory_space<vmem>>
      %get3A_1795 = tpu.memref_squeeze %get3A_1794 : memref<1x7x16x512xf32, #tpu.memory_space<vmem>> -> memref<7x16x512xf32, #tpu.memory_space<vmem>>
      %get3A_1796 = arith.index_cast %get3A_1790 : i32 to index
      %get3A_1797 = arith.index_cast %add3A_812 : i32 to index
      %get3A_1798 = arith.index_cast %multiple_of3A_1723 : i32 to index
      %get3A_1799 = tpu.vector_load %get3A_1795[%get3A_1796, %get3A_1797, %get3A_1798] {strides = array<i32>} : memref<7x16x512xf32, #tpu.memory_space<vmem>>, vector<1x1x16xf32>,
      %get3A_1800 = vector.shape_cast %get3A_1799 : vector<1x1x16xf32> to vector<16xf32>
      %sub3A_1801 = arith.subf %get3A_1767, %get3A_1734 : vector<16xf32>
      %sub3A_1802 = arith.subf %get3A_1778, %get3A_1745 : vector<16xf32>
      %sub3A_1803 = arith.subf %get3A_1789, %get3A_1756 : vector<16xf32>
      %mul3A_1804 = arith.mulf %sub3A_1801, %sub3A_1801 : vector<16xf32>
      %mul3A_1805 = arith.mulf %sub3A_1802, %sub3A_1802 : vector<16xf32>
      %add3A_1806 = arith.addf %mul3A_1804, %mul3A_1805 : vector<16xf32>
      %mul3A_1807 = arith.mulf %sub3A_1803, %sub3A_1803 : vector<16xf32>
      %add3A_1808 = arith.addf %add3A_1806, %mul3A_1807 : vector<16xf32>
      %max3A_1809 = arith.constant 1.000000e-24 : f32
      %max3A_1810 = vector.broadcast %max3A_1809 : f32 to vector<16xf32>
      %max3A_1811 = arith.maximumf %add3A_1808, %max3A_1810 : vector<16xf32>
      %bitcast_convert_type3A_1812 = tpu.bitcast %max3A_1811 : vector<16xf32> -> vector<16xi32>
      %shift_right_logical3A_1813 = arith.constant 1 : i32
      %shift_right_logical3A_1814 = vector.broadcast %shift_right_logical3A_1813 : i32 to vector<16xi32>
      %shift_right_logical3A_1815 = arith.shrui %bitcast_convert_type3A_1812, %shift_right_logical3A_1814 : vector<16xi32>
      %sub3A_1816 = arith.constant 1597463007 : i32
      %sub3A_1817 = vector.broadcast %sub3A_1816 : i32 to vector<16xi32>
      %sub3A_1818 = arith.subi %sub3A_1817, %shift_right_logical3A_1815 : vector<16xi32>
      %bitcast_convert_type3A_1819 = tpu.bitcast %sub3A_1818 : vector<16xi32> -> vector<16xf32>
      %mul3A_1820 = arith.constant 5.000000e-01 : f32
      %mul3A_1821 = vector.broadcast %mul3A_1820 : f32 to vector<16xf32>
      %mul3A_1822 = arith.mulf %mul3A_1821, %max3A_1811 : vector<16xf32>
      %mul3A_1823 = arith.mulf %mul3A_1822, %bitcast_convert_type3A_1819 : vector<16xf32>
      %mul3A_1824 = arith.mulf %mul3A_1823, %bitcast_convert_type3A_1819 : vector<16xf32>
      %sub3A_1825 = arith.constant 1.500000e+00 : f32
      %sub3A_1826 = vector.broadcast %sub3A_1825 : f32 to vector<16xf32>
      %sub3A_1827 = arith.subf %sub3A_1826, %mul3A_1824 : vector<16xf32>
      %mul3A_1828 = arith.mulf %bitcast_convert_type3A_1819, %sub3A_1827 : vector<16xf32>
      %mul3A_1829 = arith.constant 5.000000e-01 : f32
      %mul3A_1830 = vector.broadcast %mul3A_1829 : f32 to vector<16xf32>
      %mul3A_1831 = arith.mulf %mul3A_1830, %max3A_1811 : vector<16xf32>
      %mul3A_1832 = arith.mulf %mul3A_1831, %mul3A_1828 : vector<16xf32>
      %mul3A_1833 = arith.mulf %mul3A_1832, %mul3A_1828 : vector<16xf32>
      %sub3A_1834 = arith.constant 1.500000e+00 : f32
      %sub3A_1835 = vector.broadcast %sub3A_1834 : f32 to vector<16xf32>
      %sub3A_1836 = arith.subf %sub3A_1835, %mul3A_1833 : vector<16xf32>
      %mul3A_1837 = arith.mulf %mul3A_1828, %sub3A_1836 : vector<16xf32>
      %mul3A_1838 = arith.constant 5.000000e-01 : f32
      %mul3A_1839 = vector.broadcast %mul3A_1838 : f32 to vector<16xf32>
      %mul3A_1840 = arith.mulf %mul3A_1839, %max3A_1811 : vector<16xf32>
      %mul3A_1841 = arith.mulf %mul3A_1840, %mul3A_1837 : vector<16xf32>
      %mul3A_1842 = arith.mulf %mul3A_1841, %mul3A_1837 : vector<16xf32>
      %sub3A_1843 = arith.constant 1.500000e+00 : f32
      %sub3A_1844 = vector.broadcast %sub3A_1843 : f32 to vector<16xf32>
      %sub3A_1845 = arith.subf %sub3A_1844, %mul3A_1842 : vector<16xf32>
      %mul3A_1846 = arith.mulf %mul3A_1837, %sub3A_1845 : vector<16xf32>
      %mul3A_1847 = arith.mulf %max3A_1811, %mul3A_1846 : vector<16xf32>
      %mul3A_1848 = arith.mulf %mul3A_1847, %get3A_1800 : vector<16xf32>
      %add3A_1849 = arith.addf %add3A_1329, %mul3A_1848 : vector<16xf32>
      %add3A_1850 = arith.addf %add3A_1330, %get3A_1800 : vector<16xf32>
      scf.yield %add3A_1459, %add3A_1589, %add3A_1719, %add3A_1849, %add3A_1460, %add3A_1590, %add3A_1720, %add3A_1850 : vector<16xf32>, vector<16xf32>, vector<16xf32>, vector<16xf32>, vector<16xf32>, vector<16xf32>, vector<16xf32>, vector<16xf32>
    }
    %scan3A_588 = arith.constant 64 : i32
    %dma_wait3A_589 = arith.constant 21 : i32
    %dma_wait3A_590 = arith.constant 1 : i32
    %dma_wait3A_591 = arith.constant 0 : i32
    %dma_wait3A_592 = arith.constant 0 : i32
    %dma_wait3A_593 = arith.constant 0 : i32
    %dma_wait3A_594 = arith.constant 0 : i32
    %dma_wait3A_595 = tpu.memref_slice %arg7[%dma_wait3A_590, %dma_wait3A_592, %dma_wait3A_593, %dma_wait3A_594] : memref<2x7x16x512xf32, #tpu.memory_space<vmem>> -> memref<1x7x16x512xf32, #tpu.memory_space<vmem>>
    %dma_wait3A_596 = tpu.memref_squeeze %dma_wait3A_595 : memref<1x7x16x512xf32, #tpu.memory_space<vmem>> -> memref<7x16x512xf32, #tpu.memory_space<vmem>>
    %dma_wait3A_597 = arith.constant 0 : i32
    %dma_wait3A_598 = arith.constant 0 : i32
    %dma_wait3A_599 = tpu.memref_slice %dma_wait3A_596[%dma_wait3A_591, %dma_wait3A_597, %dma_wait3A_598] : memref<7x16x512xf32, #tpu.memory_space<vmem>> -> memref<1x16x512xf32, #tpu.memory_space<vmem>>
    %dma_wait3A_600 = tpu.memref_squeeze %dma_wait3A_599 : memref<1x16x512xf32, #tpu.memory_space<vmem>> -> memref<16x512xf32, #tpu.memory_space<vmem>>
    %dma_wait3A_601 = arith.constant 0 : i32
    %dma_wait3A_602 = tpu.memref_slice %arg2[%dma_wait3A_589, %mul3A_2, %dma_wait3A_601] : memref<24x512x512xf32, #tpu.memory_space<hbm>> -> memref<1x16x512xf32, #tpu.memory_space<hbm>>
    %dma_wait3A_603 = tpu.memref_squeeze %dma_wait3A_602 : memref<1x16x512xf32, #tpu.memory_space<hbm>> -> memref<16x512xf32, #tpu.memory_space<hbm>>
    %dma_wait3A_604 = arith.constant 0 : i32
    %dma_wait3A_605 = arith.constant 0 : i32
    %dma_wait3A_606 = arith.constant 0 : i32
    %dma_wait3A_607 = tpu.memref_slice %arg7[%dma_wait3A_590, %dma_wait3A_604, %dma_wait3A_605, %dma_wait3A_606] : memref<2x7x16x512xf32, #tpu.memory_space<vmem>> -> memref<1x7x16x512xf32, #tpu.memory_space<vmem>>
    %dma_wait3A_608 = tpu.memref_squeeze %dma_wait3A_607 : memref<1x7x16x512xf32, #tpu.memory_space<vmem>> -> memref<7x16x512xf32, #tpu.memory_space<vmem>>
    %dma_wait3A_609 = arith.constant 0 : i32
    %dma_wait3A_610 = arith.constant 0 : i32
    %dma_wait3A_611 = tpu.memref_slice %dma_wait3A_608[%dma_wait3A_591, %dma_wait3A_609, %dma_wait3A_610] : memref<7x16x512xf32, #tpu.memory_space<vmem>> -> memref<1x16x512xf32, #tpu.memory_space<vmem>>
    %dma_wait3A_612 = tpu.memref_squeeze %dma_wait3A_611 : memref<1x16x512xf32, #tpu.memory_space<vmem>> -> memref<16x512xf32, #tpu.memory_space<vmem>>
    %dma_wait3A_613 = arith.constant 0 : i32
    %dma_wait3A_614 = tpu.memref_slice %arg2[%dma_wait3A_589, %mul3A_2, %dma_wait3A_613] : memref<24x512x512xf32, #tpu.memory_space<hbm>> -> memref<1x16x512xf32, #tpu.memory_space<hbm>>
    %dma_wait3A_615 = tpu.memref_squeeze %dma_wait3A_614 : memref<1x16x512xf32, #tpu.memory_space<hbm>> -> memref<16x512xf32, #tpu.memory_space<hbm>>
    tpu.wait_dma2 semaphore(%arg11 : memref<!tpu.dma_semaphore, #tpu.memory_space<semaphore_mem>>) src(%dma_wait3A_615 : memref<16x512xf32, #tpu.memory_space<hbm>>) dst(%dma_wait3A_612 : memref<16x512xf32, #tpu.memory_space<vmem>>)
    %dma_wait3A_616 = arith.constant 21 : i32
    %dma_wait3A_617 = arith.constant 1 : i32
    %dma_wait3A_618 = arith.constant 3 : i32
    %dma_wait3A_619 = arith.constant 0 : i32
    %dma_wait3A_620 = arith.constant 0 : i32
    %dma_wait3A_621 = arith.constant 0 : i32
    %dma_wait3A_622 = tpu.memref_slice %arg7[%dma_wait3A_617, %dma_wait3A_619, %dma_wait3A_620, %dma_wait3A_621] : memref<2x7x16x512xf32, #tpu.memory_space<vmem>> -> memref<1x7x16x512xf32, #tpu.memory_space<vmem>>
    %dma_wait3A_623 = tpu.memref_squeeze %dma_wait3A_622 : memref<1x7x16x512xf32, #tpu.memory_space<vmem>> -> memref<7x16x512xf32, #tpu.memory_space<vmem>>
    %dma_wait3A_624 = arith.constant 0 : i32
    %dma_wait3A_625 = arith.constant 0 : i32
    %dma_wait3A_626 = tpu.memref_slice %dma_wait3A_623[%dma_wait3A_618, %dma_wait3A_624, %dma_wait3A_625] : memref<7x16x512xf32, #tpu.memory_space<vmem>> -> memref<1x16x512xf32, #tpu.memory_space<vmem>>
    %dma_wait3A_627 = tpu.memref_squeeze %dma_wait3A_626 : memref<1x16x512xf32, #tpu.memory_space<vmem>> -> memref<16x512xf32, #tpu.memory_space<vmem>>
    %dma_wait3A_628 = arith.constant 0 : i32
    %dma_wait3A_629 = tpu.memref_slice %arg3[%dma_wait3A_616, %mul3A_2, %dma_wait3A_628] : memref<24x512x512xf32, #tpu.memory_space<hbm>> -> memref<1x16x512xf32, #tpu.memory_space<hbm>>
    %dma_wait3A_630 = tpu.memref_squeeze %dma_wait3A_629 : memref<1x16x512xf32, #tpu.memory_space<hbm>> -> memref<16x512xf32, #tpu.memory_space<hbm>>
    %dma_wait3A_631 = arith.constant 0 : i32
    %dma_wait3A_632 = arith.constant 0 : i32
    %dma_wait3A_633 = arith.constant 0 : i32
    %dma_wait3A_634 = tpu.memref_slice %arg7[%dma_wait3A_617, %dma_wait3A_631, %dma_wait3A_632, %dma_wait3A_633] : memref<2x7x16x512xf32, #tpu.memory_space<vmem>> -> memref<1x7x16x512xf32, #tpu.memory_space<vmem>>
    %dma_wait3A_635 = tpu.memref_squeeze %dma_wait3A_634 : memref<1x7x16x512xf32, #tpu.memory_space<vmem>> -> memref<7x16x512xf32, #tpu.memory_space<vmem>>
    %dma_wait3A_636 = arith.constant 0 : i32
    %dma_wait3A_637 = arith.constant 0 : i32
    %dma_wait3A_638 = tpu.memref_slice %dma_wait3A_635[%dma_wait3A_618, %dma_wait3A_636, %dma_wait3A_637] : memref<7x16x512xf32, #tpu.memory_space<vmem>> -> memref<1x16x512xf32, #tpu.memory_space<vmem>>
    %dma_wait3A_639 = tpu.memref_squeeze %dma_wait3A_638 : memref<1x16x512xf32, #tpu.memory_space<vmem>> -> memref<16x512xf32, #tpu.memory_space<vmem>>
    %dma_wait3A_640 = arith.constant 0 : i32
    %dma_wait3A_641 = tpu.memref_slice %arg3[%dma_wait3A_616, %mul3A_2, %dma_wait3A_640] : memref<24x512x512xf32, #tpu.memory_space<hbm>> -> memref<1x16x512xf32, #tpu.memory_space<hbm>>
    %dma_wait3A_642 = tpu.memref_squeeze %dma_wait3A_641 : memref<1x16x512xf32, #tpu.memory_space<hbm>> -> memref<16x512xf32, #tpu.memory_space<hbm>>
    tpu.wait_dma2 semaphore(%arg11 : memref<!tpu.dma_semaphore, #tpu.memory_space<semaphore_mem>>) src(%dma_wait3A_642 : memref<16x512xf32, #tpu.memory_space<hbm>>) dst(%dma_wait3A_639 : memref<16x512xf32, #tpu.memory_space<vmem>>)
    %dma_wait3A_643 = arith.constant 22 : i32
    %dma_wait3A_644 = arith.constant 1 : i32
    %dma_wait3A_645 = arith.constant 1 : i32
    %dma_wait3A_646 = arith.constant 0 : i32
    %dma_wait3A_647 = arith.constant 0 : i32
    %dma_wait3A_648 = arith.constant 0 : i32
    %dma_wait3A_649 = tpu.memref_slice %arg7[%dma_wait3A_644, %dma_wait3A_646, %dma_wait3A_647, %dma_wait3A_648] : memref<2x7x16x512xf32, #tpu.memory_space<vmem>> -> memref<1x7x16x512xf32, #tpu.memory_space<vmem>>
    %dma_wait3A_650 = tpu.memref_squeeze %dma_wait3A_649 : memref<1x7x16x512xf32, #tpu.memory_space<vmem>> -> memref<7x16x512xf32, #tpu.memory_space<vmem>>
    %dma_wait3A_651 = arith.constant 0 : i32
    %dma_wait3A_652 = arith.constant 0 : i32
    %dma_wait3A_653 = tpu.memref_slice %dma_wait3A_650[%dma_wait3A_645, %dma_wait3A_651, %dma_wait3A_652] : memref<7x16x512xf32, #tpu.memory_space<vmem>> -> memref<1x16x512xf32, #tpu.memory_space<vmem>>
    %dma_wait3A_654 = tpu.memref_squeeze %dma_wait3A_653 : memref<1x16x512xf32, #tpu.memory_space<vmem>> -> memref<16x512xf32, #tpu.memory_space<vmem>>
    %dma_wait3A_655 = arith.constant 0 : i32
    %dma_wait3A_656 = tpu.memref_slice %arg2[%dma_wait3A_643, %mul3A_2, %dma_wait3A_655] : memref<24x512x512xf32, #tpu.memory_space<hbm>> -> memref<1x16x512xf32, #tpu.memory_space<hbm>>
    %dma_wait3A_657 = tpu.memref_squeeze %dma_wait3A_656 : memref<1x16x512xf32, #tpu.memory_space<hbm>> -> memref<16x512xf32, #tpu.memory_space<hbm>>
    %dma_wait3A_658 = arith.constant 0 : i32
    %dma_wait3A_659 = arith.constant 0 : i32
    %dma_wait3A_660 = arith.constant 0 : i32
    %dma_wait3A_661 = tpu.memref_slice %arg7[%dma_wait3A_644, %dma_wait3A_658, %dma_wait3A_659, %dma_wait3A_660] : memref<2x7x16x512xf32, #tpu.memory_space<vmem>> -> memref<1x7x16x512xf32, #tpu.memory_space<vmem>>
    %dma_wait3A_662 = tpu.memref_squeeze %dma_wait3A_661 : memref<1x7x16x512xf32, #tpu.memory_space<vmem>> -> memref<7x16x512xf32, #tpu.memory_space<vmem>>
    %dma_wait3A_663 = arith.constant 0 : i32
    %dma_wait3A_664 = arith.constant 0 : i32
    %dma_wait3A_665 = tpu.memref_slice %dma_wait3A_662[%dma_wait3A_645, %dma_wait3A_663, %dma_wait3A_664] : memref<7x16x512xf32, #tpu.memory_space<vmem>> -> memref<1x16x512xf32, #tpu.memory_space<vmem>>
    %dma_wait3A_666 = tpu.memref_squeeze %dma_wait3A_665 : memref<1x16x512xf32, #tpu.memory_space<vmem>> -> memref<16x512xf32, #tpu.memory_space<vmem>>
    %dma_wait3A_667 = arith.constant 0 : i32
    %dma_wait3A_668 = tpu.memref_slice %arg2[%dma_wait3A_643, %mul3A_2, %dma_wait3A_667] : memref<24x512x512xf32, #tpu.memory_space<hbm>> -> memref<1x16x512xf32, #tpu.memory_space<hbm>>
    %dma_wait3A_669 = tpu.memref_squeeze %dma_wait3A_668 : memref<1x16x512xf32, #tpu.memory_space<hbm>> -> memref<16x512xf32, #tpu.memory_space<hbm>>
    tpu.wait_dma2 semaphore(%arg11 : memref<!tpu.dma_semaphore, #tpu.memory_space<semaphore_mem>>) src(%dma_wait3A_669 : memref<16x512xf32, #tpu.memory_space<hbm>>) dst(%dma_wait3A_666 : memref<16x512xf32, #tpu.memory_space<vmem>>)
    %dma_wait3A_670 = arith.constant 22 : i32
    %dma_wait3A_671 = arith.constant 1 : i32
    %dma_wait3A_672 = arith.constant 4 : i32
    %dma_wait3A_673 = arith.constant 0 : i32
    %dma_wait3A_674 = arith.constant 0 : i32
    %dma_wait3A_675 = arith.constant 0 : i32
    %dma_wait3A_676 = tpu.memref_slice %arg7[%dma_wait3A_671, %dma_wait3A_673, %dma_wait3A_674, %dma_wait3A_675] : memref<2x7x16x512xf32, #tpu.memory_space<vmem>> -> memref<1x7x16x512xf32, #tpu.memory_space<vmem>>
    %dma_wait3A_677 = tpu.memref_squeeze %dma_wait3A_676 : memref<1x7x16x512xf32, #tpu.memory_space<vmem>> -> memref<7x16x512xf32, #tpu.memory_space<vmem>>
    %dma_wait3A_678 = arith.constant 0 : i32
    %dma_wait3A_679 = arith.constant 0 : i32
    %dma_wait3A_680 = tpu.memref_slice %dma_wait3A_677[%dma_wait3A_672, %dma_wait3A_678, %dma_wait3A_679] : memref<7x16x512xf32, #tpu.memory_space<vmem>> -> memref<1x16x512xf32, #tpu.memory_space<vmem>>
    %dma_wait3A_681 = tpu.memref_squeeze %dma_wait3A_680 : memref<1x16x512xf32, #tpu.memory_space<vmem>> -> memref<16x512xf32, #tpu.memory_space<vmem>>
    %dma_wait3A_682 = arith.constant 0 : i32
    %dma_wait3A_683 = tpu.memref_slice %arg3[%dma_wait3A_670, %mul3A_2, %dma_wait3A_682] : memref<24x512x512xf32, #tpu.memory_space<hbm>> -> memref<1x16x512xf32, #tpu.memory_space<hbm>>
    %dma_wait3A_684 = tpu.memref_squeeze %dma_wait3A_683 : memref<1x16x512xf32, #tpu.memory_space<hbm>> -> memref<16x512xf32, #tpu.memory_space<hbm>>
    %dma_wait3A_685 = arith.constant 0 : i32
    %dma_wait3A_686 = arith.constant 0 : i32
    %dma_wait3A_687 = arith.constant 0 : i32
    %dma_wait3A_688 = tpu.memref_slice %arg7[%dma_wait3A_671, %dma_wait3A_685, %dma_wait3A_686, %dma_wait3A_687] : memref<2x7x16x512xf32, #tpu.memory_space<vmem>> -> memref<1x7x16x512xf32, #tpu.memory_space<vmem>>
    %dma_wait3A_689 = tpu.memref_squeeze %dma_wait3A_688 : memref<1x7x16x512xf32, #tpu.memory_space<vmem>> -> memref<7x16x512xf32, #tpu.memory_space<vmem>>
    %dma_wait3A_690 = arith.constant 0 : i32
    %dma_wait3A_691 = arith.constant 0 : i32
    %dma_wait3A_692 = tpu.memref_slice %dma_wait3A_689[%dma_wait3A_672, %dma_wait3A_690, %dma_wait3A_691] : memref<7x16x512xf32, #tpu.memory_space<vmem>> -> memref<1x16x512xf32, #tpu.memory_space<vmem>>
    %dma_wait3A_693 = tpu.memref_squeeze %dma_wait3A_692 : memref<1x16x512xf32, #tpu.memory_space<vmem>> -> memref<16x512xf32, #tpu.memory_space<vmem>>
    %dma_wait3A_694 = arith.constant 0 : i32
    %dma_wait3A_695 = tpu.memref_slice %arg3[%dma_wait3A_670, %mul3A_2, %dma_wait3A_694] : memref<24x512x512xf32, #tpu.memory_space<hbm>> -> memref<1x16x512xf32, #tpu.memory_space<hbm>>
    %dma_wait3A_696 = tpu.memref_squeeze %dma_wait3A_695 : memref<1x16x512xf32, #tpu.memory_space<hbm>> -> memref<16x512xf32, #tpu.memory_space<hbm>>
    tpu.wait_dma2 semaphore(%arg11 : memref<!tpu.dma_semaphore, #tpu.memory_space<semaphore_mem>>) src(%dma_wait3A_696 : memref<16x512xf32, #tpu.memory_space<hbm>>) dst(%dma_wait3A_693 : memref<16x512xf32, #tpu.memory_space<vmem>>)
    %dma_wait3A_697 = arith.constant 23 : i32
    %dma_wait3A_698 = arith.constant 1 : i32
    %dma_wait3A_699 = arith.constant 2 : i32
    %dma_wait3A_700 = arith.constant 0 : i32
    %dma_wait3A_701 = arith.constant 0 : i32
    %dma_wait3A_702 = arith.constant 0 : i32
    %dma_wait3A_703 = tpu.memref_slice %arg7[%dma_wait3A_698, %dma_wait3A_700, %dma_wait3A_701, %dma_wait3A_702] : memref<2x7x16x512xf32, #tpu.memory_space<vmem>> -> memref<1x7x16x512xf32, #tpu.memory_space<vmem>>
    %dma_wait3A_704 = tpu.memref_squeeze %dma_wait3A_703 : memref<1x7x16x512xf32, #tpu.memory_space<vmem>> -> memref<7x16x512xf32, #tpu.memory_space<vmem>>
    %dma_wait3A_705 = arith.constant 0 : i32
    %dma_wait3A_706 = arith.constant 0 : i32
    %dma_wait3A_707 = tpu.memref_slice %dma_wait3A_704[%dma_wait3A_699, %dma_wait3A_705, %dma_wait3A_706] : memref<7x16x512xf32, #tpu.memory_space<vmem>> -> memref<1x16x512xf32, #tpu.memory_space<vmem>>
    %dma_wait3A_708 = tpu.memref_squeeze %dma_wait3A_707 : memref<1x16x512xf32, #tpu.memory_space<vmem>> -> memref<16x512xf32, #tpu.memory_space<vmem>>
    %dma_wait3A_709 = arith.constant 0 : i32
    %dma_wait3A_710 = tpu.memref_slice %arg2[%dma_wait3A_697, %mul3A_2, %dma_wait3A_709] : memref<24x512x512xf32, #tpu.memory_space<hbm>> -> memref<1x16x512xf32, #tpu.memory_space<hbm>>
    %dma_wait3A_711 = tpu.memref_squeeze %dma_wait3A_710 : memref<1x16x512xf32, #tpu.memory_space<hbm>> -> memref<16x512xf32, #tpu.memory_space<hbm>>
    %dma_wait3A_712 = arith.constant 0 : i32
    %dma_wait3A_713 = arith.constant 0 : i32
    %dma_wait3A_714 = arith.constant 0 : i32
    %dma_wait3A_715 = tpu.memref_slice %arg7[%dma_wait3A_698, %dma_wait3A_712, %dma_wait3A_713, %dma_wait3A_714] : memref<2x7x16x512xf32, #tpu.memory_space<vmem>> -> memref<1x7x16x512xf32, #tpu.memory_space<vmem>>
    %dma_wait3A_716 = tpu.memref_squeeze %dma_wait3A_715 : memref<1x7x16x512xf32, #tpu.memory_space<vmem>> -> memref<7x16x512xf32, #tpu.memory_space<vmem>>
    %dma_wait3A_717 = arith.constant 0 : i32
    %dma_wait3A_718 = arith.constant 0 : i32
    %dma_wait3A_719 = tpu.memref_slice %dma_wait3A_716[%dma_wait3A_699, %dma_wait3A_717, %dma_wait3A_718] : memref<7x16x512xf32, #tpu.memory_space<vmem>> -> memref<1x16x512xf32, #tpu.memory_space<vmem>>
    %dma_wait3A_720 = tpu.memref_squeeze %dma_wait3A_719 : memref<1x16x512xf32, #tpu.memory_space<vmem>> -> memref<16x512xf32, #tpu.memory_space<vmem>>
    %dma_wait3A_721 = arith.constant 0 : i32
    %dma_wait3A_722 = tpu.memref_slice %arg2[%dma_wait3A_697, %mul3A_2, %dma_wait3A_721] : memref<24x512x512xf32, #tpu.memory_space<hbm>> -> memref<1x16x512xf32, #tpu.memory_space<hbm>>
    %dma_wait3A_723 = tpu.memref_squeeze %dma_wait3A_722 : memref<1x16x512xf32, #tpu.memory_space<hbm>> -> memref<16x512xf32, #tpu.memory_space<hbm>>
    tpu.wait_dma2 semaphore(%arg11 : memref<!tpu.dma_semaphore, #tpu.memory_space<semaphore_mem>>) src(%dma_wait3A_723 : memref<16x512xf32, #tpu.memory_space<hbm>>) dst(%dma_wait3A_720 : memref<16x512xf32, #tpu.memory_space<vmem>>)
    %dma_wait3A_724 = arith.constant 23 : i32
    %dma_wait3A_725 = arith.constant 1 : i32
    %dma_wait3A_726 = arith.constant 5 : i32
    %dma_wait3A_727 = arith.constant 0 : i32
    %dma_wait3A_728 = arith.constant 0 : i32
    %dma_wait3A_729 = arith.constant 0 : i32
    %dma_wait3A_730 = tpu.memref_slice %arg7[%dma_wait3A_725, %dma_wait3A_727, %dma_wait3A_728, %dma_wait3A_729] : memref<2x7x16x512xf32, #tpu.memory_space<vmem>> -> memref<1x7x16x512xf32, #tpu.memory_space<vmem>>
    %dma_wait3A_731 = tpu.memref_squeeze %dma_wait3A_730 : memref<1x7x16x512xf32, #tpu.memory_space<vmem>> -> memref<7x16x512xf32, #tpu.memory_space<vmem>>
    %dma_wait3A_732 = arith.constant 0 : i32
    %dma_wait3A_733 = arith.constant 0 : i32
    %dma_wait3A_734 = tpu.memref_slice %dma_wait3A_731[%dma_wait3A_726, %dma_wait3A_732, %dma_wait3A_733] : memref<7x16x512xf32, #tpu.memory_space<vmem>> -> memref<1x16x512xf32, #tpu.memory_space<vmem>>
    %dma_wait3A_735 = tpu.memref_squeeze %dma_wait3A_734 : memref<1x16x512xf32, #tpu.memory_space<vmem>> -> memref<16x512xf32, #tpu.memory_space<vmem>>
    %dma_wait3A_736 = arith.constant 0 : i32
    %dma_wait3A_737 = tpu.memref_slice %arg3[%dma_wait3A_724, %mul3A_2, %dma_wait3A_736] : memref<24x512x512xf32, #tpu.memory_space<hbm>> -> memref<1x16x512xf32, #tpu.memory_space<hbm>>
    %dma_wait3A_738 = tpu.memref_squeeze %dma_wait3A_737 : memref<1x16x512xf32, #tpu.memory_space<hbm>> -> memref<16x512xf32, #tpu.memory_space<hbm>>
    %dma_wait3A_739 = arith.constant 0 : i32
    %dma_wait3A_740 = arith.constant 0 : i32
    %dma_wait3A_741 = arith.constant 0 : i32
    %dma_wait3A_742 = tpu.memref_slice %arg7[%dma_wait3A_725, %dma_wait3A_739, %dma_wait3A_740, %dma_wait3A_741] : memref<2x7x16x512xf32, #tpu.memory_space<vmem>> -> memref<1x7x16x512xf32, #tpu.memory_space<vmem>>
    %dma_wait3A_743 = tpu.memref_squeeze %dma_wait3A_742 : memref<1x7x16x512xf32, #tpu.memory_space<vmem>> -> memref<7x16x512xf32, #tpu.memory_space<vmem>>
    %dma_wait3A_744 = arith.constant 0 : i32
    %dma_wait3A_745 = arith.constant 0 : i32
    %dma_wait3A_746 = tpu.memref_slice %dma_wait3A_743[%dma_wait3A_726, %dma_wait3A_744, %dma_wait3A_745] : memref<7x16x512xf32, #tpu.memory_space<vmem>> -> memref<1x16x512xf32, #tpu.memory_space<vmem>>
    %dma_wait3A_747 = tpu.memref_squeeze %dma_wait3A_746 : memref<1x16x512xf32, #tpu.memory_space<vmem>> -> memref<16x512xf32, #tpu.memory_space<vmem>>
    %dma_wait3A_748 = arith.constant 0 : i32
    %dma_wait3A_749 = tpu.memref_slice %arg3[%dma_wait3A_724, %mul3A_2, %dma_wait3A_748] : memref<24x512x512xf32, #tpu.memory_space<hbm>> -> memref<1x16x512xf32, #tpu.memory_space<hbm>>
    %dma_wait3A_750 = tpu.memref_squeeze %dma_wait3A_749 : memref<1x16x512xf32, #tpu.memory_space<hbm>> -> memref<16x512xf32, #tpu.memory_space<hbm>>
    tpu.wait_dma2 semaphore(%arg11 : memref<!tpu.dma_semaphore, #tpu.memory_space<semaphore_mem>>) src(%dma_wait3A_750 : memref<16x512xf32, #tpu.memory_space<hbm>>) dst(%dma_wait3A_747 : memref<16x512xf32, #tpu.memory_space<vmem>>)
    %dma_wait3A_751 = arith.constant 1 : i32
    %dma_wait3A_752 = arith.constant 1 : i32
    %dma_wait3A_753 = arith.constant 6 : i32
    %dma_wait3A_754 = arith.constant 0 : i32
    %dma_wait3A_755 = arith.constant 0 : i32
    %dma_wait3A_756 = arith.constant 0 : i32
    %dma_wait3A_757 = tpu.memref_slice %arg7[%dma_wait3A_752, %dma_wait3A_754, %dma_wait3A_755, %dma_wait3A_756] : memref<2x7x16x512xf32, #tpu.memory_space<vmem>> -> memref<1x7x16x512xf32, #tpu.memory_space<vmem>>
    %dma_wait3A_758 = tpu.memref_squeeze %dma_wait3A_757 : memref<1x7x16x512xf32, #tpu.memory_space<vmem>> -> memref<7x16x512xf32, #tpu.memory_space<vmem>>
    %dma_wait3A_759 = arith.constant 0 : i32
    %dma_wait3A_760 = arith.constant 0 : i32
    %dma_wait3A_761 = tpu.memref_slice %dma_wait3A_758[%dma_wait3A_753, %dma_wait3A_759, %dma_wait3A_760] : memref<7x16x512xf32, #tpu.memory_space<vmem>> -> memref<1x16x512xf32, #tpu.memory_space<vmem>>
    %dma_wait3A_762 = tpu.memref_squeeze %dma_wait3A_761 : memref<1x16x512xf32, #tpu.memory_space<vmem>> -> memref<16x512xf32, #tpu.memory_space<vmem>>
    %dma_wait3A_763 = arith.constant 0 : i32
    %dma_wait3A_764 = tpu.memref_slice %arg4[%dma_wait3A_751, %mul3A_2, %dma_wait3A_763] : memref<2x512x512xf32, #tpu.memory_space<hbm>> -> memref<1x16x512xf32, #tpu.memory_space<hbm>>
    %dma_wait3A_765 = tpu.memref_squeeze %dma_wait3A_764 : memref<1x16x512xf32, #tpu.memory_space<hbm>> -> memref<16x512xf32, #tpu.memory_space<hbm>>
    %dma_wait3A_766 = arith.constant 0 : i32
    %dma_wait3A_767 = arith.constant 0 : i32
    %dma_wait3A_768 = arith.constant 0 : i32
    %dma_wait3A_769 = tpu.memref_slice %arg7[%dma_wait3A_752, %dma_wait3A_766, %dma_wait3A_767, %dma_wait3A_768] : memref<2x7x16x512xf32, #tpu.memory_space<vmem>> -> memref<1x7x16x512xf32, #tpu.memory_space<vmem>>
    %dma_wait3A_770 = tpu.memref_squeeze %dma_wait3A_769 : memref<1x7x16x512xf32, #tpu.memory_space<vmem>> -> memref<7x16x512xf32, #tpu.memory_space<vmem>>
    %dma_wait3A_771 = arith.constant 0 : i32
    %dma_wait3A_772 = arith.constant 0 : i32
    %dma_wait3A_773 = tpu.memref_slice %dma_wait3A_770[%dma_wait3A_753, %dma_wait3A_771, %dma_wait3A_772] : memref<7x16x512xf32, #tpu.memory_space<vmem>> -> memref<1x16x512xf32, #tpu.memory_space<vmem>>
    %dma_wait3A_774 = tpu.memref_squeeze %dma_wait3A_773 : memref<1x16x512xf32, #tpu.memory_space<vmem>> -> memref<16x512xf32, #tpu.memory_space<vmem>>
    %dma_wait3A_775 = arith.constant 0 : i32
    %dma_wait3A_776 = tpu.memref_slice %arg4[%dma_wait3A_751, %mul3A_2, %dma_wait3A_775] : memref<2x512x512xf32, #tpu.memory_space<hbm>> -> memref<1x16x512xf32, #tpu.memory_space<hbm>>
    %dma_wait3A_777 = tpu.memref_squeeze %dma_wait3A_776 : memref<1x16x512xf32, #tpu.memory_space<hbm>> -> memref<16x512xf32, #tpu.memory_space<hbm>>
    tpu.wait_dma2 semaphore(%arg11 : memref<!tpu.dma_semaphore, #tpu.memory_space<semaphore_mem>>) src(%dma_wait3A_777 : memref<16x512xf32, #tpu.memory_space<hbm>>) dst(%dma_wait3A_774 : memref<16x512xf32, #tpu.memory_space<vmem>>)
    %scan3A_778 = arith.constant 1 : i32
    %scan3A_779 = arith.constant 0 : i32
    %scan3A_780 = arith.constant 64 : i32
    %scan3A_781 = arith.addi %scan3A_779, %scan3A_780 : i32
    %scan3A_782 = arith.constant 1 : i32
    %scan3A_783:8 = scf.for %scan3A_798 = %scan3A_779 to %scan3A_781 step %scan3A_782 iter_args(%scan3A_799 = %scan3A_587#0, %scan3A_800 = %scan3A_587#1, %scan3A_801 = %scan3A_587#2, %scan3A_802 = %scan3A_587#3, %scan3A_803 = %scan3A_587#4, %scan3A_804 = %scan3A_587#5, %scan3A_805 = %scan3A_587#6, %scan3A_806 = %scan3A_587#7) -> (vector<16xf32>, vector<16xf32>, vector<16xf32>, vector<16xf32>, vector<16xf32>, vector<16xf32>, vector<16xf32>, vector<16xf32>)  : i32 {
      %shift_right_arithmetic3A = arith.constant 3 : i32
      %shift_right_arithmetic3A_807 = arith.shrsi %scan3A_798, %shift_right_arithmetic3A : i32
      %and3A = arith.constant 7 : i32
      %and3A_808 = arith.andi %scan3A_798, %and3A : i32
      %shift_left3A = arith.constant 1 : i32
      %shift_left3A_809 = arith.shli %shift_right_arithmetic3A_807, %shift_left3A : i32
      %shift_right_arithmetic3A_810 = arith.constant 2 : i32
      %shift_right_arithmetic3A_811 = arith.shrsi %and3A_808, %shift_right_arithmetic3A_810 : i32
      %add3A_812 = arith.addi %shift_left3A_809, %shift_right_arithmetic3A_811 : i32
      %and3A_813 = arith.constant 3 : i32
      %and3A_814 = arith.andi %and3A_808, %and3A_813 : i32
      %shift_left3A_815 = arith.constant 7 : i32
      %shift_left3A_816 = arith.shli %and3A_814, %shift_left3A_815 : i32
      %add3A_817 = arith.constant 0 : i32
      %add3A_818 = arith.addi %shift_left3A_816, %add3A_817 : i32
      %multiple_of3A = tpu.assume_multiple %add3A_818, 16 : i32
      %get3A = arith.constant 0 : i32
      %get3A_819 = arith.constant 0 : i32
      %get3A_820 = arith.constant 0 : i32
      %get3A_821 = arith.constant 0 : i32
      %get3A_822 = tpu.memref_slice %arg7[%scan3A_778, %get3A_819, %get3A_820, %get3A_821] : memref<2x7x16x512xf32, #tpu.memory_space<vmem>> -> memref<1x7x16x512xf32, #tpu.memory_space<vmem>>
      %get3A_823 = tpu.memref_squeeze %get3A_822 : memref<1x7x16x512xf32, #tpu.memory_space<vmem>> -> memref<7x16x512xf32, #tpu.memory_space<vmem>>
      %get3A_824 = arith.index_cast %get3A : i32 to index
      %get3A_825 = arith.index_cast %add3A_812 : i32 to index
      %get3A_826 = arith.index_cast %multiple_of3A : i32 to index
      %get3A_827 = tpu.vector_load %get3A_823[%get3A_824, %get3A_825, %get3A_826] {strides = array<i32>} : memref<7x16x512xf32, #tpu.memory_space<vmem>>, vector<1x1x16xf32>,
      %get3A_828 = vector.shape_cast %get3A_827 : vector<1x1x16xf32> to vector<16xf32>
      %get3A_829 = arith.constant 1 : i32
      %get3A_830 = arith.constant 0 : i32
      %get3A_831 = arith.constant 0 : i32
      %get3A_832 = arith.constant 0 : i32
      %get3A_833 = tpu.memref_slice %arg7[%scan3A_778, %get3A_830, %get3A_831, %get3A_832] : memref<2x7x16x512xf32, #tpu.memory_space<vmem>> -> memref<1x7x16x512xf32, #tpu.memory_space<vmem>>
      %get3A_834 = tpu.memref_squeeze %get3A_833 : memref<1x7x16x512xf32, #tpu.memory_space<vmem>> -> memref<7x16x512xf32, #tpu.memory_space<vmem>>
      %get3A_835 = arith.index_cast %get3A_829 : i32 to index
      %get3A_836 = arith.index_cast %add3A_812 : i32 to index
      %get3A_837 = arith.index_cast %multiple_of3A : i32 to index
      %get3A_838 = tpu.vector_load %get3A_834[%get3A_835, %get3A_836, %get3A_837] {strides = array<i32>} : memref<7x16x512xf32, #tpu.memory_space<vmem>>, vector<1x1x16xf32>,
      %get3A_839 = vector.shape_cast %get3A_838 : vector<1x1x16xf32> to vector<16xf32>
      %get3A_840 = arith.constant 2 : i32
      %get3A_841 = arith.constant 0 : i32
      %get3A_842 = arith.constant 0 : i32
      %get3A_843 = arith.constant 0 : i32
      %get3A_844 = tpu.memref_slice %arg7[%scan3A_778, %get3A_841, %get3A_842, %get3A_843] : memref<2x7x16x512xf32, #tpu.memory_space<vmem>> -> memref<1x7x16x512xf32, #tpu.memory_space<vmem>>
      %get3A_845 = tpu.memref_squeeze %get3A_844 : memref<1x7x16x512xf32, #tpu.memory_space<vmem>> -> memref<7x16x512xf32, #tpu.memory_space<vmem>>
      %get3A_846 = arith.index_cast %get3A_840 : i32 to index
      %get3A_847 = arith.index_cast %add3A_812 : i32 to index
      %get3A_848 = arith.index_cast %multiple_of3A : i32 to index
      %get3A_849 = tpu.vector_load %get3A_845[%get3A_846, %get3A_847, %get3A_848] {strides = array<i32>} : memref<7x16x512xf32, #tpu.memory_space<vmem>>, vector<1x1x16xf32>,
      %get3A_850 = vector.shape_cast %get3A_849 : vector<1x1x16xf32> to vector<16xf32>
      %get3A_851 = arith.constant 3 : i32
      %get3A_852 = arith.constant 0 : i32
      %get3A_853 = arith.constant 0 : i32
      %get3A_854 = arith.constant 0 : i32
      %get3A_855 = tpu.memref_slice %arg7[%scan3A_778, %get3A_852, %get3A_853, %get3A_854] : memref<2x7x16x512xf32, #tpu.memory_space<vmem>> -> memref<1x7x16x512xf32, #tpu.memory_space<vmem>>
      %get3A_856 = tpu.memref_squeeze %get3A_855 : memref<1x7x16x512xf32, #tpu.memory_space<vmem>> -> memref<7x16x512xf32, #tpu.memory_space<vmem>>
      %get3A_857 = arith.index_cast %get3A_851 : i32 to index
      %get3A_858 = arith.index_cast %add3A_812 : i32 to index
      %get3A_859 = arith.index_cast %multiple_of3A : i32 to index
      %get3A_860 = tpu.vector_load %get3A_856[%get3A_857, %get3A_858, %get3A_859] {strides = array<i32>} : memref<7x16x512xf32, #tpu.memory_space<vmem>>, vector<1x1x16xf32>,
      %get3A_861 = vector.shape_cast %get3A_860 : vector<1x1x16xf32> to vector<16xf32>
      %get3A_862 = arith.constant 4 : i32
      %get3A_863 = arith.constant 0 : i32
      %get3A_864 = arith.constant 0 : i32
      %get3A_865 = arith.constant 0 : i32
      %get3A_866 = tpu.memref_slice %arg7[%scan3A_778, %get3A_863, %get3A_864, %get3A_865] : memref<2x7x16x512xf32, #tpu.memory_space<vmem>> -> memref<1x7x16x512xf32, #tpu.memory_space<vmem>>
      %get3A_867 = tpu.memref_squeeze %get3A_866 : memref<1x7x16x512xf32, #tpu.memory_space<vmem>> -> memref<7x16x512xf32, #tpu.memory_space<vmem>>
      %get3A_868 = arith.index_cast %get3A_862 : i32 to index
      %get3A_869 = arith.index_cast %add3A_812 : i32 to index
      %get3A_870 = arith.index_cast %multiple_of3A : i32 to index
      %get3A_871 = tpu.vector_load %get3A_867[%get3A_868, %get3A_869, %get3A_870] {strides = array<i32>} : memref<7x16x512xf32, #tpu.memory_space<vmem>>, vector<1x1x16xf32>,
      %get3A_872 = vector.shape_cast %get3A_871 : vector<1x1x16xf32> to vector<16xf32>
      %get3A_873 = arith.constant 5 : i32
      %get3A_874 = arith.constant 0 : i32
      %get3A_875 = arith.constant 0 : i32
      %get3A_876 = arith.constant 0 : i32
      %get3A_877 = tpu.memref_slice %arg7[%scan3A_778, %get3A_874, %get3A_875, %get3A_876] : memref<2x7x16x512xf32, #tpu.memory_space<vmem>> -> memref<1x7x16x512xf32, #tpu.memory_space<vmem>>
      %get3A_878 = tpu.memref_squeeze %get3A_877 : memref<1x7x16x512xf32, #tpu.memory_space<vmem>> -> memref<7x16x512xf32, #tpu.memory_space<vmem>>
      %get3A_879 = arith.index_cast %get3A_873 : i32 to index
      %get3A_880 = arith.index_cast %add3A_812 : i32 to index
      %get3A_881 = arith.index_cast %multiple_of3A : i32 to index
      %get3A_882 = tpu.vector_load %get3A_878[%get3A_879, %get3A_880, %get3A_881] {strides = array<i32>} : memref<7x16x512xf32, #tpu.memory_space<vmem>>, vector<1x1x16xf32>,
      %get3A_883 = vector.shape_cast %get3A_882 : vector<1x1x16xf32> to vector<16xf32>
      %get3A_884 = arith.constant 6 : i32
      %get3A_885 = arith.constant 0 : i32
      %get3A_886 = arith.constant 0 : i32
      %get3A_887 = arith.constant 0 : i32
      %get3A_888 = tpu.memref_slice %arg7[%scan3A_778, %get3A_885, %get3A_886, %get3A_887] : memref<2x7x16x512xf32, #tpu.memory_space<vmem>> -> memref<1x7x16x512xf32, #tpu.memory_space<vmem>>
      %get3A_889 = tpu.memref_squeeze %get3A_888 : memref<1x7x16x512xf32, #tpu.memory_space<vmem>> -> memref<7x16x512xf32, #tpu.memory_space<vmem>>
      %get3A_890 = arith.index_cast %get3A_884 : i32 to index
      %get3A_891 = arith.index_cast %add3A_812 : i32 to index
      %get3A_892 = arith.index_cast %multiple_of3A : i32 to index
      %get3A_893 = tpu.vector_load %get3A_889[%get3A_890, %get3A_891, %get3A_892] {strides = array<i32>} : memref<7x16x512xf32, #tpu.memory_space<vmem>>, vector<1x1x16xf32>,
      %get3A_894 = vector.shape_cast %get3A_893 : vector<1x1x16xf32> to vector<16xf32>
      %sub3A = arith.subf %get3A_861, %get3A_828 : vector<16xf32>
      %sub3A_895 = arith.subf %get3A_872, %get3A_839 : vector<16xf32>
      %sub3A_896 = arith.subf %get3A_883, %get3A_850 : vector<16xf32>
      %mul3A_897 = arith.mulf %sub3A, %sub3A : vector<16xf32>
      %mul3A_898 = arith.mulf %sub3A_895, %sub3A_895 : vector<16xf32>
      %add3A_899 = arith.addf %mul3A_897, %mul3A_898 : vector<16xf32>
      %mul3A_900 = arith.mulf %sub3A_896, %sub3A_896 : vector<16xf32>
      %add3A_901 = arith.addf %add3A_899, %mul3A_900 : vector<16xf32>
      %max3A = arith.constant 1.000000e-24 : f32
      %max3A_902 = vector.broadcast %max3A : f32 to vector<16xf32>
      %max3A_903 = arith.maximumf %add3A_901, %max3A_902 : vector<16xf32>
      %bitcast_convert_type3A = tpu.bitcast %max3A_903 : vector<16xf32> -> vector<16xi32>
      %shift_right_logical3A = arith.constant 1 : i32
      %shift_right_logical3A_904 = vector.broadcast %shift_right_logical3A : i32 to vector<16xi32>
      %shift_right_logical3A_905 = arith.shrui %bitcast_convert_type3A, %shift_right_logical3A_904 : vector<16xi32>
      %sub3A_906 = arith.constant 1597463007 : i32
      %sub3A_907 = vector.broadcast %sub3A_906 : i32 to vector<16xi32>
      %sub3A_908 = arith.subi %sub3A_907, %shift_right_logical3A_905 : vector<16xi32>
      %bitcast_convert_type3A_909 = tpu.bitcast %sub3A_908 : vector<16xi32> -> vector<16xf32>
      %mul3A_910 = arith.constant 5.000000e-01 : f32
      %mul3A_911 = vector.broadcast %mul3A_910 : f32 to vector<16xf32>
      %mul3A_912 = arith.mulf %mul3A_911, %max3A_903 : vector<16xf32>
      %mul3A_913 = arith.mulf %mul3A_912, %bitcast_convert_type3A_909 : vector<16xf32>
      %mul3A_914 = arith.mulf %mul3A_913, %bitcast_convert_type3A_909 : vector<16xf32>
      %sub3A_915 = arith.constant 1.500000e+00 : f32
      %sub3A_916 = vector.broadcast %sub3A_915 : f32 to vector<16xf32>
      %sub3A_917 = arith.subf %sub3A_916, %mul3A_914 : vector<16xf32>
      %mul3A_918 = arith.mulf %bitcast_convert_type3A_909, %sub3A_917 : vector<16xf32>
      %mul3A_919 = arith.constant 5.000000e-01 : f32
      %mul3A_920 = vector.broadcast %mul3A_919 : f32 to vector<16xf32>
      %mul3A_921 = arith.mulf %mul3A_920, %max3A_903 : vector<16xf32>
      %mul3A_922 = arith.mulf %mul3A_921, %mul3A_918 : vector<16xf32>
      %mul3A_923 = arith.mulf %mul3A_922, %mul3A_918 : vector<16xf32>
      %sub3A_924 = arith.constant 1.500000e+00 : f32
      %sub3A_925 = vector.broadcast %sub3A_924 : f32 to vector<16xf32>
      %sub3A_926 = arith.subf %sub3A_925, %mul3A_923 : vector<16xf32>
      %mul3A_927 = arith.mulf %mul3A_918, %sub3A_926 : vector<16xf32>
      %mul3A_928 = arith.constant 5.000000e-01 : f32
      %mul3A_929 = vector.broadcast %mul3A_928 : f32 to vector<16xf32>
      %mul3A_930 = arith.mulf %mul3A_929, %max3A_903 : vector<16xf32>
      %mul3A_931 = arith.mulf %mul3A_930, %mul3A_927 : vector<16xf32>
      %mul3A_932 = arith.mulf %mul3A_931, %mul3A_927 : vector<16xf32>
      %sub3A_933 = arith.constant 1.500000e+00 : f32
      %sub3A_934 = vector.broadcast %sub3A_933 : f32 to vector<16xf32>
      %sub3A_935 = arith.subf %sub3A_934, %mul3A_932 : vector<16xf32>
      %mul3A_936 = arith.mulf %mul3A_927, %sub3A_935 : vector<16xf32>
      %mul3A_937 = arith.mulf %max3A_903, %mul3A_936 : vector<16xf32>
      %mul3A_938 = arith.mulf %mul3A_937, %get3A_894 : vector<16xf32>
      %add3A_939 = arith.addf %scan3A_799, %mul3A_938 : vector<16xf32>
      %add3A_940 = arith.addf %scan3A_803, %get3A_894 : vector<16xf32>
      %add3A_941 = arith.constant 16 : i32
      %add3A_942 = arith.addi %shift_left3A_816, %add3A_941 : i32
      %multiple_of3A_943 = tpu.assume_multiple %add3A_942, 16 : i32
      %get3A_944 = arith.constant 0 : i32
      %get3A_945 = arith.constant 0 : i32
      %get3A_946 = arith.constant 0 : i32
      %get3A_947 = arith.constant 0 : i32
      %get3A_948 = tpu.memref_slice %arg7[%scan3A_778, %get3A_945, %get3A_946, %get3A_947] : memref<2x7x16x512xf32, #tpu.memory_space<vmem>> -> memref<1x7x16x512xf32, #tpu.memory_space<vmem>>
      %get3A_949 = tpu.memref_squeeze %get3A_948 : memref<1x7x16x512xf32, #tpu.memory_space<vmem>> -> memref<7x16x512xf32, #tpu.memory_space<vmem>>
      %get3A_950 = arith.index_cast %get3A_944 : i32 to index
      %get3A_951 = arith.index_cast %add3A_812 : i32 to index
      %get3A_952 = arith.index_cast %multiple_of3A_943 : i32 to index
      %get3A_953 = tpu.vector_load %get3A_949[%get3A_950, %get3A_951, %get3A_952] {strides = array<i32>} : memref<7x16x512xf32, #tpu.memory_space<vmem>>, vector<1x1x16xf32>,
      %get3A_954 = vector.shape_cast %get3A_953 : vector<1x1x16xf32> to vector<16xf32>
      %get3A_955 = arith.constant 1 : i32
      %get3A_956 = arith.constant 0 : i32
      %get3A_957 = arith.constant 0 : i32
      %get3A_958 = arith.constant 0 : i32
      %get3A_959 = tpu.memref_slice %arg7[%scan3A_778, %get3A_956, %get3A_957, %get3A_958] : memref<2x7x16x512xf32, #tpu.memory_space<vmem>> -> memref<1x7x16x512xf32, #tpu.memory_space<vmem>>
      %get3A_960 = tpu.memref_squeeze %get3A_959 : memref<1x7x16x512xf32, #tpu.memory_space<vmem>> -> memref<7x16x512xf32, #tpu.memory_space<vmem>>
      %get3A_961 = arith.index_cast %get3A_955 : i32 to index
      %get3A_962 = arith.index_cast %add3A_812 : i32 to index
      %get3A_963 = arith.index_cast %multiple_of3A_943 : i32 to index
      %get3A_964 = tpu.vector_load %get3A_960[%get3A_961, %get3A_962, %get3A_963] {strides = array<i32>} : memref<7x16x512xf32, #tpu.memory_space<vmem>>, vector<1x1x16xf32>,
      %get3A_965 = vector.shape_cast %get3A_964 : vector<1x1x16xf32> to vector<16xf32>
      %get3A_966 = arith.constant 2 : i32
      %get3A_967 = arith.constant 0 : i32
      %get3A_968 = arith.constant 0 : i32
      %get3A_969 = arith.constant 0 : i32
      %get3A_970 = tpu.memref_slice %arg7[%scan3A_778, %get3A_967, %get3A_968, %get3A_969] : memref<2x7x16x512xf32, #tpu.memory_space<vmem>> -> memref<1x7x16x512xf32, #tpu.memory_space<vmem>>
      %get3A_971 = tpu.memref_squeeze %get3A_970 : memref<1x7x16x512xf32, #tpu.memory_space<vmem>> -> memref<7x16x512xf32, #tpu.memory_space<vmem>>
      %get3A_972 = arith.index_cast %get3A_966 : i32 to index
      %get3A_973 = arith.index_cast %add3A_812 : i32 to index
      %get3A_974 = arith.index_cast %multiple_of3A_943 : i32 to index
      %get3A_975 = tpu.vector_load %get3A_971[%get3A_972, %get3A_973, %get3A_974] {strides = array<i32>} : memref<7x16x512xf32, #tpu.memory_space<vmem>>, vector<1x1x16xf32>,
      %get3A_976 = vector.shape_cast %get3A_975 : vector<1x1x16xf32> to vector<16xf32>
      %get3A_977 = arith.constant 3 : i32
      %get3A_978 = arith.constant 0 : i32
      %get3A_979 = arith.constant 0 : i32
      %get3A_980 = arith.constant 0 : i32
      %get3A_981 = tpu.memref_slice %arg7[%scan3A_778, %get3A_978, %get3A_979, %get3A_980] : memref<2x7x16x512xf32, #tpu.memory_space<vmem>> -> memref<1x7x16x512xf32, #tpu.memory_space<vmem>>
      %get3A_982 = tpu.memref_squeeze %get3A_981 : memref<1x7x16x512xf32, #tpu.memory_space<vmem>> -> memref<7x16x512xf32, #tpu.memory_space<vmem>>
      %get3A_983 = arith.index_cast %get3A_977 : i32 to index
      %get3A_984 = arith.index_cast %add3A_812 : i32 to index
      %get3A_985 = arith.index_cast %multiple_of3A_943 : i32 to index
      %get3A_986 = tpu.vector_load %get3A_982[%get3A_983, %get3A_984, %get3A_985] {strides = array<i32>} : memref<7x16x512xf32, #tpu.memory_space<vmem>>, vector<1x1x16xf32>,
      %get3A_987 = vector.shape_cast %get3A_986 : vector<1x1x16xf32> to vector<16xf32>
      %get3A_988 = arith.constant 4 : i32
      %get3A_989 = arith.constant 0 : i32
      %get3A_990 = arith.constant 0 : i32
      %get3A_991 = arith.constant 0 : i32
      %get3A_992 = tpu.memref_slice %arg7[%scan3A_778, %get3A_989, %get3A_990, %get3A_991] : memref<2x7x16x512xf32, #tpu.memory_space<vmem>> -> memref<1x7x16x512xf32, #tpu.memory_space<vmem>>
      %get3A_993 = tpu.memref_squeeze %get3A_992 : memref<1x7x16x512xf32, #tpu.memory_space<vmem>> -> memref<7x16x512xf32, #tpu.memory_space<vmem>>
      %get3A_994 = arith.index_cast %get3A_988 : i32 to index
      %get3A_995 = arith.index_cast %add3A_812 : i32 to index
      %get3A_996 = arith.index_cast %multiple_of3A_943 : i32 to index
      %get3A_997 = tpu.vector_load %get3A_993[%get3A_994, %get3A_995, %get3A_996] {strides = array<i32>} : memref<7x16x512xf32, #tpu.memory_space<vmem>>, vector<1x1x16xf32>,
      %get3A_998 = vector.shape_cast %get3A_997 : vector<1x1x16xf32> to vector<16xf32>
      %get3A_999 = arith.constant 5 : i32
      %get3A_1000 = arith.constant 0 : i32
      %get3A_1001 = arith.constant 0 : i32
      %get3A_1002 = arith.constant 0 : i32
      %get3A_1003 = tpu.memref_slice %arg7[%scan3A_778, %get3A_1000, %get3A_1001, %get3A_1002] : memref<2x7x16x512xf32, #tpu.memory_space<vmem>> -> memref<1x7x16x512xf32, #tpu.memory_space<vmem>>
      %get3A_1004 = tpu.memref_squeeze %get3A_1003 : memref<1x7x16x512xf32, #tpu.memory_space<vmem>> -> memref<7x16x512xf32, #tpu.memory_space<vmem>>
      %get3A_1005 = arith.index_cast %get3A_999 : i32 to index
      %get3A_1006 = arith.index_cast %add3A_812 : i32 to index
      %get3A_1007 = arith.index_cast %multiple_of3A_943 : i32 to index
      %get3A_1008 = tpu.vector_load %get3A_1004[%get3A_1005, %get3A_1006, %get3A_1007] {strides = array<i32>} : memref<7x16x512xf32, #tpu.memory_space<vmem>>, vector<1x1x16xf32>,
      %get3A_1009 = vector.shape_cast %get3A_1008 : vector<1x1x16xf32> to vector<16xf32>
      %get3A_1010 = arith.constant 6 : i32
      %get3A_1011 = arith.constant 0 : i32
      %get3A_1012 = arith.constant 0 : i32
      %get3A_1013 = arith.constant 0 : i32
      %get3A_1014 = tpu.memref_slice %arg7[%scan3A_778, %get3A_1011, %get3A_1012, %get3A_1013] : memref<2x7x16x512xf32, #tpu.memory_space<vmem>> -> memref<1x7x16x512xf32, #tpu.memory_space<vmem>>
      %get3A_1015 = tpu.memref_squeeze %get3A_1014 : memref<1x7x16x512xf32, #tpu.memory_space<vmem>> -> memref<7x16x512xf32, #tpu.memory_space<vmem>>
      %get3A_1016 = arith.index_cast %get3A_1010 : i32 to index
      %get3A_1017 = arith.index_cast %add3A_812 : i32 to index
      %get3A_1018 = arith.index_cast %multiple_of3A_943 : i32 to index
      %get3A_1019 = tpu.vector_load %get3A_1015[%get3A_1016, %get3A_1017, %get3A_1018] {strides = array<i32>} : memref<7x16x512xf32, #tpu.memory_space<vmem>>, vector<1x1x16xf32>,
      %get3A_1020 = vector.shape_cast %get3A_1019 : vector<1x1x16xf32> to vector<16xf32>
      %sub3A_1021 = arith.subf %get3A_987, %get3A_954 : vector<16xf32>
      %sub3A_1022 = arith.subf %get3A_998, %get3A_965 : vector<16xf32>
      %sub3A_1023 = arith.subf %get3A_1009, %get3A_976 : vector<16xf32>
      %mul3A_1024 = arith.mulf %sub3A_1021, %sub3A_1021 : vector<16xf32>
      %mul3A_1025 = arith.mulf %sub3A_1022, %sub3A_1022 : vector<16xf32>
      %add3A_1026 = arith.addf %mul3A_1024, %mul3A_1025 : vector<16xf32>
      %mul3A_1027 = arith.mulf %sub3A_1023, %sub3A_1023 : vector<16xf32>
      %add3A_1028 = arith.addf %add3A_1026, %mul3A_1027 : vector<16xf32>
      %max3A_1029 = arith.constant 1.000000e-24 : f32
      %max3A_1030 = vector.broadcast %max3A_1029 : f32 to vector<16xf32>
      %max3A_1031 = arith.maximumf %add3A_1028, %max3A_1030 : vector<16xf32>
      %bitcast_convert_type3A_1032 = tpu.bitcast %max3A_1031 : vector<16xf32> -> vector<16xi32>
      %shift_right_logical3A_1033 = arith.constant 1 : i32
      %shift_right_logical3A_1034 = vector.broadcast %shift_right_logical3A_1033 : i32 to vector<16xi32>
      %shift_right_logical3A_1035 = arith.shrui %bitcast_convert_type3A_1032, %shift_right_logical3A_1034 : vector<16xi32>
      %sub3A_1036 = arith.constant 1597463007 : i32
      %sub3A_1037 = vector.broadcast %sub3A_1036 : i32 to vector<16xi32>
      %sub3A_1038 = arith.subi %sub3A_1037, %shift_right_logical3A_1035 : vector<16xi32>
      %bitcast_convert_type3A_1039 = tpu.bitcast %sub3A_1038 : vector<16xi32> -> vector<16xf32>
      %mul3A_1040 = arith.constant 5.000000e-01 : f32
      %mul3A_1041 = vector.broadcast %mul3A_1040 : f32 to vector<16xf32>
      %mul3A_1042 = arith.mulf %mul3A_1041, %max3A_1031 : vector<16xf32>
      %mul3A_1043 = arith.mulf %mul3A_1042, %bitcast_convert_type3A_1039 : vector<16xf32>
      %mul3A_1044 = arith.mulf %mul3A_1043, %bitcast_convert_type3A_1039 : vector<16xf32>
      %sub3A_1045 = arith.constant 1.500000e+00 : f32
      %sub3A_1046 = vector.broadcast %sub3A_1045 : f32 to vector<16xf32>
      %sub3A_1047 = arith.subf %sub3A_1046, %mul3A_1044 : vector<16xf32>
      %mul3A_1048 = arith.mulf %bitcast_convert_type3A_1039, %sub3A_1047 : vector<16xf32>
      %mul3A_1049 = arith.constant 5.000000e-01 : f32
      %mul3A_1050 = vector.broadcast %mul3A_1049 : f32 to vector<16xf32>
      %mul3A_1051 = arith.mulf %mul3A_1050, %max3A_1031 : vector<16xf32>
      %mul3A_1052 = arith.mulf %mul3A_1051, %mul3A_1048 : vector<16xf32>
      %mul3A_1053 = arith.mulf %mul3A_1052, %mul3A_1048 : vector<16xf32>
      %sub3A_1054 = arith.constant 1.500000e+00 : f32
      %sub3A_1055 = vector.broadcast %sub3A_1054 : f32 to vector<16xf32>
      %sub3A_1056 = arith.subf %sub3A_1055, %mul3A_1053 : vector<16xf32>
      %mul3A_1057 = arith.mulf %mul3A_1048, %sub3A_1056 : vector<16xf32>
      %mul3A_1058 = arith.constant 5.000000e-01 : f32
      %mul3A_1059 = vector.broadcast %mul3A_1058 : f32 to vector<16xf32>
      %mul3A_1060 = arith.mulf %mul3A_1059, %max3A_1031 : vector<16xf32>
      %mul3A_1061 = arith.mulf %mul3A_1060, %mul3A_1057 : vector<16xf32>
      %mul3A_1062 = arith.mulf %mul3A_1061, %mul3A_1057 : vector<16xf32>
      %sub3A_1063 = arith.constant 1.500000e+00 : f32
      %sub3A_1064 = vector.broadcast %sub3A_1063 : f32 to vector<16xf32>
      %sub3A_1065 = arith.subf %sub3A_1064, %mul3A_1062 : vector<16xf32>
      %mul3A_1066 = arith.mulf %mul3A_1057, %sub3A_1065 : vector<16xf32>
      %mul3A_1067 = arith.mulf %max3A_1031, %mul3A_1066 : vector<16xf32>
      %mul3A_1068 = arith.mulf %mul3A_1067, %get3A_1020 : vector<16xf32>
      %add3A_1069 = arith.addf %scan3A_800, %mul3A_1068 : vector<16xf32>
      %add3A_1070 = arith.addf %scan3A_804, %get3A_1020 : vector<16xf32>
      %add3A_1071 = arith.constant 32 : i32
      %add3A_1072 = arith.addi %shift_left3A_816, %add3A_1071 : i32
      %multiple_of3A_1073 = tpu.assume_multiple %add3A_1072, 16 : i32
      %get3A_1074 = arith.constant 0 : i32
      %get3A_1075 = arith.constant 0 : i32
      %get3A_1076 = arith.constant 0 : i32
      %get3A_1077 = arith.constant 0 : i32
      %get3A_1078 = tpu.memref_slice %arg7[%scan3A_778, %get3A_1075, %get3A_1076, %get3A_1077] : memref<2x7x16x512xf32, #tpu.memory_space<vmem>> -> memref<1x7x16x512xf32, #tpu.memory_space<vmem>>
      %get3A_1079 = tpu.memref_squeeze %get3A_1078 : memref<1x7x16x512xf32, #tpu.memory_space<vmem>> -> memref<7x16x512xf32, #tpu.memory_space<vmem>>
      %get3A_1080 = arith.index_cast %get3A_1074 : i32 to index
      %get3A_1081 = arith.index_cast %add3A_812 : i32 to index
      %get3A_1082 = arith.index_cast %multiple_of3A_1073 : i32 to index
      %get3A_1083 = tpu.vector_load %get3A_1079[%get3A_1080, %get3A_1081, %get3A_1082] {strides = array<i32>} : memref<7x16x512xf32, #tpu.memory_space<vmem>>, vector<1x1x16xf32>,
      %get3A_1084 = vector.shape_cast %get3A_1083 : vector<1x1x16xf32> to vector<16xf32>
      %get3A_1085 = arith.constant 1 : i32
      %get3A_1086 = arith.constant 0 : i32
      %get3A_1087 = arith.constant 0 : i32
      %get3A_1088 = arith.constant 0 : i32
      %get3A_1089 = tpu.memref_slice %arg7[%scan3A_778, %get3A_1086, %get3A_1087, %get3A_1088] : memref<2x7x16x512xf32, #tpu.memory_space<vmem>> -> memref<1x7x16x512xf32, #tpu.memory_space<vmem>>
      %get3A_1090 = tpu.memref_squeeze %get3A_1089 : memref<1x7x16x512xf32, #tpu.memory_space<vmem>> -> memref<7x16x512xf32, #tpu.memory_space<vmem>>
      %get3A_1091 = arith.index_cast %get3A_1085 : i32 to index
      %get3A_1092 = arith.index_cast %add3A_812 : i32 to index
      %get3A_1093 = arith.index_cast %multiple_of3A_1073 : i32 to index
      %get3A_1094 = tpu.vector_load %get3A_1090[%get3A_1091, %get3A_1092, %get3A_1093] {strides = array<i32>} : memref<7x16x512xf32, #tpu.memory_space<vmem>>, vector<1x1x16xf32>,
      %get3A_1095 = vector.shape_cast %get3A_1094 : vector<1x1x16xf32> to vector<16xf32>
      %get3A_1096 = arith.constant 2 : i32
      %get3A_1097 = arith.constant 0 : i32
      %get3A_1098 = arith.constant 0 : i32
      %get3A_1099 = arith.constant 0 : i32
      %get3A_1100 = tpu.memref_slice %arg7[%scan3A_778, %get3A_1097, %get3A_1098, %get3A_1099] : memref<2x7x16x512xf32, #tpu.memory_space<vmem>> -> memref<1x7x16x512xf32, #tpu.memory_space<vmem>>
      %get3A_1101 = tpu.memref_squeeze %get3A_1100 : memref<1x7x16x512xf32, #tpu.memory_space<vmem>> -> memref<7x16x512xf32, #tpu.memory_space<vmem>>
      %get3A_1102 = arith.index_cast %get3A_1096 : i32 to index
      %get3A_1103 = arith.index_cast %add3A_812 : i32 to index
      %get3A_1104 = arith.index_cast %multiple_of3A_1073 : i32 to index
      %get3A_1105 = tpu.vector_load %get3A_1101[%get3A_1102, %get3A_1103, %get3A_1104] {strides = array<i32>} : memref<7x16x512xf32, #tpu.memory_space<vmem>>, vector<1x1x16xf32>,
      %get3A_1106 = vector.shape_cast %get3A_1105 : vector<1x1x16xf32> to vector<16xf32>
      %get3A_1107 = arith.constant 3 : i32
      %get3A_1108 = arith.constant 0 : i32
      %get3A_1109 = arith.constant 0 : i32
      %get3A_1110 = arith.constant 0 : i32
      %get3A_1111 = tpu.memref_slice %arg7[%scan3A_778, %get3A_1108, %get3A_1109, %get3A_1110] : memref<2x7x16x512xf32, #tpu.memory_space<vmem>> -> memref<1x7x16x512xf32, #tpu.memory_space<vmem>>
      %get3A_1112 = tpu.memref_squeeze %get3A_1111 : memref<1x7x16x512xf32, #tpu.memory_space<vmem>> -> memref<7x16x512xf32, #tpu.memory_space<vmem>>
      %get3A_1113 = arith.index_cast %get3A_1107 : i32 to index
      %get3A_1114 = arith.index_cast %add3A_812 : i32 to index
      %get3A_1115 = arith.index_cast %multiple_of3A_1073 : i32 to index
      %get3A_1116 = tpu.vector_load %get3A_1112[%get3A_1113, %get3A_1114, %get3A_1115] {strides = array<i32>} : memref<7x16x512xf32, #tpu.memory_space<vmem>>, vector<1x1x16xf32>,
      %get3A_1117 = vector.shape_cast %get3A_1116 : vector<1x1x16xf32> to vector<16xf32>
      %get3A_1118 = arith.constant 4 : i32
      %get3A_1119 = arith.constant 0 : i32
      %get3A_1120 = arith.constant 0 : i32
      %get3A_1121 = arith.constant 0 : i32
      %get3A_1122 = tpu.memref_slice %arg7[%scan3A_778, %get3A_1119, %get3A_1120, %get3A_1121] : memref<2x7x16x512xf32, #tpu.memory_space<vmem>> -> memref<1x7x16x512xf32, #tpu.memory_space<vmem>>
      %get3A_1123 = tpu.memref_squeeze %get3A_1122 : memref<1x7x16x512xf32, #tpu.memory_space<vmem>> -> memref<7x16x512xf32, #tpu.memory_space<vmem>>
      %get3A_1124 = arith.index_cast %get3A_1118 : i32 to index
      %get3A_1125 = arith.index_cast %add3A_812 : i32 to index
      %get3A_1126 = arith.index_cast %multiple_of3A_1073 : i32 to index
      %get3A_1127 = tpu.vector_load %get3A_1123[%get3A_1124, %get3A_1125, %get3A_1126] {strides = array<i32>} : memref<7x16x512xf32, #tpu.memory_space<vmem>>, vector<1x1x16xf32>,
      %get3A_1128 = vector.shape_cast %get3A_1127 : vector<1x1x16xf32> to vector<16xf32>
      %get3A_1129 = arith.constant 5 : i32
      %get3A_1130 = arith.constant 0 : i32
      %get3A_1131 = arith.constant 0 : i32
      %get3A_1132 = arith.constant 0 : i32
      %get3A_1133 = tpu.memref_slice %arg7[%scan3A_778, %get3A_1130, %get3A_1131, %get3A_1132] : memref<2x7x16x512xf32, #tpu.memory_space<vmem>> -> memref<1x7x16x512xf32, #tpu.memory_space<vmem>>
      %get3A_1134 = tpu.memref_squeeze %get3A_1133 : memref<1x7x16x512xf32, #tpu.memory_space<vmem>> -> memref<7x16x512xf32, #tpu.memory_space<vmem>>
      %get3A_1135 = arith.index_cast %get3A_1129 : i32 to index
      %get3A_1136 = arith.index_cast %add3A_812 : i32 to index
      %get3A_1137 = arith.index_cast %multiple_of3A_1073 : i32 to index
      %get3A_1138 = tpu.vector_load %get3A_1134[%get3A_1135, %get3A_1136, %get3A_1137] {strides = array<i32>} : memref<7x16x512xf32, #tpu.memory_space<vmem>>, vector<1x1x16xf32>,
      %get3A_1139 = vector.shape_cast %get3A_1138 : vector<1x1x16xf32> to vector<16xf32>
      %get3A_1140 = arith.constant 6 : i32
      %get3A_1141 = arith.constant 0 : i32
      %get3A_1142 = arith.constant 0 : i32
      %get3A_1143 = arith.constant 0 : i32
      %get3A_1144 = tpu.memref_slice %arg7[%scan3A_778, %get3A_1141, %get3A_1142, %get3A_1143] : memref<2x7x16x512xf32, #tpu.memory_space<vmem>> -> memref<1x7x16x512xf32, #tpu.memory_space<vmem>>
      %get3A_1145 = tpu.memref_squeeze %get3A_1144 : memref<1x7x16x512xf32, #tpu.memory_space<vmem>> -> memref<7x16x512xf32, #tpu.memory_space<vmem>>
      %get3A_1146 = arith.index_cast %get3A_1140 : i32 to index
      %get3A_1147 = arith.index_cast %add3A_812 : i32 to index
      %get3A_1148 = arith.index_cast %multiple_of3A_1073 : i32 to index
      %get3A_1149 = tpu.vector_load %get3A_1145[%get3A_1146, %get3A_1147, %get3A_1148] {strides = array<i32>} : memref<7x16x512xf32, #tpu.memory_space<vmem>>, vector<1x1x16xf32>,
      %get3A_1150 = vector.shape_cast %get3A_1149 : vector<1x1x16xf32> to vector<16xf32>
      %sub3A_1151 = arith.subf %get3A_1117, %get3A_1084 : vector<16xf32>
      %sub3A_1152 = arith.subf %get3A_1128, %get3A_1095 : vector<16xf32>
      %sub3A_1153 = arith.subf %get3A_1139, %get3A_1106 : vector<16xf32>
      %mul3A_1154 = arith.mulf %sub3A_1151, %sub3A_1151 : vector<16xf32>
      %mul3A_1155 = arith.mulf %sub3A_1152, %sub3A_1152 : vector<16xf32>
      %add3A_1156 = arith.addf %mul3A_1154, %mul3A_1155 : vector<16xf32>
      %mul3A_1157 = arith.mulf %sub3A_1153, %sub3A_1153 : vector<16xf32>
      %add3A_1158 = arith.addf %add3A_1156, %mul3A_1157 : vector<16xf32>
      %max3A_1159 = arith.constant 1.000000e-24 : f32
      %max3A_1160 = vector.broadcast %max3A_1159 : f32 to vector<16xf32>
      %max3A_1161 = arith.maximumf %add3A_1158, %max3A_1160 : vector<16xf32>
      %bitcast_convert_type3A_1162 = tpu.bitcast %max3A_1161 : vector<16xf32> -> vector<16xi32>
      %shift_right_logical3A_1163 = arith.constant 1 : i32
      %shift_right_logical3A_1164 = vector.broadcast %shift_right_logical3A_1163 : i32 to vector<16xi32>
      %shift_right_logical3A_1165 = arith.shrui %bitcast_convert_type3A_1162, %shift_right_logical3A_1164 : vector<16xi32>
      %sub3A_1166 = arith.constant 1597463007 : i32
      %sub3A_1167 = vector.broadcast %sub3A_1166 : i32 to vector<16xi32>
      %sub3A_1168 = arith.subi %sub3A_1167, %shift_right_logical3A_1165 : vector<16xi32>
      %bitcast_convert_type3A_1169 = tpu.bitcast %sub3A_1168 : vector<16xi32> -> vector<16xf32>
      %mul3A_1170 = arith.constant 5.000000e-01 : f32
      %mul3A_1171 = vector.broadcast %mul3A_1170 : f32 to vector<16xf32>
      %mul3A_1172 = arith.mulf %mul3A_1171, %max3A_1161 : vector<16xf32>
      %mul3A_1173 = arith.mulf %mul3A_1172, %bitcast_convert_type3A_1169 : vector<16xf32>
      %mul3A_1174 = arith.mulf %mul3A_1173, %bitcast_convert_type3A_1169 : vector<16xf32>
      %sub3A_1175 = arith.constant 1.500000e+00 : f32
      %sub3A_1176 = vector.broadcast %sub3A_1175 : f32 to vector<16xf32>
      %sub3A_1177 = arith.subf %sub3A_1176, %mul3A_1174 : vector<16xf32>
      %mul3A_1178 = arith.mulf %bitcast_convert_type3A_1169, %sub3A_1177 : vector<16xf32>
      %mul3A_1179 = arith.constant 5.000000e-01 : f32
      %mul3A_1180 = vector.broadcast %mul3A_1179 : f32 to vector<16xf32>
      %mul3A_1181 = arith.mulf %mul3A_1180, %max3A_1161 : vector<16xf32>
      %mul3A_1182 = arith.mulf %mul3A_1181, %mul3A_1178 : vector<16xf32>
      %mul3A_1183 = arith.mulf %mul3A_1182, %mul3A_1178 : vector<16xf32>
      %sub3A_1184 = arith.constant 1.500000e+00 : f32
      %sub3A_1185 = vector.broadcast %sub3A_1184 : f32 to vector<16xf32>
      %sub3A_1186 = arith.subf %sub3A_1185, %mul3A_1183 : vector<16xf32>
      %mul3A_1187 = arith.mulf %mul3A_1178, %sub3A_1186 : vector<16xf32>
      %mul3A_1188 = arith.constant 5.000000e-01 : f32
      %mul3A_1189 = vector.broadcast %mul3A_1188 : f32 to vector<16xf32>
      %mul3A_1190 = arith.mulf %mul3A_1189, %max3A_1161 : vector<16xf32>
      %mul3A_1191 = arith.mulf %mul3A_1190, %mul3A_1187 : vector<16xf32>
      %mul3A_1192 = arith.mulf %mul3A_1191, %mul3A_1187 : vector<16xf32>
      %sub3A_1193 = arith.constant 1.500000e+00 : f32
      %sub3A_1194 = vector.broadcast %sub3A_1193 : f32 to vector<16xf32>
      %sub3A_1195 = arith.subf %sub3A_1194, %mul3A_1192 : vector<16xf32>
      %mul3A_1196 = arith.mulf %mul3A_1187, %sub3A_1195 : vector<16xf32>
      %mul3A_1197 = arith.mulf %max3A_1161, %mul3A_1196 : vector<16xf32>
      %mul3A_1198 = arith.mulf %mul3A_1197, %get3A_1150 : vector<16xf32>
      %add3A_1199 = arith.addf %scan3A_801, %mul3A_1198 : vector<16xf32>
      %add3A_1200 = arith.addf %scan3A_805, %get3A_1150 : vector<16xf32>
      %add3A_1201 = arith.constant 48 : i32
      %add3A_1202 = arith.addi %shift_left3A_816, %add3A_1201 : i32
      %multiple_of3A_1203 = tpu.assume_multiple %add3A_1202, 16 : i32
      %get3A_1204 = arith.constant 0 : i32
      %get3A_1205 = arith.constant 0 : i32
      %get3A_1206 = arith.constant 0 : i32
      %get3A_1207 = arith.constant 0 : i32
      %get3A_1208 = tpu.memref_slice %arg7[%scan3A_778, %get3A_1205, %get3A_1206, %get3A_1207] : memref<2x7x16x512xf32, #tpu.memory_space<vmem>> -> memref<1x7x16x512xf32, #tpu.memory_space<vmem>>
      %get3A_1209 = tpu.memref_squeeze %get3A_1208 : memref<1x7x16x512xf32, #tpu.memory_space<vmem>> -> memref<7x16x512xf32, #tpu.memory_space<vmem>>
      %get3A_1210 = arith.index_cast %get3A_1204 : i32 to index
      %get3A_1211 = arith.index_cast %add3A_812 : i32 to index
      %get3A_1212 = arith.index_cast %multiple_of3A_1203 : i32 to index
      %get3A_1213 = tpu.vector_load %get3A_1209[%get3A_1210, %get3A_1211, %get3A_1212] {strides = array<i32>} : memref<7x16x512xf32, #tpu.memory_space<vmem>>, vector<1x1x16xf32>,
      %get3A_1214 = vector.shape_cast %get3A_1213 : vector<1x1x16xf32> to vector<16xf32>
      %get3A_1215 = arith.constant 1 : i32
      %get3A_1216 = arith.constant 0 : i32
      %get3A_1217 = arith.constant 0 : i32
      %get3A_1218 = arith.constant 0 : i32
      %get3A_1219 = tpu.memref_slice %arg7[%scan3A_778, %get3A_1216, %get3A_1217, %get3A_1218] : memref<2x7x16x512xf32, #tpu.memory_space<vmem>> -> memref<1x7x16x512xf32, #tpu.memory_space<vmem>>
      %get3A_1220 = tpu.memref_squeeze %get3A_1219 : memref<1x7x16x512xf32, #tpu.memory_space<vmem>> -> memref<7x16x512xf32, #tpu.memory_space<vmem>>
      %get3A_1221 = arith.index_cast %get3A_1215 : i32 to index
      %get3A_1222 = arith.index_cast %add3A_812 : i32 to index
      %get3A_1223 = arith.index_cast %multiple_of3A_1203 : i32 to index
      %get3A_1224 = tpu.vector_load %get3A_1220[%get3A_1221, %get3A_1222, %get3A_1223] {strides = array<i32>} : memref<7x16x512xf32, #tpu.memory_space<vmem>>, vector<1x1x16xf32>,
      %get3A_1225 = vector.shape_cast %get3A_1224 : vector<1x1x16xf32> to vector<16xf32>
      %get3A_1226 = arith.constant 2 : i32
      %get3A_1227 = arith.constant 0 : i32
      %get3A_1228 = arith.constant 0 : i32
      %get3A_1229 = arith.constant 0 : i32
      %get3A_1230 = tpu.memref_slice %arg7[%scan3A_778, %get3A_1227, %get3A_1228, %get3A_1229] : memref<2x7x16x512xf32, #tpu.memory_space<vmem>> -> memref<1x7x16x512xf32, #tpu.memory_space<vmem>>
      %get3A_1231 = tpu.memref_squeeze %get3A_1230 : memref<1x7x16x512xf32, #tpu.memory_space<vmem>> -> memref<7x16x512xf32, #tpu.memory_space<vmem>>
      %get3A_1232 = arith.index_cast %get3A_1226 : i32 to index
      %get3A_1233 = arith.index_cast %add3A_812 : i32 to index
      %get3A_1234 = arith.index_cast %multiple_of3A_1203 : i32 to index
      %get3A_1235 = tpu.vector_load %get3A_1231[%get3A_1232, %get3A_1233, %get3A_1234] {strides = array<i32>} : memref<7x16x512xf32, #tpu.memory_space<vmem>>, vector<1x1x16xf32>,
      %get3A_1236 = vector.shape_cast %get3A_1235 : vector<1x1x16xf32> to vector<16xf32>
      %get3A_1237 = arith.constant 3 : i32
      %get3A_1238 = arith.constant 0 : i32
      %get3A_1239 = arith.constant 0 : i32
      %get3A_1240 = arith.constant 0 : i32
      %get3A_1241 = tpu.memref_slice %arg7[%scan3A_778, %get3A_1238, %get3A_1239, %get3A_1240] : memref<2x7x16x512xf32, #tpu.memory_space<vmem>> -> memref<1x7x16x512xf32, #tpu.memory_space<vmem>>
      %get3A_1242 = tpu.memref_squeeze %get3A_1241 : memref<1x7x16x512xf32, #tpu.memory_space<vmem>> -> memref<7x16x512xf32, #tpu.memory_space<vmem>>
      %get3A_1243 = arith.index_cast %get3A_1237 : i32 to index
      %get3A_1244 = arith.index_cast %add3A_812 : i32 to index
      %get3A_1245 = arith.index_cast %multiple_of3A_1203 : i32 to index
      %get3A_1246 = tpu.vector_load %get3A_1242[%get3A_1243, %get3A_1244, %get3A_1245] {strides = array<i32>} : memref<7x16x512xf32, #tpu.memory_space<vmem>>, vector<1x1x16xf32>,
      %get3A_1247 = vector.shape_cast %get3A_1246 : vector<1x1x16xf32> to vector<16xf32>
      %get3A_1248 = arith.constant 4 : i32
      %get3A_1249 = arith.constant 0 : i32
      %get3A_1250 = arith.constant 0 : i32
      %get3A_1251 = arith.constant 0 : i32
      %get3A_1252 = tpu.memref_slice %arg7[%scan3A_778, %get3A_1249, %get3A_1250, %get3A_1251] : memref<2x7x16x512xf32, #tpu.memory_space<vmem>> -> memref<1x7x16x512xf32, #tpu.memory_space<vmem>>
      %get3A_1253 = tpu.memref_squeeze %get3A_1252 : memref<1x7x16x512xf32, #tpu.memory_space<vmem>> -> memref<7x16x512xf32, #tpu.memory_space<vmem>>
      %get3A_1254 = arith.index_cast %get3A_1248 : i32 to index
      %get3A_1255 = arith.index_cast %add3A_812 : i32 to index
      %get3A_1256 = arith.index_cast %multiple_of3A_1203 : i32 to index
      %get3A_1257 = tpu.vector_load %get3A_1253[%get3A_1254, %get3A_1255, %get3A_1256] {strides = array<i32>} : memref<7x16x512xf32, #tpu.memory_space<vmem>>, vector<1x1x16xf32>,
      %get3A_1258 = vector.shape_cast %get3A_1257 : vector<1x1x16xf32> to vector<16xf32>
      %get3A_1259 = arith.constant 5 : i32
      %get3A_1260 = arith.constant 0 : i32
      %get3A_1261 = arith.constant 0 : i32
      %get3A_1262 = arith.constant 0 : i32
      %get3A_1263 = tpu.memref_slice %arg7[%scan3A_778, %get3A_1260, %get3A_1261, %get3A_1262] : memref<2x7x16x512xf32, #tpu.memory_space<vmem>> -> memref<1x7x16x512xf32, #tpu.memory_space<vmem>>
      %get3A_1264 = tpu.memref_squeeze %get3A_1263 : memref<1x7x16x512xf32, #tpu.memory_space<vmem>> -> memref<7x16x512xf32, #tpu.memory_space<vmem>>
      %get3A_1265 = arith.index_cast %get3A_1259 : i32 to index
      %get3A_1266 = arith.index_cast %add3A_812 : i32 to index
      %get3A_1267 = arith.index_cast %multiple_of3A_1203 : i32 to index
      %get3A_1268 = tpu.vector_load %get3A_1264[%get3A_1265, %get3A_1266, %get3A_1267] {strides = array<i32>} : memref<7x16x512xf32, #tpu.memory_space<vmem>>, vector<1x1x16xf32>,
      %get3A_1269 = vector.shape_cast %get3A_1268 : vector<1x1x16xf32> to vector<16xf32>
      %get3A_1270 = arith.constant 6 : i32
      %get3A_1271 = arith.constant 0 : i32
      %get3A_1272 = arith.constant 0 : i32
      %get3A_1273 = arith.constant 0 : i32
      %get3A_1274 = tpu.memref_slice %arg7[%scan3A_778, %get3A_1271, %get3A_1272, %get3A_1273] : memref<2x7x16x512xf32, #tpu.memory_space<vmem>> -> memref<1x7x16x512xf32, #tpu.memory_space<vmem>>
      %get3A_1275 = tpu.memref_squeeze %get3A_1274 : memref<1x7x16x512xf32, #tpu.memory_space<vmem>> -> memref<7x16x512xf32, #tpu.memory_space<vmem>>
      %get3A_1276 = arith.index_cast %get3A_1270 : i32 to index
      %get3A_1277 = arith.index_cast %add3A_812 : i32 to index
      %get3A_1278 = arith.index_cast %multiple_of3A_1203 : i32 to index
      %get3A_1279 = tpu.vector_load %get3A_1275[%get3A_1276, %get3A_1277, %get3A_1278] {strides = array<i32>} : memref<7x16x512xf32, #tpu.memory_space<vmem>>, vector<1x1x16xf32>,
      %get3A_1280 = vector.shape_cast %get3A_1279 : vector<1x1x16xf32> to vector<16xf32>
      %sub3A_1281 = arith.subf %get3A_1247, %get3A_1214 : vector<16xf32>
      %sub3A_1282 = arith.subf %get3A_1258, %get3A_1225 : vector<16xf32>
      %sub3A_1283 = arith.subf %get3A_1269, %get3A_1236 : vector<16xf32>
      %mul3A_1284 = arith.mulf %sub3A_1281, %sub3A_1281 : vector<16xf32>
      %mul3A_1285 = arith.mulf %sub3A_1282, %sub3A_1282 : vector<16xf32>
      %add3A_1286 = arith.addf %mul3A_1284, %mul3A_1285 : vector<16xf32>
      %mul3A_1287 = arith.mulf %sub3A_1283, %sub3A_1283 : vector<16xf32>
      %add3A_1288 = arith.addf %add3A_1286, %mul3A_1287 : vector<16xf32>
      %max3A_1289 = arith.constant 1.000000e-24 : f32
      %max3A_1290 = vector.broadcast %max3A_1289 : f32 to vector<16xf32>
      %max3A_1291 = arith.maximumf %add3A_1288, %max3A_1290 : vector<16xf32>
      %bitcast_convert_type3A_1292 = tpu.bitcast %max3A_1291 : vector<16xf32> -> vector<16xi32>
      %shift_right_logical3A_1293 = arith.constant 1 : i32
      %shift_right_logical3A_1294 = vector.broadcast %shift_right_logical3A_1293 : i32 to vector<16xi32>
      %shift_right_logical3A_1295 = arith.shrui %bitcast_convert_type3A_1292, %shift_right_logical3A_1294 : vector<16xi32>
      %sub3A_1296 = arith.constant 1597463007 : i32
      %sub3A_1297 = vector.broadcast %sub3A_1296 : i32 to vector<16xi32>
      %sub3A_1298 = arith.subi %sub3A_1297, %shift_right_logical3A_1295 : vector<16xi32>
      %bitcast_convert_type3A_1299 = tpu.bitcast %sub3A_1298 : vector<16xi32> -> vector<16xf32>
      %mul3A_1300 = arith.constant 5.000000e-01 : f32
      %mul3A_1301 = vector.broadcast %mul3A_1300 : f32 to vector<16xf32>
      %mul3A_1302 = arith.mulf %mul3A_1301, %max3A_1291 : vector<16xf32>
      %mul3A_1303 = arith.mulf %mul3A_1302, %bitcast_convert_type3A_1299 : vector<16xf32>
      %mul3A_1304 = arith.mulf %mul3A_1303, %bitcast_convert_type3A_1299 : vector<16xf32>
      %sub3A_1305 = arith.constant 1.500000e+00 : f32
      %sub3A_1306 = vector.broadcast %sub3A_1305 : f32 to vector<16xf32>
      %sub3A_1307 = arith.subf %sub3A_1306, %mul3A_1304 : vector<16xf32>
      %mul3A_1308 = arith.mulf %bitcast_convert_type3A_1299, %sub3A_1307 : vector<16xf32>
      %mul3A_1309 = arith.constant 5.000000e-01 : f32
      %mul3A_1310 = vector.broadcast %mul3A_1309 : f32 to vector<16xf32>
      %mul3A_1311 = arith.mulf %mul3A_1310, %max3A_1291 : vector<16xf32>
      %mul3A_1312 = arith.mulf %mul3A_1311, %mul3A_1308 : vector<16xf32>
      %mul3A_1313 = arith.mulf %mul3A_1312, %mul3A_1308 : vector<16xf32>
      %sub3A_1314 = arith.constant 1.500000e+00 : f32
      %sub3A_1315 = vector.broadcast %sub3A_1314 : f32 to vector<16xf32>
      %sub3A_1316 = arith.subf %sub3A_1315, %mul3A_1313 : vector<16xf32>
      %mul3A_1317 = arith.mulf %mul3A_1308, %sub3A_1316 : vector<16xf32>
      %mul3A_1318 = arith.constant 5.000000e-01 : f32
      %mul3A_1319 = vector.broadcast %mul3A_1318 : f32 to vector<16xf32>
      %mul3A_1320 = arith.mulf %mul3A_1319, %max3A_1291 : vector<16xf32>
      %mul3A_1321 = arith.mulf %mul3A_1320, %mul3A_1317 : vector<16xf32>
      %mul3A_1322 = arith.mulf %mul3A_1321, %mul3A_1317 : vector<16xf32>
      %sub3A_1323 = arith.constant 1.500000e+00 : f32
      %sub3A_1324 = vector.broadcast %sub3A_1323 : f32 to vector<16xf32>
      %sub3A_1325 = arith.subf %sub3A_1324, %mul3A_1322 : vector<16xf32>
      %mul3A_1326 = arith.mulf %mul3A_1317, %sub3A_1325 : vector<16xf32>
      %mul3A_1327 = arith.mulf %max3A_1291, %mul3A_1326 : vector<16xf32>
      %mul3A_1328 = arith.mulf %mul3A_1327, %get3A_1280 : vector<16xf32>
      %add3A_1329 = arith.addf %scan3A_802, %mul3A_1328 : vector<16xf32>
      %add3A_1330 = arith.addf %scan3A_806, %get3A_1280 : vector<16xf32>
      %add3A_1331 = arith.constant 64 : i32
      %add3A_1332 = arith.addi %shift_left3A_816, %add3A_1331 : i32
      %multiple_of3A_1333 = tpu.assume_multiple %add3A_1332, 16 : i32
      %get3A_1334 = arith.constant 0 : i32
      %get3A_1335 = arith.constant 0 : i32
      %get3A_1336 = arith.constant 0 : i32
      %get3A_1337 = arith.constant 0 : i32
      %get3A_1338 = tpu.memref_slice %arg7[%scan3A_778, %get3A_1335, %get3A_1336, %get3A_1337] : memref<2x7x16x512xf32, #tpu.memory_space<vmem>> -> memref<1x7x16x512xf32, #tpu.memory_space<vmem>>
      %get3A_1339 = tpu.memref_squeeze %get3A_1338 : memref<1x7x16x512xf32, #tpu.memory_space<vmem>> -> memref<7x16x512xf32, #tpu.memory_space<vmem>>
      %get3A_1340 = arith.index_cast %get3A_1334 : i32 to index
      %get3A_1341 = arith.index_cast %add3A_812 : i32 to index
      %get3A_1342 = arith.index_cast %multiple_of3A_1333 : i32 to index
      %get3A_1343 = tpu.vector_load %get3A_1339[%get3A_1340, %get3A_1341, %get3A_1342] {strides = array<i32>} : memref<7x16x512xf32, #tpu.memory_space<vmem>>, vector<1x1x16xf32>,
      %get3A_1344 = vector.shape_cast %get3A_1343 : vector<1x1x16xf32> to vector<16xf32>
      %get3A_1345 = arith.constant 1 : i32
      %get3A_1346 = arith.constant 0 : i32
      %get3A_1347 = arith.constant 0 : i32
      %get3A_1348 = arith.constant 0 : i32
      %get3A_1349 = tpu.memref_slice %arg7[%scan3A_778, %get3A_1346, %get3A_1347, %get3A_1348] : memref<2x7x16x512xf32, #tpu.memory_space<vmem>> -> memref<1x7x16x512xf32, #tpu.memory_space<vmem>>
      %get3A_1350 = tpu.memref_squeeze %get3A_1349 : memref<1x7x16x512xf32, #tpu.memory_space<vmem>> -> memref<7x16x512xf32, #tpu.memory_space<vmem>>
      %get3A_1351 = arith.index_cast %get3A_1345 : i32 to index
      %get3A_1352 = arith.index_cast %add3A_812 : i32 to index
      %get3A_1353 = arith.index_cast %multiple_of3A_1333 : i32 to index
      %get3A_1354 = tpu.vector_load %get3A_1350[%get3A_1351, %get3A_1352, %get3A_1353] {strides = array<i32>} : memref<7x16x512xf32, #tpu.memory_space<vmem>>, vector<1x1x16xf32>,
      %get3A_1355 = vector.shape_cast %get3A_1354 : vector<1x1x16xf32> to vector<16xf32>
      %get3A_1356 = arith.constant 2 : i32
      %get3A_1357 = arith.constant 0 : i32
      %get3A_1358 = arith.constant 0 : i32
      %get3A_1359 = arith.constant 0 : i32
      %get3A_1360 = tpu.memref_slice %arg7[%scan3A_778, %get3A_1357, %get3A_1358, %get3A_1359] : memref<2x7x16x512xf32, #tpu.memory_space<vmem>> -> memref<1x7x16x512xf32, #tpu.memory_space<vmem>>
      %get3A_1361 = tpu.memref_squeeze %get3A_1360 : memref<1x7x16x512xf32, #tpu.memory_space<vmem>> -> memref<7x16x512xf32, #tpu.memory_space<vmem>>
      %get3A_1362 = arith.index_cast %get3A_1356 : i32 to index
      %get3A_1363 = arith.index_cast %add3A_812 : i32 to index
      %get3A_1364 = arith.index_cast %multiple_of3A_1333 : i32 to index
      %get3A_1365 = tpu.vector_load %get3A_1361[%get3A_1362, %get3A_1363, %get3A_1364] {strides = array<i32>} : memref<7x16x512xf32, #tpu.memory_space<vmem>>, vector<1x1x16xf32>,
      %get3A_1366 = vector.shape_cast %get3A_1365 : vector<1x1x16xf32> to vector<16xf32>
      %get3A_1367 = arith.constant 3 : i32
      %get3A_1368 = arith.constant 0 : i32
      %get3A_1369 = arith.constant 0 : i32
      %get3A_1370 = arith.constant 0 : i32
      %get3A_1371 = tpu.memref_slice %arg7[%scan3A_778, %get3A_1368, %get3A_1369, %get3A_1370] : memref<2x7x16x512xf32, #tpu.memory_space<vmem>> -> memref<1x7x16x512xf32, #tpu.memory_space<vmem>>
      %get3A_1372 = tpu.memref_squeeze %get3A_1371 : memref<1x7x16x512xf32, #tpu.memory_space<vmem>> -> memref<7x16x512xf32, #tpu.memory_space<vmem>>
      %get3A_1373 = arith.index_cast %get3A_1367 : i32 to index
      %get3A_1374 = arith.index_cast %add3A_812 : i32 to index
      %get3A_1375 = arith.index_cast %multiple_of3A_1333 : i32 to index
      %get3A_1376 = tpu.vector_load %get3A_1372[%get3A_1373, %get3A_1374, %get3A_1375] {strides = array<i32>} : memref<7x16x512xf32, #tpu.memory_space<vmem>>, vector<1x1x16xf32>,
      %get3A_1377 = vector.shape_cast %get3A_1376 : vector<1x1x16xf32> to vector<16xf32>
      %get3A_1378 = arith.constant 4 : i32
      %get3A_1379 = arith.constant 0 : i32
      %get3A_1380 = arith.constant 0 : i32
      %get3A_1381 = arith.constant 0 : i32
      %get3A_1382 = tpu.memref_slice %arg7[%scan3A_778, %get3A_1379, %get3A_1380, %get3A_1381] : memref<2x7x16x512xf32, #tpu.memory_space<vmem>> -> memref<1x7x16x512xf32, #tpu.memory_space<vmem>>
      %get3A_1383 = tpu.memref_squeeze %get3A_1382 : memref<1x7x16x512xf32, #tpu.memory_space<vmem>> -> memref<7x16x512xf32, #tpu.memory_space<vmem>>
      %get3A_1384 = arith.index_cast %get3A_1378 : i32 to index
      %get3A_1385 = arith.index_cast %add3A_812 : i32 to index
      %get3A_1386 = arith.index_cast %multiple_of3A_1333 : i32 to index
      %get3A_1387 = tpu.vector_load %get3A_1383[%get3A_1384, %get3A_1385, %get3A_1386] {strides = array<i32>} : memref<7x16x512xf32, #tpu.memory_space<vmem>>, vector<1x1x16xf32>,
      %get3A_1388 = vector.shape_cast %get3A_1387 : vector<1x1x16xf32> to vector<16xf32>
      %get3A_1389 = arith.constant 5 : i32
      %get3A_1390 = arith.constant 0 : i32
      %get3A_1391 = arith.constant 0 : i32
      %get3A_1392 = arith.constant 0 : i32
      %get3A_1393 = tpu.memref_slice %arg7[%scan3A_778, %get3A_1390, %get3A_1391, %get3A_1392] : memref<2x7x16x512xf32, #tpu.memory_space<vmem>> -> memref<1x7x16x512xf32, #tpu.memory_space<vmem>>
      %get3A_1394 = tpu.memref_squeeze %get3A_1393 : memref<1x7x16x512xf32, #tpu.memory_space<vmem>> -> memref<7x16x512xf32, #tpu.memory_space<vmem>>
      %get3A_1395 = arith.index_cast %get3A_1389 : i32 to index
      %get3A_1396 = arith.index_cast %add3A_812 : i32 to index
      %get3A_1397 = arith.index_cast %multiple_of3A_1333 : i32 to index
      %get3A_1398 = tpu.vector_load %get3A_1394[%get3A_1395, %get3A_1396, %get3A_1397] {strides = array<i32>} : memref<7x16x512xf32, #tpu.memory_space<vmem>>, vector<1x1x16xf32>,
      %get3A_1399 = vector.shape_cast %get3A_1398 : vector<1x1x16xf32> to vector<16xf32>
      %get3A_1400 = arith.constant 6 : i32
      %get3A_1401 = arith.constant 0 : i32
      %get3A_1402 = arith.constant 0 : i32
      %get3A_1403 = arith.constant 0 : i32
      %get3A_1404 = tpu.memref_slice %arg7[%scan3A_778, %get3A_1401, %get3A_1402, %get3A_1403] : memref<2x7x16x512xf32, #tpu.memory_space<vmem>> -> memref<1x7x16x512xf32, #tpu.memory_space<vmem>>
      %get3A_1405 = tpu.memref_squeeze %get3A_1404 : memref<1x7x16x512xf32, #tpu.memory_space<vmem>> -> memref<7x16x512xf32, #tpu.memory_space<vmem>>
      %get3A_1406 = arith.index_cast %get3A_1400 : i32 to index
      %get3A_1407 = arith.index_cast %add3A_812 : i32 to index
      %get3A_1408 = arith.index_cast %multiple_of3A_1333 : i32 to index
      %get3A_1409 = tpu.vector_load %get3A_1405[%get3A_1406, %get3A_1407, %get3A_1408] {strides = array<i32>} : memref<7x16x512xf32, #tpu.memory_space<vmem>>, vector<1x1x16xf32>,
      %get3A_1410 = vector.shape_cast %get3A_1409 : vector<1x1x16xf32> to vector<16xf32>
      %sub3A_1411 = arith.subf %get3A_1377, %get3A_1344 : vector<16xf32>
      %sub3A_1412 = arith.subf %get3A_1388, %get3A_1355 : vector<16xf32>
      %sub3A_1413 = arith.subf %get3A_1399, %get3A_1366 : vector<16xf32>
      %mul3A_1414 = arith.mulf %sub3A_1411, %sub3A_1411 : vector<16xf32>
      %mul3A_1415 = arith.mulf %sub3A_1412, %sub3A_1412 : vector<16xf32>
      %add3A_1416 = arith.addf %mul3A_1414, %mul3A_1415 : vector<16xf32>
      %mul3A_1417 = arith.mulf %sub3A_1413, %sub3A_1413 : vector<16xf32>
      %add3A_1418 = arith.addf %add3A_1416, %mul3A_1417 : vector<16xf32>
      %max3A_1419 = arith.constant 1.000000e-24 : f32
      %max3A_1420 = vector.broadcast %max3A_1419 : f32 to vector<16xf32>
      %max3A_1421 = arith.maximumf %add3A_1418, %max3A_1420 : vector<16xf32>
      %bitcast_convert_type3A_1422 = tpu.bitcast %max3A_1421 : vector<16xf32> -> vector<16xi32>
      %shift_right_logical3A_1423 = arith.constant 1 : i32
      %shift_right_logical3A_1424 = vector.broadcast %shift_right_logical3A_1423 : i32 to vector<16xi32>
      %shift_right_logical3A_1425 = arith.shrui %bitcast_convert_type3A_1422, %shift_right_logical3A_1424 : vector<16xi32>
      %sub3A_1426 = arith.constant 1597463007 : i32
      %sub3A_1427 = vector.broadcast %sub3A_1426 : i32 to vector<16xi32>
      %sub3A_1428 = arith.subi %sub3A_1427, %shift_right_logical3A_1425 : vector<16xi32>
      %bitcast_convert_type3A_1429 = tpu.bitcast %sub3A_1428 : vector<16xi32> -> vector<16xf32>
      %mul3A_1430 = arith.constant 5.000000e-01 : f32
      %mul3A_1431 = vector.broadcast %mul3A_1430 : f32 to vector<16xf32>
      %mul3A_1432 = arith.mulf %mul3A_1431, %max3A_1421 : vector<16xf32>
      %mul3A_1433 = arith.mulf %mul3A_1432, %bitcast_convert_type3A_1429 : vector<16xf32>
      %mul3A_1434 = arith.mulf %mul3A_1433, %bitcast_convert_type3A_1429 : vector<16xf32>
      %sub3A_1435 = arith.constant 1.500000e+00 : f32
      %sub3A_1436 = vector.broadcast %sub3A_1435 : f32 to vector<16xf32>
      %sub3A_1437 = arith.subf %sub3A_1436, %mul3A_1434 : vector<16xf32>
      %mul3A_1438 = arith.mulf %bitcast_convert_type3A_1429, %sub3A_1437 : vector<16xf32>
      %mul3A_1439 = arith.constant 5.000000e-01 : f32
      %mul3A_1440 = vector.broadcast %mul3A_1439 : f32 to vector<16xf32>
      %mul3A_1441 = arith.mulf %mul3A_1440, %max3A_1421 : vector<16xf32>
      %mul3A_1442 = arith.mulf %mul3A_1441, %mul3A_1438 : vector<16xf32>
      %mul3A_1443 = arith.mulf %mul3A_1442, %mul3A_1438 : vector<16xf32>
      %sub3A_1444 = arith.constant 1.500000e+00 : f32
      %sub3A_1445 = vector.broadcast %sub3A_1444 : f32 to vector<16xf32>
      %sub3A_1446 = arith.subf %sub3A_1445, %mul3A_1443 : vector<16xf32>
      %mul3A_1447 = arith.mulf %mul3A_1438, %sub3A_1446 : vector<16xf32>
      %mul3A_1448 = arith.constant 5.000000e-01 : f32
      %mul3A_1449 = vector.broadcast %mul3A_1448 : f32 to vector<16xf32>
      %mul3A_1450 = arith.mulf %mul3A_1449, %max3A_1421 : vector<16xf32>
      %mul3A_1451 = arith.mulf %mul3A_1450, %mul3A_1447 : vector<16xf32>
      %mul3A_1452 = arith.mulf %mul3A_1451, %mul3A_1447 : vector<16xf32>
      %sub3A_1453 = arith.constant 1.500000e+00 : f32
      %sub3A_1454 = vector.broadcast %sub3A_1453 : f32 to vector<16xf32>
      %sub3A_1455 = arith.subf %sub3A_1454, %mul3A_1452 : vector<16xf32>
      %mul3A_1456 = arith.mulf %mul3A_1447, %sub3A_1455 : vector<16xf32>
      %mul3A_1457 = arith.mulf %max3A_1421, %mul3A_1456 : vector<16xf32>
      %mul3A_1458 = arith.mulf %mul3A_1457, %get3A_1410 : vector<16xf32>
      %add3A_1459 = arith.addf %add3A_939, %mul3A_1458 : vector<16xf32>
      %add3A_1460 = arith.addf %add3A_940, %get3A_1410 : vector<16xf32>
      %add3A_1461 = arith.constant 80 : i32
      %add3A_1462 = arith.addi %shift_left3A_816, %add3A_1461 : i32
      %multiple_of3A_1463 = tpu.assume_multiple %add3A_1462, 16 : i32
      %get3A_1464 = arith.constant 0 : i32
      %get3A_1465 = arith.constant 0 : i32
      %get3A_1466 = arith.constant 0 : i32
      %get3A_1467 = arith.constant 0 : i32
      %get3A_1468 = tpu.memref_slice %arg7[%scan3A_778, %get3A_1465, %get3A_1466, %get3A_1467] : memref<2x7x16x512xf32, #tpu.memory_space<vmem>> -> memref<1x7x16x512xf32, #tpu.memory_space<vmem>>
      %get3A_1469 = tpu.memref_squeeze %get3A_1468 : memref<1x7x16x512xf32, #tpu.memory_space<vmem>> -> memref<7x16x512xf32, #tpu.memory_space<vmem>>
      %get3A_1470 = arith.index_cast %get3A_1464 : i32 to index
      %get3A_1471 = arith.index_cast %add3A_812 : i32 to index
      %get3A_1472 = arith.index_cast %multiple_of3A_1463 : i32 to index
      %get3A_1473 = tpu.vector_load %get3A_1469[%get3A_1470, %get3A_1471, %get3A_1472] {strides = array<i32>} : memref<7x16x512xf32, #tpu.memory_space<vmem>>, vector<1x1x16xf32>,
      %get3A_1474 = vector.shape_cast %get3A_1473 : vector<1x1x16xf32> to vector<16xf32>
      %get3A_1475 = arith.constant 1 : i32
      %get3A_1476 = arith.constant 0 : i32
      %get3A_1477 = arith.constant 0 : i32
      %get3A_1478 = arith.constant 0 : i32
      %get3A_1479 = tpu.memref_slice %arg7[%scan3A_778, %get3A_1476, %get3A_1477, %get3A_1478] : memref<2x7x16x512xf32, #tpu.memory_space<vmem>> -> memref<1x7x16x512xf32, #tpu.memory_space<vmem>>
      %get3A_1480 = tpu.memref_squeeze %get3A_1479 : memref<1x7x16x512xf32, #tpu.memory_space<vmem>> -> memref<7x16x512xf32, #tpu.memory_space<vmem>>
      %get3A_1481 = arith.index_cast %get3A_1475 : i32 to index
      %get3A_1482 = arith.index_cast %add3A_812 : i32 to index
      %get3A_1483 = arith.index_cast %multiple_of3A_1463 : i32 to index
      %get3A_1484 = tpu.vector_load %get3A_1480[%get3A_1481, %get3A_1482, %get3A_1483] {strides = array<i32>} : memref<7x16x512xf32, #tpu.memory_space<vmem>>, vector<1x1x16xf32>,
      %get3A_1485 = vector.shape_cast %get3A_1484 : vector<1x1x16xf32> to vector<16xf32>
      %get3A_1486 = arith.constant 2 : i32
      %get3A_1487 = arith.constant 0 : i32
      %get3A_1488 = arith.constant 0 : i32
      %get3A_1489 = arith.constant 0 : i32
      %get3A_1490 = tpu.memref_slice %arg7[%scan3A_778, %get3A_1487, %get3A_1488, %get3A_1489] : memref<2x7x16x512xf32, #tpu.memory_space<vmem>> -> memref<1x7x16x512xf32, #tpu.memory_space<vmem>>
      %get3A_1491 = tpu.memref_squeeze %get3A_1490 : memref<1x7x16x512xf32, #tpu.memory_space<vmem>> -> memref<7x16x512xf32, #tpu.memory_space<vmem>>
      %get3A_1492 = arith.index_cast %get3A_1486 : i32 to index
      %get3A_1493 = arith.index_cast %add3A_812 : i32 to index
      %get3A_1494 = arith.index_cast %multiple_of3A_1463 : i32 to index
      %get3A_1495 = tpu.vector_load %get3A_1491[%get3A_1492, %get3A_1493, %get3A_1494] {strides = array<i32>} : memref<7x16x512xf32, #tpu.memory_space<vmem>>, vector<1x1x16xf32>,
      %get3A_1496 = vector.shape_cast %get3A_1495 : vector<1x1x16xf32> to vector<16xf32>
      %get3A_1497 = arith.constant 3 : i32
      %get3A_1498 = arith.constant 0 : i32
      %get3A_1499 = arith.constant 0 : i32
      %get3A_1500 = arith.constant 0 : i32
      %get3A_1501 = tpu.memref_slice %arg7[%scan3A_778, %get3A_1498, %get3A_1499, %get3A_1500] : memref<2x7x16x512xf32, #tpu.memory_space<vmem>> -> memref<1x7x16x512xf32, #tpu.memory_space<vmem>>
      %get3A_1502 = tpu.memref_squeeze %get3A_1501 : memref<1x7x16x512xf32, #tpu.memory_space<vmem>> -> memref<7x16x512xf32, #tpu.memory_space<vmem>>
      %get3A_1503 = arith.index_cast %get3A_1497 : i32 to index
      %get3A_1504 = arith.index_cast %add3A_812 : i32 to index
      %get3A_1505 = arith.index_cast %multiple_of3A_1463 : i32 to index
      %get3A_1506 = tpu.vector_load %get3A_1502[%get3A_1503, %get3A_1504, %get3A_1505] {strides = array<i32>} : memref<7x16x512xf32, #tpu.memory_space<vmem>>, vector<1x1x16xf32>,
      %get3A_1507 = vector.shape_cast %get3A_1506 : vector<1x1x16xf32> to vector<16xf32>
      %get3A_1508 = arith.constant 4 : i32
      %get3A_1509 = arith.constant 0 : i32
      %get3A_1510 = arith.constant 0 : i32
      %get3A_1511 = arith.constant 0 : i32
      %get3A_1512 = tpu.memref_slice %arg7[%scan3A_778, %get3A_1509, %get3A_1510, %get3A_1511] : memref<2x7x16x512xf32, #tpu.memory_space<vmem>> -> memref<1x7x16x512xf32, #tpu.memory_space<vmem>>
      %get3A_1513 = tpu.memref_squeeze %get3A_1512 : memref<1x7x16x512xf32, #tpu.memory_space<vmem>> -> memref<7x16x512xf32, #tpu.memory_space<vmem>>
      %get3A_1514 = arith.index_cast %get3A_1508 : i32 to index
      %get3A_1515 = arith.index_cast %add3A_812 : i32 to index
      %get3A_1516 = arith.index_cast %multiple_of3A_1463 : i32 to index
      %get3A_1517 = tpu.vector_load %get3A_1513[%get3A_1514, %get3A_1515, %get3A_1516] {strides = array<i32>} : memref<7x16x512xf32, #tpu.memory_space<vmem>>, vector<1x1x16xf32>,
      %get3A_1518 = vector.shape_cast %get3A_1517 : vector<1x1x16xf32> to vector<16xf32>
      %get3A_1519 = arith.constant 5 : i32
      %get3A_1520 = arith.constant 0 : i32
      %get3A_1521 = arith.constant 0 : i32
      %get3A_1522 = arith.constant 0 : i32
      %get3A_1523 = tpu.memref_slice %arg7[%scan3A_778, %get3A_1520, %get3A_1521, %get3A_1522] : memref<2x7x16x512xf32, #tpu.memory_space<vmem>> -> memref<1x7x16x512xf32, #tpu.memory_space<vmem>>
      %get3A_1524 = tpu.memref_squeeze %get3A_1523 : memref<1x7x16x512xf32, #tpu.memory_space<vmem>> -> memref<7x16x512xf32, #tpu.memory_space<vmem>>
      %get3A_1525 = arith.index_cast %get3A_1519 : i32 to index
      %get3A_1526 = arith.index_cast %add3A_812 : i32 to index
      %get3A_1527 = arith.index_cast %multiple_of3A_1463 : i32 to index
      %get3A_1528 = tpu.vector_load %get3A_1524[%get3A_1525, %get3A_1526, %get3A_1527] {strides = array<i32>} : memref<7x16x512xf32, #tpu.memory_space<vmem>>, vector<1x1x16xf32>,
      %get3A_1529 = vector.shape_cast %get3A_1528 : vector<1x1x16xf32> to vector<16xf32>
      %get3A_1530 = arith.constant 6 : i32
      %get3A_1531 = arith.constant 0 : i32
      %get3A_1532 = arith.constant 0 : i32
      %get3A_1533 = arith.constant 0 : i32
      %get3A_1534 = tpu.memref_slice %arg7[%scan3A_778, %get3A_1531, %get3A_1532, %get3A_1533] : memref<2x7x16x512xf32, #tpu.memory_space<vmem>> -> memref<1x7x16x512xf32, #tpu.memory_space<vmem>>
      %get3A_1535 = tpu.memref_squeeze %get3A_1534 : memref<1x7x16x512xf32, #tpu.memory_space<vmem>> -> memref<7x16x512xf32, #tpu.memory_space<vmem>>
      %get3A_1536 = arith.index_cast %get3A_1530 : i32 to index
      %get3A_1537 = arith.index_cast %add3A_812 : i32 to index
      %get3A_1538 = arith.index_cast %multiple_of3A_1463 : i32 to index
      %get3A_1539 = tpu.vector_load %get3A_1535[%get3A_1536, %get3A_1537, %get3A_1538] {strides = array<i32>} : memref<7x16x512xf32, #tpu.memory_space<vmem>>, vector<1x1x16xf32>,
      %get3A_1540 = vector.shape_cast %get3A_1539 : vector<1x1x16xf32> to vector<16xf32>
      %sub3A_1541 = arith.subf %get3A_1507, %get3A_1474 : vector<16xf32>
      %sub3A_1542 = arith.subf %get3A_1518, %get3A_1485 : vector<16xf32>
      %sub3A_1543 = arith.subf %get3A_1529, %get3A_1496 : vector<16xf32>
      %mul3A_1544 = arith.mulf %sub3A_1541, %sub3A_1541 : vector<16xf32>
      %mul3A_1545 = arith.mulf %sub3A_1542, %sub3A_1542 : vector<16xf32>
      %add3A_1546 = arith.addf %mul3A_1544, %mul3A_1545 : vector<16xf32>
      %mul3A_1547 = arith.mulf %sub3A_1543, %sub3A_1543 : vector<16xf32>
      %add3A_1548 = arith.addf %add3A_1546, %mul3A_1547 : vector<16xf32>
      %max3A_1549 = arith.constant 1.000000e-24 : f32
      %max3A_1550 = vector.broadcast %max3A_1549 : f32 to vector<16xf32>
      %max3A_1551 = arith.maximumf %add3A_1548, %max3A_1550 : vector<16xf32>
      %bitcast_convert_type3A_1552 = tpu.bitcast %max3A_1551 : vector<16xf32> -> vector<16xi32>
      %shift_right_logical3A_1553 = arith.constant 1 : i32
      %shift_right_logical3A_1554 = vector.broadcast %shift_right_logical3A_1553 : i32 to vector<16xi32>
      %shift_right_logical3A_1555 = arith.shrui %bitcast_convert_type3A_1552, %shift_right_logical3A_1554 : vector<16xi32>
      %sub3A_1556 = arith.constant 1597463007 : i32
      %sub3A_1557 = vector.broadcast %sub3A_1556 : i32 to vector<16xi32>
      %sub3A_1558 = arith.subi %sub3A_1557, %shift_right_logical3A_1555 : vector<16xi32>
      %bitcast_convert_type3A_1559 = tpu.bitcast %sub3A_1558 : vector<16xi32> -> vector<16xf32>
      %mul3A_1560 = arith.constant 5.000000e-01 : f32
      %mul3A_1561 = vector.broadcast %mul3A_1560 : f32 to vector<16xf32>
      %mul3A_1562 = arith.mulf %mul3A_1561, %max3A_1551 : vector<16xf32>
      %mul3A_1563 = arith.mulf %mul3A_1562, %bitcast_convert_type3A_1559 : vector<16xf32>
      %mul3A_1564 = arith.mulf %mul3A_1563, %bitcast_convert_type3A_1559 : vector<16xf32>
      %sub3A_1565 = arith.constant 1.500000e+00 : f32
      %sub3A_1566 = vector.broadcast %sub3A_1565 : f32 to vector<16xf32>
      %sub3A_1567 = arith.subf %sub3A_1566, %mul3A_1564 : vector<16xf32>
      %mul3A_1568 = arith.mulf %bitcast_convert_type3A_1559, %sub3A_1567 : vector<16xf32>
      %mul3A_1569 = arith.constant 5.000000e-01 : f32
      %mul3A_1570 = vector.broadcast %mul3A_1569 : f32 to vector<16xf32>
      %mul3A_1571 = arith.mulf %mul3A_1570, %max3A_1551 : vector<16xf32>
      %mul3A_1572 = arith.mulf %mul3A_1571, %mul3A_1568 : vector<16xf32>
      %mul3A_1573 = arith.mulf %mul3A_1572, %mul3A_1568 : vector<16xf32>
      %sub3A_1574 = arith.constant 1.500000e+00 : f32
      %sub3A_1575 = vector.broadcast %sub3A_1574 : f32 to vector<16xf32>
      %sub3A_1576 = arith.subf %sub3A_1575, %mul3A_1573 : vector<16xf32>
      %mul3A_1577 = arith.mulf %mul3A_1568, %sub3A_1576 : vector<16xf32>
      %mul3A_1578 = arith.constant 5.000000e-01 : f32
      %mul3A_1579 = vector.broadcast %mul3A_1578 : f32 to vector<16xf32>
      %mul3A_1580 = arith.mulf %mul3A_1579, %max3A_1551 : vector<16xf32>
      %mul3A_1581 = arith.mulf %mul3A_1580, %mul3A_1577 : vector<16xf32>
      %mul3A_1582 = arith.mulf %mul3A_1581, %mul3A_1577 : vector<16xf32>
      %sub3A_1583 = arith.constant 1.500000e+00 : f32
      %sub3A_1584 = vector.broadcast %sub3A_1583 : f32 to vector<16xf32>
      %sub3A_1585 = arith.subf %sub3A_1584, %mul3A_1582 : vector<16xf32>
      %mul3A_1586 = arith.mulf %mul3A_1577, %sub3A_1585 : vector<16xf32>
      %mul3A_1587 = arith.mulf %max3A_1551, %mul3A_1586 : vector<16xf32>
      %mul3A_1588 = arith.mulf %mul3A_1587, %get3A_1540 : vector<16xf32>
      %add3A_1589 = arith.addf %add3A_1069, %mul3A_1588 : vector<16xf32>
      %add3A_1590 = arith.addf %add3A_1070, %get3A_1540 : vector<16xf32>
      %add3A_1591 = arith.constant 96 : i32
      %add3A_1592 = arith.addi %shift_left3A_816, %add3A_1591 : i32
      %multiple_of3A_1593 = tpu.assume_multiple %add3A_1592, 16 : i32
      %get3A_1594 = arith.constant 0 : i32
      %get3A_1595 = arith.constant 0 : i32
      %get3A_1596 = arith.constant 0 : i32
      %get3A_1597 = arith.constant 0 : i32
      %get3A_1598 = tpu.memref_slice %arg7[%scan3A_778, %get3A_1595, %get3A_1596, %get3A_1597] : memref<2x7x16x512xf32, #tpu.memory_space<vmem>> -> memref<1x7x16x512xf32, #tpu.memory_space<vmem>>
      %get3A_1599 = tpu.memref_squeeze %get3A_1598 : memref<1x7x16x512xf32, #tpu.memory_space<vmem>> -> memref<7x16x512xf32, #tpu.memory_space<vmem>>
      %get3A_1600 = arith.index_cast %get3A_1594 : i32 to index
      %get3A_1601 = arith.index_cast %add3A_812 : i32 to index
      %get3A_1602 = arith.index_cast %multiple_of3A_1593 : i32 to index
      %get3A_1603 = tpu.vector_load %get3A_1599[%get3A_1600, %get3A_1601, %get3A_1602] {strides = array<i32>} : memref<7x16x512xf32, #tpu.memory_space<vmem>>, vector<1x1x16xf32>,
      %get3A_1604 = vector.shape_cast %get3A_1603 : vector<1x1x16xf32> to vector<16xf32>
      %get3A_1605 = arith.constant 1 : i32
      %get3A_1606 = arith.constant 0 : i32
      %get3A_1607 = arith.constant 0 : i32
      %get3A_1608 = arith.constant 0 : i32
      %get3A_1609 = tpu.memref_slice %arg7[%scan3A_778, %get3A_1606, %get3A_1607, %get3A_1608] : memref<2x7x16x512xf32, #tpu.memory_space<vmem>> -> memref<1x7x16x512xf32, #tpu.memory_space<vmem>>
      %get3A_1610 = tpu.memref_squeeze %get3A_1609 : memref<1x7x16x512xf32, #tpu.memory_space<vmem>> -> memref<7x16x512xf32, #tpu.memory_space<vmem>>
      %get3A_1611 = arith.index_cast %get3A_1605 : i32 to index
      %get3A_1612 = arith.index_cast %add3A_812 : i32 to index
      %get3A_1613 = arith.index_cast %multiple_of3A_1593 : i32 to index
      %get3A_1614 = tpu.vector_load %get3A_1610[%get3A_1611, %get3A_1612, %get3A_1613] {strides = array<i32>} : memref<7x16x512xf32, #tpu.memory_space<vmem>>, vector<1x1x16xf32>,
      %get3A_1615 = vector.shape_cast %get3A_1614 : vector<1x1x16xf32> to vector<16xf32>
      %get3A_1616 = arith.constant 2 : i32
      %get3A_1617 = arith.constant 0 : i32
      %get3A_1618 = arith.constant 0 : i32
      %get3A_1619 = arith.constant 0 : i32
      %get3A_1620 = tpu.memref_slice %arg7[%scan3A_778, %get3A_1617, %get3A_1618, %get3A_1619] : memref<2x7x16x512xf32, #tpu.memory_space<vmem>> -> memref<1x7x16x512xf32, #tpu.memory_space<vmem>>
      %get3A_1621 = tpu.memref_squeeze %get3A_1620 : memref<1x7x16x512xf32, #tpu.memory_space<vmem>> -> memref<7x16x512xf32, #tpu.memory_space<vmem>>
      %get3A_1622 = arith.index_cast %get3A_1616 : i32 to index
      %get3A_1623 = arith.index_cast %add3A_812 : i32 to index
      %get3A_1624 = arith.index_cast %multiple_of3A_1593 : i32 to index
      %get3A_1625 = tpu.vector_load %get3A_1621[%get3A_1622, %get3A_1623, %get3A_1624] {strides = array<i32>} : memref<7x16x512xf32, #tpu.memory_space<vmem>>, vector<1x1x16xf32>,
      %get3A_1626 = vector.shape_cast %get3A_1625 : vector<1x1x16xf32> to vector<16xf32>
      %get3A_1627 = arith.constant 3 : i32
      %get3A_1628 = arith.constant 0 : i32
      %get3A_1629 = arith.constant 0 : i32
      %get3A_1630 = arith.constant 0 : i32
      %get3A_1631 = tpu.memref_slice %arg7[%scan3A_778, %get3A_1628, %get3A_1629, %get3A_1630] : memref<2x7x16x512xf32, #tpu.memory_space<vmem>> -> memref<1x7x16x512xf32, #tpu.memory_space<vmem>>
      %get3A_1632 = tpu.memref_squeeze %get3A_1631 : memref<1x7x16x512xf32, #tpu.memory_space<vmem>> -> memref<7x16x512xf32, #tpu.memory_space<vmem>>
      %get3A_1633 = arith.index_cast %get3A_1627 : i32 to index
      %get3A_1634 = arith.index_cast %add3A_812 : i32 to index
      %get3A_1635 = arith.index_cast %multiple_of3A_1593 : i32 to index
      %get3A_1636 = tpu.vector_load %get3A_1632[%get3A_1633, %get3A_1634, %get3A_1635] {strides = array<i32>} : memref<7x16x512xf32, #tpu.memory_space<vmem>>, vector<1x1x16xf32>,
      %get3A_1637 = vector.shape_cast %get3A_1636 : vector<1x1x16xf32> to vector<16xf32>
      %get3A_1638 = arith.constant 4 : i32
      %get3A_1639 = arith.constant 0 : i32
      %get3A_1640 = arith.constant 0 : i32
      %get3A_1641 = arith.constant 0 : i32
      %get3A_1642 = tpu.memref_slice %arg7[%scan3A_778, %get3A_1639, %get3A_1640, %get3A_1641] : memref<2x7x16x512xf32, #tpu.memory_space<vmem>> -> memref<1x7x16x512xf32, #tpu.memory_space<vmem>>
      %get3A_1643 = tpu.memref_squeeze %get3A_1642 : memref<1x7x16x512xf32, #tpu.memory_space<vmem>> -> memref<7x16x512xf32, #tpu.memory_space<vmem>>
      %get3A_1644 = arith.index_cast %get3A_1638 : i32 to index
      %get3A_1645 = arith.index_cast %add3A_812 : i32 to index
      %get3A_1646 = arith.index_cast %multiple_of3A_1593 : i32 to index
      %get3A_1647 = tpu.vector_load %get3A_1643[%get3A_1644, %get3A_1645, %get3A_1646] {strides = array<i32>} : memref<7x16x512xf32, #tpu.memory_space<vmem>>, vector<1x1x16xf32>,
      %get3A_1648 = vector.shape_cast %get3A_1647 : vector<1x1x16xf32> to vector<16xf32>
      %get3A_1649 = arith.constant 5 : i32
      %get3A_1650 = arith.constant 0 : i32
      %get3A_1651 = arith.constant 0 : i32
      %get3A_1652 = arith.constant 0 : i32
      %get3A_1653 = tpu.memref_slice %arg7[%scan3A_778, %get3A_1650, %get3A_1651, %get3A_1652] : memref<2x7x16x512xf32, #tpu.memory_space<vmem>> -> memref<1x7x16x512xf32, #tpu.memory_space<vmem>>
      %get3A_1654 = tpu.memref_squeeze %get3A_1653 : memref<1x7x16x512xf32, #tpu.memory_space<vmem>> -> memref<7x16x512xf32, #tpu.memory_space<vmem>>
      %get3A_1655 = arith.index_cast %get3A_1649 : i32 to index
      %get3A_1656 = arith.index_cast %add3A_812 : i32 to index
      %get3A_1657 = arith.index_cast %multiple_of3A_1593 : i32 to index
      %get3A_1658 = tpu.vector_load %get3A_1654[%get3A_1655, %get3A_1656, %get3A_1657] {strides = array<i32>} : memref<7x16x512xf32, #tpu.memory_space<vmem>>, vector<1x1x16xf32>,
      %get3A_1659 = vector.shape_cast %get3A_1658 : vector<1x1x16xf32> to vector<16xf32>
      %get3A_1660 = arith.constant 6 : i32
      %get3A_1661 = arith.constant 0 : i32
      %get3A_1662 = arith.constant 0 : i32
      %get3A_1663 = arith.constant 0 : i32
      %get3A_1664 = tpu.memref_slice %arg7[%scan3A_778, %get3A_1661, %get3A_1662, %get3A_1663] : memref<2x7x16x512xf32, #tpu.memory_space<vmem>> -> memref<1x7x16x512xf32, #tpu.memory_space<vmem>>
      %get3A_1665 = tpu.memref_squeeze %get3A_1664 : memref<1x7x16x512xf32, #tpu.memory_space<vmem>> -> memref<7x16x512xf32, #tpu.memory_space<vmem>>
      %get3A_1666 = arith.index_cast %get3A_1660 : i32 to index
      %get3A_1667 = arith.index_cast %add3A_812 : i32 to index
      %get3A_1668 = arith.index_cast %multiple_of3A_1593 : i32 to index
      %get3A_1669 = tpu.vector_load %get3A_1665[%get3A_1666, %get3A_1667, %get3A_1668] {strides = array<i32>} : memref<7x16x512xf32, #tpu.memory_space<vmem>>, vector<1x1x16xf32>,
      %get3A_1670 = vector.shape_cast %get3A_1669 : vector<1x1x16xf32> to vector<16xf32>
      %sub3A_1671 = arith.subf %get3A_1637, %get3A_1604 : vector<16xf32>
      %sub3A_1672 = arith.subf %get3A_1648, %get3A_1615 : vector<16xf32>
      %sub3A_1673 = arith.subf %get3A_1659, %get3A_1626 : vector<16xf32>
      %mul3A_1674 = arith.mulf %sub3A_1671, %sub3A_1671 : vector<16xf32>
      %mul3A_1675 = arith.mulf %sub3A_1672, %sub3A_1672 : vector<16xf32>
      %add3A_1676 = arith.addf %mul3A_1674, %mul3A_1675 : vector<16xf32>
      %mul3A_1677 = arith.mulf %sub3A_1673, %sub3A_1673 : vector<16xf32>
      %add3A_1678 = arith.addf %add3A_1676, %mul3A_1677 : vector<16xf32>
      %max3A_1679 = arith.constant 1.000000e-24 : f32
      %max3A_1680 = vector.broadcast %max3A_1679 : f32 to vector<16xf32>
      %max3A_1681 = arith.maximumf %add3A_1678, %max3A_1680 : vector<16xf32>
      %bitcast_convert_type3A_1682 = tpu.bitcast %max3A_1681 : vector<16xf32> -> vector<16xi32>
      %shift_right_logical3A_1683 = arith.constant 1 : i32
      %shift_right_logical3A_1684 = vector.broadcast %shift_right_logical3A_1683 : i32 to vector<16xi32>
      %shift_right_logical3A_1685 = arith.shrui %bitcast_convert_type3A_1682, %shift_right_logical3A_1684 : vector<16xi32>
      %sub3A_1686 = arith.constant 1597463007 : i32
      %sub3A_1687 = vector.broadcast %sub3A_1686 : i32 to vector<16xi32>
      %sub3A_1688 = arith.subi %sub3A_1687, %shift_right_logical3A_1685 : vector<16xi32>
      %bitcast_convert_type3A_1689 = tpu.bitcast %sub3A_1688 : vector<16xi32> -> vector<16xf32>
      %mul3A_1690 = arith.constant 5.000000e-01 : f32
      %mul3A_1691 = vector.broadcast %mul3A_1690 : f32 to vector<16xf32>
      %mul3A_1692 = arith.mulf %mul3A_1691, %max3A_1681 : vector<16xf32>
      %mul3A_1693 = arith.mulf %mul3A_1692, %bitcast_convert_type3A_1689 : vector<16xf32>
      %mul3A_1694 = arith.mulf %mul3A_1693, %bitcast_convert_type3A_1689 : vector<16xf32>
      %sub3A_1695 = arith.constant 1.500000e+00 : f32
      %sub3A_1696 = vector.broadcast %sub3A_1695 : f32 to vector<16xf32>
      %sub3A_1697 = arith.subf %sub3A_1696, %mul3A_1694 : vector<16xf32>
      %mul3A_1698 = arith.mulf %bitcast_convert_type3A_1689, %sub3A_1697 : vector<16xf32>
      %mul3A_1699 = arith.constant 5.000000e-01 : f32
      %mul3A_1700 = vector.broadcast %mul3A_1699 : f32 to vector<16xf32>
      %mul3A_1701 = arith.mulf %mul3A_1700, %max3A_1681 : vector<16xf32>
      %mul3A_1702 = arith.mulf %mul3A_1701, %mul3A_1698 : vector<16xf32>
      %mul3A_1703 = arith.mulf %mul3A_1702, %mul3A_1698 : vector<16xf32>
      %sub3A_1704 = arith.constant 1.500000e+00 : f32
      %sub3A_1705 = vector.broadcast %sub3A_1704 : f32 to vector<16xf32>
      %sub3A_1706 = arith.subf %sub3A_1705, %mul3A_1703 : vector<16xf32>
      %mul3A_1707 = arith.mulf %mul3A_1698, %sub3A_1706 : vector<16xf32>
      %mul3A_1708 = arith.constant 5.000000e-01 : f32
      %mul3A_1709 = vector.broadcast %mul3A_1708 : f32 to vector<16xf32>
      %mul3A_1710 = arith.mulf %mul3A_1709, %max3A_1681 : vector<16xf32>
      %mul3A_1711 = arith.mulf %mul3A_1710, %mul3A_1707 : vector<16xf32>
      %mul3A_1712 = arith.mulf %mul3A_1711, %mul3A_1707 : vector<16xf32>
      %sub3A_1713 = arith.constant 1.500000e+00 : f32
      %sub3A_1714 = vector.broadcast %sub3A_1713 : f32 to vector<16xf32>
      %sub3A_1715 = arith.subf %sub3A_1714, %mul3A_1712 : vector<16xf32>
      %mul3A_1716 = arith.mulf %mul3A_1707, %sub3A_1715 : vector<16xf32>
      %mul3A_1717 = arith.mulf %max3A_1681, %mul3A_1716 : vector<16xf32>
      %mul3A_1718 = arith.mulf %mul3A_1717, %get3A_1670 : vector<16xf32>
      %add3A_1719 = arith.addf %add3A_1199, %mul3A_1718 : vector<16xf32>
      %add3A_1720 = arith.addf %add3A_1200, %get3A_1670 : vector<16xf32>
      %add3A_1721 = arith.constant 112 : i32
      %add3A_1722 = arith.addi %shift_left3A_816, %add3A_1721 : i32
      %multiple_of3A_1723 = tpu.assume_multiple %add3A_1722, 16 : i32
      %get3A_1724 = arith.constant 0 : i32
      %get3A_1725 = arith.constant 0 : i32
      %get3A_1726 = arith.constant 0 : i32
      %get3A_1727 = arith.constant 0 : i32
      %get3A_1728 = tpu.memref_slice %arg7[%scan3A_778, %get3A_1725, %get3A_1726, %get3A_1727] : memref<2x7x16x512xf32, #tpu.memory_space<vmem>> -> memref<1x7x16x512xf32, #tpu.memory_space<vmem>>
      %get3A_1729 = tpu.memref_squeeze %get3A_1728 : memref<1x7x16x512xf32, #tpu.memory_space<vmem>> -> memref<7x16x512xf32, #tpu.memory_space<vmem>>
      %get3A_1730 = arith.index_cast %get3A_1724 : i32 to index
      %get3A_1731 = arith.index_cast %add3A_812 : i32 to index
      %get3A_1732 = arith.index_cast %multiple_of3A_1723 : i32 to index
      %get3A_1733 = tpu.vector_load %get3A_1729[%get3A_1730, %get3A_1731, %get3A_1732] {strides = array<i32>} : memref<7x16x512xf32, #tpu.memory_space<vmem>>, vector<1x1x16xf32>,
      %get3A_1734 = vector.shape_cast %get3A_1733 : vector<1x1x16xf32> to vector<16xf32>
      %get3A_1735 = arith.constant 1 : i32
      %get3A_1736 = arith.constant 0 : i32
      %get3A_1737 = arith.constant 0 : i32
      %get3A_1738 = arith.constant 0 : i32
      %get3A_1739 = tpu.memref_slice %arg7[%scan3A_778, %get3A_1736, %get3A_1737, %get3A_1738] : memref<2x7x16x512xf32, #tpu.memory_space<vmem>> -> memref<1x7x16x512xf32, #tpu.memory_space<vmem>>
      %get3A_1740 = tpu.memref_squeeze %get3A_1739 : memref<1x7x16x512xf32, #tpu.memory_space<vmem>> -> memref<7x16x512xf32, #tpu.memory_space<vmem>>
      %get3A_1741 = arith.index_cast %get3A_1735 : i32 to index
      %get3A_1742 = arith.index_cast %add3A_812 : i32 to index
      %get3A_1743 = arith.index_cast %multiple_of3A_1723 : i32 to index
      %get3A_1744 = tpu.vector_load %get3A_1740[%get3A_1741, %get3A_1742, %get3A_1743] {strides = array<i32>} : memref<7x16x512xf32, #tpu.memory_space<vmem>>, vector<1x1x16xf32>,
      %get3A_1745 = vector.shape_cast %get3A_1744 : vector<1x1x16xf32> to vector<16xf32>
      %get3A_1746 = arith.constant 2 : i32
      %get3A_1747 = arith.constant 0 : i32
      %get3A_1748 = arith.constant 0 : i32
      %get3A_1749 = arith.constant 0 : i32
      %get3A_1750 = tpu.memref_slice %arg7[%scan3A_778, %get3A_1747, %get3A_1748, %get3A_1749] : memref<2x7x16x512xf32, #tpu.memory_space<vmem>> -> memref<1x7x16x512xf32, #tpu.memory_space<vmem>>
      %get3A_1751 = tpu.memref_squeeze %get3A_1750 : memref<1x7x16x512xf32, #tpu.memory_space<vmem>> -> memref<7x16x512xf32, #tpu.memory_space<vmem>>
      %get3A_1752 = arith.index_cast %get3A_1746 : i32 to index
      %get3A_1753 = arith.index_cast %add3A_812 : i32 to index
      %get3A_1754 = arith.index_cast %multiple_of3A_1723 : i32 to index
      %get3A_1755 = tpu.vector_load %get3A_1751[%get3A_1752, %get3A_1753, %get3A_1754] {strides = array<i32>} : memref<7x16x512xf32, #tpu.memory_space<vmem>>, vector<1x1x16xf32>,
      %get3A_1756 = vector.shape_cast %get3A_1755 : vector<1x1x16xf32> to vector<16xf32>
      %get3A_1757 = arith.constant 3 : i32
      %get3A_1758 = arith.constant 0 : i32
      %get3A_1759 = arith.constant 0 : i32
      %get3A_1760 = arith.constant 0 : i32
      %get3A_1761 = tpu.memref_slice %arg7[%scan3A_778, %get3A_1758, %get3A_1759, %get3A_1760] : memref<2x7x16x512xf32, #tpu.memory_space<vmem>> -> memref<1x7x16x512xf32, #tpu.memory_space<vmem>>
      %get3A_1762 = tpu.memref_squeeze %get3A_1761 : memref<1x7x16x512xf32, #tpu.memory_space<vmem>> -> memref<7x16x512xf32, #tpu.memory_space<vmem>>
      %get3A_1763 = arith.index_cast %get3A_1757 : i32 to index
      %get3A_1764 = arith.index_cast %add3A_812 : i32 to index
      %get3A_1765 = arith.index_cast %multiple_of3A_1723 : i32 to index
      %get3A_1766 = tpu.vector_load %get3A_1762[%get3A_1763, %get3A_1764, %get3A_1765] {strides = array<i32>} : memref<7x16x512xf32, #tpu.memory_space<vmem>>, vector<1x1x16xf32>,
      %get3A_1767 = vector.shape_cast %get3A_1766 : vector<1x1x16xf32> to vector<16xf32>
      %get3A_1768 = arith.constant 4 : i32
      %get3A_1769 = arith.constant 0 : i32
      %get3A_1770 = arith.constant 0 : i32
      %get3A_1771 = arith.constant 0 : i32
      %get3A_1772 = tpu.memref_slice %arg7[%scan3A_778, %get3A_1769, %get3A_1770, %get3A_1771] : memref<2x7x16x512xf32, #tpu.memory_space<vmem>> -> memref<1x7x16x512xf32, #tpu.memory_space<vmem>>
      %get3A_1773 = tpu.memref_squeeze %get3A_1772 : memref<1x7x16x512xf32, #tpu.memory_space<vmem>> -> memref<7x16x512xf32, #tpu.memory_space<vmem>>
      %get3A_1774 = arith.index_cast %get3A_1768 : i32 to index
      %get3A_1775 = arith.index_cast %add3A_812 : i32 to index
      %get3A_1776 = arith.index_cast %multiple_of3A_1723 : i32 to index
      %get3A_1777 = tpu.vector_load %get3A_1773[%get3A_1774, %get3A_1775, %get3A_1776] {strides = array<i32>} : memref<7x16x512xf32, #tpu.memory_space<vmem>>, vector<1x1x16xf32>,
      %get3A_1778 = vector.shape_cast %get3A_1777 : vector<1x1x16xf32> to vector<16xf32>
      %get3A_1779 = arith.constant 5 : i32
      %get3A_1780 = arith.constant 0 : i32
      %get3A_1781 = arith.constant 0 : i32
      %get3A_1782 = arith.constant 0 : i32
      %get3A_1783 = tpu.memref_slice %arg7[%scan3A_778, %get3A_1780, %get3A_1781, %get3A_1782] : memref<2x7x16x512xf32, #tpu.memory_space<vmem>> -> memref<1x7x16x512xf32, #tpu.memory_space<vmem>>
      %get3A_1784 = tpu.memref_squeeze %get3A_1783 : memref<1x7x16x512xf32, #tpu.memory_space<vmem>> -> memref<7x16x512xf32, #tpu.memory_space<vmem>>
      %get3A_1785 = arith.index_cast %get3A_1779 : i32 to index
      %get3A_1786 = arith.index_cast %add3A_812 : i32 to index
      %get3A_1787 = arith.index_cast %multiple_of3A_1723 : i32 to index
      %get3A_1788 = tpu.vector_load %get3A_1784[%get3A_1785, %get3A_1786, %get3A_1787] {strides = array<i32>} : memref<7x16x512xf32, #tpu.memory_space<vmem>>, vector<1x1x16xf32>,
      %get3A_1789 = vector.shape_cast %get3A_1788 : vector<1x1x16xf32> to vector<16xf32>
      %get3A_1790 = arith.constant 6 : i32
      %get3A_1791 = arith.constant 0 : i32
      %get3A_1792 = arith.constant 0 : i32
      %get3A_1793 = arith.constant 0 : i32
      %get3A_1794 = tpu.memref_slice %arg7[%scan3A_778, %get3A_1791, %get3A_1792, %get3A_1793] : memref<2x7x16x512xf32, #tpu.memory_space<vmem>> -> memref<1x7x16x512xf32, #tpu.memory_space<vmem>>
      %get3A_1795 = tpu.memref_squeeze %get3A_1794 : memref<1x7x16x512xf32, #tpu.memory_space<vmem>> -> memref<7x16x512xf32, #tpu.memory_space<vmem>>
      %get3A_1796 = arith.index_cast %get3A_1790 : i32 to index
      %get3A_1797 = arith.index_cast %add3A_812 : i32 to index
      %get3A_1798 = arith.index_cast %multiple_of3A_1723 : i32 to index
      %get3A_1799 = tpu.vector_load %get3A_1795[%get3A_1796, %get3A_1797, %get3A_1798] {strides = array<i32>} : memref<7x16x512xf32, #tpu.memory_space<vmem>>, vector<1x1x16xf32>,
      %get3A_1800 = vector.shape_cast %get3A_1799 : vector<1x1x16xf32> to vector<16xf32>
      %sub3A_1801 = arith.subf %get3A_1767, %get3A_1734 : vector<16xf32>
      %sub3A_1802 = arith.subf %get3A_1778, %get3A_1745 : vector<16xf32>
      %sub3A_1803 = arith.subf %get3A_1789, %get3A_1756 : vector<16xf32>
      %mul3A_1804 = arith.mulf %sub3A_1801, %sub3A_1801 : vector<16xf32>
      %mul3A_1805 = arith.mulf %sub3A_1802, %sub3A_1802 : vector<16xf32>
      %add3A_1806 = arith.addf %mul3A_1804, %mul3A_1805 : vector<16xf32>
      %mul3A_1807 = arith.mulf %sub3A_1803, %sub3A_1803 : vector<16xf32>
      %add3A_1808 = arith.addf %add3A_1806, %mul3A_1807 : vector<16xf32>
      %max3A_1809 = arith.constant 1.000000e-24 : f32
      %max3A_1810 = vector.broadcast %max3A_1809 : f32 to vector<16xf32>
      %max3A_1811 = arith.maximumf %add3A_1808, %max3A_1810 : vector<16xf32>
      %bitcast_convert_type3A_1812 = tpu.bitcast %max3A_1811 : vector<16xf32> -> vector<16xi32>
      %shift_right_logical3A_1813 = arith.constant 1 : i32
      %shift_right_logical3A_1814 = vector.broadcast %shift_right_logical3A_1813 : i32 to vector<16xi32>
      %shift_right_logical3A_1815 = arith.shrui %bitcast_convert_type3A_1812, %shift_right_logical3A_1814 : vector<16xi32>
      %sub3A_1816 = arith.constant 1597463007 : i32
      %sub3A_1817 = vector.broadcast %sub3A_1816 : i32 to vector<16xi32>
      %sub3A_1818 = arith.subi %sub3A_1817, %shift_right_logical3A_1815 : vector<16xi32>
      %bitcast_convert_type3A_1819 = tpu.bitcast %sub3A_1818 : vector<16xi32> -> vector<16xf32>
      %mul3A_1820 = arith.constant 5.000000e-01 : f32
      %mul3A_1821 = vector.broadcast %mul3A_1820 : f32 to vector<16xf32>
      %mul3A_1822 = arith.mulf %mul3A_1821, %max3A_1811 : vector<16xf32>
      %mul3A_1823 = arith.mulf %mul3A_1822, %bitcast_convert_type3A_1819 : vector<16xf32>
      %mul3A_1824 = arith.mulf %mul3A_1823, %bitcast_convert_type3A_1819 : vector<16xf32>
      %sub3A_1825 = arith.constant 1.500000e+00 : f32
      %sub3A_1826 = vector.broadcast %sub3A_1825 : f32 to vector<16xf32>
      %sub3A_1827 = arith.subf %sub3A_1826, %mul3A_1824 : vector<16xf32>
      %mul3A_1828 = arith.mulf %bitcast_convert_type3A_1819, %sub3A_1827 : vector<16xf32>
      %mul3A_1829 = arith.constant 5.000000e-01 : f32
      %mul3A_1830 = vector.broadcast %mul3A_1829 : f32 to vector<16xf32>
      %mul3A_1831 = arith.mulf %mul3A_1830, %max3A_1811 : vector<16xf32>
      %mul3A_1832 = arith.mulf %mul3A_1831, %mul3A_1828 : vector<16xf32>
      %mul3A_1833 = arith.mulf %mul3A_1832, %mul3A_1828 : vector<16xf32>
      %sub3A_1834 = arith.constant 1.500000e+00 : f32
      %sub3A_1835 = vector.broadcast %sub3A_1834 : f32 to vector<16xf32>
      %sub3A_1836 = arith.subf %sub3A_1835, %mul3A_1833 : vector<16xf32>
      %mul3A_1837 = arith.mulf %mul3A_1828, %sub3A_1836 : vector<16xf32>
      %mul3A_1838 = arith.constant 5.000000e-01 : f32
      %mul3A_1839 = vector.broadcast %mul3A_1838 : f32 to vector<16xf32>
      %mul3A_1840 = arith.mulf %mul3A_1839, %max3A_1811 : vector<16xf32>
      %mul3A_1841 = arith.mulf %mul3A_1840, %mul3A_1837 : vector<16xf32>
      %mul3A_1842 = arith.mulf %mul3A_1841, %mul3A_1837 : vector<16xf32>
      %sub3A_1843 = arith.constant 1.500000e+00 : f32
      %sub3A_1844 = vector.broadcast %sub3A_1843 : f32 to vector<16xf32>
      %sub3A_1845 = arith.subf %sub3A_1844, %mul3A_1842 : vector<16xf32>
      %mul3A_1846 = arith.mulf %mul3A_1837, %sub3A_1845 : vector<16xf32>
      %mul3A_1847 = arith.mulf %max3A_1811, %mul3A_1846 : vector<16xf32>
      %mul3A_1848 = arith.mulf %mul3A_1847, %get3A_1800 : vector<16xf32>
      %add3A_1849 = arith.addf %add3A_1329, %mul3A_1848 : vector<16xf32>
      %add3A_1850 = arith.addf %add3A_1330, %get3A_1800 : vector<16xf32>
      scf.yield %add3A_1459, %add3A_1589, %add3A_1719, %add3A_1849, %add3A_1460, %add3A_1590, %add3A_1720, %add3A_1850 : vector<16xf32>, vector<16xf32>, vector<16xf32>, vector<16xf32>, vector<16xf32>, vector<16xf32>, vector<16xf32>, vector<16xf32>
    }
    %scan3A_784 = arith.constant 64 : i32
    %add3A_785 = arith.addf %scan3A_783#0, %scan3A_783#1 : vector<16xf32>
    %add3A_786 = arith.addf %add3A_785, %scan3A_783#2 : vector<16xf32>
    %add3A_787 = arith.addf %add3A_786, %scan3A_783#3 : vector<16xf32>
    %swap3A = arith.constant 0 : index
    %swap3A_788 = tpu.vector_load %arg8[%swap3A] {strides = array<i32>} : memref<16xf32, #tpu.memory_space<vmem>>, vector<16xf32>,
    %swap3A_789 = vector.shape_cast %swap3A_788 : vector<16xf32> to vector<16xf32>
    %swap3A_790 = vector.shape_cast %add3A_787 : vector<16xf32> to vector<16xf32>
    tpu.vector_store %arg8[%swap3A], %swap3A_790 {strides = array<i32>} : memref<16xf32, #tpu.memory_space<vmem>>, vector<16xf32>,
    %add3A_791 = arith.addf %scan3A_783#4, %scan3A_783#5 : vector<16xf32>
    %add3A_792 = arith.addf %add3A_791, %scan3A_783#6 : vector<16xf32>
    %add3A_793 = arith.addf %add3A_792, %scan3A_783#7 : vector<16xf32>
    %swap3A_794 = arith.constant 0 : index
    %swap3A_795 = tpu.vector_load %arg9[%swap3A_794] {strides = array<i32>} : memref<16xf32, #tpu.memory_space<vmem>>, vector<16xf32>,
    %swap3A_796 = vector.shape_cast %swap3A_795 : vector<16xf32> to vector<16xf32>
    %swap3A_797 = vector.shape_cast %add3A_793 : vector<16xf32> to vector<16xf32>
    tpu.vector_store %arg9[%swap3A_794], %swap3A_797 {strides = array<i32>} : memref<16xf32, #tpu.memory_space<vmem>>, vector<16xf32>,
    "tpu.region"() ({
      %run_scoped3A = tpu.sem_alloc : memref<!tpu.dma_semaphore, #tpu.memory_space<semaphore_mem>>
      %dma_start3A_798 = arith.constant 0 : i32
      %dma_start3A_799 = tpu.memref_slice %arg5[%add3A, %dma_start3A_798] : memref<32x16xf32, #tpu.memory_space<hbm>> -> memref<1x16xf32, #tpu.memory_space<hbm>>
      %dma_start3A_800 = tpu.memref_squeeze %dma_start3A_799 : memref<1x16xf32, #tpu.memory_space<hbm>> -> memref<16xf32, #tpu.memory_space<hbm>>
      %dma_start3A_801 = arith.constant 0 : i32
      %dma_start3A_802 = tpu.memref_slice %arg5[%add3A, %dma_start3A_801] : memref<32x16xf32, #tpu.memory_space<hbm>> -> memref<1x16xf32, #tpu.memory_space<hbm>>
      %dma_start3A_803 = tpu.memref_squeeze %dma_start3A_802 : memref<1x16xf32, #tpu.memory_space<hbm>> -> memref<16xf32, #tpu.memory_space<hbm>>
      tpu.enqueue_dma source(%arg8 : memref<16xf32, #tpu.memory_space<vmem>>) target(%dma_start3A_803 : memref<16xf32, #tpu.memory_space<hbm>>) target_semaphore(%run_scoped3A : memref<!tpu.dma_semaphore, #tpu.memory_space<semaphore_mem>>)
      %dma_wait3A_804 = arith.constant 0 : i32
      %dma_wait3A_805 = tpu.memref_slice %arg5[%add3A, %dma_wait3A_804] : memref<32x16xf32, #tpu.memory_space<hbm>> -> memref<1x16xf32, #tpu.memory_space<hbm>>
      %dma_wait3A_806 = tpu.memref_squeeze %dma_wait3A_805 : memref<1x16xf32, #tpu.memory_space<hbm>> -> memref<16xf32, #tpu.memory_space<hbm>>
      %dma_wait3A_807 = arith.constant 0 : i32
      %dma_wait3A_808 = tpu.memref_slice %arg5[%add3A, %dma_wait3A_807] : memref<32x16xf32, #tpu.memory_space<hbm>> -> memref<1x16xf32, #tpu.memory_space<hbm>>
      %dma_wait3A_809 = tpu.memref_squeeze %dma_wait3A_808 : memref<1x16xf32, #tpu.memory_space<hbm>> -> memref<16xf32, #tpu.memory_space<hbm>>
      tpu.wait_dma2 semaphore(%run_scoped3A : memref<!tpu.dma_semaphore, #tpu.memory_space<semaphore_mem>>) src(%arg8 : memref<16xf32, #tpu.memory_space<vmem>>) dst(%dma_wait3A_809 : memref<16xf32, #tpu.memory_space<hbm>>)
      tpu.yield
    }) : () -> ()
    "tpu.region"() ({
      %run_scoped3A = tpu.sem_alloc : memref<!tpu.dma_semaphore, #tpu.memory_space<semaphore_mem>>
      %dma_start3A_798 = arith.constant 0 : i32
      %dma_start3A_799 = tpu.memref_slice %arg6[%add3A, %dma_start3A_798] : memref<32x16xf32, #tpu.memory_space<hbm>> -> memref<1x16xf32, #tpu.memory_space<hbm>>
      %dma_start3A_800 = tpu.memref_squeeze %dma_start3A_799 : memref<1x16xf32, #tpu.memory_space<hbm>> -> memref<16xf32, #tpu.memory_space<hbm>>
      %dma_start3A_801 = arith.constant 0 : i32
      %dma_start3A_802 = tpu.memref_slice %arg6[%add3A, %dma_start3A_801] : memref<32x16xf32, #tpu.memory_space<hbm>> -> memref<1x16xf32, #tpu.memory_space<hbm>>
      %dma_start3A_803 = tpu.memref_squeeze %dma_start3A_802 : memref<1x16xf32, #tpu.memory_space<hbm>> -> memref<16xf32, #tpu.memory_space<hbm>>
      tpu.enqueue_dma source(%arg9 : memref<16xf32, #tpu.memory_space<vmem>>) target(%dma_start3A_803 : memref<16xf32, #tpu.memory_space<hbm>>) target_semaphore(%run_scoped3A : memref<!tpu.dma_semaphore, #tpu.memory_space<semaphore_mem>>)
      %dma_wait3A_804 = arith.constant 0 : i32
      %dma_wait3A_805 = tpu.memref_slice %arg6[%add3A, %dma_wait3A_804] : memref<32x16xf32, #tpu.memory_space<hbm>> -> memref<1x16xf32, #tpu.memory_space<hbm>>
      %dma_wait3A_806 = tpu.memref_squeeze %dma_wait3A_805 : memref<1x16xf32, #tpu.memory_space<hbm>> -> memref<16xf32, #tpu.memory_space<hbm>>
      %dma_wait3A_807 = arith.constant 0 : i32
      %dma_wait3A_808 = tpu.memref_slice %arg6[%add3A, %dma_wait3A_807] : memref<32x16xf32, #tpu.memory_space<hbm>> -> memref<1x16xf32, #tpu.memory_space<hbm>>
      %dma_wait3A_809 = tpu.memref_squeeze %dma_wait3A_808 : memref<1x16xf32, #tpu.memory_space<hbm>> -> memref<16xf32, #tpu.memory_space<hbm>>
      tpu.wait_dma2 semaphore(%run_scoped3A : memref<!tpu.dma_semaphore, #tpu.memory_space<semaphore_mem>>) src(%arg9 : memref<16xf32, #tpu.memory_space<vmem>>) dst(%dma_wait3A_809 : memref<16xf32, #tpu.memory_space<hbm>>)
      tpu.yield
    }) : () -> ()
    return
  }
}

module attributes {stable_mosaic.version = 14 : i64} {
  func.func @_tc_body(%arg0: i32, %arg1: memref<3x512x512xf32, #tpu.memory_space<vmem>>, %arg2: memref<3x512x512xf32, #tpu.memory_space<vmem>>, %arg3: memref<1x512x512xi8, #tpu.memory_space<vmem>>, %arg4: memref<1x1xf32, #tpu.memory_space<smem>>, %arg5: memref<1x1xf32, #tpu.memory_space<smem>>) attributes {dimension_semantics = [#tpu.dimension_semantics<arbitrary>], iteration_bounds = array<i64: 6>, scalar_prefetch = 0 : i64, scratch_operands = 0 : i64, tpu.core_type = #tpu.core_type<tc>, window_params = [{transform_indices = @transform_0, window_bounds = array<i64: 3, 512, 512>}, {transform_indices = @transform_1, window_bounds = array<i64: 3, 512, 512>}, {transform_indices = @transform_2, window_bounds = array<i64: 1, 512, 512>}, {transform_indices = @transform_3, window_bounds = array<i64: 1, 1>}, {transform_indices = @transform_4, window_bounds = array<i64: 1, 1>}]} {
    %eq3A = arith.constant 0 : i32
    %eq3A_0 = arith.cmpi eq, %arg0, %eq3A : i32
    %convert_element_type3A = arith.extui %eq3A_0 : i1 to i32
    %cond3A = arith.constant 0 : i32
    %cond3A_1 = arith.cmpi ne, %convert_element_type3A, %cond3A : i32
    scf.if %cond3A_1 {
      %swap3A_68 = arith.constant 0.000000e+00 : f32
      %swap3A_69 = arith.constant 0 : index
      %swap3A_70 = arith.constant 0 : index
      %swap3A_71 = memref.load %arg4[%swap3A_69, %swap3A_70] : memref<1x1xf32, #tpu.memory_space<smem>>
      memref.store %swap3A_68, %arg4[%swap3A_69, %swap3A_70] : memref<1x1xf32, #tpu.memory_space<smem>>
      %swap3A_72 = arith.constant 0.000000e+00 : f32
      %swap3A_73 = arith.constant 0 : index
      %swap3A_74 = arith.constant 0 : index
      %swap3A_75 = memref.load %arg5[%swap3A_73, %swap3A_74] : memref<1x1xf32, #tpu.memory_space<smem>>
      memref.store %swap3A_72, %arg5[%swap3A_73, %swap3A_74] : memref<1x1xf32, #tpu.memory_space<smem>>
    } else {
    }
    %get3A = arith.constant 0 : index
    %get3A_2 = arith.constant 0 : index
    %get3A_3 = arith.constant 0 : index
    %get3A_4 = vector.load %arg2[%get3A, %get3A_2, %get3A_3] : memref<3x512x512xf32, #tpu.memory_space<vmem>>, vector<1x512x512xf32>
    %get3A_5 = vector.shape_cast %get3A_4 : vector<1x512x512xf32> to vector<512x512xf32>
    %get3A_6 = arith.constant 0 : index
    %get3A_7 = arith.constant 0 : index
    %get3A_8 = arith.constant 0 : index
    %get3A_9 = vector.load %arg1[%get3A_6, %get3A_7, %get3A_8] : memref<3x512x512xf32, #tpu.memory_space<vmem>>, vector<1x512x512xf32>
    %get3A_10 = vector.shape_cast %get3A_9 : vector<1x512x512xf32> to vector<512x512xf32>
    %sub3A = arith.subf %get3A_5, %get3A_10 : vector<512x512xf32>
    %get3A_11 = arith.constant 1 : index
    %get3A_12 = arith.constant 0 : index
    %get3A_13 = arith.constant 0 : index
    %get3A_14 = vector.load %arg2[%get3A_11, %get3A_12, %get3A_13] : memref<3x512x512xf32, #tpu.memory_space<vmem>>, vector<1x512x512xf32>
    %get3A_15 = vector.shape_cast %get3A_14 : vector<1x512x512xf32> to vector<512x512xf32>
    %get3A_16 = arith.constant 1 : index
    %get3A_17 = arith.constant 0 : index
    %get3A_18 = arith.constant 0 : index
    %get3A_19 = vector.load %arg1[%get3A_16, %get3A_17, %get3A_18] : memref<3x512x512xf32, #tpu.memory_space<vmem>>, vector<1x512x512xf32>
    %get3A_20 = vector.shape_cast %get3A_19 : vector<1x512x512xf32> to vector<512x512xf32>
    %sub3A_21 = arith.subf %get3A_15, %get3A_20 : vector<512x512xf32>
    %get3A_22 = arith.constant 2 : index
    %get3A_23 = arith.constant 0 : index
    %get3A_24 = arith.constant 0 : index
    %get3A_25 = vector.load %arg2[%get3A_22, %get3A_23, %get3A_24] : memref<3x512x512xf32, #tpu.memory_space<vmem>>, vector<1x512x512xf32>
    %get3A_26 = vector.shape_cast %get3A_25 : vector<1x512x512xf32> to vector<512x512xf32>
    %get3A_27 = arith.constant 2 : index
    %get3A_28 = arith.constant 0 : index
    %get3A_29 = arith.constant 0 : index
    %get3A_30 = vector.load %arg1[%get3A_27, %get3A_28, %get3A_29] : memref<3x512x512xf32, #tpu.memory_space<vmem>>, vector<1x512x512xf32>
    %get3A_31 = vector.shape_cast %get3A_30 : vector<1x512x512xf32> to vector<512x512xf32>
    %sub3A_32 = arith.subf %get3A_26, %get3A_31 : vector<512x512xf32>
    %mul3A = arith.mulf %sub3A, %sub3A : vector<512x512xf32>
    %mul3A_33 = arith.mulf %sub3A_21, %sub3A_21 : vector<512x512xf32>
    %add3A = arith.addf %mul3A, %mul3A_33 : vector<512x512xf32>
    %mul3A_34 = arith.mulf %sub3A_32, %sub3A_32 : vector<512x512xf32>
    %add3A_35 = arith.addf %add3A, %mul3A_34 : vector<512x512xf32>
    %sqrt3A = math.sqrt %add3A_35 : vector<512x512xf32>
    %get3A_36 = arith.constant 0 : index
    %get3A_37 = arith.constant 0 : index
    %get3A_38 = arith.constant 0 : index
    %get3A_39 = vector.load %arg3[%get3A_36, %get3A_37, %get3A_38] : memref<1x512x512xi8, #tpu.memory_space<vmem>>, vector<1x512x512xi8>
    %get3A_40 = vector.shape_cast %get3A_39 : vector<1x512x512xi8> to vector<512x512xi8>
    %ne3A = arith.constant 0 : i8
    %ne3A_41 = vector.broadcast %ne3A : i8 to vector<512x512xi8>
    %ne3A_42 = arith.cmpi ne, %get3A_40, %ne3A_41 : vector<512x512xi8>
    %convert_element_type3A_43 = arith.extui %ne3A_42 : vector<512x512xi1> to vector<512x512xi32>
    %convert_element_type3A_44 = arith.sitofp %convert_element_type3A_43 : vector<512x512xi32> to vector<512x512xf32>
    %get3A_45 = arith.constant 0 : index
    %get3A_46 = arith.constant 0 : index
    %get3A_47 = memref.load %arg4[%get3A_45, %get3A_46] : memref<1x1xf32, #tpu.memory_space<smem>>
    %mul3A_48 = arith.mulf %sqrt3A, %convert_element_type3A_44 : vector<512x512xf32>
    %reduce_sum3A = vector.shape_cast %mul3A_48 : vector<512x512xf32> to vector<1x512x512xf32>
    %reduce_sum3A_49 = arith.constant dense<0.000000e+00> : vector<1xf32>
    %reduce_sum3A_50 = vector.multi_reduction <add>, %reduce_sum3A, %reduce_sum3A_49 [1, 2] : vector<1x512x512xf32> to vector<1xf32>
    %reduce_sum3A_51 = vector.shape_cast %reduce_sum3A_50 : vector<1xf32> to vector<1x1x1xf32>
    %reduce_sum3A_52 = vector.extract %reduce_sum3A_51[0, 0, 0] : f32 from vector<1x1x1xf32>
    %add3A_53 = arith.addf %get3A_47, %reduce_sum3A_52 : f32
    %swap3A = arith.constant 0 : index
    %swap3A_54 = arith.constant 0 : index
    %swap3A_55 = memref.load %arg4[%swap3A, %swap3A_54] : memref<1x1xf32, #tpu.memory_space<smem>>
    memref.store %add3A_53, %arg4[%swap3A, %swap3A_54] : memref<1x1xf32, #tpu.memory_space<smem>>
    %get3A_56 = arith.constant 0 : index
    %get3A_57 = arith.constant 0 : index
    %get3A_58 = memref.load %arg5[%get3A_56, %get3A_57] : memref<1x1xf32, #tpu.memory_space<smem>>
    %reduce_sum3A_59 = vector.shape_cast %convert_element_type3A_44 : vector<512x512xf32> to vector<1x512x512xf32>
    %reduce_sum3A_60 = arith.constant dense<0.000000e+00> : vector<1xf32>
    %reduce_sum3A_61 = vector.multi_reduction <add>, %reduce_sum3A_59, %reduce_sum3A_60 [1, 2] : vector<1x512x512xf32> to vector<1xf32>
    %reduce_sum3A_62 = vector.shape_cast %reduce_sum3A_61 : vector<1xf32> to vector<1x1x1xf32>
    %reduce_sum3A_63 = vector.extract %reduce_sum3A_62[0, 0, 0] : f32 from vector<1x1x1xf32>
    %add3A_64 = arith.addf %get3A_58, %reduce_sum3A_63 : f32
    %swap3A_65 = arith.constant 0 : index
    %swap3A_66 = arith.constant 0 : index
    %swap3A_67 = memref.load %arg5[%swap3A_65, %swap3A_66] : memref<1x1xf32, #tpu.memory_space<smem>>
    memref.store %add3A_64, %arg5[%swap3A_65, %swap3A_66] : memref<1x1xf32, #tpu.memory_space<smem>>
    return
  }
  func.func @transform_0(%arg0: i32) -> (i32, i32, i32) {
    %c0_i32 = arith.constant 0 : i32
    %c0_i32_0 = arith.constant 0 : i32
    %c0_i32_1 = arith.constant 0 : i32
    return %arg0, %c0_i32, %c0_i32_0 : i32, i32, i32
  }
  func.func @transform_1(%arg0: i32) -> (i32, i32, i32) {
    %c0_i32 = arith.constant 0 : i32
    %c0_i32_0 = arith.constant 0 : i32
    %c0_i32_1 = arith.constant 0 : i32
    return %arg0, %c0_i32, %c0_i32_0 : i32, i32, i32
  }
  func.func @transform_2(%arg0: i32) -> (i32, i32, i32) {
    %c0_i32 = arith.constant 0 : i32
    %c0_i32_0 = arith.constant 0 : i32
    %c0_i32_1 = arith.constant 0 : i32
    return %arg0, %c0_i32, %c0_i32_0 : i32, i32, i32
  }
  func.func @transform_3(%arg0: i32) -> (i32, i32) {
    %c0_i32 = arith.constant 0 : i32
    %c0_i32_0 = arith.constant 0 : i32
    %c0_i32_1 = arith.constant 0 : i32
    return %c0_i32, %c0_i32_0 : i32, i32
  }
  func.func @transform_4(%arg0: i32) -> (i32, i32) {
    %c0_i32 = arith.constant 0 : i32
    %c0_i32_0 = arith.constant 0 : i32
    %c0_i32_1 = arith.constant 0 : i32
    return %c0_i32, %c0_i32_0 : i32, i32
  }
}

</mosaic_0001>

<sc_bundles>
// kernel: kernel.4.cloned.1.call-start
scs
__scs_entry_jumppad:
0x0: {  	(pc) =	sbr.rel $0x88, $3  }
0x1: {  	(tag) =	ssettag $0x0;
	lr =	simm.s32 $0x1  }
0x2: {  	[smem:$0x3F9E] =	sst lr;
	_ =	strace $0xD0000000  }
0x3: {  	_ = 	snop  }
0x4: {  	_ = 	snop  }
0x5: {  	_ = 	snop  }
0x6: {  	_ = 	snop  }
0x7: {  	_ = 	snop  }
__scs_overlays_trampoline_lowered:
0x8: {  	[smem:$0x3FAD] =	sst s0  }
0x9: {  	[smem:$0x3FAE] =	sst s1  }
0xa: {  	[smem:$0x3FAF] =	sst s2  }
0xb: {  	[smem:$0x3FB0] =	sst s3  }
0xc: {  	[smem:$0x3FB1] =	sst s4  }
0xd: {  	[smem:$0x3FB2] =	sst s5  }
0xe: {  	[smem:$0x3FB3] =	sst s6  }
0xf: {  	[smem:$0x3FB4] =	sst s7  }
0x10: {  	[smem:$0x3FB5] =	sst s8  }
0x11: {  	[smem:$0x3FB6] =	sst s9;
	s0 =	simm.s32 @!p0 $0x0  }
0x12: {  	s1 =	sld [smem:$0x3F9C];
	s0 =	simm.s32 @p0 $0x1  }
0x13: {  	[smem:$0x3FB7] =	sst s0;
	s0 =	simm.s32 @!p1 $0x0  }
0x14: {  	s2 =	sld [smem:$0x3F9B];
	s0 =	simm.s32 @p1 $0x1  }
0x15: {  	[smem:$0x3FB8] =	sst s0;
	s0 =	simm.s32 @!p2 $0x0  }
0x16: {  	s3 =	sld [smem:$0x3FDB];
	s0 =	simm.s32 @p2 $0x1  }
0x17: {  	s4 =	simm.s32 $0x1BF5;
	[smem:$0x3FBA] =	sst s0  }
0x18: {  	s0 =	sld [smem:$0x3F9D];
	_ =	swait.ge [sflag:s4], $0x0  }
0x19: {  	s7 =	sld [smem:$0x3F9E]  }
0x1a: {  	s8 =	sadd.s32 $0xFFFFE003, lr  }
0x1b: {  	s9 =	sadd.s32 $0xFFFFFEF7, lr;
	s5 =	simm.s32 $0xFFFFFFFF;
	p2 =	slt.u32 s8, $0xFFFFF086  }
0x1c: {  	p1 =	slt.u32 s9, $0xF7A;
	s5 =	simm.s32 @!p2 $0x0  }
0x1d: {  	s5 =	simm.s32 @p1 $0x1;
	p0 =	seq.s32 s7, s2  }
0x1e: {  	s7 =	smul.u32 @!p0 $0xF7A, s2;
	p2 =	seq.s32 @!p0 s5, $0x0  }
0x1f: {  	s9 =	smul.u32 $0xF7A, s1;
	s8 =	simm.s32 @!p0 $0x1BF5;
	p2 =	por !p2, p0  }
0x20: {  	[sflag:s8] =	ssyncset.s32 @!p0 $0xFFFFF086;
	s6 =	sadd.s32 @!p0 s3, s7;
	s7 =	simm.s32 @!p0 $0x108  }
0x21: {  	s3 =	sadd.s32 s3, s9;
	s6 =	sadd.s32 @!p0 $0x88, s6;
	s7 =	simm.s32 @p2 $0x1082  }
0x22: {  	[simem:s7], [sflag:s8] =	dma.local @!p0 [hbm:s6], $0xF7A  }
0x23: {  	s9 =	sor.u32 $0xD0000000, s2;
	s6 =	simm.s32 $0x108;
	_ =	swait.ge @!p0 [sflag:s8], $0x0  }
0x24: {  	s3 =	sadd.s32 $0x88, s3;
	s6 =	simm.s32 @!p1 $0x1082;
	[sflag:s4] =	ssyncset.s32 $0xFFFFF086  }
0x25: {  	[simem:s6], [sflag:s4] =	dma.local [hbm:s3], $0xF7A  }
0x26: {  	[smem:$0x3F9E] =	sst s1;
	(tag) =	ssettag s2;
	_ =	strace s9  }
0x27: {  	s1 =	sld [smem:$0x3FAE]  }
0x28: {  	s2 =	sld [smem:$0x3FAF]  }
0x29: {  	s4 =	sld [smem:$0x3FB1]  }
0x2a: {  	p0 =	seq.s32 s5, $0x0;
	s5 =	sld [smem:$0x3FB2]  }
0x2b: {  	s6 =	sld [smem:$0x3FB3]  }
0x2c: {  	s7 =	sld [smem:$0x3FB4]  }
0x2d: {  	s3 =	simm.s32 $0x108;
	s8 =	sld [smem:$0x3FB5]  }
0x2e: {  	s3 =	simm.s32 @!p0 $0x1082;
	s9 =	sld [smem:$0x3FB6]  }
0x2f: {  	lr =	sadd.s32 s0, s3;
	s0 =	sld [smem:$0x3FAD]  }
0x30: {  	s3 =	sld [smem:$0x3FB0]  }
0x31: {  	[smem:$0x3FB9] =	sst s10  }
0x32: {  	s10 =	sld [smem:$0x3FB7];
	_ =	sdelay $0x3  }
0x33: {  	p0 =	seq.s32 s10, $0x1;
	s10 =	sld [smem:$0x3FB9];
	_ =	sdelay $0x3  }
0x34: {  	[smem:$0x3FB9] =	sst s10  }
0x35: {  	s10 =	sld [smem:$0x3FB8];
	_ =	sdelay $0x3  }
0x36: {  	p1 =	seq.s32 s10, $0x1;
	s10 =	sld [smem:$0x3FB9];
	_ =	sdelay $0x3  }
0x37: {  	[smem:$0x3FB9] =	sst s10  }
0x38: {  	s10 =	sld [smem:$0x3FBA]  }
0x39: {  	_ = 	snop;
	(pc) =	sbr.ind lr, $3  }
0x3a: {  	_ = 	snop  }
0x3b: {  	_ = 	snop  }
0x3c: {  	p2 =	seq.s32 s10, $0x1;
	s10 =	sld [smem:$0x3FB9]  }
0x3d: {  	_ =	shalt  }
0x3e: {  	_ =	shalt  }
0x3f: {  	_ =	shalt  }
0x40: {  	_ =	shalt  }
0x41: {  	_ =	shalt  }
0x42: {  	_ =	shalt  }
0x43: {  	_ =	shalt  }
0x44: {  	_ =	shalt  }
0x45: {  	_ =	shalt  }
0x46: {  	_ =	shalt  }
0x47: {  	_ =	shalt  }
0x48: {  	_ =	shalt  }
0x49: {  	_ =	shalt  }
0x4a: {  	_ =	shalt  }
0x4b: {  	_ =	shalt  }
0x4c: {  	_ =	shalt  }
0x4d: {  	_ =	shalt  }
0x4e: {  	_ =	shalt  }
0x4f: {  	_ =	shalt  }
0x50: {  	_ =	shalt  }
0x51: {  	_ =	shalt  }
0x52: {  	_ =	shalt  }
0x53: {  	_ =	shalt  }
0x54: {  	_ =	shalt  }
0x55: {  	_ =	shalt  }
0x56: {  	_ =	shalt  }
0x57: {  	_ =	shalt  }
0x58: {  	_ =	shalt  }
0x59: {  	_ =	shalt  }
0x5a: {  	_ =	shalt  }
0x5b: {  	_ =	shalt  }
0x5c: {  	_ =	shalt  }
0x5d: {  	_ =	shalt  }
0x5e: {  	_ =	shalt  }
0x5f: {  	_ =	shalt  }
0x60: {  	_ =	shalt  }
0x61: {  	_ =	shalt  }
0x62: {  	_ =	shalt  }
0x63: {  	_ =	shalt  }
0x64: {  	_ =	shalt  }
0x65: {  	_ =	shalt  }
0x66: {  	_ =	shalt  }
0x67: {  	_ =	shalt  }
0x68: {  	_ =	shalt  }
0x69: {  	_ =	shalt  }
0x6a: {  	_ =	shalt  }
0x6b: {  	_ =	shalt  }
0x6c: {  	_ =	shalt  }
0x6d: {  	_ =	shalt  }
0x6e: {  	_ =	shalt  }
0x6f: {  	_ =	shalt  }
0x70: {  	_ =	shalt  }
0x71: {  	_ =	shalt  }
0x72: {  	_ =	shalt  }
0x73: {  	_ =	shalt  }
0x74: {  	_ =	shalt  }
0x75: {  	_ =	shalt  }
0x76: {  	_ =	shalt  }
0x77: {  	_ =	shalt  }
0x78: {  	_ =	shalt  }
0x79: {  	_ =	shalt  }
0x7a: {  	_ =	shalt  }
0x7b: {  	_ =	shalt  }
0x7c: {  	_ =	shalt  }
0x7d: {  	_ =	shalt  }
0x7e: {  	_ =	shalt  }
0x7f: {  	_ =	shalt  }
0x80: {  	_ =	shalt  }
0x81: {  	_ =	shalt  }
0x82: {  	_ =	shalt  }
0x83: {  	_ =	shalt  }
0x84: {  	_ =	shalt  }
0x85: {  	_ =	shalt  }
0x86: {  	_ =	shalt  }
0x87: {  	_ =	shalt  }
.Lfunc_end0:
.L_simem_size_0:
called_computation_lowered:
.L_overlay_start_0:
0x88: {  	s2 =	sld [smem:$0x3FD9]  }
0x89: {  	s3 =	sld [smem:$0x3FFE];
	_ =	sdelay $0x1  }
0x8a: {  	s1 =	srdreg.scid  }
0x8b: {  	s0 =	sand.u32 $0x1, s1  }
0x8c: {  	s14 =	sshll.u32 s0, $0xA;
	s2 =	sadd.s32 s3, s2  }
0x8d: {  	s2 =	sadd.s32 s2, s14  }
0x8e: {  	[smem:$0x3FC5] =	sst s2  }
0x8f: {  	_ = 	snop  }
0x90: {  	s2 =	sld [smem:$0x3FD0];
	_ =	sdelay $0x1  }
0x91: {  	s15 =	sld [smem:$0x3FC9]  }
0x92: {  	s5 =	simm.s32 $0xA;
	s6 =	simm.s32 $0x10;
	s4 =	sld [smem:$0x3FC8]  }
0x93: {  	[smem:s6], [sflag:s5] =	dma.local [hbm:s2], $0x1  }
0x94: {  	_ =	swait.eq [sflag:s5], $0x1  }
0x95: {  	[sflag:s5] =	ssyncset.done $0x0  }
0x96: {  	[sflag:s5] =	ssyncadd.s32 $0xFFFFFFFF  }
0x97: {  	s16 =	sld [smem:$0x11];
	(tm) =	ssettm $0x1  }
0x98: {  	s17 =	sld [smem:$0x3FFB];
	_ =	sdelay $0x3  }
0x99: {  	_ =	strace s17  }
0x9a: {  	s5 =	sld [smem:$0x3FFC];
	_ =	sdelay $0x3  }
0x9b: {  	_ =	strace s5  }
0x9c: {  	s5 =	sld [smem:$0x3FFD];
	_ =	sdelay $0x3  }
0x9d: {  	_ =	strace s5  }
0x9e: {  	_ =	strace $0x8FFFFFFF  }
0x9f: {  	s18 =	sld [smem:$0x3FDB];
	_ =	sdelay $0x1  }
0xa0: {  	s19 =	simm.s32 $_scs_section_size  }
0xa1: {  	s7 =	simm.s32 $_size__tile_overlayer_lowered;
	s8 =	simm.s32 $_tile_overlayer_lowered  }
0xa2: {  	s22 =	simm.s32 $0x1BFF;
	s21 =	sshll.u32 s8, $0x1;
	s5 =	sadd.s32 s19, s18  }
0xa3: {  	s9 =	simm.s32 $0x0;
	s20 =	sshll.u32 s7, $0x1;
	s7 =	sadd.s32 s21, s5  }
0xa4: {  	[timem:s9], [sflag:s22] =	dma.local [hbm:s7], s20  }
0xa5: {  	_ =	swait.ge [sflag:s22], s20  }
0xa6: {  	s6 =	ssub.s32 $0x0, s20;
	[sflag:s22] =	ssyncset.done $0x0  }
0xa7: {  	[sflag:s22] =	ssyncadd.s32 s6;
	_ =	sdelay $0x1  }
0xa8: {  	s23 =	simm.s32 $0x1B8B  }
0xa9: {  	_ =	swait.ge [sflag:s23], $0x1  }
0xaa: {  	[sflag:s23] =	ssyncset.done $0x0  }
0xab: {  	s25 =	simm.s32 $0x1B8E;
	s24 =	sld [smem:$0x3FFE];
	[sflag:s23] =	ssyncadd.s32 $0xFFFFFFFF  }
0xac: {  	s26 =	simm.s32 $execute0_lowered;
	[smem:$0x3FD2] =	sst s25  }
0xad: {  	s7 =	sshll.u32 s26, $0x1;
	_ =	strace $0x80000046;
	[dreg:$0x1] =	wrdreg $0xFFFFFFFF  }
0xae: {  	s28 =	simm.s32 $_size_execute0_lowered;
	s5 =	sadd.s32 s5, s7;
	[dreg:$0x0] =	wrdreg $0x0  }
0xaf: {  	s7 =	sshll.u32 s28, $0x1;
	[dreg:$0x2] =	wrdreg s5  }
0xb0: {  	[dreg:$0x3] =	wrdreg s7  }
0xb1: {  	[dreg:$0x4] =	wrdreg $0xC0  }
0xb2: {  	_ =	task [dreg:s9], $0x5FFFF  }
0xb3: {  	[dreg:$0x1] =	wrdreg $0xFFFFFFFF  }
0xb4: {  	[dreg:$0x0] =	wrdreg $0x60  }
0xb5: {  	[dreg:$0x2] =	wrdreg s15  }
0xb6: {  	[dreg:$0x3] =	wrdreg s4  }
0xb7: {  	[dreg:$0x4] =	wrdreg s16  }
0xb8: {  	[dreg:$0x5] =	wrdreg s24  }
0xb9: {  	[dreg:$0x6] =	wrdreg $0x9  }
0xba: {  	_ =	task.clear_ibuf [dreg:s9], $0x7FFFF;
	_ =	strace $0x90000046  }
0xbb: {  	s29 =	simm.s32 $0x9;
	_ =	strace $0x80000048  }
0xbc: {  	_ =	swait.ge [sflag:s29], $0x1  }
0xbd: {  	[sflag:s29] =	ssyncadd.s32 $0xFFFFFFFF  }
0xbe: {  	_ =	strace $0x90000048  }
0xbf: {  	_ =	sfence  }
0xc0: {  	s30 =	sld [smem:$0x0];
	_ =	sdelay $0x2  }
0xc1: {  	s31 =	sshll.u32 s1, $0xD;
	s1 =	sshrl.u32 s1, $0x2  }
0xc2: {  	s3 =	sand.u32 $0x4000, s31;
	s1 =	sadd.s32 s1, s30  }
0xc3: {  	s0 =	sor.u32 s3, s0;
	s1 =	sshll.u32 s1, $0x11  }
0xc4: {  	s0 =	sor.u32 s1, s0  }
0xc5: {  	s0 =	sadd.s32 $0x8F2B, s0  }
0xc6: {  	[sflag:s0] =	ssyncadd.remote.s32 $0x1  }
0xc7: {  	_ =	sfence.sel $0xFFFF  }
0xc8: {  	[dreg:$0x0] =	wrdreg $0xFFFFFFFF;
	(pc) =	sbr.abs _section_cstart, $3  }
0xc9: {  	[dreg:$0x1] =	wrdreg $0xFFFFFFFF  }
0xca: {  	_ =	task.clear_ibuf [dreg:s9], $0x2FFFF;
	_ =	strace $0x9FFFFFFF  }
0xcb: {  	(tm) =	ssettm $0x7FFFFFFF  }
tec
execute0_lowered:
.L_overlay_start_1:
0x0: {  	(tag) =	ssettag $0x1  }
0x1: {  	s0 =	rddreg [dreg:$0x0]  }
0x2: {  	s1 =	rddreg [dreg:$0x1]  }
0x3: {  	s9 =	rddreg [dreg:$0x2]  }
0x4: {  	s3 =	rddreg [dreg:$0x3];
	s2 =	simm.s32 $0x0;
	s4 =	srdreg.scid  }
0x5: {  	s5 =	stileid.u32;
	s26 =	simm.s32 $0x1;
	s20 =	simm.s32 $0x1A000  }
0x6: {  	s21 =	simm.s32 $0x2;
	s22 =	simm.s32 $0x1C000;
	s23 =	simm.s32 $0x3  }
0x7: {  	s24 =	simm.s32 $0x1C080;
	s4 =	sand.u32 $0x1, s4;
	s5 =	sshll.u32 s5, $0x1  }
0x8: {  	s25 =	simm.s32 $0x0;
	[smem:$0x7FF] =	sst s2;
	s5 =	sor.u32 s4, s5  }
0x9: {  	_ =	strace $0x80000047;
	s4 =	ssub.s32 $0x2, s4;
	s6 =	sshll.u32 s5, $0x4  }
0xa: {  	s12 =	sshll.u32 s5, $0xA;
	s30 =	sshrl.u32 s4, $0x1;
	s18 =	sadd.s32 s6, s3  }
0xb: {  	s5 =	sor.u32 $0x90000, s12;
	s19 =	ssub.s32 s4, s30;
	s31 =	sor.u32 $0x98000, s12  }
0xc: {  	s8 =	sor.u32 $0xA0000, s12;
	s11 =	sor.u32 $0xA8000, s12;
	s9 =	sadd.s32 s9, s12  }
0xd: {  	s13 =	sor.u32 $0xB0000, s12;
	s15 =	sor.u32 $0xB8000, s12;
	s3 =	sadd.s32 s0, s5  }
0xe: {  	s4 =	sadd.s32 s1, s5;
	s5 =	sadd.s32 s0, s31;
	s6 =	sadd.s32 s1, s31  }
0xf: {  	s7 =	sadd.s32 s0, s8;
	s8 =	sadd.s32 s1, s8;
	s10 =	sadd.s32 s0, s11  }
0x10: {  	s11 =	sadd.s32 s1, s11;
	s12 =	sadd.s32 s0, s13;
	s13 =	sadd.s32 s1, s13  }
0x11: {  	s14 =	sadd.s32 s0, s15;
	s15 =	sadd.s32 s1, s15;
	s16 =	sadd.s32 $0x8000, s9  }
0x12: {  	s17 =	sadd.s32 $0x400, s18;
	s18 =	sadd.s32 $0x200, s18;
	s19 =	smax.u32 s19, $0x1  }
.LBB2_1:
0x13: {  	[tilespmem:s2], [sflag:$0x1] =	stream.linear.gather [hbm4b:s3+s2], $0x2000, $0x38;
	[tilespmem:$0x1C100] =	vst v63  }
0x14: {  	s0 =	simm.s32 $0x6000  }
0x15: {  	[tilespmem:s0], [sflag:$0x1] =	stream.linear.gather [hbm4b:s4+s2], $0x2000, $0x38;
	[tilespmem:$0x1C100] =	vst v63  }
0x16: {  	s31 =	simm.s32 $0x2000  }
0x17: {  	[tilespmem:s31], [sflag:$0x1] =	stream.linear.gather [hbm4b:s5+s2], $0x2000, $0x38;
	[tilespmem:$0x1C100] =	vst v63  }
0x18: {  	s1 =	simm.s32 $0x8000  }
0x19: {  	[tilespmem:s1], [sflag:$0x1] =	stream.linear.gather [hbm4b:s6+s2], $0x2000, $0x38;
	[tilespmem:$0x1C100] =	vst v63  }
0x1a: {  	s31 =	simm.s32 $0x4000  }
0x1b: {  	[tilespmem:s31], [sflag:$0x1] =	stream.linear.gather [hbm4b:s7+s2], $0x2000, $0x38;
	[tilespmem:$0x1C100] =	vst v63  }
0x1c: {  	s1 =	simm.s32 $0xA000  }
0x1d: {  	[tilespmem:s1], [sflag:$0x1] =	stream.linear.gather [hbm4b:s8+s2], $0x2000, $0x38;
	[tilespmem:$0x1C100] =	vst v63  }
0x1e: {  	s31 =	simm.s32 $0xC000  }
0x1f: {  	[tilespmem:s31], [sflag:$0x1] =	stream.linear.gather [hbm4b:s9+s2], $0x2000, $0x38;
	[tilespmem:$0x1C100] =	vst v63  }
0x20: {  	_ =	swait.ge [sflag:s26], $0x2000  }
0x21: {  	[sflag:s26] =	ssyncset.done $0x0  }
0x22: {  	[sflag:s26] =	ssyncadd.s32 $0xFFFFE000  }
0x23: {  	_ =	swait.ge [sflag:s26], $0x2000  }
0x24: {  	[sflag:s26] =	ssyncset.done $0x0  }
0x25: {  	[sflag:s26] =	ssyncadd.s32 $0xFFFFE000  }
0x26: {  	_ =	swait.ge [sflag:s26], $0x2000  }
0x27: {  	[sflag:s26] =	ssyncset.done $0x0  }
0x28: {  	[sflag:s26] =	ssyncadd.s32 $0xFFFFE000  }
0x29: {  	_ =	swait.ge [sflag:s26], $0x2000  }
0x2a: {  	[sflag:s26] =	ssyncset.done $0x0  }
0x2b: {  	[sflag:s26] =	ssyncadd.s32 $0xFFFFE000  }
0x2c: {  	_ =	swait.ge [sflag:s26], $0x2000  }
0x2d: {  	[sflag:s26] =	ssyncset.done $0x0  }
0x2e: {  	[sflag:s26] =	ssyncadd.s32 $0xFFFFE000  }
0x2f: {  	_ =	swait.ge [sflag:s26], $0x2000  }
0x30: {  	[sflag:s26] =	ssyncset.done $0x0  }
0x31: {  	[sflag:s26] =	ssyncadd.s32 $0xFFFFE000  }
0x32: {  	_ =	swait.ge [sflag:s26], $0x2000  }
0x33: {  	[sflag:s26] =	ssyncset.done $0x0  }
0x34: {  	s1 =	simm.s32 $0xE000;
	[sflag:s26] =	ssyncadd.s32 $0xFFFFE000  }
0x35: {  	[tilespmem:s1], [sflag:$0x2] =	stream.linear.gather [hbm4b:s10+s2], $0x2000, $0x38;
	[tilespmem:$0x1C100] =	vst v63  }
0x36: {  	s31 =	simm.s32 $0x14000  }
0x37: {  	[tilespmem:s31], [sflag:$0x2] =	stream.linear.gather [hbm4b:s11+s2], $0x2000, $0x38;
	[tilespmem:$0x1C100] =	vst v63  }
0x38: {  	s1 =	simm.s32 $0x10000  }
0x39: {  	[tilespmem:s1], [sflag:$0x2] =	stream.linear.gather [hbm4b:s12+s2], $0x2000, $0x38;
	[tilespmem:$0x1C100] =	vst v63  }
0x3a: {  	s28 =	simm.s32 $0x0;
	s29 =	sand.u32 $0xC00, s2;
	s31 =	simm.s32 $0x16000  }
0x3b: {  	[tilespmem:s31], [sflag:$0x2] =	stream.linear.gather [hbm4b:s13+s2], $0x2000, $0x38;
	[tilespmem:$0x1C100] =	vst v63  }
0x3c: {  	s30 =	simm.s32 $0x0;
	s28 =	sand.u32 $0x1000, s28;
	s1 =	simm.s32 $0x12000  }
0x3d: {  	[tilespmem:s1], [sflag:$0x2] =	stream.linear.gather [hbm4b:s14+s2], $0x2000, $0x38;
	[tilespmem:$0x1C100] =	vst v63  }
0x3e: {  	s30 =	sand.u32 $0x380, s30;
	s28 =	sor.u32 s29, s28;
	s31 =	simm.s32 $0x18000  }
0x3f: {  	[tilespmem:s31], [sflag:$0x2] =	stream.linear.gather [hbm4b:s15+s2], $0x2000, $0x38;
	[tilespmem:$0x1C100] =	vst v63  }
0x40: {  	s28 =	sor.u32 s30, s28  }
0x41: {  	[tilespmem:s20], [sflag:$0x2] =	stream.linear.gather [hbm4b:s16+s2], $0x2000, $0x38;
	[tilespmem:$0x1C100] =	vst v63  }
0x42: {  	v0 =	vld [tilespmem:s28+$0x4040]  }
0x43: {  	v1 =	vld [tilespmem:s28+$0xA040]  }
0x44: {  	v2 =	vld [tilespmem:s28+$0x4050]  }
0x45: {  	v3 =	vld [tilespmem:s28+$0xA050]  }
0x46: {  	v4 =	vld [tilespmem:s28+$0x4060]  }
0x47: {  	v5 =	vld [tilespmem:s28+$0xA060]  }
0x48: {  	v6 =	vld [tilespmem:s28+$0x4070]  }
0x49: {  	v7 =	vld [tilespmem:s28+$0xA070]  }
0x4a: {  	v8 =	vld [tilespmem:s28+$0x4000]  }
0x4b: {  	v9 =	vld [tilespmem:s28+$0xA000]  }
0x4c: {  	v10 =	vld [tilespmem:s28+$0x4010]  }
0x4d: {  	v11 =	vld [tilespmem:s28+$0xA010]  }
0x4e: {  	v12 =	vld [tilespmem:s28+$0x4020]  }
0x4f: {  	v13 =	vld [tilespmem:s28+$0xA020]  }
0x50: {  	v14 =	vld [tilespmem:s28+$0x4030]  }
0x51: {  	v15 =	vld [tilespmem:s28+$0xA030]  }
0x52: {  	v16 =	vld [tilespmem:s28+$0x40]  }
0x53: {  	v17 =	vld [tilespmem:s28+$0x2040]  }
0x54: {  	v18 =	vld [tilespmem:s28+$0x6040]  }
0x55: {  	v19 =	vld [tilespmem:s28+$0x8040]  }
0x56: {  	v20 =	vld [tilespmem:s28+$0x50]  }
0x57: {  	v21 =	vld [tilespmem:s28+$0x2050]  }
0x58: {  	v22 =	vld [tilespmem:s28+$0x6050]  }
0x59: {  	v23 =	vld [tilespmem:s28+$0x8050]  }
0x5a: {  	v24 =	vld [tilespmem:s28+$0x60]  }
0x5b: {  	v25 =	vld [tilespmem:s28+$0x2060]  }
0x5c: {  	v26 =	vld [tilespmem:s28+$0x6060]  }
0x5d: {  	v27 =	vld [tilespmem:s28+$0x8060]  }
0x5e: {  	v28 =	vld [tilespmem:s28+$0x70]  }
0x5f: {  	v29 =	vld [tilespmem:s28+$0x2070]  }
0x60: {  	v30 =	vld [tilespmem:s28+$0x6070]  }
0x61: {  	v31 =	vld [tilespmem:s28+$0x8070]  }
0x62: {  	v32 =	vld [tilespmem:s28+$0x0]  }
0x63: {  	v33 =	vld [tilespmem:s28+$0x2000]  }
0x64: {  	v34 =	vld [tilespmem:s28+$0x6000]  }
0x65: {  	v35 =	vld [tilespmem:s28+$0x8000];
	v0 =	vsub.f32 v1, v0;
	v2 =	vsub.f32 v3, v2  }
0x66: {  	v63 =	vld [tilespmem:s28+$0x6030];
	v3 =	vsub.f32 v5, v4;
	v5 =	vsub.f32 v7, v6  }
0x67: {  	v1 =	vld [tilespmem:s28+$0x10];
	v6 =	vsub.f32 v9, v8;
	v8 =	vsub.f32 v11, v10  }
0x68: {  	v4 =	vld [tilespmem:s28+$0x2010];
	v9 =	vsub.f32 v13, v12;
	v11 =	vsub.f32 v15, v14  }
0x69: {  	v7 =	vld [tilespmem:s28+$0x6010];
	v12 =	vsub.f32 v18, v16;
	v14 =	vsub.f32 v19, v17  }
0x6a: {  	v10 =	vld [tilespmem:s28+$0x8010];
	v15 =	vsub.f32 v22, v20;
	v17 =	vsub.f32 v23, v21  }
0x6b: {  	v13 =	vld [tilespmem:s28+$0x20];
	v18 =	vsub.f32 v26, v24;
	v20 =	vsub.f32 v27, v25;
	v0 =	vmul.f32 v0, v0  }
0x6c: {  	v16 =	vld [tilespmem:s28+$0x2020];
	v21 =	vsub.f32 v30, v28;
	v2 =	vmul.f32 v2, v2;
	v3 =	vmul.f32 v3, v3  }
0x6d: {  	v19 =	vld [tilespmem:s28+$0x6020];
	v23 =	vsub.f32 v31, v29;
	v5 =	vmul.f32 v5, v5;
	v12 =	vmul.f32 v12, v12  }
0x6e: {  	v22 =	vld [tilespmem:s28+$0x8020];
	v25 =	vsub.f32 v34, v32;
	v14 =	vmul.f32 v14, v14;
	v15 =	vmul.f32 v15, v15  }
0x6f: {  	v24 =	vld [tilespmem:s28+$0x30];
	v27 =	vsub.f32 v35, v33;
	v17 =	vmul.f32 v17, v17;
	v6 =	vmul.f32 v6, v6  }
0x70: {  	v9 =	vmul.f32 v9, v9;
	v11 =	vmul.f32 v11, v11;
	v12 =	vadd.f32 v14, v12  }
0x71: {  	v14 =	vadd.f32 v17, v15;
	v4 =	vsub.f32 v10, v4;
	v10 =	vmul.f32 v18, v18  }
0x72: {  	v18 =	vmul.f32 v20, v20;
	v13 =	vsub.f32 v19, v13;
	v19 =	vmul.f32 v21, v21  }
0x73: {  	v1 =	vsub.f32 v7, v1;
	v20 =	vmul.f32 v23, v23;
	v21 =	vmul.f32 v25, v25  }
0x74: {  	v23 =	vmul.f32 v27, v27;
	v16 =	vsub.f32 v22, v16;
	v22 =	vsub.f32 v63, v24  }
0x75: {  	v26 =	vld [tilespmem:s28+$0x2030];
	v12 =	vadd.f32 v0, v12;
	v2 =	vadd.f32 v2, v14;
	v1 =	vmul.f32 v1, v1  }
0x76: {  	v7 =	vld [tilespmem:s28+$0x8030];
	v0 =	vimm.f32 $0.0e+00;
	v4 =	vmul.f32 v4, v4;
	v13 =	vmul.f32 v13, v13  }
0x77: {  	v16 =	vmul.f32 v16, v16;
	v10 =	vadd.f32 v18, v10;
	v15 =	vadd.f32 v20, v19  }
0x78: {  	v22 =	vmul.f32 v22, v22;
	v17 =	vadd.f32 v23, v21;
	v1 =	vadd.f32 v4, v1  }
0x79: {  	v4 =	vmul.f32 v8, v8;
	v8 =	vadd.f32 v16, v13;
	v3 =	vadd.f32 v3, v10  }
0x7a: {  	v5 =	vadd.f32 v5, v15;
	v6 =	vadd.f32 v6, v17;
	v15 =	vmax.f32 v12, $1.000000020e-24  }
0x7b: {  	v13 =	vmax.f32 v2, $1.000000020e-24;
	v7 =	vsub.f32 v7, v26;
	v20 =	vmul.f32 $5.000000000e-01, v15  }
0x7c: {  	v2 =	vshrl.u32 v13, $0x1;
	v19 =	vmul.f32 $5.000000000e-01, v13;
	v1 =	vadd.f32 v4, v1  }
0x7d: {  	v4 =	vadd.f32 v9, v8;
	v14 =	vmax.f32 v6, $1.000000020e-24;
	v10 =	vmax.f32 v5, $1.000000020e-24  }
0x7e: {  	v36 =	vsub.s32 $0x5F3759DF, v2;
	v2 =	vimm.f32 $0.0e+00;
	v7 =	vmul.f32 v7, v7  }
0x7f: {  	v5 =	vshrl.u32 v14, $0x1;
	v25 =	vmul.f32 $5.000000000e-01, v14;
	v24 =	vmul.f32 $5.000000000e-01, v10  }
0x80: {  	v45 =	vmul.f32 v36, v19;
	v12 =	vmax.f32 v1, $1.000000020e-24;
	v9 =	vmax.f32 v4, $1.000000020e-24  }
0x81: {  	v1 =	vshrl.u32 v15, $0x1;
	v4 =	vshrl.u32 v10, $0x1;
	v32 =	vsub.s32 $0x5F3759DF, v5  }
0x82: {  	v5 =	vimm.f32 $0.0e+00;
	v7 =	vadd.f32 v7, v22;
	v6 =	vshrl.u32 v12, $0x1  }
0x83: {  	v22 =	vmul.f32 $5.000000000e-01, v12;
	v26 =	vmul.f32 $5.000000000e-01, v9;
	v35 =	vsub.s32 $0x5F3759DF, v1  }
0x84: {  	v37 =	vsub.s32 $0x5F3759DF, v4;
	v42 =	vmul.f32 v32, v25;
	v1 =	vimm.f32 $0.0e+00  }
0x85: {  	v4 =	vimm.f32 $0.0e+00;
	v44 =	vmul.f32 v35, v20;
	v34 =	vsub.s32 $0x5F3759DF, v6  }
0x86: {  	v43 =	vmul.f32 v37, v24;
	v7 =	vadd.f32 v11, v7;
	v11 =	vmax.f32 v3, $1.000000020e-24  }
0x87: {  	v6 =	vimm.f32 $0.0e+00;
	v41 =	vmul.f32 v34, v22;
	v3 =	vshrl.u32 v11, $0x1  }
0x88: {  	v21 =	vmul.f32 $5.000000000e-01, v11;
	v8 =	vmax.f32 v7, $1.000000020e-24;
	v7 =	vshrl.u32 v9, $0x1  }
0x89: {  	v18 =	vld [tilespmem:s28+$0xC050];
	v33 =	vsub.s32 $0x5F3759DF, v3;
	v3 =	vimm.f32 $0.0e+00;
	v16 =	vshrl.u32 v8, $0x1  }
0x8a: {  	v17 =	vld [tilespmem:s28+$0xC040];
	v23 =	vmul.f32 $5.000000000e-01, v8;
	v46 =	vmul.f32 v33, v21;
	v38 =	vsub.s32 $0x5F3759DF, v7  }
0x8b: {  	s29 =	simm.s32 $0x1;
	s30 =	simm.s32 $0x0;
	v7 =	vimm.f32 $0.0e+00;
	v40 =	vmul.f32 v38, v26;
	v39 =	vsub.s32 $0x5F3759DF, v16;
	v16 =	vld [tilespmem:s28+$0xC060]  }
.LBB2_2:
0x8c: {  	p0 =	sne.s32 s29, $0x3F;
	v47 =	vmul.f32 v39, v23;
	v29 =	vmul.f32 v35, v44;
	v27 =	vld [tilespmem:s28+$0xC070]  }
0x8d: {  	s31 =	sshll.u32 s29, $0x7;
	v44 =	vmul.f32 v36, v45;
	v45 =	vmul.f32 v33, v46;
	s30 =	sadd.s32 $0x400, s30;
	v30 =	vld [tilespmem:s28+$0xC000]  }
0x8e: {  	s1 =	sshll.u32 s29, $0x5;
	v42 =	vmul.f32 v32, v42;
	v43 =	vmul.f32 v37, v43;
	s0 =	sand.u32 $0xC00, s30;
	s31 =	sand.u32 $0x1000, s31;
	v31 =	vld [tilespmem:s28+$0xC010]  }
0x8f: {  	s1 =	sand.u32 $0x380, s1;
	v41 =	vmul.f32 v34, v41;
	s0 =	sor.u32 s0, s31;
	v46 =	vsub.f32 $1.500000000e+00, v29;
	v44 =	vsub.f32 $1.500000000e+00, v44;
	v28 =	vld [tilespmem:s28+$0xC020]  }
0x90: {  	v40 =	vmul.f32 v38, v40;
	v45 =	vsub.f32 $1.500000000e+00, v45;
	v43 =	vsub.f32 $1.500000000e+00, v43;
	v29 =	vld [tilespmem:s28+$0xC030];
	s28 =	sor.u32 s1, s0  }
0x91: {  	v42 =	vsub.f32 $1.500000000e+00, v42;
	v47 =	vmul.f32 v39, v47;
	v41 =	vsub.f32 $1.500000000e+00, v41;
	v48 =	vld [tilespmem:s28+$0x4040]  }
0x92: {  	v40 =	vsub.f32 $1.500000000e+00, v40;
	v35 =	vmul.f32 v35, v46;
	v36 =	vmul.f32 v36, v44;
	v49 =	vld [tilespmem:s28+$0xA040]  }
0x93: {  	v46 =	vsub.f32 $1.500000000e+00, v47;
	v33 =	vmul.f32 v33, v45;
	v37 =	vmul.f32 v37, v43;
	v44 =	vld [tilespmem:s28+$0x4050]  }
0x94: {  	v42 =	vmul.f32 v32, v42;
	v41 =	vmul.f32 v34, v41;
	v43 =	vld [tilespmem:s28+$0xA050]  }
0x95: {  	v38 =	vmul.f32 v38, v40;
	v39 =	vmul.f32 v39, v46;
	v45 =	vld [tilespmem:s28+$0x4060]  }
0x96: {  	v32 =	vmul.f32 v35, v20;
	v34 =	vmul.f32 v36, v19;
	v40 =	vld [tilespmem:s28+$0xA060]  }
0x97: {  	v47 =	vmul.f32 v33, v21;
	v50 =	vmul.f32 v37, v24;
	v46 =	vld [tilespmem:s28+$0x4070]  }
0x98: {  	v52 =	vmul.f32 v42, v25;
	v53 =	vmul.f32 v41, v22;
	v51 =	vld [tilespmem:s28+$0xA070]  }
0x99: {  	v55 =	vmul.f32 v38, v26;
	v56 =	vmul.f32 v39, v23;
	v54 =	vld [tilespmem:s28+$0x4000]  }
0x9a: {  	v58 =	vmul.f32 v32, v35;
	v34 =	vmul.f32 v34, v36;
	v57 =	vld [tilespmem:s28+$0xA000]  }
0x9b: {  	v47 =	vmul.f32 v47, v33;
	v50 =	vmul.f32 v50, v37;
	v59 =	vld [tilespmem:s28+$0x4010]  }
0x9c: {  	v32 =	vsub.f32 v49, v48;
	v48 =	vmul.f32 v52, v42;
	v49 =	vmul.f32 v53, v41;
	v60 =	vld [tilespmem:s28+$0xA010]  }
0x9d: {  	v34 =	vsub.f32 $1.500000000e+00, v34;
	v53 =	vmul.f32 v55, v38;
	v55 =	vsub.f32 $1.500000000e+00, v58;
	v52 =	vld [tilespmem:s28+$0x4020]  }
0x9e: {  	v56 =	vmul.f32 v56, v39;
	v47 =	vsub.f32 $1.500000000e+00, v47;
	v50 =	vsub.f32 $1.500000000e+00, v50;
	v58 =	vld [tilespmem:s28+$0xA020]  }
0x9f: {  	v48 =	vsub.f32 $1.500000000e+00, v48;
	v49 =	vsub.f32 $1.500000000e+00, v49;
	v55 =	vmul.f32 v55, v35;
	v61 =	vld [tilespmem:s28+$0x4030]  }
0xa0: {  	v36 =	vmul.f32 v34, v36;
	v47 =	vmul.f32 v47, v33;
	v35 =	vsub.f32 $1.500000000e+00, v53;
	v62 =	vld [tilespmem:s28+$0xA030]  }
0xa1: {  	v37 =	vmul.f32 v50, v37;
	v42 =	vmul.f32 v48, v42;
	v48 =	vsub.f32 $1.500000000e+00, v56;
	v53 =	vld [tilespmem:s28+$0x40]  }
0xa2: {  	v34 =	vsub.f32 v43, v44;
	v41 =	vmul.f32 v49, v41;
	v38 =	vmul.f32 v35, v38;
	v50 =	vld [tilespmem:s28+$0x2040]  }
0xa3: {  	v33 =	vsub.f32 v40, v45;
	v40 =	vmul.f32 v55, v20;
	v39 =	vmul.f32 v48, v39;
	v43 =	vld [tilespmem:s28+$0x6040]  }
0xa4: {  	v45 =	vmul.f32 v36, v19;
	v35 =	vsub.f32 v51, v46;
	v46 =	vmul.f32 v47, v21;
	v44 =	vld [tilespmem:s28+$0x8040]  }
0xa5: {  	v24 =	vmul.f32 v37, v24;
	v25 =	vmul.f32 v42, v25;
	v19 =	vsub.f32 v57, v54;
	v48 =	vld [tilespmem:s28+$0x50]  }
0xa6: {  	v51 =	vmul.f32 v41, v22;
	v26 =	vmul.f32 v38, v26;
	v20 =	vsub.f32 v60, v59;
	v49 =	vld [tilespmem:s28+$0x2050]  }
0xa7: {  	v40 =	vmul.f32 v40, v55;
	v23 =	vmul.f32 v39, v23;
	v21 =	vsub.f32 v58, v52;
	v52 =	vld [tilespmem:s28+$0x6050]  }
0xa8: {  	v45 =	vmul.f32 v45, v36;
	v46 =	vmul.f32 v46, v47;
	v22 =	vsub.f32 v62, v61;
	v54 =	vld [tilespmem:s28+$0x8050]  }
0xa9: {  	v24 =	vmul.f32 v24, v37;
	v25 =	vmul.f32 v25, v42;
	v43 =	vsub.f32 v43, v53;
	v53 =	vld [tilespmem:s28+$0x60]  }
0xaa: {  	v51 =	vmul.f32 v51, v41;
	v40 =	vsub.f32 $1.500000000e+00, v40;
	v45 =	vsub.f32 $1.500000000e+00, v45;
	v56 =	vld [tilespmem:s28+$0x2060]  }
0xab: {  	v24 =	vsub.f32 $1.500000000e+00, v24;
	v26 =	vmul.f32 v26, v38;
	v46 =	vsub.f32 $1.500000000e+00, v46;
	v57 =	vld [tilespmem:s28+$0x6060]  }
0xac: {  	v25 =	vsub.f32 $1.500000000e+00, v25;
	v51 =	vsub.f32 $1.500000000e+00, v51;
	v23 =	vmul.f32 v23, v39;
	v58 =	vld [tilespmem:s28+$0x8060]  }
0xad: {  	v26 =	vsub.f32 $1.500000000e+00, v26;
	v40 =	vmul.f32 v40, v55;
	v36 =	vmul.f32 v45, v36;
	v59 =	vld [tilespmem:s28+$0x70]  }
0xae: {  	v24 =	vmul.f32 v24, v37;
	v23 =	vsub.f32 $1.500000000e+00, v23;
	v46 =	vmul.f32 v46, v47;
	v45 =	vld [tilespmem:s28+$0x2070]  }
0xaf: {  	v25 =	vmul.f32 v25, v42;
	v41 =	vmul.f32 v51, v41;
	v37 =	vsub.f32 v44, v50;
	v44 =	vld [tilespmem:s28+$0x6070]  }
0xb0: {  	v26 =	vmul.f32 v26, v38;
	v23 =	vmul.f32 v23, v39;
	v42 =	vsub.f32 v52, v48;
	v47 =	vld [tilespmem:s28+$0x8070]  }
0xb1: {  	v15 =	vmul.f32 v40, v15;
	v13 =	vmul.f32 v36, v13;
	v39 =	vsub.f32 v54, v49;
	v38 =	vld [tilespmem:s28+$0x0]  }
0xb2: {  	v14 =	vmul.f32 v25, v14;
	v11 =	vmul.f32 v46, v11;
	v40 =	vsub.f32 v57, v53;
	v36 =	vld [tilespmem:s28+$0x2000]  }
0xb3: {  	v10 =	vmul.f32 v24, v10;
	v12 =	vmul.f32 v41, v12;
	v46 =	vsub.f32 v58, v56;
	v25 =	vld [tilespmem:s28+$0x6000]  }
0xb4: {  	v9 =	vmul.f32 v26, v9;
	v14 =	vmul.f32 v14, v30;
	v24 =	vld [tilespmem:s28+$0x8000];
	v41 =	vsub.f32 v44, v59  }
0xb5: {  	v12 =	vmul.f32 v12, v31;
	v8 =	vmul.f32 v23, v8;
	v26 =	vld [tilespmem:s28+$0x10];
	v44 =	vsub.f32 v47, v45  }
0xb6: {  	v2 =	vadd.f32 v30, v2;
	v0 =	vadd.f32 v14, v0;
	v14 =	vmul.f32 v15, v17;
	v23 =	vld [tilespmem:s28+$0x2010]  }
0xb7: {  	v1 =	vadd.f32 v31, v1;
	v3 =	vadd.f32 v12, v3;
	v12 =	vmul.f32 v13, v18;
	v15 =	vld [tilespmem:s28+$0x6010]  }
0xb8: {  	v2 =	vadd.f32 v17, v2;
	v9 =	vmul.f32 v9, v28;
	v0 =	vadd.f32 v14, v0;
	v13 =	vld [tilespmem:s28+$0x8010]  }
0xb9: {  	v1 =	vadd.f32 v18, v1;
	v8 =	vmul.f32 v8, v29;
	v3 =	vadd.f32 v12, v3;
	v14 =	vld [tilespmem:s28+$0x20]  }
0xba: {  	v6 =	vadd.f32 v28, v6;
	v5 =	vadd.f32 v9, v5;
	v9 =	vmul.f32 v11, v16;
	v12 =	vld [tilespmem:s28+$0x2020]  }
0xbb: {  	v4 =	vadd.f32 v29, v4;
	v7 =	vadd.f32 v8, v7;
	v8 =	vmul.f32 v10, v27;
	v11 =	vld [tilespmem:s28+$0x6020]  }
0xbc: {  	v6 =	vadd.f32 v16, v6;
	v17 =	vmul.f32 v32, v32;
	v5 =	vadd.f32 v9, v5;
	v10 =	vld [tilespmem:s28+$0x8020]  }
0xbd: {  	v4 =	vadd.f32 v27, v4;
	v16 =	vmul.f32 v34, v34;
	v7 =	vadd.f32 v8, v7;
	v9 =	vld [tilespmem:s28+$0x30]  }
0xbe: {  	v27 =	vmul.f32 v35, v35;
	v8 =	vsub.f32 v25, v38;
	v25 =	vmul.f32 v33, v33;
	v18 =	vld [tilespmem:s28+$0x2030]  }
0xbf: {  	v29 =	vmul.f32 v43, v43;
	v30 =	vmul.f32 v37, v37;
	v24 =	vsub.f32 v24, v36;
	v28 =	vld [tilespmem:s28+$0x6030]  }
0xc0: {  	v31 =	vmul.f32 v42, v42;
	v32 =	vmul.f32 v39, v39;
	v15 =	vsub.f32 v15, v26;
	v26 =	vld [tilespmem:s28+$0x8030]  }
0xc1: {  	v33 =	vmul.f32 v46, v46;
	v13 =	vsub.f32 v13, v23;
	v23 =	vmul.f32 v40, v40  }
0xc2: {  	v34 =	vmul.f32 v44, v44;
	v11 =	vsub.f32 v11, v14;
	v14 =	vmul.f32 v41, v41  }
0xc3: {  	v8 =	vmul.f32 v8, v8;
	v24 =	vmul.f32 v24, v24;
	v10 =	vsub.f32 v10, v12  }
0xc4: {  	v13 =	vmul.f32 v13, v13;
	v12 =	vmul.f32 v15, v15;
	v9 =	vsub.f32 v28, v9  }
0xc5: {  	v11 =	vmul.f32 v11, v11;
	v10 =	vmul.f32 v10, v10;
	v15 =	vsub.f32 v26, v18  }
0xc6: {  	v18 =	vadd.f32 v30, v29;
	v26 =	vadd.f32 v32, v31;
	v9 =	vmul.f32 v9, v9  }
0xc7: {  	v23 =	vadd.f32 v33, v23;
	v14 =	vadd.f32 v34, v14;
	v15 =	vmul.f32 v15, v15  }
0xc8: {  	v19 =	vmul.f32 v19, v19;
	v8 =	vadd.f32 v24, v8;
	v12 =	vadd.f32 v13, v12  }
0xc9: {  	v13 =	vmul.f32 v20, v20;
	v10 =	vadd.f32 v10, v11;
	v9 =	vadd.f32 v15, v9  }
0xca: {  	v11 =	vmul.f32 v21, v21;
	v16 =	vadd.f32 v16, v26;
	v15 =	vadd.f32 v17, v18  }
0xcb: {  	v20 =	vadd.f32 v27, v14;
	v17 =	vmul.f32 v22, v22;
	v18 =	vadd.f32 v25, v23  }
0xcc: {  	v8 =	vadd.f32 v19, v8;
	v12 =	vadd.f32 v13, v12  }
0xcd: {  	v19 =	vadd.f32 v11, v10;
	v17 =	vadd.f32 v17, v9  }
0xce: {  	v13 =	vmax.f32 v16, $1.000000020e-24;
	v15 =	vmax.f32 v15, $1.000000020e-24;
	v11 =	vmax.f32 v18, $1.000000020e-24  }
0xcf: {  	v14 =	vmax.f32 v8, $1.000000020e-24;
	v12 =	vmax.f32 v12, $1.000000020e-24;
	v10 =	vmax.f32 v20, $1.000000020e-24  }
0xd0: {  	v9 =	vmax.f32 v19, $1.000000020e-24;
	v16 =	vshrl.u32 v15, $0x1;
	v8 =	vmax.f32 v17, $1.000000020e-24  }
0xd1: {  	v19 =	vmul.f32 $5.000000000e-01, v13;
	v20 =	vmul.f32 $5.000000000e-01, v15;
	v17 =	vshrl.u32 v13, $0x1  }
0xd2: {  	v27 =	vshrl.u32 v10, $0x1;
	v18 =	vshrl.u32 v11, $0x1;
	v21 =	vmul.f32 $5.000000000e-01, v11  }
0xd3: {  	v28 =	vshrl.u32 v14, $0x1;
	v24 =	vmul.f32 $5.000000000e-01, v10;
	v25 =	vmul.f32 $5.000000000e-01, v14  }
0xd4: {  	v29 =	vshrl.u32 v12, $0x1;
	v22 =	vmul.f32 $5.000000000e-01, v12;
	v30 =	vshrl.u32 v9, $0x1  }
0xd5: {  	v26 =	vmul.f32 $5.000000000e-01, v9;
	v31 =	vshrl.u32 v8, $0x1;
	v23 =	vmul.f32 $5.000000000e-01, v8  }
.Ltmp0:
0xd6: {  	v35 =	vsub.s32 $0x5F3759DF, v16;
	v33 =	vsub.s32 $0x5F3759DF, v18;
	v36 =	vsub.s32 $0x5F3759DF, v17;
	(pc) =	sbr.rel @p0 .LBB2_2-.Ltmp0, $4  }
0xd7: {  	v32 =	vsub.s32 $0x5F3759DF, v28;
	v37 =	vsub.s32 $0x5F3759DF, v27;
	v44 =	vmul.f32 v35, v20  }
0xd8: {  	v34 =	vsub.s32 $0x5F3759DF, v29;
	v46 =	vmul.f32 v33, v21;
	v45 =	vmul.f32 v36, v19;
	v17 =	vld [tilespmem:s28+$0xC040]  }
0xd9: {  	v43 =	vmul.f32 v37, v24;
	v42 =	vmul.f32 v32, v25;
	v38 =	vsub.s32 $0x5F3759DF, v30;
	v18 =	vld [tilespmem:s28+$0xC050]  }
0xda: {  	s29 =	sadd.s32 $0x1, s29;
	v41 =	vmul.f32 v34, v22;
	v40 =	vmul.f32 v38, v26;
	v39 =	vsub.s32 $0x5F3759DF, v31;
	v16 =	vld [tilespmem:s28+$0xC060]  }
0xdb: {  	v27 =	vld [tilespmem:s28+$0xC070]  }
0xdc: {  	v31 =	vld [tilespmem:s28+$0xC000]  }
0xdd: {  	v30 =	vld [tilespmem:s28+$0xC010]  }
0xde: {  	v29 =	vld [tilespmem:s28+$0xC020]  }
0xdf: {  	v28 =	vld [tilespmem:s28+$0xC030];
	_ =	swait.ge [sflag:s21], $0x2000  }
0xe0: {  	[sflag:s21] =	ssyncset.done $0x0  }
0xe1: {  	[sflag:s21] =	ssyncadd.s32 $0xFFFFE000  }
0xe2: {  	_ =	swait.ge [sflag:s21], $0x2000  }
0xe3: {  	[sflag:s21] =	ssyncset.done $0x0  }
0xe4: {  	[sflag:s21] =	ssyncadd.s32 $0xFFFFE000  }
0xe5: {  	_ =	swait.ge [sflag:s21], $0x2000  }
0xe6: {  	[sflag:s21] =	ssyncset.done $0x0  }
0xe7: {  	[sflag:s21] =	ssyncadd.s32 $0xFFFFE000  }
0xe8: {  	_ =	swait.ge [sflag:s21], $0x2000  }
0xe9: {  	[sflag:s21] =	ssyncset.done $0x0  }
0xea: {  	v47 =	vmul.f32 v39, v23;
	v44 =	vmul.f32 v35, v44;
	[sflag:s21] =	ssyncadd.s32 $0xFFFFE000  }
0xeb: {  	v45 =	vmul.f32 v36, v45;
	v46 =	vmul.f32 v33, v46;
	_ =	swait.ge [sflag:s21], $0x2000  }
0xec: {  	v42 =	vmul.f32 v32, v42;
	v43 =	vmul.f32 v37, v43;
	v44 =	vsub.f32 $1.500000000e+00, v44;
	[sflag:s21] =	ssyncset.done $0x0  }
0xed: {  	v41 =	vmul.f32 v34, v41;
	v45 =	vsub.f32 $1.500000000e+00, v45;
	v46 =	vsub.f32 $1.500000000e+00, v46;
	[sflag:s21] =	ssyncadd.s32 $0xFFFFE000  }
0xee: {  	v40 =	vmul.f32 v38, v40;
	v43 =	vsub.f32 $1.500000000e+00, v43;
	v42 =	vsub.f32 $1.500000000e+00, v42;
	_ =	swait.ge [sflag:s21], $0x2000  }
0xef: {  	s29 =	simm.s32 $0x0;
	v47 =	vmul.f32 v39, v47;
	v41 =	vsub.f32 $1.500000000e+00, v41;
	v35 =	vmul.f32 v35, v44;
	[sflag:s21] =	ssyncset.done $0x0  }
0xf0: {  	s0 =	simm.s32 $0x0;
	s28 =	simm.s32 $0x0;
	v40 =	vsub.f32 $1.500000000e+00, v40;
	v36 =	vmul.f32 v36, v45;
	v59 =	vmul.f32 v33, v46;
	[sflag:s21] =	ssyncadd.s32 $0xFFFFE000  }
0xf1: {  	s1 =	sand.u32 $0xC00, s29;
	s0 =	sand.u32 $0x1000, s0;
	v58 =	vsub.f32 $1.500000000e+00, v47;
	v37 =	vmul.f32 v37, v43;
	v60 =	vmul.f32 v32, v42;
	_ =	swait.ge [sflag:s21], $0x2000  }
0xf2: {  	s28 =	sand.u32 $0x380, s28;
	s0 =	sor.u32 s1, s0;
	v61 =	vmul.f32 v34, v41;
	v62 =	vmul.f32 v38, v40;
	[sflag:s21] =	ssyncset.done $0x0  }
0xf3: {  	s28 =	sor.u32 s28, s0;
	v63 =	vmul.f32 v39, v58;
	v52 =	vmul.f32 v35, v20;
	[sflag:s21] =	ssyncadd.s32 $0xFFFFE000  }
0xf4: {  	v53 =	vmul.f32 v36, v19;
	v54 =	vmul.f32 v59, v21;
	v48 =	vld [tilespmem:s28+$0x12040]  }
0xf5: {  	v43 =	vmul.f32 v37, v24;
	v55 =	vmul.f32 v60, v25;
	v49 =	vld [tilespmem:s28+$0x18040]  }
0xf6: {  	v56 =	vmul.f32 v61, v22;
	v40 =	vmul.f32 v52, v35;
	v50 =	vld [tilespmem:s28+$0x12050]  }
0xf7: {  	v57 =	vmul.f32 v62, v26;
	v41 =	vmul.f32 v53, v36;
	v51 =	vld [tilespmem:s28+$0x18050]  }
0xf8: {  	v58 =	vmul.f32 v63, v23;
	v43 =	vmul.f32 v43, v37;
	v40 =	vsub.f32 $1.500000000e+00, v40;
	v52 =	vld [tilespmem:s28+$0x12060]  }
0xf9: {  	v42 =	vmul.f32 v54, v59;
	v44 =	vmul.f32 v55, v60;
	v41 =	vsub.f32 $1.500000000e+00, v41;
	v53 =	vld [tilespmem:s28+$0x18060]  }
0xfa: {  	v45 =	vmul.f32 v56, v61;
	v43 =	vsub.f32 $1.500000000e+00, v43;
	v35 =	vmul.f32 v40, v35;
	v40 =	vld [tilespmem:s28+$0x12070]  }
0xfb: {  	v46 =	vmul.f32 v57, v62;
	v44 =	vsub.f32 $1.500000000e+00, v44;
	v36 =	vmul.f32 v41, v36;
	v41 =	vld [tilespmem:s28+$0x18070]  }
0xfc: {  	v47 =	vmul.f32 v58, v63;
	v42 =	vsub.f32 $1.500000000e+00, v42;
	v37 =	vmul.f32 v43, v37;
	v43 =	vld [tilespmem:s28+$0x12000]  }
0xfd: {  	v45 =	vsub.f32 $1.500000000e+00, v45;
	v32 =	vmul.f32 v44, v60;
	v44 =	vld [tilespmem:s28+$0x18000]  }
0xfe: {  	v46 =	vsub.f32 $1.500000000e+00, v46;
	v33 =	vmul.f32 v42, v59;
	v59 =	vsub.f32 $1.500000000e+00, v47;
	v42 =	vld [tilespmem:s28+$0x12010]  }
0xff: {  	v34 =	vmul.f32 v45, v61;
	v45 =	vld [tilespmem:s28+$0x18010]  }
0x100: {  	v38 =	vmul.f32 v46, v62;
	v39 =	vmul.f32 v59, v63;
	v46 =	vld [tilespmem:s28+$0x12020]  }
0x101: {  	v20 =	vmul.f32 v35, v20;
	v19 =	vmul.f32 v36, v19;
	v47 =	vld [tilespmem:s28+$0x18020]  }
0x102: {  	v21 =	vmul.f32 v33, v21;
	v25 =	vmul.f32 v32, v25;
	v54 =	vld [tilespmem:s28+$0x12030]  }
0x103: {  	v24 =	vmul.f32 v37, v24;
	v22 =	vmul.f32 v34, v22;
	v55 =	vld [tilespmem:s28+$0x18030]  }
0x104: {  	v26 =	vmul.f32 v38, v26;
	v23 =	vmul.f32 v39, v23;
	v56 =	vld [tilespmem:s28+$0xE040]  }
0x105: {  	v20 =	vmul.f32 v20, v35;
	v19 =	vmul.f32 v19, v36;
	v57 =	vld [tilespmem:s28+$0x10040]  }
0x106: {  	v2 =	vadd.f32 v31, v2;
	v21 =	vmul.f32 v21, v33;
	v25 =	vmul.f32 v25, v32;
	v60 =	vld [tilespmem:s28+$0x14040]  }
0x107: {  	v24 =	vmul.f32 v24, v37;
	v22 =	vmul.f32 v22, v34;
	v20 =	vsub.f32 $1.500000000e+00, v20;
	v61 =	vld [tilespmem:s28+$0x16040]  }
0x108: {  	v26 =	vmul.f32 v26, v38;
	v19 =	vsub.f32 $1.500000000e+00, v19;
	v21 =	vsub.f32 $1.500000000e+00, v21;
	v62 =	vld [tilespmem:s28+$0xE050]  }
0x109: {  	v24 =	vsub.f32 $1.500000000e+00, v24;
	v23 =	vmul.f32 v23, v39;
	v20 =	vmul.f32 v20, v35;
	v63 =	vld [tilespmem:s28+$0x10050]  }
0x10a: {  	v25 =	vsub.f32 $1.500000000e+00, v25;
	v19 =	vmul.f32 v19, v36;
	v21 =	vmul.f32 v21, v33;
	v58 =	vld [tilespmem:s28+$0x14050]  }
0x10b: {  	v22 =	vsub.f32 $1.500000000e+00, v22;
	v24 =	vmul.f32 v24, v37;
	v15 =	vmul.f32 v20, v15;
	v20 =	vld [tilespmem:s28+$0x16050]  }
0x10c: {  	v26 =	vsub.f32 $1.500000000e+00, v26;
	v25 =	vmul.f32 v25, v32;
	v13 =	vmul.f32 v19, v13;
	v19 =	vld [tilespmem:s28+$0xE060]  }
0x10d: {  	v23 =	vsub.f32 $1.500000000e+00, v23;
	v22 =	vmul.f32 v22, v34;
	v11 =	vmul.f32 v21, v11;
	v21 =	vld [tilespmem:s28+$0x10060]  }
0x10e: {  	v6 =	vadd.f32 v29, v6;
	v14 =	vmul.f32 v25, v14;
	v10 =	vmul.f32 v24, v10;
	v24 =	vld [tilespmem:s28+$0x16060]  }
0x10f: {  	v2 =	vadd.f32 v17, v2;
	v26 =	vmul.f32 v26, v38;
	v23 =	vmul.f32 v23, v39;
	v25 =	vld [tilespmem:s28+$0x10010]  }
0x110: {  	v6 =	vadd.f32 v16, v6;
	v12 =	vmul.f32 v22, v12;
	v22 =	vld [tilespmem:s28+$0x14060];
	v14 =	vmul.f32 v14, v31  }
0x111: {  	v9 =	vmul.f32 v26, v9;
	v8 =	vmul.f32 v23, v8;
	v23 =	vadd.f32 v30, v1;
	v31 =	vld [tilespmem:s28+$0x16010]  }
0x112: {  	v12 =	vmul.f32 v12, v30;
	v0 =	vadd.f32 v14, v0;
	v14 =	vmul.f32 v15, v17;
	v15 =	vld [tilespmem:s28+$0xE070]  }
0x113: {  	v8 =	vmul.f32 v8, v28;
	v17 =	vadd.f32 v28, v4;
	v26 =	vsub.f32 v41, v40;
	v28 =	vld [tilespmem:s28+$0x14010]  }
0x114: {  	v9 =	vmul.f32 v9, v29;
	v29 =	vsub.f32 v45, v42;
	v35 =	vsub.f32 v60, v56;
	v60 =	vld [tilespmem:s28+$0xE020]  }
0x115: {  	v30 =	vsub.f32 v47, v46;
	v36 =	vsub.f32 v61, v57;
	v61 =	vld [tilespmem:s28+$0x10020]  }
0x116: {  	v59 =	vsub.f32 v55, v54;
	v3 =	vadd.f32 v12, v3;
	v12 =	vmul.f32 v13, v18;
	v13 =	vld [tilespmem:s28+$0x10070]  }
0x117: {  	v33 =	vsub.f32 v58, v62;
	v5 =	vadd.f32 v9, v5;
	v9 =	vmul.f32 v11, v16;
	v11 =	vld [tilespmem:s28+$0xE000]  }
0x118: {  	v16 =	vsub.f32 v49, v48;
	v0 =	vadd.f32 v14, v0;
	v14 =	vld [tilespmem:s28+$0x14070]  }
0x119: {  	v20 =	vsub.f32 v20, v63;
	v7 =	vadd.f32 v8, v7;
	v8 =	vmul.f32 v10, v27;
	v10 =	vld [tilespmem:s28+$0x10000]  }
0x11a: {  	v21 =	vsub.f32 v24, v21;
	v19 =	vsub.f32 v22, v19;
	v22 =	vld [tilespmem:s28+$0x14020];
	v24 =	vmul.f32 v26, v26  }
0x11b: {  	v26 =	vmul.f32 v35, v35;
	v1 =	vadd.f32 v12, v3;
	v12 =	vld [tilespmem:s28+$0x16070];
	v3 =	vadd.f32 v18, v23  }
0x11c: {  	v62 =	vmul.f32 v36, v36;
	v4 =	vadd.f32 v9, v5;
	v9 =	vld [tilespmem:s28+$0x14000];
	v18 =	vsub.f32 v51, v50  }
0x11d: {  	v33 =	vmul.f32 v33, v33;
	v23 =	vsub.f32 v53, v52;
	v5 =	vadd.f32 v8, v7;
	v8 =	vld [tilespmem:s28+$0x16000]  }
0x11e: {  	v20 =	vmul.f32 v20, v20;
	v25 =	vsub.f32 v31, v25;
	v7 =	vadd.f32 v27, v17;
	v17 =	vld [tilespmem:s28+$0xE010]  }
0x11f: {  	v21 =	vmul.f32 v21, v21;
	v27 =	vsub.f32 v44, v43;
	v14 =	vsub.f32 v14, v15;
	v15 =	vld [tilespmem:s28+$0x16020]  }
0x120: {  	v19 =	vmul.f32 v19, v19;
	v12 =	vsub.f32 v12, v13;
	v13 =	vmul.f32 v16, v16;
	v16 =	vld [tilespmem:s28+$0xE030]  }
0x121: {  	v23 =	vmul.f32 v23, v23;
	v20 =	vadd.f32 v20, v33;
	v9 =	vsub.f32 v9, v11;
	v11 =	vld [tilespmem:s28+$0x10030]  }
0x122: {  	v25 =	vmul.f32 v25, v25;
	v19 =	vadd.f32 v21, v19;
	v8 =	vsub.f32 v8, v10;
	v10 =	vld [tilespmem:s28+$0x14030]  }
0x123: {  	v17 =	vsub.f32 v28, v17;
	v28 =	vld [tilespmem:s28+$0x16030];
	v14 =	vmul.f32 v14, v14;
	v12 =	vmul.f32 v12, v12  }
0x124: {  	v22 =	vsub.f32 v22, v60;
	v9 =	vmul.f32 v9, v9;
	v8 =	vmul.f32 v8, v8  }
0x125: {  	v19 =	vadd.f32 v23, v19;
	v17 =	vmul.f32 v17, v17;
	v15 =	vsub.f32 v15, v61  }
0x126: {  	v12 =	vadd.f32 v12, v14;
	v8 =	vadd.f32 v8, v9;
	v9 =	vmul.f32 v27, v27  }
0x127: {  	v14 =	vadd.f32 v25, v17;
	v17 =	vmul.f32 v29, v29;
	v10 =	vsub.f32 v10, v16  }
0x128: {  	v16 =	vmul.f32 v22, v22;
	v15 =	vmul.f32 v15, v15;
	v11 =	vsub.f32 v28, v11  }
0x129: {  	v18 =	vmul.f32 v18, v18;
	v22 =	vadd.f32 v62, v26;
	v8 =	vadd.f32 v9, v8  }
0x12a: {  	v9 =	vadd.f32 v17, v14;
	v10 =	vmul.f32 v10, v10;
	v15 =	vadd.f32 v15, v16  }
0x12b: {  	v11 =	vmul.f32 v11, v11;
	v13 =	vadd.f32 v13, v22;
	v16 =	vadd.f32 v18, v20  }
0x12c: {  	v18 =	vmul.f32 v59, v59;
	v20 =	vadd.f32 v24, v12;
	v12 =	vmax.f32 v19, $1.000000020e-24  }
0x12d: {  	v10 =	vadd.f32 v11, v10;
	v11 =	vmul.f32 v30, v30;
	v13 =	vmax.f32 v13, $1.000000020e-24  }
0x12e: {  	v21 =	vmul.f32 $5.000000000e-01, v12;
	v14 =	vmax.f32 v16, $1.000000020e-24;
	v16 =	vshrl.u32 v13, $0x1  }
0x12f: {  	v19 =	vmul.f32 $5.000000000e-01, v14;
	v17 =	vadd.f32 v11, v15;
	v18 =	vadd.f32 v18, v10  }
0x130: {  	v15 =	vmax.f32 v8, $1.000000020e-24;
	v10 =	vmax.f32 v9, $1.000000020e-24;
	v11 =	vmax.f32 v20, $1.000000020e-24  }
0x131: {  	v20 =	vmul.f32 $5.000000000e-01, v13;
	v35 =	vsub.s32 $0x5F3759DF, v16;
	v28 =	vshrl.u32 v11, $0x1  }
0x132: {  	v27 =	vshrl.u32 v15, $0x1;
	v23 =	vmul.f32 $5.000000000e-01, v15;
	v22 =	vmul.f32 $5.000000000e-01, v11  }
0x133: {  	v29 =	vshrl.u32 v10, $0x1;
	v24 =	vmul.f32 $5.000000000e-01, v10;
	v9 =	vmax.f32 v17, $1.000000020e-24  }
0x134: {  	v8 =	vmax.f32 v18, $1.000000020e-24;
	v17 =	vshrl.u32 v14, $0x1;
	v18 =	vshrl.u32 v12, $0x1  }
0x135: {  	v32 =	vsub.s32 $0x5F3759DF, v27;
	v27 =	vmul.f32 v35, v20;
	v37 =	vsub.s32 $0x5F3759DF, v28  }
0x136: {  	v34 =	vsub.s32 $0x5F3759DF, v29;
	v30 =	vshrl.u32 v9, $0x1;
	v26 =	vmul.f32 $5.000000000e-01, v9  }
0x137: {  	v63 =	vshrl.u32 v8, $0x1;
	v25 =	vmul.f32 $5.000000000e-01, v8;
	v36 =	vsub.s32 $0x5F3759DF, v17  }
0x138: {  	v16 =	vld [tilespmem:s28+$0x1A060];
	v33 =	vsub.s32 $0x5F3759DF, v18;
	v28 =	vmul.f32 v32, v23;
	v41 =	vmul.f32 v37, v22  }
0x139: {  	v17 =	vld [tilespmem:s28+$0x1A040];
	v40 =	vmul.f32 v34, v24;
	v31 =	vmul.f32 v36, v19;
	v38 =	vsub.s32 $0x5F3759DF, v30  }
0x13a: {  	s30 =	simm.s32 $0x1;
	v18 =	vld [tilespmem:s28+$0x1A050];
	v42 =	vmul.f32 v33, v21;
	v39 =	vsub.s32 $0x5F3759DF, v63;
	v29 =	vmul.f32 v38, v26  }
.LBB2_4:
0x13b: {  	p0 =	sne.s32 s30, $0x3F;
	v43 =	vmul.f32 v39, v25;
	v44 =	vmul.f32 v35, v27;
	v27 =	vld [tilespmem:s28+$0x1A070]  }
0x13c: {  	s0 =	sshll.u32 s30, $0x7;
	v45 =	vmul.f32 v36, v31;
	v42 =	vmul.f32 v33, v42;
	s29 =	sadd.s32 $0x400, s29;
	v30 =	vld [tilespmem:s28+$0x1A000]  }
0x13d: {  	s31 =	sshll.u32 s30, $0x5;
	v46 =	vmul.f32 v32, v28;
	v41 =	vmul.f32 v37, v41;
	s1 =	sand.u32 $0xC00, s29;
	s0 =	sand.u32 $0x1000, s0;
	v31 =	vld [tilespmem:s28+$0x1A010]  }
0x13e: {  	s31 =	sand.u32 $0x380, s31;
	v40 =	vmul.f32 v34, v40;
	s0 =	sor.u32 s1, s0;
	v44 =	vsub.f32 $1.500000000e+00, v44;
	v45 =	vsub.f32 $1.500000000e+00, v45;
	v28 =	vld [tilespmem:s28+$0x1A020]  }
0x13f: {  	v47 =	vmul.f32 v38, v29;
	v42 =	vsub.f32 $1.500000000e+00, v42;
	v41 =	vsub.f32 $1.500000000e+00, v41;
	v29 =	vld [tilespmem:s28+$0x1A030];
	s28 =	sor.u32 s31, s0  }
0x140: {  	v46 =	vsub.f32 $1.500000000e+00, v46;
	v43 =	vmul.f32 v39, v43;
	v40 =	vsub.f32 $1.500000000e+00, v40;
	v48 =	vld [tilespmem:s28+$0x12040]  }
0x141: {  	v47 =	vsub.f32 $1.500000000e+00, v47;
	v35 =	vmul.f32 v35, v44;
	v36 =	vmul.f32 v36, v45;
	v49 =	vld [tilespmem:s28+$0x18040]  }
0x142: {  	v43 =	vsub.f32 $1.500000000e+00, v43;
	v33 =	vmul.f32 v33, v42;
	v37 =	vmul.f32 v37, v41;
	v44 =	vld [tilespmem:s28+$0x12050]  }
0x143: {  	v42 =	vmul.f32 v32, v46;
	v40 =	vmul.f32 v34, v40;
	v41 =	vld [tilespmem:s28+$0x18050]  }
0x144: {  	v38 =	vmul.f32 v38, v47;
	v39 =	vmul.f32 v39, v43;
	v45 =	vld [tilespmem:s28+$0x12060]  }
0x145: {  	v32 =	vmul.f32 v35, v20;
	v34 =	vmul.f32 v36, v19;
	v43 =	vld [tilespmem:s28+$0x18060]  }
0x146: {  	v47 =	vmul.f32 v33, v21;
	v50 =	vmul.f32 v37, v22;
	v46 =	vld [tilespmem:s28+$0x12070]  }
0x147: {  	v52 =	vmul.f32 v42, v23;
	v53 =	vmul.f32 v40, v24;
	v51 =	vld [tilespmem:s28+$0x18070]  }
0x148: {  	v55 =	vmul.f32 v38, v26;
	v56 =	vmul.f32 v39, v25;
	v54 =	vld [tilespmem:s28+$0x12000]  }
0x149: {  	v58 =	vmul.f32 v32, v35;
	v34 =	vmul.f32 v34, v36;
	v57 =	vld [tilespmem:s28+$0x18000]  }
0x14a: {  	v47 =	vmul.f32 v47, v33;
	v50 =	vmul.f32 v50, v37;
	v59 =	vld [tilespmem:s28+$0x12010]  }
0x14b: {  	v32 =	vsub.f32 v49, v48;
	v48 =	vmul.f32 v52, v42;
	v49 =	vmul.f32 v53, v40;
	v60 =	vld [tilespmem:s28+$0x18010]  }
0x14c: {  	v34 =	vsub.f32 $1.500000000e+00, v34;
	v53 =	vmul.f32 v55, v38;
	v55 =	vsub.f32 $1.500000000e+00, v58;
	v52 =	vld [tilespmem:s28+$0x12020]  }
0x14d: {  	v56 =	vmul.f32 v56, v39;
	v47 =	vsub.f32 $1.500000000e+00, v47;
	v50 =	vsub.f32 $1.500000000e+00, v50;
	v58 =	vld [tilespmem:s28+$0x18020]  }
0x14e: {  	v48 =	vsub.f32 $1.500000000e+00, v48;
	v49 =	vsub.f32 $1.500000000e+00, v49;
	v55 =	vmul.f32 v55, v35;
	v61 =	vld [tilespmem:s28+$0x12030]  }
0x14f: {  	v36 =	vmul.f32 v34, v36;
	v47 =	vmul.f32 v47, v33;
	v35 =	vsub.f32 $1.500000000e+00, v53;
	v62 =	vld [tilespmem:s28+$0x18030]  }
0x150: {  	v37 =	vmul.f32 v50, v37;
	v42 =	vmul.f32 v48, v42;
	v48 =	vsub.f32 $1.500000000e+00, v56;
	v53 =	vld [tilespmem:s28+$0xE040]  }
0x151: {  	v34 =	vsub.f32 v41, v44;
	v40 =	vmul.f32 v49, v40;
	v38 =	vmul.f32 v35, v38;
	v50 =	vld [tilespmem:s28+$0x10040]  }
0x152: {  	v33 =	vsub.f32 v43, v45;
	v43 =	vmul.f32 v55, v20;
	v39 =	vmul.f32 v48, v39;
	v41 =	vld [tilespmem:s28+$0x14040]  }
0x153: {  	v45 =	vmul.f32 v36, v19;
	v35 =	vsub.f32 v51, v46;
	v46 =	vmul.f32 v47, v21;
	v44 =	vld [tilespmem:s28+$0x16040]  }
0x154: {  	v49 =	vmul.f32 v37, v22;
	v23 =	vmul.f32 v42, v23;
	v19 =	vsub.f32 v57, v54;
	v48 =	vld [tilespmem:s28+$0xE050]  }
0x155: {  	v24 =	vmul.f32 v40, v24;
	v26 =	vmul.f32 v38, v26;
	v20 =	vsub.f32 v60, v59;
	v51 =	vld [tilespmem:s28+$0x10050]  }
0x156: {  	v43 =	vmul.f32 v43, v55;
	v25 =	vmul.f32 v39, v25;
	v21 =	vsub.f32 v58, v52;
	v52 =	vld [tilespmem:s28+$0x14050]  }
0x157: {  	v45 =	vmul.f32 v45, v36;
	v46 =	vmul.f32 v46, v47;
	v22 =	vsub.f32 v62, v61;
	v54 =	vld [tilespmem:s28+$0x16050]  }
0x158: {  	v49 =	vmul.f32 v49, v37;
	v23 =	vmul.f32 v23, v42;
	v41 =	vsub.f32 v41, v53;
	v53 =	vld [tilespmem:s28+$0xE060]  }
0x159: {  	v24 =	vmul.f32 v24, v40;
	v43 =	vsub.f32 $1.500000000e+00, v43;
	v45 =	vsub.f32 $1.500000000e+00, v45;
	v56 =	vld [tilespmem:s28+$0x10060]  }
0x15a: {  	v26 =	vmul.f32 v26, v38;
	v49 =	vsub.f32 $1.500000000e+00, v49;
	v46 =	vsub.f32 $1.500000000e+00, v46;
	v57 =	vld [tilespmem:s28+$0x14060]  }
0x15b: {  	v23 =	vsub.f32 $1.500000000e+00, v23;
	v24 =	vsub.f32 $1.500000000e+00, v24;
	v25 =	vmul.f32 v25, v39;
	v58 =	vld [tilespmem:s28+$0x16060]  }
0x15c: {  	v26 =	vsub.f32 $1.500000000e+00, v26;
	v43 =	vmul.f32 v43, v55;
	v36 =	vmul.f32 v45, v36;
	v59 =	vld [tilespmem:s28+$0xE070]  }
0x15d: {  	v37 =	vmul.f32 v49, v37;
	v25 =	vsub.f32 $1.500000000e+00, v25;
	v46 =	vmul.f32 v46, v47;
	v45 =	vld [tilespmem:s28+$0x10070]  }
0x15e: {  	v23 =	vmul.f32 v23, v42;
	v24 =	vmul.f32 v24, v40;
	v44 =	vsub.f32 v44, v50;
	v47 =	vld [tilespmem:s28+$0x14070]  }
0x15f: {  	v26 =	vmul.f32 v26, v38;
	v25 =	vmul.f32 v25, v39;
	v40 =	vsub.f32 v52, v48;
	v42 =	vld [tilespmem:s28+$0x16070]  }
0x160: {  	v13 =	vmul.f32 v43, v13;
	v14 =	vmul.f32 v36, v14;
	v39 =	vsub.f32 v54, v51;
	v38 =	vld [tilespmem:s28+$0xE000]  }
0x161: {  	v15 =	vmul.f32 v23, v15;
	v12 =	vmul.f32 v46, v12;
	v43 =	vsub.f32 v57, v53;
	v36 =	vld [tilespmem:s28+$0x10000]  }
0x162: {  	v11 =	vmul.f32 v37, v11;
	v10 =	vmul.f32 v24, v10;
	v46 =	vsub.f32 v58, v56;
	v23 =	vld [tilespmem:s28+$0x14000]  }
0x163: {  	v9 =	vmul.f32 v26, v9;
	v15 =	vmul.f32 v15, v30;
	v24 =	vld [tilespmem:s28+$0x16000];
	v37 =	vsub.f32 v47, v59  }
0x164: {  	v10 =	vmul.f32 v10, v31;
	v8 =	vmul.f32 v25, v8;
	v26 =	vld [tilespmem:s28+$0xE010];
	v42 =	vsub.f32 v42, v45  }
0x165: {  	v2 =	vadd.f32 v30, v2;
	v13 =	vmul.f32 v13, v17;
	v0 =	vadd.f32 v15, v0;
	v25 =	vld [tilespmem:s28+$0x10010]  }
0x166: {  	v3 =	vadd.f32 v31, v3;
	v1 =	vadd.f32 v10, v1;
	v10 =	vmul.f32 v14, v18;
	v15 =	vld [tilespmem:s28+$0x14010]  }
0x167: {  	v2 =	vadd.f32 v17, v2;
	v9 =	vmul.f32 v9, v28;
	v0 =	vadd.f32 v13, v0;
	v14 =	vld [tilespmem:s28+$0x16010]  }
0x168: {  	v3 =	vadd.f32 v18, v3;
	v8 =	vmul.f32 v8, v29;
	v1 =	vadd.f32 v10, v1;
	v13 =	vld [tilespmem:s28+$0xE020]  }
0x169: {  	v6 =	vadd.f32 v28, v6;
	v4 =	vadd.f32 v9, v4;
	v9 =	vmul.f32 v12, v16;
	v10 =	vld [tilespmem:s28+$0x10020]  }
0x16a: {  	v7 =	vadd.f32 v29, v7;
	v5 =	vadd.f32 v8, v5;
	v8 =	vmul.f32 v11, v27;
	v12 =	vld [tilespmem:s28+$0x14020]  }
0x16b: {  	v6 =	vadd.f32 v16, v6;
	v17 =	vmul.f32 v32, v32;
	v4 =	vadd.f32 v9, v4;
	v11 =	vld [tilespmem:s28+$0x16020]  }
0x16c: {  	v7 =	vadd.f32 v27, v7;
	v16 =	vmul.f32 v34, v34;
	v5 =	vadd.f32 v8, v5;
	v9 =	vld [tilespmem:s28+$0xE030]  }
0x16d: {  	v27 =	vmul.f32 v35, v35;
	v8 =	vsub.f32 v23, v38;
	v23 =	vmul.f32 v33, v33;
	v18 =	vld [tilespmem:s28+$0x10030]  }
0x16e: {  	v29 =	vmul.f32 v41, v41;
	v30 =	vmul.f32 v44, v44;
	v24 =	vsub.f32 v24, v36;
	v28 =	vld [tilespmem:s28+$0x14030]  }
0x16f: {  	v31 =	vmul.f32 v40, v40;
	v32 =	vmul.f32 v39, v39;
	v15 =	vsub.f32 v15, v26;
	v26 =	vld [tilespmem:s28+$0x16030]  }
0x170: {  	v33 =	vmul.f32 v46, v46;
	v14 =	vsub.f32 v14, v25;
	v25 =	vmul.f32 v43, v43  }
0x171: {  	v34 =	vmul.f32 v42, v42;
	v12 =	vsub.f32 v12, v13;
	v13 =	vmul.f32 v37, v37  }
0x172: {  	v8 =	vmul.f32 v8, v8;
	v24 =	vmul.f32 v24, v24;
	v10 =	vsub.f32 v11, v10  }
0x173: {  	v14 =	vmul.f32 v14, v14;
	v11 =	vmul.f32 v15, v15;
	v9 =	vsub.f32 v28, v9  }
0x174: {  	v12 =	vmul.f32 v12, v12;
	v10 =	vmul.f32 v10, v10;
	v15 =	vsub.f32 v26, v18  }
0x175: {  	v18 =	vadd.f32 v30, v29;
	v26 =	vadd.f32 v32, v31;
	v9 =	vmul.f32 v9, v9  }
0x176: {  	v25 =	vadd.f32 v33, v25;
	v13 =	vadd.f32 v34, v13;
	v15 =	vmul.f32 v15, v15  }
0x177: {  	v19 =	vmul.f32 v19, v19;
	v8 =	vadd.f32 v24, v8;
	v11 =	vadd.f32 v14, v11  }
0x178: {  	v14 =	vmul.f32 v20, v20;
	v10 =	vadd.f32 v10, v12;
	v9 =	vadd.f32 v15, v9  }
0x179: {  	v12 =	vmul.f32 v21, v21;
	v16 =	vadd.f32 v16, v26;
	v15 =	vadd.f32 v17, v18  }
0x17a: {  	v20 =	vadd.f32 v27, v13;
	v17 =	vmul.f32 v22, v22;
	v18 =	vadd.f32 v23, v25  }
0x17b: {  	v8 =	vadd.f32 v19, v8;
	v11 =	vadd.f32 v14, v11  }
0x17c: {  	v19 =	vadd.f32 v12, v10;
	v17 =	vadd.f32 v17, v9  }
0x17d: {  	v14 =	vmax.f32 v16, $1.000000020e-24;
	v13 =	vmax.f32 v15, $1.000000020e-24;
	v12 =	vmax.f32 v18, $1.000000020e-24  }
0x17e: {  	v10 =	vmax.f32 v11, $1.000000020e-24;
	v11 =	vmax.f32 v20, $1.000000020e-24;
	v15 =	vmax.f32 v8, $1.000000020e-24  }
0x17f: {  	v9 =	vmax.f32 v19, $1.000000020e-24;
	v16 =	vshrl.u32 v13, $0x1;
	v8 =	vmax.f32 v17, $1.000000020e-24  }
0x180: {  	v19 =	vmul.f32 $5.000000000e-01, v14;
	v20 =	vmul.f32 $5.000000000e-01, v13;
	v17 =	vshrl.u32 v14, $0x1  }
0x181: {  	v28 =	vshrl.u32 v11, $0x1;
	v18 =	vshrl.u32 v12, $0x1;
	v21 =	vmul.f32 $5.000000000e-01, v12  }
0x182: {  	v22 =	vmul.f32 $5.000000000e-01, v11;
	v27 =	vshrl.u32 v15, $0x1;
	v23 =	vmul.f32 $5.000000000e-01, v15  }
0x183: {  	v29 =	vshrl.u32 v10, $0x1;
	v24 =	vmul.f32 $5.000000000e-01, v10;
	v30 =	vshrl.u32 v9, $0x1  }
0x184: {  	v26 =	vmul.f32 $5.000000000e-01, v9;
	v39 =	vshrl.u32 v8, $0x1;
	v25 =	vmul.f32 $5.000000000e-01, v8  }
.Ltmp1:
0x185: {  	v35 =	vsub.s32 $0x5F3759DF, v16;
	v33 =	vsub.s32 $0x5F3759DF, v18;
	v36 =	vsub.s32 $0x5F3759DF, v17;
	(pc) =	sbr.rel @p0 .LBB2_4-.Ltmp1, $4  }
0x186: {  	v37 =	vsub.s32 $0x5F3759DF, v28;
	v32 =	vsub.s32 $0x5F3759DF, v27;
	v27 =	vmul.f32 v35, v20  }
0x187: {  	v34 =	vsub.s32 $0x5F3759DF, v29;
	v42 =	vmul.f32 v33, v21;
	v31 =	vmul.f32 v36, v19;
	v17 =	vld [tilespmem:s28+$0x1A040]  }
0x188: {  	v41 =	vmul.f32 v37, v22;
	v38 =	vsub.s32 $0x5F3759DF, v30;
	v28 =	vmul.f32 v32, v23;
	v18 =	vld [tilespmem:s28+$0x1A050]  }
0x189: {  	s30 =	sadd.s32 $0x1, s30;
	v40 =	vmul.f32 v34, v24;
	v29 =	vmul.f32 v38, v26;
	v39 =	vsub.s32 $0x5F3759DF, v39;
	v16 =	vld [tilespmem:s28+$0x1A060]  }
0x18a: {  	v30 =	vmul.f32 v39, v25;
	v27 =	vmul.f32 v35, v27  }
0x18b: {  	v31 =	vmul.f32 v36, v31;
	v42 =	vmul.f32 v33, v42  }
0x18c: {  	v28 =	vmul.f32 v32, v28;
	v41 =	vmul.f32 v37, v41  }
0x18d: {  	v40 =	vmul.f32 v34, v40;
	v27 =	vsub.f32 $1.500000000e+00, v27;
	v31 =	vsub.f32 $1.500000000e+00, v31  }
0x18e: {  	v29 =	vmul.f32 v38, v29;
	v42 =	vsub.f32 $1.500000000e+00, v42;
	v41 =	vsub.f32 $1.500000000e+00, v41  }
0x18f: {  	v28 =	vsub.f32 $1.500000000e+00, v28;
	v30 =	vmul.f32 v39, v30;
	v40 =	vsub.f32 $1.500000000e+00, v40  }
0x190: {  	v29 =	vsub.f32 $1.500000000e+00, v29;
	v27 =	vmul.f32 v35, v27;
	v31 =	vmul.f32 v36, v31  }
0x191: {  	v30 =	vsub.f32 $1.500000000e+00, v30;
	v55 =	vmul.f32 v33, v42;
	v56 =	vmul.f32 v37, v41  }
0x192: {  	v28 =	vmul.f32 v32, v28;
	v57 =	vmul.f32 v34, v40  }
0x193: {  	v29 =	vmul.f32 v38, v29;
	v30 =	vmul.f32 v39, v30  }
0x194: {  	v58 =	vmul.f32 v27, v20;
	v36 =	vmul.f32 v31, v19  }
0x195: {  	v59 =	vmul.f32 v55, v21;
	v60 =	vmul.f32 v56, v22  }
0x196: {  	v61 =	vmul.f32 v28, v23;
	v40 =	vmul.f32 v57, v24  }
0x197: {  	v62 =	vmul.f32 v29, v26;
	v63 =	vmul.f32 v30, v25  }
0x198: {  	v34 =	vmul.f32 v58, v27;
	v36 =	vmul.f32 v36, v31  }
0x199: {  	v37 =	vmul.f32 v59, v55;
	v38 =	vmul.f32 v60, v56  }
0x19a: {  	v39 =	vmul.f32 v61, v28;
	v40 =	vmul.f32 v40, v57  }
0x19b: {  	v41 =	vmul.f32 v62, v29;
	v34 =	vsub.f32 $1.500000000e+00, v34;
	v36 =	vsub.f32 $1.500000000e+00, v36  }
0x19c: {  	v42 =	vmul.f32 v63, v30;
	v37 =	vsub.f32 $1.500000000e+00, v37;
	v38 =	vsub.f32 $1.500000000e+00, v38  }
0x19d: {  	v39 =	vsub.f32 $1.500000000e+00, v39;
	v40 =	vsub.f32 $1.500000000e+00, v40;
	v27 =	vmul.f32 v34, v27  }
0x19e: {  	v43 =	vsub.f32 $1.500000000e+00, v41;
	v31 =	vmul.f32 v36, v31;
	v33 =	vmul.f32 v37, v55  }
0x19f: {  	v28 =	vmul.f32 v39, v28;
	v44 =	vsub.f32 $1.500000000e+00, v42;
	v35 =	vmul.f32 v38, v56  }
0x1a0: {  	v32 =	vmul.f32 v40, v57;
	v29 =	vmul.f32 v43, v29  }
0x1a1: {  	v53 =	vld [tilespmem:s28+$0x1A000];
	v30 =	vmul.f32 v44, v30;
	v45 =	vmul.f32 v27, v20  }
0x1a2: {  	v46 =	vmul.f32 v31, v19;
	v47 =	vmul.f32 v33, v21  }
0x1a3: {  	v48 =	vmul.f32 v28, v23;
	v49 =	vmul.f32 v35, v22  }
0x1a4: {  	v50 =	vmul.f32 v32, v24;
	v51 =	vmul.f32 v29, v26  }
0x1a5: {  	v52 =	vmul.f32 v30, v25;
	v20 =	vmul.f32 v45, v27  }
0x1a6: {  	v2 =	vadd.f32 v53, v2;
	v19 =	vmul.f32 v46, v31;
	v21 =	vmul.f32 v47, v33  }
0x1a7: {  	v23 =	vmul.f32 v48, v28;
	v22 =	vmul.f32 v49, v35;
	v20 =	vsub.f32 $1.500000000e+00, v20  }
0x1a8: {  	v54 =	vld [tilespmem:s28+$0x1A010];
	v24 =	vmul.f32 v50, v32;
	v19 =	vsub.f32 $1.500000000e+00, v19;
	v21 =	vsub.f32 $1.500000000e+00, v21  }
0x1a9: {  	v26 =	vmul.f32 v51, v29;
	v22 =	vsub.f32 $1.500000000e+00, v22;
	v23 =	vsub.f32 $1.500000000e+00, v23  }
0x1aa: {  	v25 =	vmul.f32 v52, v30;
	v24 =	vsub.f32 $1.500000000e+00, v24;
	v20 =	vmul.f32 v20, v27  }
0x1ab: {  	v26 =	vsub.f32 $1.500000000e+00, v26;
	v19 =	vmul.f32 v19, v31;
	v21 =	vmul.f32 v21, v33  }
0x1ac: {  	v25 =	vsub.f32 $1.500000000e+00, v25;
	v22 =	vmul.f32 v22, v35;
	v23 =	vmul.f32 v23, v28  }
0x1ad: {  	v3 =	vadd.f32 v54, v3;
	v55 =	vld [tilespmem:s28+$0x1A020];
	v24 =	vmul.f32 v24, v32;
	v26 =	vmul.f32 v26, v29  }
0x1ae: {  	v2 =	vadd.f32 v17, v2;
	v56 =	vld [tilespmem:s28+$0x1A030];
	v25 =	vmul.f32 v25, v30;
	v13 =	vmul.f32 v20, v13  }
0x1af: {  	v3 =	vadd.f32 v18, v3;
	v14 =	vmul.f32 v19, v14;
	v15 =	vmul.f32 v23, v15  }
0x1b0: {  	v12 =	vmul.f32 v21, v12;
	v10 =	vmul.f32 v24, v10  }
0x1b1: {  	v2 =	vadd.f32 v3, v2;
	v9 =	vmul.f32 v26, v9;
	v15 =	vmul.f32 v15, v53  }
0x1b2: {  	v6 =	vadd.f32 v55, v6;
	v8 =	vmul.f32 v25, v8;
	v10 =	vmul.f32 v10, v54  }
0x1b3: {  	v57 =	vld [tilespmem:s28+$0x1A070];
	v7 =	vadd.f32 v56, v7;
	v13 =	vmul.f32 v13, v17;
	v9 =	vmul.f32 v9, v55  }
0x1b4: {  	v58 =	vmul.f32 v14, v18;
	v0 =	vadd.f32 v15, v0;
	v1 =	vadd.f32 v10, v1  }
0x1b5: {  	v11 =	vmul.f32 v22, v11;
	v8 =	vmul.f32 v8, v56;
	v4 =	vadd.f32 v9, v4  }
0x1b6: {  	v59 =	vmul.f32 v12, v16;
	v0 =	vadd.f32 v13, v0;
	v1 =	vadd.f32 v58, v1  }
0x1b7: {  	v61 =	vadd.f32 v16, v6;
	v5 =	vadd.f32 v8, v5  }
0x1b8: {  	v60 =	vmul.f32 v11, v57;
	v4 =	vadd.f32 v59, v4;
	v0 =	vadd.f32 v1, v0  }
0x1b9: {  	v63 =	vadd.f32 v57, v7;
	v1 =	vadd.f32 v61, v2  }
0x1ba: {  	v62 =	vadd.f32 v60, v5;
	v0 =	vadd.f32 v4, v0  }
0x1bb: {  	v1 =	vadd.f32 v63, v1  }
0x1bc: {  	v0 =	vadd.f32 v62, v0  }
0x1bd: {  	[tilespmem:$0x1C080] =	vst v1  }
0x1be: {  	[tilespmem:$0x1C000] =	vst v0  }
0x1bf: {  	[hbm4b:s17+s2] =	stream.linear.scatter [tilespmem:s22], [sflag:$0x3], $0x80, $0x38;
	[tilespmem:$0x1C100] =	vst v63  }
0x1c0: {  	s25 =	sadd.s32 $0x1, s25;
	_ =	swait.ge [sflag:s23], $0x80  }
0x1c1: {  	p0 =	sne.s32 s25, s19;
	[sflag:s23] =	ssyncset.done $0x0  }
.Ltmp2:
0x1c2: {  	[sflag:s23] =	ssyncadd.s32 $0xFFFFFF80;
	(pc) =	sbr.rel @p0 .LBB2_1-.Ltmp2, $4  }
0x1c3: {  	[hbm4b:s18+s2] =	stream.linear.scatter [tilespmem:s24], [sflag:$0x3], $0x80, $0x38;
	[tilespmem:$0x1C100] =	vst v63  }
0x1c4: {  	_ =	swait.ge [sflag:s23], $0x80  }
0x1c5: {  	[sflag:s23] =	ssyncset.done $0x0  }
0x1c6: {  	[sflag:s23] =	ssyncadd.s32 $0xFFFFFF80  }
0x1c7: {  	_ =	sfence.sel $0x180000  }
0x1c8: {  	[bflag:$0x0] =	sbarrier.arrive $0xFFFF  }
0x1c9: {  	_ =	strace $0x90000047  }
0x1ca: {  	s0 =	stileid.u32;
	[bflag:$0x2] =	sbarrier.arrive $0xFFFF  }
0x1cb: {  	p0 =	sne.s32 s0, $0x0;
	s0 =	rddreg [dreg:$0x4]  }
0x1cc: {  	s0 =	sadd.s32 @!p0 $0x100000, s0  }
0x1cd: {  	[sflag:s0] =	ssyncadd.tile.s32 @!p0 $0x1;
	_ =	shalt  }
.Lfunc_end2:
_tile_overlayer_lowered:
.L_overlay_start_2:
0x1ce: {  	(tag) =	ssettag $0x2  }
0x1cf: {  	s0 =	rddreg [dreg:$0x0];
	s2 =	stileid.u32  }
0x1d0: {  	s1 =	rddreg [dreg:$0x1];
	p0 =	sne.s32 s2, $0x0  }
0x1d1: {  	s3 =	rddreg [dreg:$0x2];
	[bflag:$0x3] =	sbarrier.arrive $0xFFFF;
	s2 =	simm.s32 @!p0 $0x1C03  }
0x1d2: {  	[timem:s3], [sflag:s2] =	dma.local @!p0 [hbm:s0], s1  }
0x1d3: {  	s0 =	simm.s32 @!p0 $0x3  }
0x1d4: {  	_ =	swait.ge @!p0 [sflag:s0], s1  }
0x1d5: {  	s1 =	ssub.s32 @!p0 $0x0, s1;
	[sflag:s0] =	ssyncset.done @!p0 $0x0  }
0x1d6: {  	[sflag:s0] =	ssyncadd.s32 @!p0 s1  }
0x1d7: {  	[bflag:$0x3] =	sbarrier.arrive $0xFFFF  }
0x1d8: {  	_ =	shalt  }

</sc_bundles>
